<compile_context>
chip_gen: v7x
topology: tpu7x:2x2x1
jax: 0.10.2.dev20260603
libtpu: 0.0.44.dev20260713+nightly
codegen_flags: <defaults>
</compile_context>

<pallas_src>
import functools

import jax
import jax.numpy as jnp
from jax import lax
from jax.experimental import pallas as pl
from jax.experimental.pallas import tpu as pltpu
from jax.experimental.pallas import tpu_sc as plsc

B = 4096
D = 128
NV = D // 16
NC, NS, L = 2, 16, 16
NW = NC * NS
BW = B // NW
CH = 32
NCHUNK = BW // CH
NG = CH // L
CT = CH + 1


def _body(ent, bmp, relb, reld, smp, out,
          smpv, idx01, idxr,
          eba, rba, rda,
          ebb, rbb, rdb,
          accT, outv, sema, semb):
    wid = lax.axis_index("s") * NC + lax.axis_index("c")
    base = wid * BW
    pltpu.sync_copy(smp.at[pl.ds(base, BW)], smpv)

    lanes = lax.iota(jnp.int32, L)
    for g in range(BW // L):
        rows16 = lanes + jnp.int32(g * L)
        c, h = g // NG, g % NG
        i0 = plsc.load_gather(smpv, [rows16, jnp.full((L,), 0, jnp.int32)])
        i1 = plsc.load_gather(smpv, [rows16, jnp.full((L,), 1, jnp.int32)])
        ir = plsc.load_gather(smpv, [rows16, jnp.full((L,), 2, jnp.int32)])
        idx01[pl.ds(c * 2 * CH + h * L, L)] = i0
        idx01[pl.ds(c * 2 * CH + CH + h * L, L)] = i1
        idxr[pl.ds(g * L, L)] = ir

    bufs = [(eba, rba, rda, sema), (ebb, rbb, rdb, semb)]

    def issue(c, s):
        eb, rb, rd, sem = bufs[s]
        return [
            pltpu.async_copy(ent.at[idx01.at[pl.ds(c * 2 * CH, 2 * CH)]],
                             eb.at[0], sem),
            pltpu.async_copy(bmp.at[idx01.at[pl.ds(c * 2 * CH, 2 * CH)]],
                             eb.at[1], sem),
            pltpu.async_copy(relb.at[idxr.at[pl.ds(c * CH, CH)]], rb, sem),
            pltpu.async_copy(reld.at[idxr.at[pl.ds(c * CH, CH)]], rd, sem),
        ]

    cps = issue(0, 0)
    for c in range(NCHUNK):
        s = c % 2
        eb, rb, rd, _ = bufs[s]
        for cp in cps:
            cp.wait()
        if c + 1 < NCHUNK:
            cps = issue(c + 1, 1 - s)

        def sample_body(i, carry, eb=eb, rb=rb, rd=rd):
            acc = jnp.zeros((L,), jnp.float32)
            for a in range(2):
                for v in range(NV):
                    sl = pl.ds(v * L, L)
                    e = eb[0, i + a * CH, sl]
                    bb = eb[1, i + (1 - a) * CH, sl]
                    bas = rb[i, a, sl]
                    dlt = rd[i, a, sl]
                    pts = e + bb
                    w = jnp.abs(dlt)
                    wp = w + 1.0
                    q = 1.0 / wp
                    dist = jnp.abs(pts - bas)
                    inner = dist * q
                    outer = wp * dist - (0.5 * w) * (wp - q)
                    acc = acc + jnp.maximum(inner, outer)
            col = jnp.full((L,), i, jnp.int32)
            plsc.store_scatter(accT, [lanes, col], acc)
            return carry

        lax.fori_loop(0, CH, sample_body, jnp.int32(0))

        for g in range(NG):
            acc16 = accT[0, pl.ds(g * L, L)]
            for j in range(1, L):
                acc16 = acc16 + accT[j, pl.ds(g * L, L)]
            outv[pl.ds(c * CH + g * L, L)] = acc16
    pltpu.sync_copy(outv, out.at[pl.ds(base, BW)])


@functools.partial(jax.jit)
def _run(ent, bmp, relb, reld, smp):
    mesh = plsc.VectorSubcoreMesh(core_axis_name="c", subcore_axis_name="s")
    ebuf = pltpu.VMEM((2, 2 * CH, D), jnp.float32)
    rbuf = pltpu.VMEM((CH, 2, D), jnp.float32)
    k = pl.kernel(
        _body,
        mesh=mesh,
        compiler_params=pltpu.CompilerParams(needs_layout_passes=False),
        out_type=jax.ShapeDtypeStruct((B,), jnp.float32),
        scratch_types=[
            pltpu.VMEM((BW, 3), jnp.int32),
            pltpu.VMEM((2 * BW,), jnp.int32),
            pltpu.VMEM((BW,), jnp.int32),
            ebuf, rbuf, rbuf,
            ebuf, rbuf, rbuf,
            pltpu.VMEM((L, CT), jnp.float32),
            pltpu.VMEM((BW,), jnp.float32),
            pltpu.SemaphoreType.DMA,
            pltpu.SemaphoreType.DMA,
        ],
    )
    return k(ent, bmp, relb, reld, smp)


def kernel(entities_with_pad, bumps_with_pad, rel_bases, rel_deltas,
           rel_multiples, sample):
    del rel_multiples
    return _run(entities_with_pad, bumps_with_pad, rel_bases, rel_deltas,
                sample.astype(jnp.int32))

# --- scband reference (transcript-rebuilt; emitter-appended) ---
"""Pipeline reference for scband-my-box-e-79774722556266 (READ-ONLY COPY).

The authoritative reference and input builder live on the scoring server;
editing this copy changes nothing except your own understanding.
"""

import jax, jax.numpy as jnp
import numpy as np

ENTITIES = 100000
RELATIONS = 1000
MAX_ARITY = 2
DIM = 128
BATCH = 4096
SANITY_EPS = 1e-8
NORM_LOG_BOUND = 1.0


def product_normalise(x):
    log_norm = jnp.log(jnp.abs(x) + SANITY_EPS)
    minsize = jnp.minimum(jnp.min(log_norm, axis=2, keepdims=True), -NORM_LOG_BOUND)
    maxsize = jnp.maximum(jnp.max(log_norm, axis=2, keepdims=True), NORM_LOG_BOUND)
    ratio = jnp.minimum(-NORM_LOG_BOUND / minsize, NORM_LOG_BOUND / maxsize)
    return jnp.exp(log_norm * ratio)


def setup_inputs(seed: int = 0):
    key = jax.random.key(seed)
    k = jax.random.split(key, 6)
    sqrt_dim = float(np.sqrt(DIM))
    ent = jax.random.uniform(k[0], (ENTITIES, DIM), minval=-0.5 / sqrt_dim, maxval=0.5 / sqrt_dim, dtype=jnp.float32)
    entities_with_pad = jnp.concatenate([ent, jnp.zeros((1, DIM), jnp.float32)], axis=0)
    bmp = jax.random.uniform(k[1], (ENTITIES, DIM), minval=-0.5 / sqrt_dim, maxval=0.5 / sqrt_dim, dtype=jnp.float32)
    bmp = bmp / (jnp.linalg.norm(bmp, axis=1, keepdims=True) + 1e-12)
    bumps_with_pad = jnp.concatenate([bmp, jnp.zeros((1, DIM), jnp.float32)], axis=0)
    rel_bases = jax.random.uniform(k[2], (RELATIONS, MAX_ARITY, DIM), minval=-0.5 / sqrt_dim, maxval=0.5 / sqrt_dim, dtype=jnp.float32)
    rel_shapes = jax.random.uniform(k[3], (RELATIONS, MAX_ARITY, DIM), minval=-0.5 / sqrt_dim, maxval=0.5 / sqrt_dim, dtype=jnp.float32)
    norm_rel_shapes = product_normalise(rel_shapes)
    scale_mult = jax.random.uniform(k[4], (RELATIONS, MAX_ARITY, 1), minval=-1.0, maxval=1.0, dtype=jnp.float32)
    rel_multiples = jax.nn.elu(scale_mult) + 1.0
    rel_deltas = rel_multiples * norm_rel_shapes
    sample = jax.random.randint(k[5], (BATCH, MAX_ARITY + 1), 0, RELATIONS)
    return {"entities_with_pad": entities_with_pad, "bumps_with_pad": bumps_with_pad, "rel_bases": rel_bases, "rel_deltas": rel_deltas, "rel_multiples": rel_multiples, "sample": sample}


def reference(entities_with_pad, bumps_with_pad, rel_bases, rel_deltas, rel_multiples, sample):
    # gather entity points and bumps for each arity slot
    pts = jnp.stack([jnp.take(entities_with_pad, sample[:, i], axis=0) for i in range(MAX_ARITY)], axis=1)
    bumps = jnp.stack([jnp.take(bumps_with_pad, sample[:, i], axis=0) for i in range(MAX_ARITY)], axis=1)
    bump_sum = jnp.sum(bumps, axis=1, keepdims=True)
    pts = pts + bump_sum - bumps
    # gather relation box parameters
    rel_idx = sample[:, -1]
    bases = jnp.take(rel_bases, rel_idx, axis=0)
    deltas = jnp.take(rel_deltas, rel_idx, axis=0)
    # compute_box
    first = bases - 0.5 * deltas
    second = bases + 0.5 * deltas
    low = jnp.minimum(first, second)
    high = jnp.maximum(first, second)
    # polynomial loss (loss_fct='poly', order=1, no dropout)
    widths = high - low
    widths_p1 = widths + 1.0
    centres = 0.5 * (low + high)
    inside = jnp.logical_and(low <= pts, pts <= high)
    cond = jnp.where(inside, jnp.abs(pts - centres) / widths_p1, widths_p1 * jnp.abs(pts - centres) - widths / 2.0 * (widths_p1 - 1.0 / widths_p1))
    per_arity = jnp.sum(jnp.abs(cond), axis=2)  # L1 norm over embedding dim
    total_loss = jnp.sum(per_arity, axis=1)
    return total_loss

if __name__ == "__main__":
    import jax
    _d = setup_inputs()
    print(jax.jit(kernel)(*tuple(_d.values())))

</pallas_src>

<mosaic_0001>
#map = affine_map<(d0, d1) -> (0, 0)>
#map1 = affine_map<(d0, d1) -> (0, 0, 0)>
#map2 = affine_map<(d0, d1) -> (0)>
module attributes {stable_mosaic.version = 14 : i64} {
  func.func @_body(%arg0: i32, %arg1: i32, %arg2: memref<100001x128xf32, #tpu.memory_space<hbm>>, %arg3: memref<100001x128xf32, #tpu.memory_space<hbm>>, %arg4: memref<1000x2x128xf32, #tpu.memory_space<hbm>>, %arg5: memref<1000x2x128xf32, #tpu.memory_space<hbm>>, %arg6: memref<4096x3xi32, #tpu.memory_space<hbm>>, %arg7: memref<4096xf32, #tpu.memory_space<hbm>>, %arg8: memref<128x3xi32, #tpu.memory_space<vmem>>, %arg9: memref<256xi32, #tpu.memory_space<vmem>>, %arg10: memref<128xi32, #tpu.memory_space<vmem>>, %arg11: memref<2x64x128xf32, #tpu.memory_space<vmem>>, %arg12: memref<32x2x128xf32, #tpu.memory_space<vmem>>, %arg13: memref<32x2x128xf32, #tpu.memory_space<vmem>>, %arg14: memref<2x64x128xf32, #tpu.memory_space<vmem>>, %arg15: memref<32x2x128xf32, #tpu.memory_space<vmem>>, %arg16: memref<32x2x128xf32, #tpu.memory_space<vmem>>, %arg17: memref<16x33xf32, #tpu.memory_space<vmem>>, %arg18: memref<128xf32, #tpu.memory_space<vmem>>, %arg19: memref<!tpu.dma_semaphore, #tpu.memory_space<semaphore_mem>>, %arg20: memref<!tpu.dma_semaphore, #tpu.memory_space<semaphore_mem>>) attributes {dimension_semantics = [#tpu.dimension_semantics<core_parallel>, #tpu.dimension_semantics<subcore_parallel>], iteration_bounds = array<i64: 2, 16>, scalar_prefetch = 0 : i64, scratch_operands = 13 : i64, tpu.core_type = #tpu.core_type<sc_vector_subcore>, window_params = [{transform_indices = #map}, {transform_indices = #map}, {transform_indices = #map1}, {transform_indices = #map1}, {transform_indices = #map}, {transform_indices = #map2}]} {
    %mul3A = arith.constant 2 : i32
    %mul3A_0 = arith.muli %arg1, %mul3A : i32
    %add3A = arith.addi %mul3A_0, %arg0 : i32
    %mul3A_1 = arith.constant 128 : i32
    %mul3A_2 = arith.muli %add3A, %mul3A_1 : i32
    "tpu.region"() ({
      %run_scoped3A = tpu.sem_alloc : memref<!tpu.dma_semaphore, #tpu.memory_space<semaphore_mem>>
      %dma_start3A_1068 = arith.constant 0 : i32
      %dma_start3A_1069 = tpu.memref_slice %arg6[%mul3A_2, %dma_start3A_1068] : memref<4096x3xi32, #tpu.memory_space<hbm>> -> memref<128x3xi32, #tpu.memory_space<hbm>>
      %dma_start3A_1070 = arith.constant 0 : i32
      %dma_start3A_1071 = tpu.memref_slice %arg6[%mul3A_2, %dma_start3A_1070] : memref<4096x3xi32, #tpu.memory_space<hbm>> -> memref<128x3xi32, #tpu.memory_space<hbm>>
      tpu.enqueue_dma source(%dma_start3A_1071 : memref<128x3xi32, #tpu.memory_space<hbm>>) target(%arg8 : memref<128x3xi32, #tpu.memory_space<vmem>>) target_semaphore(%run_scoped3A : memref<!tpu.dma_semaphore, #tpu.memory_space<semaphore_mem>>)
      %dma_wait3A_1072 = arith.constant 0 : i32
      %dma_wait3A_1073 = tpu.memref_slice %arg6[%mul3A_2, %dma_wait3A_1072] : memref<4096x3xi32, #tpu.memory_space<hbm>> -> memref<128x3xi32, #tpu.memory_space<hbm>>
      %dma_wait3A_1074 = arith.constant 0 : i32
      %dma_wait3A_1075 = tpu.memref_slice %arg6[%mul3A_2, %dma_wait3A_1074] : memref<4096x3xi32, #tpu.memory_space<hbm>> -> memref<128x3xi32, #tpu.memory_space<hbm>>
      tpu.wait_dma2 semaphore(%run_scoped3A : memref<!tpu.dma_semaphore, #tpu.memory_space<semaphore_mem>>) src(%dma_wait3A_1075 : memref<128x3xi32, #tpu.memory_space<hbm>>) dst(%arg8 : memref<128x3xi32, #tpu.memory_space<vmem>>)
      tpu.yield
    }) : () -> ()
    %iota3A = tpu.iota {dimensions = array<i32: 0>} : vector<16xi32>
    %add3A_3 = arith.constant 0 : i32
    %add3A_4 = vector.broadcast %add3A_3 : i32 to vector<16xi32>
    %add3A_5 = arith.addi %iota3A, %add3A_4 : vector<16xi32>
    %broadcast_in_dim3A = arith.constant 0 : i32
    %broadcast_in_dim3A_6 = vector.broadcast %broadcast_in_dim3A : i32 to vector<16xi32>
    %gather3A = tpu.vector_load_idx %arg8[%add3A_5, %broadcast_in_dim3A_6] : memref<128x3xi32, #tpu.memory_space<vmem>>[vector<16xi32>, vector<16xi32>], vector<16xi32>,
    %broadcast_in_dim3A_7 = arith.constant 1 : i32
    %broadcast_in_dim3A_8 = vector.broadcast %broadcast_in_dim3A_7 : i32 to vector<16xi32>
    %gather3A_9 = tpu.vector_load_idx %arg8[%add3A_5, %broadcast_in_dim3A_8] : memref<128x3xi32, #tpu.memory_space<vmem>>[vector<16xi32>, vector<16xi32>], vector<16xi32>,
    %broadcast_in_dim3A_10 = arith.constant 2 : i32
    %broadcast_in_dim3A_11 = vector.broadcast %broadcast_in_dim3A_10 : i32 to vector<16xi32>
    %gather3A_12 = tpu.vector_load_idx %arg8[%add3A_5, %broadcast_in_dim3A_11] : memref<128x3xi32, #tpu.memory_space<vmem>>[vector<16xi32>, vector<16xi32>], vector<16xi32>,
    %swap3A = arith.constant 0 : index
    %swap3A_13 = tpu.vector_load %arg9[%swap3A] {strides = array<i32>} : memref<256xi32, #tpu.memory_space<vmem>>, vector<16xi32>,
    tpu.vector_store %arg9[%swap3A], %gather3A {strides = array<i32>} : memref<256xi32, #tpu.memory_space<vmem>>, vector<16xi32>,
    %swap3A_14 = arith.constant 32 : index
    %swap3A_15 = tpu.vector_load %arg9[%swap3A_14] {strides = array<i32>} : memref<256xi32, #tpu.memory_space<vmem>>, vector<16xi32>,
    tpu.vector_store %arg9[%swap3A_14], %gather3A_9 {strides = array<i32>} : memref<256xi32, #tpu.memory_space<vmem>>, vector<16xi32>,
    %swap3A_16 = arith.constant 0 : index
    %swap3A_17 = tpu.vector_load %arg10[%swap3A_16] {strides = array<i32>} : memref<128xi32, #tpu.memory_space<vmem>>, vector<16xi32>,
    tpu.vector_store %arg10[%swap3A_16], %gather3A_12 {strides = array<i32>} : memref<128xi32, #tpu.memory_space<vmem>>, vector<16xi32>,
    %add3A_18 = arith.constant 16 : i32
    %add3A_19 = vector.broadcast %add3A_18 : i32 to vector<16xi32>
    %add3A_20 = arith.addi %iota3A, %add3A_19 : vector<16xi32>
    %broadcast_in_dim3A_21 = arith.constant 0 : i32
    %broadcast_in_dim3A_22 = vector.broadcast %broadcast_in_dim3A_21 : i32 to vector<16xi32>
    %gather3A_23 = tpu.vector_load_idx %arg8[%add3A_20, %broadcast_in_dim3A_22] : memref<128x3xi32, #tpu.memory_space<vmem>>[vector<16xi32>, vector<16xi32>], vector<16xi32>,
    %broadcast_in_dim3A_24 = arith.constant 1 : i32
    %broadcast_in_dim3A_25 = vector.broadcast %broadcast_in_dim3A_24 : i32 to vector<16xi32>
    %gather3A_26 = tpu.vector_load_idx %arg8[%add3A_20, %broadcast_in_dim3A_25] : memref<128x3xi32, #tpu.memory_space<vmem>>[vector<16xi32>, vector<16xi32>], vector<16xi32>,
    %broadcast_in_dim3A_27 = arith.constant 2 : i32
    %broadcast_in_dim3A_28 = vector.broadcast %broadcast_in_dim3A_27 : i32 to vector<16xi32>
    %gather3A_29 = tpu.vector_load_idx %arg8[%add3A_20, %broadcast_in_dim3A_28] : memref<128x3xi32, #tpu.memory_space<vmem>>[vector<16xi32>, vector<16xi32>], vector<16xi32>,
    %swap3A_30 = arith.constant 16 : index
    %swap3A_31 = tpu.vector_load %arg9[%swap3A_30] {strides = array<i32>} : memref<256xi32, #tpu.memory_space<vmem>>, vector<16xi32>,
    tpu.vector_store %arg9[%swap3A_30], %gather3A_23 {strides = array<i32>} : memref<256xi32, #tpu.memory_space<vmem>>, vector<16xi32>,
    %swap3A_32 = arith.constant 48 : index
    %swap3A_33 = tpu.vector_load %arg9[%swap3A_32] {strides = array<i32>} : memref<256xi32, #tpu.memory_space<vmem>>, vector<16xi32>,
    tpu.vector_store %arg9[%swap3A_32], %gather3A_26 {strides = array<i32>} : memref<256xi32, #tpu.memory_space<vmem>>, vector<16xi32>,
    %swap3A_34 = arith.constant 16 : index
    %swap3A_35 = tpu.vector_load %arg10[%swap3A_34] {strides = array<i32>} : memref<128xi32, #tpu.memory_space<vmem>>, vector<16xi32>,
    tpu.vector_store %arg10[%swap3A_34], %gather3A_29 {strides = array<i32>} : memref<128xi32, #tpu.memory_space<vmem>>, vector<16xi32>,
    %add3A_36 = arith.constant 32 : i32
    %add3A_37 = vector.broadcast %add3A_36 : i32 to vector<16xi32>
    %add3A_38 = arith.addi %iota3A, %add3A_37 : vector<16xi32>
    %broadcast_in_dim3A_39 = arith.constant 0 : i32
    %broadcast_in_dim3A_40 = vector.broadcast %broadcast_in_dim3A_39 : i32 to vector<16xi32>
    %gather3A_41 = tpu.vector_load_idx %arg8[%add3A_38, %broadcast_in_dim3A_40] : memref<128x3xi32, #tpu.memory_space<vmem>>[vector<16xi32>, vector<16xi32>], vector<16xi32>,
    %broadcast_in_dim3A_42 = arith.constant 1 : i32
    %broadcast_in_dim3A_43 = vector.broadcast %broadcast_in_dim3A_42 : i32 to vector<16xi32>
    %gather3A_44 = tpu.vector_load_idx %arg8[%add3A_38, %broadcast_in_dim3A_43] : memref<128x3xi32, #tpu.memory_space<vmem>>[vector<16xi32>, vector<16xi32>], vector<16xi32>,
    %broadcast_in_dim3A_45 = arith.constant 2 : i32
    %broadcast_in_dim3A_46 = vector.broadcast %broadcast_in_dim3A_45 : i32 to vector<16xi32>
    %gather3A_47 = tpu.vector_load_idx %arg8[%add3A_38, %broadcast_in_dim3A_46] : memref<128x3xi32, #tpu.memory_space<vmem>>[vector<16xi32>, vector<16xi32>], vector<16xi32>,
    %swap3A_48 = arith.constant 64 : index
    %swap3A_49 = tpu.vector_load %arg9[%swap3A_48] {strides = array<i32>} : memref<256xi32, #tpu.memory_space<vmem>>, vector<16xi32>,
    tpu.vector_store %arg9[%swap3A_48], %gather3A_41 {strides = array<i32>} : memref<256xi32, #tpu.memory_space<vmem>>, vector<16xi32>,
    %swap3A_50 = arith.constant 96 : index
    %swap3A_51 = tpu.vector_load %arg9[%swap3A_50] {strides = array<i32>} : memref<256xi32, #tpu.memory_space<vmem>>, vector<16xi32>,
    tpu.vector_store %arg9[%swap3A_50], %gather3A_44 {strides = array<i32>} : memref<256xi32, #tpu.memory_space<vmem>>, vector<16xi32>,
    %swap3A_52 = arith.constant 32 : index
    %swap3A_53 = tpu.vector_load %arg10[%swap3A_52] {strides = array<i32>} : memref<128xi32, #tpu.memory_space<vmem>>, vector<16xi32>,
    tpu.vector_store %arg10[%swap3A_52], %gather3A_47 {strides = array<i32>} : memref<128xi32, #tpu.memory_space<vmem>>, vector<16xi32>,
    %add3A_54 = arith.constant 48 : i32
    %add3A_55 = vector.broadcast %add3A_54 : i32 to vector<16xi32>
    %add3A_56 = arith.addi %iota3A, %add3A_55 : vector<16xi32>
    %broadcast_in_dim3A_57 = arith.constant 0 : i32
    %broadcast_in_dim3A_58 = vector.broadcast %broadcast_in_dim3A_57 : i32 to vector<16xi32>
    %gather3A_59 = tpu.vector_load_idx %arg8[%add3A_56, %broadcast_in_dim3A_58] : memref<128x3xi32, #tpu.memory_space<vmem>>[vector<16xi32>, vector<16xi32>], vector<16xi32>,
    %broadcast_in_dim3A_60 = arith.constant 1 : i32
    %broadcast_in_dim3A_61 = vector.broadcast %broadcast_in_dim3A_60 : i32 to vector<16xi32>
    %gather3A_62 = tpu.vector_load_idx %arg8[%add3A_56, %broadcast_in_dim3A_61] : memref<128x3xi32, #tpu.memory_space<vmem>>[vector<16xi32>, vector<16xi32>], vector<16xi32>,
    %broadcast_in_dim3A_63 = arith.constant 2 : i32
    %broadcast_in_dim3A_64 = vector.broadcast %broadcast_in_dim3A_63 : i32 to vector<16xi32>
    %gather3A_65 = tpu.vector_load_idx %arg8[%add3A_56, %broadcast_in_dim3A_64] : memref<128x3xi32, #tpu.memory_space<vmem>>[vector<16xi32>, vector<16xi32>], vector<16xi32>,
    %swap3A_66 = arith.constant 80 : index
    %swap3A_67 = tpu.vector_load %arg9[%swap3A_66] {strides = array<i32>} : memref<256xi32, #tpu.memory_space<vmem>>, vector<16xi32>,
    tpu.vector_store %arg9[%swap3A_66], %gather3A_59 {strides = array<i32>} : memref<256xi32, #tpu.memory_space<vmem>>, vector<16xi32>,
    %swap3A_68 = arith.constant 112 : index
    %swap3A_69 = tpu.vector_load %arg9[%swap3A_68] {strides = array<i32>} : memref<256xi32, #tpu.memory_space<vmem>>, vector<16xi32>,
    tpu.vector_store %arg9[%swap3A_68], %gather3A_62 {strides = array<i32>} : memref<256xi32, #tpu.memory_space<vmem>>, vector<16xi32>,
    %swap3A_70 = arith.constant 48 : index
    %swap3A_71 = tpu.vector_load %arg10[%swap3A_70] {strides = array<i32>} : memref<128xi32, #tpu.memory_space<vmem>>, vector<16xi32>,
    tpu.vector_store %arg10[%swap3A_70], %gather3A_65 {strides = array<i32>} : memref<128xi32, #tpu.memory_space<vmem>>, vector<16xi32>,
    %add3A_72 = arith.constant 64 : i32
    %add3A_73 = vector.broadcast %add3A_72 : i32 to vector<16xi32>
    %add3A_74 = arith.addi %iota3A, %add3A_73 : vector<16xi32>
    %broadcast_in_dim3A_75 = arith.constant 0 : i32
    %broadcast_in_dim3A_76 = vector.broadcast %broadcast_in_dim3A_75 : i32 to vector<16xi32>
    %gather3A_77 = tpu.vector_load_idx %arg8[%add3A_74, %broadcast_in_dim3A_76] : memref<128x3xi32, #tpu.memory_space<vmem>>[vector<16xi32>, vector<16xi32>], vector<16xi32>,
    %broadcast_in_dim3A_78 = arith.constant 1 : i32
    %broadcast_in_dim3A_79 = vector.broadcast %broadcast_in_dim3A_78 : i32 to vector<16xi32>
    %gather3A_80 = tpu.vector_load_idx %arg8[%add3A_74, %broadcast_in_dim3A_79] : memref<128x3xi32, #tpu.memory_space<vmem>>[vector<16xi32>, vector<16xi32>], vector<16xi32>,
    %broadcast_in_dim3A_81 = arith.constant 2 : i32
    %broadcast_in_dim3A_82 = vector.broadcast %broadcast_in_dim3A_81 : i32 to vector<16xi32>
    %gather3A_83 = tpu.vector_load_idx %arg8[%add3A_74, %broadcast_in_dim3A_82] : memref<128x3xi32, #tpu.memory_space<vmem>>[vector<16xi32>, vector<16xi32>], vector<16xi32>,
    %swap3A_84 = arith.constant 128 : index
    %swap3A_85 = tpu.vector_load %arg9[%swap3A_84] {strides = array<i32>} : memref<256xi32, #tpu.memory_space<vmem>>, vector<16xi32>,
    tpu.vector_store %arg9[%swap3A_84], %gather3A_77 {strides = array<i32>} : memref<256xi32, #tpu.memory_space<vmem>>, vector<16xi32>,
    %swap3A_86 = arith.constant 160 : index
    %swap3A_87 = tpu.vector_load %arg9[%swap3A_86] {strides = array<i32>} : memref<256xi32, #tpu.memory_space<vmem>>, vector<16xi32>,
    tpu.vector_store %arg9[%swap3A_86], %gather3A_80 {strides = array<i32>} : memref<256xi32, #tpu.memory_space<vmem>>, vector<16xi32>,
    %swap3A_88 = arith.constant 64 : index
    %swap3A_89 = tpu.vector_load %arg10[%swap3A_88] {strides = array<i32>} : memref<128xi32, #tpu.memory_space<vmem>>, vector<16xi32>,
    tpu.vector_store %arg10[%swap3A_88], %gather3A_83 {strides = array<i32>} : memref<128xi32, #tpu.memory_space<vmem>>, vector<16xi32>,
    %add3A_90 = arith.constant 80 : i32
    %add3A_91 = vector.broadcast %add3A_90 : i32 to vector<16xi32>
    %add3A_92 = arith.addi %iota3A, %add3A_91 : vector<16xi32>
    %broadcast_in_dim3A_93 = arith.constant 0 : i32
    %broadcast_in_dim3A_94 = vector.broadcast %broadcast_in_dim3A_93 : i32 to vector<16xi32>
    %gather3A_95 = tpu.vector_load_idx %arg8[%add3A_92, %broadcast_in_dim3A_94] : memref<128x3xi32, #tpu.memory_space<vmem>>[vector<16xi32>, vector<16xi32>], vector<16xi32>,
    %broadcast_in_dim3A_96 = arith.constant 1 : i32
    %broadcast_in_dim3A_97 = vector.broadcast %broadcast_in_dim3A_96 : i32 to vector<16xi32>
    %gather3A_98 = tpu.vector_load_idx %arg8[%add3A_92, %broadcast_in_dim3A_97] : memref<128x3xi32, #tpu.memory_space<vmem>>[vector<16xi32>, vector<16xi32>], vector<16xi32>,
    %broadcast_in_dim3A_99 = arith.constant 2 : i32
    %broadcast_in_dim3A_100 = vector.broadcast %broadcast_in_dim3A_99 : i32 to vector<16xi32>
    %gather3A_101 = tpu.vector_load_idx %arg8[%add3A_92, %broadcast_in_dim3A_100] : memref<128x3xi32, #tpu.memory_space<vmem>>[vector<16xi32>, vector<16xi32>], vector<16xi32>,
    %swap3A_102 = arith.constant 144 : index
    %swap3A_103 = tpu.vector_load %arg9[%swap3A_102] {strides = array<i32>} : memref<256xi32, #tpu.memory_space<vmem>>, vector<16xi32>,
    tpu.vector_store %arg9[%swap3A_102], %gather3A_95 {strides = array<i32>} : memref<256xi32, #tpu.memory_space<vmem>>, vector<16xi32>,
    %swap3A_104 = arith.constant 176 : index
    %swap3A_105 = tpu.vector_load %arg9[%swap3A_104] {strides = array<i32>} : memref<256xi32, #tpu.memory_space<vmem>>, vector<16xi32>,
    tpu.vector_store %arg9[%swap3A_104], %gather3A_98 {strides = array<i32>} : memref<256xi32, #tpu.memory_space<vmem>>, vector<16xi32>,
    %swap3A_106 = arith.constant 80 : index
    %swap3A_107 = tpu.vector_load %arg10[%swap3A_106] {strides = array<i32>} : memref<128xi32, #tpu.memory_space<vmem>>, vector<16xi32>,
    tpu.vector_store %arg10[%swap3A_106], %gather3A_101 {strides = array<i32>} : memref<128xi32, #tpu.memory_space<vmem>>, vector<16xi32>,
    %add3A_108 = arith.constant 96 : i32
    %add3A_109 = vector.broadcast %add3A_108 : i32 to vector<16xi32>
    %add3A_110 = arith.addi %iota3A, %add3A_109 : vector<16xi32>
    %broadcast_in_dim3A_111 = arith.constant 0 : i32
    %broadcast_in_dim3A_112 = vector.broadcast %broadcast_in_dim3A_111 : i32 to vector<16xi32>
    %gather3A_113 = tpu.vector_load_idx %arg8[%add3A_110, %broadcast_in_dim3A_112] : memref<128x3xi32, #tpu.memory_space<vmem>>[vector<16xi32>, vector<16xi32>], vector<16xi32>,
    %broadcast_in_dim3A_114 = arith.constant 1 : i32
    %broadcast_in_dim3A_115 = vector.broadcast %broadcast_in_dim3A_114 : i32 to vector<16xi32>
    %gather3A_116 = tpu.vector_load_idx %arg8[%add3A_110, %broadcast_in_dim3A_115] : memref<128x3xi32, #tpu.memory_space<vmem>>[vector<16xi32>, vector<16xi32>], vector<16xi32>,
    %broadcast_in_dim3A_117 = arith.constant 2 : i32
    %broadcast_in_dim3A_118 = vector.broadcast %broadcast_in_dim3A_117 : i32 to vector<16xi32>
    %gather3A_119 = tpu.vector_load_idx %arg8[%add3A_110, %broadcast_in_dim3A_118] : memref<128x3xi32, #tpu.memory_space<vmem>>[vector<16xi32>, vector<16xi32>], vector<16xi32>,
    %swap3A_120 = arith.constant 192 : index
    %swap3A_121 = tpu.vector_load %arg9[%swap3A_120] {strides = array<i32>} : memref<256xi32, #tpu.memory_space<vmem>>, vector<16xi32>,
    tpu.vector_store %arg9[%swap3A_120], %gather3A_113 {strides = array<i32>} : memref<256xi32, #tpu.memory_space<vmem>>, vector<16xi32>,
    %swap3A_122 = arith.constant 224 : index
    %swap3A_123 = tpu.vector_load %arg9[%swap3A_122] {strides = array<i32>} : memref<256xi32, #tpu.memory_space<vmem>>, vector<16xi32>,
    tpu.vector_store %arg9[%swap3A_122], %gather3A_116 {strides = array<i32>} : memref<256xi32, #tpu.memory_space<vmem>>, vector<16xi32>,
    %swap3A_124 = arith.constant 96 : index
    %swap3A_125 = tpu.vector_load %arg10[%swap3A_124] {strides = array<i32>} : memref<128xi32, #tpu.memory_space<vmem>>, vector<16xi32>,
    tpu.vector_store %arg10[%swap3A_124], %gather3A_119 {strides = array<i32>} : memref<128xi32, #tpu.memory_space<vmem>>, vector<16xi32>,
    %add3A_126 = arith.constant 112 : i32
    %add3A_127 = vector.broadcast %add3A_126 : i32 to vector<16xi32>
    %add3A_128 = arith.addi %iota3A, %add3A_127 : vector<16xi32>
    %broadcast_in_dim3A_129 = arith.constant 0 : i32
    %broadcast_in_dim3A_130 = vector.broadcast %broadcast_in_dim3A_129 : i32 to vector<16xi32>
    %gather3A_131 = tpu.vector_load_idx %arg8[%add3A_128, %broadcast_in_dim3A_130] : memref<128x3xi32, #tpu.memory_space<vmem>>[vector<16xi32>, vector<16xi32>], vector<16xi32>,
    %broadcast_in_dim3A_132 = arith.constant 1 : i32
    %broadcast_in_dim3A_133 = vector.broadcast %broadcast_in_dim3A_132 : i32 to vector<16xi32>
    %gather3A_134 = tpu.vector_load_idx %arg8[%add3A_128, %broadcast_in_dim3A_133] : memref<128x3xi32, #tpu.memory_space<vmem>>[vector<16xi32>, vector<16xi32>], vector<16xi32>,
    %broadcast_in_dim3A_135 = arith.constant 2 : i32
    %broadcast_in_dim3A_136 = vector.broadcast %broadcast_in_dim3A_135 : i32 to vector<16xi32>
    %gather3A_137 = tpu.vector_load_idx %arg8[%add3A_128, %broadcast_in_dim3A_136] : memref<128x3xi32, #tpu.memory_space<vmem>>[vector<16xi32>, vector<16xi32>], vector<16xi32>,
    %swap3A_138 = arith.constant 208 : index
    %swap3A_139 = tpu.vector_load %arg9[%swap3A_138] {strides = array<i32>} : memref<256xi32, #tpu.memory_space<vmem>>, vector<16xi32>,
    tpu.vector_store %arg9[%swap3A_138], %gather3A_131 {strides = array<i32>} : memref<256xi32, #tpu.memory_space<vmem>>, vector<16xi32>,
    %swap3A_140 = arith.constant 240 : index
    %swap3A_141 = tpu.vector_load %arg9[%swap3A_140] {strides = array<i32>} : memref<256xi32, #tpu.memory_space<vmem>>, vector<16xi32>,
    tpu.vector_store %arg9[%swap3A_140], %gather3A_134 {strides = array<i32>} : memref<256xi32, #tpu.memory_space<vmem>>, vector<16xi32>,
    %swap3A_142 = arith.constant 112 : index
    %swap3A_143 = tpu.vector_load %arg10[%swap3A_142] {strides = array<i32>} : memref<128xi32, #tpu.memory_space<vmem>>, vector<16xi32>,
    tpu.vector_store %arg10[%swap3A_142], %gather3A_137 {strides = array<i32>} : memref<128xi32, #tpu.memory_space<vmem>>, vector<16xi32>,
    %dma_start3A = arith.constant 0 : i32
    %dma_start3A_144 = arith.constant 0 : i32
    %dma_start3A_145 = arith.constant 0 : i32
    %dma_start3A_146 = tpu.memref_slice %arg11[%dma_start3A, %dma_start3A_144, %dma_start3A_145] : memref<2x64x128xf32, #tpu.memory_space<vmem>> -> memref<1x64x128xf32, #tpu.memory_space<vmem>>
    %dma_start3A_147 = tpu.memref_squeeze %dma_start3A_146 : memref<1x64x128xf32, #tpu.memory_space<vmem>> -> memref<64x128xf32, #tpu.memory_space<vmem>>
    %dma_start3A_148 = arith.constant 0 : i32
    %dma_start3A_149 = tpu.memref_slice %arg9[%dma_start3A_148] : memref<256xi32, #tpu.memory_space<vmem>> -> memref<64xi32, #tpu.memory_space<vmem>>
    %dma_start3A_150 = arith.constant 0 : i32
    %dma_start3A_151 = arith.constant 0 : i32
    %dma_start3A_152 = tpu.memref_slice %arg2[%dma_start3A_150, %dma_start3A_151] : memref<100001x128xf32, #tpu.memory_space<hbm>> -> memref<100001x128xf32, #tpu.memory_space<hbm>>
    tpu.enqueue_indirect_dma source(%dma_start3A_152 : memref<100001x128xf32, #tpu.memory_space<hbm>>) target(%dma_start3A_147 : memref<64x128xf32, #tpu.memory_space<vmem>>) offsets(%dma_start3A_149 : memref<64xi32, #tpu.memory_space<vmem>>) semaphore(%arg19 : memref<!tpu.dma_semaphore, #tpu.memory_space<semaphore_mem>>)
    %dma_start3A_153 = arith.constant 1 : i32
    %dma_start3A_154 = arith.constant 0 : i32
    %dma_start3A_155 = arith.constant 0 : i32
    %dma_start3A_156 = tpu.memref_slice %arg11[%dma_start3A_153, %dma_start3A_154, %dma_start3A_155] : memref<2x64x128xf32, #tpu.memory_space<vmem>> -> memref<1x64x128xf32, #tpu.memory_space<vmem>>
    %dma_start3A_157 = tpu.memref_squeeze %dma_start3A_156 : memref<1x64x128xf32, #tpu.memory_space<vmem>> -> memref<64x128xf32, #tpu.memory_space<vmem>>
    %dma_start3A_158 = arith.constant 0 : i32
    %dma_start3A_159 = tpu.memref_slice %arg9[%dma_start3A_158] : memref<256xi32, #tpu.memory_space<vmem>> -> memref<64xi32, #tpu.memory_space<vmem>>
    %dma_start3A_160 = arith.constant 0 : i32
    %dma_start3A_161 = arith.constant 0 : i32
    %dma_start3A_162 = tpu.memref_slice %arg3[%dma_start3A_160, %dma_start3A_161] : memref<100001x128xf32, #tpu.memory_space<hbm>> -> memref<100001x128xf32, #tpu.memory_space<hbm>>
    tpu.enqueue_indirect_dma source(%dma_start3A_162 : memref<100001x128xf32, #tpu.memory_space<hbm>>) target(%dma_start3A_157 : memref<64x128xf32, #tpu.memory_space<vmem>>) offsets(%dma_start3A_159 : memref<64xi32, #tpu.memory_space<vmem>>) semaphore(%arg19 : memref<!tpu.dma_semaphore, #tpu.memory_space<semaphore_mem>>)
    %dma_start3A_163 = arith.constant 0 : i32
    %dma_start3A_164 = tpu.memref_slice %arg10[%dma_start3A_163] : memref<128xi32, #tpu.memory_space<vmem>> -> memref<32xi32, #tpu.memory_space<vmem>>
    %dma_start3A_165 = arith.constant 0 : i32
    %dma_start3A_166 = arith.constant 0 : i32
    %dma_start3A_167 = arith.constant 0 : i32
    %dma_start3A_168 = tpu.memref_slice %arg4[%dma_start3A_165, %dma_start3A_166, %dma_start3A_167] : memref<1000x2x128xf32, #tpu.memory_space<hbm>> -> memref<1000x2x128xf32, #tpu.memory_space<hbm>>
    tpu.enqueue_indirect_dma source(%dma_start3A_168 : memref<1000x2x128xf32, #tpu.memory_space<hbm>>) target(%arg12 : memref<32x2x128xf32, #tpu.memory_space<vmem>>) offsets(%dma_start3A_164 : memref<32xi32, #tpu.memory_space<vmem>>) semaphore(%arg19 : memref<!tpu.dma_semaphore, #tpu.memory_space<semaphore_mem>>)
    %dma_start3A_169 = arith.constant 0 : i32
    %dma_start3A_170 = tpu.memref_slice %arg10[%dma_start3A_169] : memref<128xi32, #tpu.memory_space<vmem>> -> memref<32xi32, #tpu.memory_space<vmem>>
    %dma_start3A_171 = arith.constant 0 : i32
    %dma_start3A_172 = arith.constant 0 : i32
    %dma_start3A_173 = arith.constant 0 : i32
    %dma_start3A_174 = tpu.memref_slice %arg5[%dma_start3A_171, %dma_start3A_172, %dma_start3A_173] : memref<1000x2x128xf32, #tpu.memory_space<hbm>> -> memref<1000x2x128xf32, #tpu.memory_space<hbm>>
    tpu.enqueue_indirect_dma source(%dma_start3A_174 : memref<1000x2x128xf32, #tpu.memory_space<hbm>>) target(%arg13 : memref<32x2x128xf32, #tpu.memory_space<vmem>>) offsets(%dma_start3A_170 : memref<32xi32, #tpu.memory_space<vmem>>) semaphore(%arg19 : memref<!tpu.dma_semaphore, #tpu.memory_space<semaphore_mem>>)
    %dma_wait3A = arith.constant 0 : i32
    %dma_wait3A_175 = arith.constant 0 : i32
    %dma_wait3A_176 = arith.constant 0 : i32
    %dma_wait3A_177 = tpu.memref_slice %arg11[%dma_wait3A, %dma_wait3A_175, %dma_wait3A_176] : memref<2x64x128xf32, #tpu.memory_space<vmem>> -> memref<1x64x128xf32, #tpu.memory_space<vmem>>
    %dma_wait3A_178 = tpu.memref_squeeze %dma_wait3A_177 : memref<1x64x128xf32, #tpu.memory_space<vmem>> -> memref<64x128xf32, #tpu.memory_space<vmem>>
    %dma_wait3A_179 = arith.constant 0 : i32
    %dma_wait3A_180 = tpu.memref_slice %arg9[%dma_wait3A_179] : memref<256xi32, #tpu.memory_space<vmem>> -> memref<64xi32, #tpu.memory_space<vmem>>
    %dma_wait3A_181 = arith.constant 0 : i32
    %dma_wait3A_182 = arith.constant 0 : i32
    %dma_wait3A_183 = tpu.memref_slice %arg2[%dma_wait3A_181, %dma_wait3A_182] : memref<100001x128xf32, #tpu.memory_space<hbm>> -> memref<100001x128xf32, #tpu.memory_space<hbm>>
    tpu.wait_indirect_dma semaphore(%arg19 : memref<!tpu.dma_semaphore, #tpu.memory_space<semaphore_mem>>) src(%dma_wait3A_183 : memref<100001x128xf32, #tpu.memory_space<hbm>>) dst(%dma_wait3A_178 : memref<64x128xf32, #tpu.memory_space<vmem>>)
    %dma_wait3A_184 = arith.constant 1 : i32
    %dma_wait3A_185 = arith.constant 0 : i32
    %dma_wait3A_186 = arith.constant 0 : i32
    %dma_wait3A_187 = tpu.memref_slice %arg11[%dma_wait3A_184, %dma_wait3A_185, %dma_wait3A_186] : memref<2x64x128xf32, #tpu.memory_space<vmem>> -> memref<1x64x128xf32, #tpu.memory_space<vmem>>
    %dma_wait3A_188 = tpu.memref_squeeze %dma_wait3A_187 : memref<1x64x128xf32, #tpu.memory_space<vmem>> -> memref<64x128xf32, #tpu.memory_space<vmem>>
    %dma_wait3A_189 = arith.constant 0 : i32
    %dma_wait3A_190 = tpu.memref_slice %arg9[%dma_wait3A_189] : memref<256xi32, #tpu.memory_space<vmem>> -> memref<64xi32, #tpu.memory_space<vmem>>
    %dma_wait3A_191 = arith.constant 0 : i32
    %dma_wait3A_192 = arith.constant 0 : i32
    %dma_wait3A_193 = tpu.memref_slice %arg3[%dma_wait3A_191, %dma_wait3A_192] : memref<100001x128xf32, #tpu.memory_space<hbm>> -> memref<100001x128xf32, #tpu.memory_space<hbm>>
    tpu.wait_indirect_dma semaphore(%arg19 : memref<!tpu.dma_semaphore, #tpu.memory_space<semaphore_mem>>) src(%dma_wait3A_193 : memref<100001x128xf32, #tpu.memory_space<hbm>>) dst(%dma_wait3A_188 : memref<64x128xf32, #tpu.memory_space<vmem>>)
    %dma_wait3A_194 = arith.constant 0 : i32
    %dma_wait3A_195 = tpu.memref_slice %arg10[%dma_wait3A_194] : memref<128xi32, #tpu.memory_space<vmem>> -> memref<32xi32, #tpu.memory_space<vmem>>
    %dma_wait3A_196 = arith.constant 0 : i32
    %dma_wait3A_197 = arith.constant 0 : i32
    %dma_wait3A_198 = arith.constant 0 : i32
    %dma_wait3A_199 = tpu.memref_slice %arg4[%dma_wait3A_196, %dma_wait3A_197, %dma_wait3A_198] : memref<1000x2x128xf32, #tpu.memory_space<hbm>> -> memref<1000x2x128xf32, #tpu.memory_space<hbm>>
    tpu.wait_indirect_dma semaphore(%arg19 : memref<!tpu.dma_semaphore, #tpu.memory_space<semaphore_mem>>) src(%dma_wait3A_199 : memref<1000x2x128xf32, #tpu.memory_space<hbm>>) dst(%arg12 : memref<32x2x128xf32, #tpu.memory_space<vmem>>)
    %dma_wait3A_200 = arith.constant 0 : i32
    %dma_wait3A_201 = tpu.memref_slice %arg10[%dma_wait3A_200] : memref<128xi32, #tpu.memory_space<vmem>> -> memref<32xi32, #tpu.memory_space<vmem>>
    %dma_wait3A_202 = arith.constant 0 : i32
    %dma_wait3A_203 = arith.constant 0 : i32
    %dma_wait3A_204 = arith.constant 0 : i32
    %dma_wait3A_205 = tpu.memref_slice %arg5[%dma_wait3A_202, %dma_wait3A_203, %dma_wait3A_204] : memref<1000x2x128xf32, #tpu.memory_space<hbm>> -> memref<1000x2x128xf32, #tpu.memory_space<hbm>>
    tpu.wait_indirect_dma semaphore(%arg19 : memref<!tpu.dma_semaphore, #tpu.memory_space<semaphore_mem>>) src(%dma_wait3A_205 : memref<1000x2x128xf32, #tpu.memory_space<hbm>>) dst(%arg13 : memref<32x2x128xf32, #tpu.memory_space<vmem>>)
    %dma_start3A_206 = arith.constant 0 : i32
    %dma_start3A_207 = arith.constant 0 : i32
    %dma_start3A_208 = arith.constant 0 : i32
    %dma_start3A_209 = tpu.memref_slice %arg14[%dma_start3A_206, %dma_start3A_207, %dma_start3A_208] : memref<2x64x128xf32, #tpu.memory_space<vmem>> -> memref<1x64x128xf32, #tpu.memory_space<vmem>>
    %dma_start3A_210 = tpu.memref_squeeze %dma_start3A_209 : memref<1x64x128xf32, #tpu.memory_space<vmem>> -> memref<64x128xf32, #tpu.memory_space<vmem>>
    %dma_start3A_211 = arith.constant 64 : i32
    %dma_start3A_212 = tpu.memref_slice %arg9[%dma_start3A_211] : memref<256xi32, #tpu.memory_space<vmem>> -> memref<64xi32, #tpu.memory_space<vmem>>
    %dma_start3A_213 = arith.constant 0 : i32
    %dma_start3A_214 = arith.constant 0 : i32
    %dma_start3A_215 = tpu.memref_slice %arg2[%dma_start3A_213, %dma_start3A_214] : memref<100001x128xf32, #tpu.memory_space<hbm>> -> memref<100001x128xf32, #tpu.memory_space<hbm>>
    tpu.enqueue_indirect_dma source(%dma_start3A_215 : memref<100001x128xf32, #tpu.memory_space<hbm>>) target(%dma_start3A_210 : memref<64x128xf32, #tpu.memory_space<vmem>>) offsets(%dma_start3A_212 : memref<64xi32, #tpu.memory_space<vmem>>) semaphore(%arg20 : memref<!tpu.dma_semaphore, #tpu.memory_space<semaphore_mem>>)
    %dma_start3A_216 = arith.constant 1 : i32
    %dma_start3A_217 = arith.constant 0 : i32
    %dma_start3A_218 = arith.constant 0 : i32
    %dma_start3A_219 = tpu.memref_slice %arg14[%dma_start3A_216, %dma_start3A_217, %dma_start3A_218] : memref<2x64x128xf32, #tpu.memory_space<vmem>> -> memref<1x64x128xf32, #tpu.memory_space<vmem>>
    %dma_start3A_220 = tpu.memref_squeeze %dma_start3A_219 : memref<1x64x128xf32, #tpu.memory_space<vmem>> -> memref<64x128xf32, #tpu.memory_space<vmem>>
    %dma_start3A_221 = arith.constant 64 : i32
    %dma_start3A_222 = tpu.memref_slice %arg9[%dma_start3A_221] : memref<256xi32, #tpu.memory_space<vmem>> -> memref<64xi32, #tpu.memory_space<vmem>>
    %dma_start3A_223 = arith.constant 0 : i32
    %dma_start3A_224 = arith.constant 0 : i32
    %dma_start3A_225 = tpu.memref_slice %arg3[%dma_start3A_223, %dma_start3A_224] : memref<100001x128xf32, #tpu.memory_space<hbm>> -> memref<100001x128xf32, #tpu.memory_space<hbm>>
    tpu.enqueue_indirect_dma source(%dma_start3A_225 : memref<100001x128xf32, #tpu.memory_space<hbm>>) target(%dma_start3A_220 : memref<64x128xf32, #tpu.memory_space<vmem>>) offsets(%dma_start3A_222 : memref<64xi32, #tpu.memory_space<vmem>>) semaphore(%arg20 : memref<!tpu.dma_semaphore, #tpu.memory_space<semaphore_mem>>)
    %dma_start3A_226 = arith.constant 32 : i32
    %dma_start3A_227 = tpu.memref_slice %arg10[%dma_start3A_226] : memref<128xi32, #tpu.memory_space<vmem>> -> memref<32xi32, #tpu.memory_space<vmem>>
    %dma_start3A_228 = arith.constant 0 : i32
    %dma_start3A_229 = arith.constant 0 : i32
    %dma_start3A_230 = arith.constant 0 : i32
    %dma_start3A_231 = tpu.memref_slice %arg4[%dma_start3A_228, %dma_start3A_229, %dma_start3A_230] : memref<1000x2x128xf32, #tpu.memory_space<hbm>> -> memref<1000x2x128xf32, #tpu.memory_space<hbm>>
    tpu.enqueue_indirect_dma source(%dma_start3A_231 : memref<1000x2x128xf32, #tpu.memory_space<hbm>>) target(%arg15 : memref<32x2x128xf32, #tpu.memory_space<vmem>>) offsets(%dma_start3A_227 : memref<32xi32, #tpu.memory_space<vmem>>) semaphore(%arg20 : memref<!tpu.dma_semaphore, #tpu.memory_space<semaphore_mem>>)
    %dma_start3A_232 = arith.constant 32 : i32
    %dma_start3A_233 = tpu.memref_slice %arg10[%dma_start3A_232] : memref<128xi32, #tpu.memory_space<vmem>> -> memref<32xi32, #tpu.memory_space<vmem>>
    %dma_start3A_234 = arith.constant 0 : i32
    %dma_start3A_235 = arith.constant 0 : i32
    %dma_start3A_236 = arith.constant 0 : i32
    %dma_start3A_237 = tpu.memref_slice %arg5[%dma_start3A_234, %dma_start3A_235, %dma_start3A_236] : memref<1000x2x128xf32, #tpu.memory_space<hbm>> -> memref<1000x2x128xf32, #tpu.memory_space<hbm>>
    tpu.enqueue_indirect_dma source(%dma_start3A_237 : memref<1000x2x128xf32, #tpu.memory_space<hbm>>) target(%arg16 : memref<32x2x128xf32, #tpu.memory_space<vmem>>) offsets(%dma_start3A_233 : memref<32xi32, #tpu.memory_space<vmem>>) semaphore(%arg20 : memref<!tpu.dma_semaphore, #tpu.memory_space<semaphore_mem>>)
    %scan3A = arith.constant 0 : i32
    %scan3A_238 = arith.constant 0 : i32
    %scan3A_239 = arith.constant 32 : i32
    %scan3A_240 = arith.addi %scan3A_238, %scan3A_239 : i32
    %scan3A_241 = arith.constant 1 : i32
    scf.for %scan3A_1068 = %scan3A_238 to %scan3A_240 step %scan3A_241  : i32 {
      %broadcast_in_dim3A_1069 = arith.constant 0.000000e+00 : f32
      %broadcast_in_dim3A_1070 = vector.broadcast %broadcast_in_dim3A_1069 : f32 to vector<16xf32>
      %add3A_1071 = arith.constant 0 : i32
      %add3A_1072 = arith.addi %scan3A_1068, %add3A_1071 : i32
      %get3A_1073 = arith.constant 0 : i32
      %get3A_1074 = arith.index_cast %get3A_1073 : i32 to index
      %get3A_1075 = arith.index_cast %add3A_1072 : i32 to index
      %get3A_1076 = arith.constant 0 : index
      %get3A_1077 = tpu.vector_load %arg11[%get3A_1074, %get3A_1075, %get3A_1076] {strides = array<i32>} : memref<2x64x128xf32, #tpu.memory_space<vmem>>, vector<16xf32>,
      %add3A_1078 = arith.constant 32 : i32
      %add3A_1079 = arith.addi %scan3A_1068, %add3A_1078 : i32
      %get3A_1080 = arith.constant 1 : i32
      %get3A_1081 = arith.index_cast %get3A_1080 : i32 to index
      %get3A_1082 = arith.index_cast %add3A_1079 : i32 to index
      %get3A_1083 = arith.constant 0 : index
      %get3A_1084 = tpu.vector_load %arg11[%get3A_1081, %get3A_1082, %get3A_1083] {strides = array<i32>} : memref<2x64x128xf32, #tpu.memory_space<vmem>>, vector<16xf32>,
      %get3A_1085 = arith.constant 0 : i32
      %get3A_1086 = arith.index_cast %scan3A_1068 : i32 to index
      %get3A_1087 = arith.index_cast %get3A_1085 : i32 to index
      %get3A_1088 = arith.constant 0 : index
      %get3A_1089 = tpu.vector_load %arg12[%get3A_1086, %get3A_1087, %get3A_1088] {strides = array<i32>} : memref<32x2x128xf32, #tpu.memory_space<vmem>>, vector<16xf32>,
      %get3A_1090 = arith.constant 0 : i32
      %get3A_1091 = arith.index_cast %scan3A_1068 : i32 to index
      %get3A_1092 = arith.index_cast %get3A_1090 : i32 to index
      %get3A_1093 = arith.constant 0 : index
      %get3A_1094 = tpu.vector_load %arg13[%get3A_1091, %get3A_1092, %get3A_1093] {strides = array<i32>} : memref<32x2x128xf32, #tpu.memory_space<vmem>>, vector<16xf32>,
      %add3A_1095 = arith.addf %get3A_1077, %get3A_1084 : vector<16xf32>
      %abs3A = math.absf %get3A_1094 : vector<16xf32>
      %add3A_1096 = arith.constant 1.000000e+00 : f32
      %add3A_1097 = vector.broadcast %add3A_1096 : f32 to vector<16xf32>
      %add3A_1098 = arith.addf %abs3A, %add3A_1097 : vector<16xf32>
      %div3A = arith.constant 1.000000e+00 : f32
      %div3A_1099 = vector.broadcast %div3A : f32 to vector<16xf32>
      %div3A_1100 = arith.divf %div3A_1099, %add3A_1098 : vector<16xf32>
      %sub3A = arith.subf %add3A_1095, %get3A_1089 : vector<16xf32>
      %abs3A_1101 = math.absf %sub3A : vector<16xf32>
      %mul3A_1102 = arith.mulf %abs3A_1101, %div3A_1100 : vector<16xf32>
      %mul3A_1103 = arith.mulf %add3A_1098, %abs3A_1101 : vector<16xf32>
      %mul3A_1104 = arith.constant 5.000000e-01 : f32
      %mul3A_1105 = vector.broadcast %mul3A_1104 : f32 to vector<16xf32>
      %mul3A_1106 = arith.mulf %mul3A_1105, %abs3A : vector<16xf32>
      %sub3A_1107 = arith.subf %add3A_1098, %div3A_1100 : vector<16xf32>
      %mul3A_1108 = arith.mulf %mul3A_1106, %sub3A_1107 : vector<16xf32>
      %sub3A_1109 = arith.subf %mul3A_1103, %mul3A_1108 : vector<16xf32>
      %max3A = arith.maximumf %mul3A_1102, %sub3A_1109 : vector<16xf32>
      %add3A_1110 = arith.addf %broadcast_in_dim3A_1070, %max3A : vector<16xf32>
      %add3A_1111 = arith.constant 0 : i32
      %add3A_1112 = arith.addi %scan3A_1068, %add3A_1111 : i32
      %get3A_1113 = arith.constant 0 : i32
      %get3A_1114 = arith.index_cast %get3A_1113 : i32 to index
      %get3A_1115 = arith.index_cast %add3A_1112 : i32 to index
      %get3A_1116 = arith.constant 16 : index
      %get3A_1117 = tpu.vector_load %arg11[%get3A_1114, %get3A_1115, %get3A_1116] {strides = array<i32>} : memref<2x64x128xf32, #tpu.memory_space<vmem>>, vector<16xf32>,
      %add3A_1118 = arith.constant 32 : i32
      %add3A_1119 = arith.addi %scan3A_1068, %add3A_1118 : i32
      %get3A_1120 = arith.constant 1 : i32
      %get3A_1121 = arith.index_cast %get3A_1120 : i32 to index
      %get3A_1122 = arith.index_cast %add3A_1119 : i32 to index
      %get3A_1123 = arith.constant 16 : index
      %get3A_1124 = tpu.vector_load %arg11[%get3A_1121, %get3A_1122, %get3A_1123] {strides = array<i32>} : memref<2x64x128xf32, #tpu.memory_space<vmem>>, vector<16xf32>,
      %get3A_1125 = arith.constant 0 : i32
      %get3A_1126 = arith.index_cast %scan3A_1068 : i32 to index
      %get3A_1127 = arith.index_cast %get3A_1125 : i32 to index
      %get3A_1128 = arith.constant 16 : index
      %get3A_1129 = tpu.vector_load %arg12[%get3A_1126, %get3A_1127, %get3A_1128] {strides = array<i32>} : memref<32x2x128xf32, #tpu.memory_space<vmem>>, vector<16xf32>,
      %get3A_1130 = arith.constant 0 : i32
      %get3A_1131 = arith.index_cast %scan3A_1068 : i32 to index
      %get3A_1132 = arith.index_cast %get3A_1130 : i32 to index
      %get3A_1133 = arith.constant 16 : index
      %get3A_1134 = tpu.vector_load %arg13[%get3A_1131, %get3A_1132, %get3A_1133] {strides = array<i32>} : memref<32x2x128xf32, #tpu.memory_space<vmem>>, vector<16xf32>,
      %add3A_1135 = arith.addf %get3A_1117, %get3A_1124 : vector<16xf32>
      %abs3A_1136 = math.absf %get3A_1134 : vector<16xf32>
      %add3A_1137 = arith.constant 1.000000e+00 : f32
      %add3A_1138 = vector.broadcast %add3A_1137 : f32 to vector<16xf32>
      %add3A_1139 = arith.addf %abs3A_1136, %add3A_1138 : vector<16xf32>
      %div3A_1140 = arith.constant 1.000000e+00 : f32
      %div3A_1141 = vector.broadcast %div3A_1140 : f32 to vector<16xf32>
      %div3A_1142 = arith.divf %div3A_1141, %add3A_1139 : vector<16xf32>
      %sub3A_1143 = arith.subf %add3A_1135, %get3A_1129 : vector<16xf32>
      %abs3A_1144 = math.absf %sub3A_1143 : vector<16xf32>
      %mul3A_1145 = arith.mulf %abs3A_1144, %div3A_1142 : vector<16xf32>
      %mul3A_1146 = arith.mulf %add3A_1139, %abs3A_1144 : vector<16xf32>
      %mul3A_1147 = arith.constant 5.000000e-01 : f32
      %mul3A_1148 = vector.broadcast %mul3A_1147 : f32 to vector<16xf32>
      %mul3A_1149 = arith.mulf %mul3A_1148, %abs3A_1136 : vector<16xf32>
      %sub3A_1150 = arith.subf %add3A_1139, %div3A_1142 : vector<16xf32>
      %mul3A_1151 = arith.mulf %mul3A_1149, %sub3A_1150 : vector<16xf32>
      %sub3A_1152 = arith.subf %mul3A_1146, %mul3A_1151 : vector<16xf32>
      %max3A_1153 = arith.maximumf %mul3A_1145, %sub3A_1152 : vector<16xf32>
      %add3A_1154 = arith.addf %add3A_1110, %max3A_1153 : vector<16xf32>
      %add3A_1155 = arith.constant 0 : i32
      %add3A_1156 = arith.addi %scan3A_1068, %add3A_1155 : i32
      %get3A_1157 = arith.constant 0 : i32
      %get3A_1158 = arith.index_cast %get3A_1157 : i32 to index
      %get3A_1159 = arith.index_cast %add3A_1156 : i32 to index
      %get3A_1160 = arith.constant 32 : index
      %get3A_1161 = tpu.vector_load %arg11[%get3A_1158, %get3A_1159, %get3A_1160] {strides = array<i32>} : memref<2x64x128xf32, #tpu.memory_space<vmem>>, vector<16xf32>,
      %add3A_1162 = arith.constant 32 : i32
      %add3A_1163 = arith.addi %scan3A_1068, %add3A_1162 : i32
      %get3A_1164 = arith.constant 1 : i32
      %get3A_1165 = arith.index_cast %get3A_1164 : i32 to index
      %get3A_1166 = arith.index_cast %add3A_1163 : i32 to index
      %get3A_1167 = arith.constant 32 : index
      %get3A_1168 = tpu.vector_load %arg11[%get3A_1165, %get3A_1166, %get3A_1167] {strides = array<i32>} : memref<2x64x128xf32, #tpu.memory_space<vmem>>, vector<16xf32>,
      %get3A_1169 = arith.constant 0 : i32
      %get3A_1170 = arith.index_cast %scan3A_1068 : i32 to index
      %get3A_1171 = arith.index_cast %get3A_1169 : i32 to index
      %get3A_1172 = arith.constant 32 : index
      %get3A_1173 = tpu.vector_load %arg12[%get3A_1170, %get3A_1171, %get3A_1172] {strides = array<i32>} : memref<32x2x128xf32, #tpu.memory_space<vmem>>, vector<16xf32>,
      %get3A_1174 = arith.constant 0 : i32
      %get3A_1175 = arith.index_cast %scan3A_1068 : i32 to index
      %get3A_1176 = arith.index_cast %get3A_1174 : i32 to index
      %get3A_1177 = arith.constant 32 : index
      %get3A_1178 = tpu.vector_load %arg13[%get3A_1175, %get3A_1176, %get3A_1177] {strides = array<i32>} : memref<32x2x128xf32, #tpu.memory_space<vmem>>, vector<16xf32>,
      %add3A_1179 = arith.addf %get3A_1161, %get3A_1168 : vector<16xf32>
      %abs3A_1180 = math.absf %get3A_1178 : vector<16xf32>
      %add3A_1181 = arith.constant 1.000000e+00 : f32
      %add3A_1182 = vector.broadcast %add3A_1181 : f32 to vector<16xf32>
      %add3A_1183 = arith.addf %abs3A_1180, %add3A_1182 : vector<16xf32>
      %div3A_1184 = arith.constant 1.000000e+00 : f32
      %div3A_1185 = vector.broadcast %div3A_1184 : f32 to vector<16xf32>
      %div3A_1186 = arith.divf %div3A_1185, %add3A_1183 : vector<16xf32>
      %sub3A_1187 = arith.subf %add3A_1179, %get3A_1173 : vector<16xf32>
      %abs3A_1188 = math.absf %sub3A_1187 : vector<16xf32>
      %mul3A_1189 = arith.mulf %abs3A_1188, %div3A_1186 : vector<16xf32>
      %mul3A_1190 = arith.mulf %add3A_1183, %abs3A_1188 : vector<16xf32>
      %mul3A_1191 = arith.constant 5.000000e-01 : f32
      %mul3A_1192 = vector.broadcast %mul3A_1191 : f32 to vector<16xf32>
      %mul3A_1193 = arith.mulf %mul3A_1192, %abs3A_1180 : vector<16xf32>
      %sub3A_1194 = arith.subf %add3A_1183, %div3A_1186 : vector<16xf32>
      %mul3A_1195 = arith.mulf %mul3A_1193, %sub3A_1194 : vector<16xf32>
      %sub3A_1196 = arith.subf %mul3A_1190, %mul3A_1195 : vector<16xf32>
      %max3A_1197 = arith.maximumf %mul3A_1189, %sub3A_1196 : vector<16xf32>
      %add3A_1198 = arith.addf %add3A_1154, %max3A_1197 : vector<16xf32>
      %add3A_1199 = arith.constant 0 : i32
      %add3A_1200 = arith.addi %scan3A_1068, %add3A_1199 : i32
      %get3A_1201 = arith.constant 0 : i32
      %get3A_1202 = arith.index_cast %get3A_1201 : i32 to index
      %get3A_1203 = arith.index_cast %add3A_1200 : i32 to index
      %get3A_1204 = arith.constant 48 : index
      %get3A_1205 = tpu.vector_load %arg11[%get3A_1202, %get3A_1203, %get3A_1204] {strides = array<i32>} : memref<2x64x128xf32, #tpu.memory_space<vmem>>, vector<16xf32>,
      %add3A_1206 = arith.constant 32 : i32
      %add3A_1207 = arith.addi %scan3A_1068, %add3A_1206 : i32
      %get3A_1208 = arith.constant 1 : i32
      %get3A_1209 = arith.index_cast %get3A_1208 : i32 to index
      %get3A_1210 = arith.index_cast %add3A_1207 : i32 to index
      %get3A_1211 = arith.constant 48 : index
      %get3A_1212 = tpu.vector_load %arg11[%get3A_1209, %get3A_1210, %get3A_1211] {strides = array<i32>} : memref<2x64x128xf32, #tpu.memory_space<vmem>>, vector<16xf32>,
      %get3A_1213 = arith.constant 0 : i32
      %get3A_1214 = arith.index_cast %scan3A_1068 : i32 to index
      %get3A_1215 = arith.index_cast %get3A_1213 : i32 to index
      %get3A_1216 = arith.constant 48 : index
      %get3A_1217 = tpu.vector_load %arg12[%get3A_1214, %get3A_1215, %get3A_1216] {strides = array<i32>} : memref<32x2x128xf32, #tpu.memory_space<vmem>>, vector<16xf32>,
      %get3A_1218 = arith.constant 0 : i32
      %get3A_1219 = arith.index_cast %scan3A_1068 : i32 to index
      %get3A_1220 = arith.index_cast %get3A_1218 : i32 to index
      %get3A_1221 = arith.constant 48 : index
      %get3A_1222 = tpu.vector_load %arg13[%get3A_1219, %get3A_1220, %get3A_1221] {strides = array<i32>} : memref<32x2x128xf32, #tpu.memory_space<vmem>>, vector<16xf32>,
      %add3A_1223 = arith.addf %get3A_1205, %get3A_1212 : vector<16xf32>
      %abs3A_1224 = math.absf %get3A_1222 : vector<16xf32>
      %add3A_1225 = arith.constant 1.000000e+00 : f32
      %add3A_1226 = vector.broadcast %add3A_1225 : f32 to vector<16xf32>
      %add3A_1227 = arith.addf %abs3A_1224, %add3A_1226 : vector<16xf32>
      %div3A_1228 = arith.constant 1.000000e+00 : f32
      %div3A_1229 = vector.broadcast %div3A_1228 : f32 to vector<16xf32>
      %div3A_1230 = arith.divf %div3A_1229, %add3A_1227 : vector<16xf32>
      %sub3A_1231 = arith.subf %add3A_1223, %get3A_1217 : vector<16xf32>
      %abs3A_1232 = math.absf %sub3A_1231 : vector<16xf32>
      %mul3A_1233 = arith.mulf %abs3A_1232, %div3A_1230 : vector<16xf32>
      %mul3A_1234 = arith.mulf %add3A_1227, %abs3A_1232 : vector<16xf32>
      %mul3A_1235 = arith.constant 5.000000e-01 : f32
      %mul3A_1236 = vector.broadcast %mul3A_1235 : f32 to vector<16xf32>
      %mul3A_1237 = arith.mulf %mul3A_1236, %abs3A_1224 : vector<16xf32>
      %sub3A_1238 = arith.subf %add3A_1227, %div3A_1230 : vector<16xf32>
      %mul3A_1239 = arith.mulf %mul3A_1237, %sub3A_1238 : vector<16xf32>
      %sub3A_1240 = arith.subf %mul3A_1234, %mul3A_1239 : vector<16xf32>
      %max3A_1241 = arith.maximumf %mul3A_1233, %sub3A_1240 : vector<16xf32>
      %add3A_1242 = arith.addf %add3A_1198, %max3A_1241 : vector<16xf32>
      %add3A_1243 = arith.constant 0 : i32
      %add3A_1244 = arith.addi %scan3A_1068, %add3A_1243 : i32
      %get3A_1245 = arith.constant 0 : i32
      %get3A_1246 = arith.index_cast %get3A_1245 : i32 to index
      %get3A_1247 = arith.index_cast %add3A_1244 : i32 to index
      %get3A_1248 = arith.constant 64 : index
      %get3A_1249 = tpu.vector_load %arg11[%get3A_1246, %get3A_1247, %get3A_1248] {strides = array<i32>} : memref<2x64x128xf32, #tpu.memory_space<vmem>>, vector<16xf32>,
      %add3A_1250 = arith.constant 32 : i32
      %add3A_1251 = arith.addi %scan3A_1068, %add3A_1250 : i32
      %get3A_1252 = arith.constant 1 : i32
      %get3A_1253 = arith.index_cast %get3A_1252 : i32 to index
      %get3A_1254 = arith.index_cast %add3A_1251 : i32 to index
      %get3A_1255 = arith.constant 64 : index
      %get3A_1256 = tpu.vector_load %arg11[%get3A_1253, %get3A_1254, %get3A_1255] {strides = array<i32>} : memref<2x64x128xf32, #tpu.memory_space<vmem>>, vector<16xf32>,
      %get3A_1257 = arith.constant 0 : i32
      %get3A_1258 = arith.index_cast %scan3A_1068 : i32 to index
      %get3A_1259 = arith.index_cast %get3A_1257 : i32 to index
      %get3A_1260 = arith.constant 64 : index
      %get3A_1261 = tpu.vector_load %arg12[%get3A_1258, %get3A_1259, %get3A_1260] {strides = array<i32>} : memref<32x2x128xf32, #tpu.memory_space<vmem>>, vector<16xf32>,
      %get3A_1262 = arith.constant 0 : i32
      %get3A_1263 = arith.index_cast %scan3A_1068 : i32 to index
      %get3A_1264 = arith.index_cast %get3A_1262 : i32 to index
      %get3A_1265 = arith.constant 64 : index
      %get3A_1266 = tpu.vector_load %arg13[%get3A_1263, %get3A_1264, %get3A_1265] {strides = array<i32>} : memref<32x2x128xf32, #tpu.memory_space<vmem>>, vector<16xf32>,
      %add3A_1267 = arith.addf %get3A_1249, %get3A_1256 : vector<16xf32>
      %abs3A_1268 = math.absf %get3A_1266 : vector<16xf32>
      %add3A_1269 = arith.constant 1.000000e+00 : f32
      %add3A_1270 = vector.broadcast %add3A_1269 : f32 to vector<16xf32>
      %add3A_1271 = arith.addf %abs3A_1268, %add3A_1270 : vector<16xf32>
      %div3A_1272 = arith.constant 1.000000e+00 : f32
      %div3A_1273 = vector.broadcast %div3A_1272 : f32 to vector<16xf32>
      %div3A_1274 = arith.divf %div3A_1273, %add3A_1271 : vector<16xf32>
      %sub3A_1275 = arith.subf %add3A_1267, %get3A_1261 : vector<16xf32>
      %abs3A_1276 = math.absf %sub3A_1275 : vector<16xf32>
      %mul3A_1277 = arith.mulf %abs3A_1276, %div3A_1274 : vector<16xf32>
      %mul3A_1278 = arith.mulf %add3A_1271, %abs3A_1276 : vector<16xf32>
      %mul3A_1279 = arith.constant 5.000000e-01 : f32
      %mul3A_1280 = vector.broadcast %mul3A_1279 : f32 to vector<16xf32>
      %mul3A_1281 = arith.mulf %mul3A_1280, %abs3A_1268 : vector<16xf32>
      %sub3A_1282 = arith.subf %add3A_1271, %div3A_1274 : vector<16xf32>
      %mul3A_1283 = arith.mulf %mul3A_1281, %sub3A_1282 : vector<16xf32>
      %sub3A_1284 = arith.subf %mul3A_1278, %mul3A_1283 : vector<16xf32>
      %max3A_1285 = arith.maximumf %mul3A_1277, %sub3A_1284 : vector<16xf32>
      %add3A_1286 = arith.addf %add3A_1242, %max3A_1285 : vector<16xf32>
      %add3A_1287 = arith.constant 0 : i32
      %add3A_1288 = arith.addi %scan3A_1068, %add3A_1287 : i32
      %get3A_1289 = arith.constant 0 : i32
      %get3A_1290 = arith.index_cast %get3A_1289 : i32 to index
      %get3A_1291 = arith.index_cast %add3A_1288 : i32 to index
      %get3A_1292 = arith.constant 80 : index
      %get3A_1293 = tpu.vector_load %arg11[%get3A_1290, %get3A_1291, %get3A_1292] {strides = array<i32>} : memref<2x64x128xf32, #tpu.memory_space<vmem>>, vector<16xf32>,
      %add3A_1294 = arith.constant 32 : i32
      %add3A_1295 = arith.addi %scan3A_1068, %add3A_1294 : i32
      %get3A_1296 = arith.constant 1 : i32
      %get3A_1297 = arith.index_cast %get3A_1296 : i32 to index
      %get3A_1298 = arith.index_cast %add3A_1295 : i32 to index
      %get3A_1299 = arith.constant 80 : index
      %get3A_1300 = tpu.vector_load %arg11[%get3A_1297, %get3A_1298, %get3A_1299] {strides = array<i32>} : memref<2x64x128xf32, #tpu.memory_space<vmem>>, vector<16xf32>,
      %get3A_1301 = arith.constant 0 : i32
      %get3A_1302 = arith.index_cast %scan3A_1068 : i32 to index
      %get3A_1303 = arith.index_cast %get3A_1301 : i32 to index
      %get3A_1304 = arith.constant 80 : index
      %get3A_1305 = tpu.vector_load %arg12[%get3A_1302, %get3A_1303, %get3A_1304] {strides = array<i32>} : memref<32x2x128xf32, #tpu.memory_space<vmem>>, vector<16xf32>,
      %get3A_1306 = arith.constant 0 : i32
      %get3A_1307 = arith.index_cast %scan3A_1068 : i32 to index
      %get3A_1308 = arith.index_cast %get3A_1306 : i32 to index
      %get3A_1309 = arith.constant 80 : index
      %get3A_1310 = tpu.vector_load %arg13[%get3A_1307, %get3A_1308, %get3A_1309] {strides = array<i32>} : memref<32x2x128xf32, #tpu.memory_space<vmem>>, vector<16xf32>,
      %add3A_1311 = arith.addf %get3A_1293, %get3A_1300 : vector<16xf32>
      %abs3A_1312 = math.absf %get3A_1310 : vector<16xf32>
      %add3A_1313 = arith.constant 1.000000e+00 : f32
      %add3A_1314 = vector.broadcast %add3A_1313 : f32 to vector<16xf32>
      %add3A_1315 = arith.addf %abs3A_1312, %add3A_1314 : vector<16xf32>
      %div3A_1316 = arith.constant 1.000000e+00 : f32
      %div3A_1317 = vector.broadcast %div3A_1316 : f32 to vector<16xf32>
      %div3A_1318 = arith.divf %div3A_1317, %add3A_1315 : vector<16xf32>
      %sub3A_1319 = arith.subf %add3A_1311, %get3A_1305 : vector<16xf32>
      %abs3A_1320 = math.absf %sub3A_1319 : vector<16xf32>
      %mul3A_1321 = arith.mulf %abs3A_1320, %div3A_1318 : vector<16xf32>
      %mul3A_1322 = arith.mulf %add3A_1315, %abs3A_1320 : vector<16xf32>
      %mul3A_1323 = arith.constant 5.000000e-01 : f32
      %mul3A_1324 = vector.broadcast %mul3A_1323 : f32 to vector<16xf32>
      %mul3A_1325 = arith.mulf %mul3A_1324, %abs3A_1312 : vector<16xf32>
      %sub3A_1326 = arith.subf %add3A_1315, %div3A_1318 : vector<16xf32>
      %mul3A_1327 = arith.mulf %mul3A_1325, %sub3A_1326 : vector<16xf32>
      %sub3A_1328 = arith.subf %mul3A_1322, %mul3A_1327 : vector<16xf32>
      %max3A_1329 = arith.maximumf %mul3A_1321, %sub3A_1328 : vector<16xf32>
      %add3A_1330 = arith.addf %add3A_1286, %max3A_1329 : vector<16xf32>
      %add3A_1331 = arith.constant 0 : i32
      %add3A_1332 = arith.addi %scan3A_1068, %add3A_1331 : i32
      %get3A_1333 = arith.constant 0 : i32
      %get3A_1334 = arith.index_cast %get3A_1333 : i32 to index
      %get3A_1335 = arith.index_cast %add3A_1332 : i32 to index
      %get3A_1336 = arith.constant 96 : index
      %get3A_1337 = tpu.vector_load %arg11[%get3A_1334, %get3A_1335, %get3A_1336] {strides = array<i32>} : memref<2x64x128xf32, #tpu.memory_space<vmem>>, vector<16xf32>,
      %add3A_1338 = arith.constant 32 : i32
      %add3A_1339 = arith.addi %scan3A_1068, %add3A_1338 : i32
      %get3A_1340 = arith.constant 1 : i32
      %get3A_1341 = arith.index_cast %get3A_1340 : i32 to index
      %get3A_1342 = arith.index_cast %add3A_1339 : i32 to index
      %get3A_1343 = arith.constant 96 : index
      %get3A_1344 = tpu.vector_load %arg11[%get3A_1341, %get3A_1342, %get3A_1343] {strides = array<i32>} : memref<2x64x128xf32, #tpu.memory_space<vmem>>, vector<16xf32>,
      %get3A_1345 = arith.constant 0 : i32
      %get3A_1346 = arith.index_cast %scan3A_1068 : i32 to index
      %get3A_1347 = arith.index_cast %get3A_1345 : i32 to index
      %get3A_1348 = arith.constant 96 : index
      %get3A_1349 = tpu.vector_load %arg12[%get3A_1346, %get3A_1347, %get3A_1348] {strides = array<i32>} : memref<32x2x128xf32, #tpu.memory_space<vmem>>, vector<16xf32>,
      %get3A_1350 = arith.constant 0 : i32
      %get3A_1351 = arith.index_cast %scan3A_1068 : i32 to index
      %get3A_1352 = arith.index_cast %get3A_1350 : i32 to index
      %get3A_1353 = arith.constant 96 : index
      %get3A_1354 = tpu.vector_load %arg13[%get3A_1351, %get3A_1352, %get3A_1353] {strides = array<i32>} : memref<32x2x128xf32, #tpu.memory_space<vmem>>, vector<16xf32>,
      %add3A_1355 = arith.addf %get3A_1337, %get3A_1344 : vector<16xf32>
      %abs3A_1356 = math.absf %get3A_1354 : vector<16xf32>
      %add3A_1357 = arith.constant 1.000000e+00 : f32
      %add3A_1358 = vector.broadcast %add3A_1357 : f32 to vector<16xf32>
      %add3A_1359 = arith.addf %abs3A_1356, %add3A_1358 : vector<16xf32>
      %div3A_1360 = arith.constant 1.000000e+00 : f32
      %div3A_1361 = vector.broadcast %div3A_1360 : f32 to vector<16xf32>
      %div3A_1362 = arith.divf %div3A_1361, %add3A_1359 : vector<16xf32>
      %sub3A_1363 = arith.subf %add3A_1355, %get3A_1349 : vector<16xf32>
      %abs3A_1364 = math.absf %sub3A_1363 : vector<16xf32>
      %mul3A_1365 = arith.mulf %abs3A_1364, %div3A_1362 : vector<16xf32>
      %mul3A_1366 = arith.mulf %add3A_1359, %abs3A_1364 : vector<16xf32>
      %mul3A_1367 = arith.constant 5.000000e-01 : f32
      %mul3A_1368 = vector.broadcast %mul3A_1367 : f32 to vector<16xf32>
      %mul3A_1369 = arith.mulf %mul3A_1368, %abs3A_1356 : vector<16xf32>
      %sub3A_1370 = arith.subf %add3A_1359, %div3A_1362 : vector<16xf32>
      %mul3A_1371 = arith.mulf %mul3A_1369, %sub3A_1370 : vector<16xf32>
      %sub3A_1372 = arith.subf %mul3A_1366, %mul3A_1371 : vector<16xf32>
      %max3A_1373 = arith.maximumf %mul3A_1365, %sub3A_1372 : vector<16xf32>
      %add3A_1374 = arith.addf %add3A_1330, %max3A_1373 : vector<16xf32>
      %add3A_1375 = arith.constant 0 : i32
      %add3A_1376 = arith.addi %scan3A_1068, %add3A_1375 : i32
      %get3A_1377 = arith.constant 0 : i32
      %get3A_1378 = arith.index_cast %get3A_1377 : i32 to index
      %get3A_1379 = arith.index_cast %add3A_1376 : i32 to index
      %get3A_1380 = arith.constant 112 : index
      %get3A_1381 = tpu.vector_load %arg11[%get3A_1378, %get3A_1379, %get3A_1380] {strides = array<i32>} : memref<2x64x128xf32, #tpu.memory_space<vmem>>, vector<16xf32>,
      %add3A_1382 = arith.constant 32 : i32
      %add3A_1383 = arith.addi %scan3A_1068, %add3A_1382 : i32
      %get3A_1384 = arith.constant 1 : i32
      %get3A_1385 = arith.index_cast %get3A_1384 : i32 to index
      %get3A_1386 = arith.index_cast %add3A_1383 : i32 to index
      %get3A_1387 = arith.constant 112 : index
      %get3A_1388 = tpu.vector_load %arg11[%get3A_1385, %get3A_1386, %get3A_1387] {strides = array<i32>} : memref<2x64x128xf32, #tpu.memory_space<vmem>>, vector<16xf32>,
      %get3A_1389 = arith.constant 0 : i32
      %get3A_1390 = arith.index_cast %scan3A_1068 : i32 to index
      %get3A_1391 = arith.index_cast %get3A_1389 : i32 to index
      %get3A_1392 = arith.constant 112 : index
      %get3A_1393 = tpu.vector_load %arg12[%get3A_1390, %get3A_1391, %get3A_1392] {strides = array<i32>} : memref<32x2x128xf32, #tpu.memory_space<vmem>>, vector<16xf32>,
      %get3A_1394 = arith.constant 0 : i32
      %get3A_1395 = arith.index_cast %scan3A_1068 : i32 to index
      %get3A_1396 = arith.index_cast %get3A_1394 : i32 to index
      %get3A_1397 = arith.constant 112 : index
      %get3A_1398 = tpu.vector_load %arg13[%get3A_1395, %get3A_1396, %get3A_1397] {strides = array<i32>} : memref<32x2x128xf32, #tpu.memory_space<vmem>>, vector<16xf32>,
      %add3A_1399 = arith.addf %get3A_1381, %get3A_1388 : vector<16xf32>
      %abs3A_1400 = math.absf %get3A_1398 : vector<16xf32>
      %add3A_1401 = arith.constant 1.000000e+00 : f32
      %add3A_1402 = vector.broadcast %add3A_1401 : f32 to vector<16xf32>
      %add3A_1403 = arith.addf %abs3A_1400, %add3A_1402 : vector<16xf32>
      %div3A_1404 = arith.constant 1.000000e+00 : f32
      %div3A_1405 = vector.broadcast %div3A_1404 : f32 to vector<16xf32>
      %div3A_1406 = arith.divf %div3A_1405, %add3A_1403 : vector<16xf32>
      %sub3A_1407 = arith.subf %add3A_1399, %get3A_1393 : vector<16xf32>
      %abs3A_1408 = math.absf %sub3A_1407 : vector<16xf32>
      %mul3A_1409 = arith.mulf %abs3A_1408, %div3A_1406 : vector<16xf32>
      %mul3A_1410 = arith.mulf %add3A_1403, %abs3A_1408 : vector<16xf32>
      %mul3A_1411 = arith.constant 5.000000e-01 : f32
      %mul3A_1412 = vector.broadcast %mul3A_1411 : f32 to vector<16xf32>
      %mul3A_1413 = arith.mulf %mul3A_1412, %abs3A_1400 : vector<16xf32>
      %sub3A_1414 = arith.subf %add3A_1403, %div3A_1406 : vector<16xf32>
      %mul3A_1415 = arith.mulf %mul3A_1413, %sub3A_1414 : vector<16xf32>
      %sub3A_1416 = arith.subf %mul3A_1410, %mul3A_1415 : vector<16xf32>
      %max3A_1417 = arith.maximumf %mul3A_1409, %sub3A_1416 : vector<16xf32>
      %add3A_1418 = arith.addf %add3A_1374, %max3A_1417 : vector<16xf32>
      %add3A_1419 = arith.constant 32 : i32
      %add3A_1420 = arith.addi %scan3A_1068, %add3A_1419 : i32
      %get3A_1421 = arith.constant 0 : i32
      %get3A_1422 = arith.index_cast %get3A_1421 : i32 to index
      %get3A_1423 = arith.index_cast %add3A_1420 : i32 to index
      %get3A_1424 = arith.constant 0 : index
      %get3A_1425 = tpu.vector_load %arg11[%get3A_1422, %get3A_1423, %get3A_1424] {strides = array<i32>} : memref<2x64x128xf32, #tpu.memory_space<vmem>>, vector<16xf32>,
      %add3A_1426 = arith.constant 0 : i32
      %add3A_1427 = arith.addi %scan3A_1068, %add3A_1426 : i32
      %get3A_1428 = arith.constant 1 : i32
      %get3A_1429 = arith.index_cast %get3A_1428 : i32 to index
      %get3A_1430 = arith.index_cast %add3A_1427 : i32 to index
      %get3A_1431 = arith.constant 0 : index
      %get3A_1432 = tpu.vector_load %arg11[%get3A_1429, %get3A_1430, %get3A_1431] {strides = array<i32>} : memref<2x64x128xf32, #tpu.memory_space<vmem>>, vector<16xf32>,
      %get3A_1433 = arith.constant 1 : i32
      %get3A_1434 = arith.index_cast %scan3A_1068 : i32 to index
      %get3A_1435 = arith.index_cast %get3A_1433 : i32 to index
      %get3A_1436 = arith.constant 0 : index
      %get3A_1437 = tpu.vector_load %arg12[%get3A_1434, %get3A_1435, %get3A_1436] {strides = array<i32>} : memref<32x2x128xf32, #tpu.memory_space<vmem>>, vector<16xf32>,
      %get3A_1438 = arith.constant 1 : i32
      %get3A_1439 = arith.index_cast %scan3A_1068 : i32 to index
      %get3A_1440 = arith.index_cast %get3A_1438 : i32 to index
      %get3A_1441 = arith.constant 0 : index
      %get3A_1442 = tpu.vector_load %arg13[%get3A_1439, %get3A_1440, %get3A_1441] {strides = array<i32>} : memref<32x2x128xf32, #tpu.memory_space<vmem>>, vector<16xf32>,
      %add3A_1443 = arith.addf %get3A_1425, %get3A_1432 : vector<16xf32>
      %abs3A_1444 = math.absf %get3A_1442 : vector<16xf32>
      %add3A_1445 = arith.constant 1.000000e+00 : f32
      %add3A_1446 = vector.broadcast %add3A_1445 : f32 to vector<16xf32>
      %add3A_1447 = arith.addf %abs3A_1444, %add3A_1446 : vector<16xf32>
      %div3A_1448 = arith.constant 1.000000e+00 : f32
      %div3A_1449 = vector.broadcast %div3A_1448 : f32 to vector<16xf32>
      %div3A_1450 = arith.divf %div3A_1449, %add3A_1447 : vector<16xf32>
      %sub3A_1451 = arith.subf %add3A_1443, %get3A_1437 : vector<16xf32>
      %abs3A_1452 = math.absf %sub3A_1451 : vector<16xf32>
      %mul3A_1453 = arith.mulf %abs3A_1452, %div3A_1450 : vector<16xf32>
      %mul3A_1454 = arith.mulf %add3A_1447, %abs3A_1452 : vector<16xf32>
      %mul3A_1455 = arith.constant 5.000000e-01 : f32
      %mul3A_1456 = vector.broadcast %mul3A_1455 : f32 to vector<16xf32>
      %mul3A_1457 = arith.mulf %mul3A_1456, %abs3A_1444 : vector<16xf32>
      %sub3A_1458 = arith.subf %add3A_1447, %div3A_1450 : vector<16xf32>
      %mul3A_1459 = arith.mulf %mul3A_1457, %sub3A_1458 : vector<16xf32>
      %sub3A_1460 = arith.subf %mul3A_1454, %mul3A_1459 : vector<16xf32>
      %max3A_1461 = arith.maximumf %mul3A_1453, %sub3A_1460 : vector<16xf32>
      %add3A_1462 = arith.addf %add3A_1418, %max3A_1461 : vector<16xf32>
      %add3A_1463 = arith.constant 32 : i32
      %add3A_1464 = arith.addi %scan3A_1068, %add3A_1463 : i32
      %get3A_1465 = arith.constant 0 : i32
      %get3A_1466 = arith.index_cast %get3A_1465 : i32 to index
      %get3A_1467 = arith.index_cast %add3A_1464 : i32 to index
      %get3A_1468 = arith.constant 16 : index
      %get3A_1469 = tpu.vector_load %arg11[%get3A_1466, %get3A_1467, %get3A_1468] {strides = array<i32>} : memref<2x64x128xf32, #tpu.memory_space<vmem>>, vector<16xf32>,
      %add3A_1470 = arith.constant 0 : i32
      %add3A_1471 = arith.addi %scan3A_1068, %add3A_1470 : i32
      %get3A_1472 = arith.constant 1 : i32
      %get3A_1473 = arith.index_cast %get3A_1472 : i32 to index
      %get3A_1474 = arith.index_cast %add3A_1471 : i32 to index
      %get3A_1475 = arith.constant 16 : index
      %get3A_1476 = tpu.vector_load %arg11[%get3A_1473, %get3A_1474, %get3A_1475] {strides = array<i32>} : memref<2x64x128xf32, #tpu.memory_space<vmem>>, vector<16xf32>,
      %get3A_1477 = arith.constant 1 : i32
      %get3A_1478 = arith.index_cast %scan3A_1068 : i32 to index
      %get3A_1479 = arith.index_cast %get3A_1477 : i32 to index
      %get3A_1480 = arith.constant 16 : index
      %get3A_1481 = tpu.vector_load %arg12[%get3A_1478, %get3A_1479, %get3A_1480] {strides = array<i32>} : memref<32x2x128xf32, #tpu.memory_space<vmem>>, vector<16xf32>,
      %get3A_1482 = arith.constant 1 : i32
      %get3A_1483 = arith.index_cast %scan3A_1068 : i32 to index
      %get3A_1484 = arith.index_cast %get3A_1482 : i32 to index
      %get3A_1485 = arith.constant 16 : index
      %get3A_1486 = tpu.vector_load %arg13[%get3A_1483, %get3A_1484, %get3A_1485] {strides = array<i32>} : memref<32x2x128xf32, #tpu.memory_space<vmem>>, vector<16xf32>,
      %add3A_1487 = arith.addf %get3A_1469, %get3A_1476 : vector<16xf32>
      %abs3A_1488 = math.absf %get3A_1486 : vector<16xf32>
      %add3A_1489 = arith.constant 1.000000e+00 : f32
      %add3A_1490 = vector.broadcast %add3A_1489 : f32 to vector<16xf32>
      %add3A_1491 = arith.addf %abs3A_1488, %add3A_1490 : vector<16xf32>
      %div3A_1492 = arith.constant 1.000000e+00 : f32
      %div3A_1493 = vector.broadcast %div3A_1492 : f32 to vector<16xf32>
      %div3A_1494 = arith.divf %div3A_1493, %add3A_1491 : vector<16xf32>
      %sub3A_1495 = arith.subf %add3A_1487, %get3A_1481 : vector<16xf32>
      %abs3A_1496 = math.absf %sub3A_1495 : vector<16xf32>
      %mul3A_1497 = arith.mulf %abs3A_1496, %div3A_1494 : vector<16xf32>
      %mul3A_1498 = arith.mulf %add3A_1491, %abs3A_1496 : vector<16xf32>
      %mul3A_1499 = arith.constant 5.000000e-01 : f32
      %mul3A_1500 = vector.broadcast %mul3A_1499 : f32 to vector<16xf32>
      %mul3A_1501 = arith.mulf %mul3A_1500, %abs3A_1488 : vector<16xf32>
      %sub3A_1502 = arith.subf %add3A_1491, %div3A_1494 : vector<16xf32>
      %mul3A_1503 = arith.mulf %mul3A_1501, %sub3A_1502 : vector<16xf32>
      %sub3A_1504 = arith.subf %mul3A_1498, %mul3A_1503 : vector<16xf32>
      %max3A_1505 = arith.maximumf %mul3A_1497, %sub3A_1504 : vector<16xf32>
      %add3A_1506 = arith.addf %add3A_1462, %max3A_1505 : vector<16xf32>
      %add3A_1507 = arith.constant 32 : i32
      %add3A_1508 = arith.addi %scan3A_1068, %add3A_1507 : i32
      %get3A_1509 = arith.constant 0 : i32
      %get3A_1510 = arith.index_cast %get3A_1509 : i32 to index
      %get3A_1511 = arith.index_cast %add3A_1508 : i32 to index
      %get3A_1512 = arith.constant 32 : index
      %get3A_1513 = tpu.vector_load %arg11[%get3A_1510, %get3A_1511, %get3A_1512] {strides = array<i32>} : memref<2x64x128xf32, #tpu.memory_space<vmem>>, vector<16xf32>,
      %add3A_1514 = arith.constant 0 : i32
      %add3A_1515 = arith.addi %scan3A_1068, %add3A_1514 : i32
      %get3A_1516 = arith.constant 1 : i32
      %get3A_1517 = arith.index_cast %get3A_1516 : i32 to index
      %get3A_1518 = arith.index_cast %add3A_1515 : i32 to index
      %get3A_1519 = arith.constant 32 : index
      %get3A_1520 = tpu.vector_load %arg11[%get3A_1517, %get3A_1518, %get3A_1519] {strides = array<i32>} : memref<2x64x128xf32, #tpu.memory_space<vmem>>, vector<16xf32>,
      %get3A_1521 = arith.constant 1 : i32
      %get3A_1522 = arith.index_cast %scan3A_1068 : i32 to index
      %get3A_1523 = arith.index_cast %get3A_1521 : i32 to index
      %get3A_1524 = arith.constant 32 : index
      %get3A_1525 = tpu.vector_load %arg12[%get3A_1522, %get3A_1523, %get3A_1524] {strides = array<i32>} : memref<32x2x128xf32, #tpu.memory_space<vmem>>, vector<16xf32>,
      %get3A_1526 = arith.constant 1 : i32
      %get3A_1527 = arith.index_cast %scan3A_1068 : i32 to index
      %get3A_1528 = arith.index_cast %get3A_1526 : i32 to index
      %get3A_1529 = arith.constant 32 : index
      %get3A_1530 = tpu.vector_load %arg13[%get3A_1527, %get3A_1528, %get3A_1529] {strides = array<i32>} : memref<32x2x128xf32, #tpu.memory_space<vmem>>, vector<16xf32>,
      %add3A_1531 = arith.addf %get3A_1513, %get3A_1520 : vector<16xf32>
      %abs3A_1532 = math.absf %get3A_1530 : vector<16xf32>
      %add3A_1533 = arith.constant 1.000000e+00 : f32
      %add3A_1534 = vector.broadcast %add3A_1533 : f32 to vector<16xf32>
      %add3A_1535 = arith.addf %abs3A_1532, %add3A_1534 : vector<16xf32>
      %div3A_1536 = arith.constant 1.000000e+00 : f32
      %div3A_1537 = vector.broadcast %div3A_1536 : f32 to vector<16xf32>
      %div3A_1538 = arith.divf %div3A_1537, %add3A_1535 : vector<16xf32>
      %sub3A_1539 = arith.subf %add3A_1531, %get3A_1525 : vector<16xf32>
      %abs3A_1540 = math.absf %sub3A_1539 : vector<16xf32>
      %mul3A_1541 = arith.mulf %abs3A_1540, %div3A_1538 : vector<16xf32>
      %mul3A_1542 = arith.mulf %add3A_1535, %abs3A_1540 : vector<16xf32>
      %mul3A_1543 = arith.constant 5.000000e-01 : f32
      %mul3A_1544 = vector.broadcast %mul3A_1543 : f32 to vector<16xf32>
      %mul3A_1545 = arith.mulf %mul3A_1544, %abs3A_1532 : vector<16xf32>
      %sub3A_1546 = arith.subf %add3A_1535, %div3A_1538 : vector<16xf32>
      %mul3A_1547 = arith.mulf %mul3A_1545, %sub3A_1546 : vector<16xf32>
      %sub3A_1548 = arith.subf %mul3A_1542, %mul3A_1547 : vector<16xf32>
      %max3A_1549 = arith.maximumf %mul3A_1541, %sub3A_1548 : vector<16xf32>
      %add3A_1550 = arith.addf %add3A_1506, %max3A_1549 : vector<16xf32>
      %add3A_1551 = arith.constant 32 : i32
      %add3A_1552 = arith.addi %scan3A_1068, %add3A_1551 : i32
      %get3A_1553 = arith.constant 0 : i32
      %get3A_1554 = arith.index_cast %get3A_1553 : i32 to index
      %get3A_1555 = arith.index_cast %add3A_1552 : i32 to index
      %get3A_1556 = arith.constant 48 : index
      %get3A_1557 = tpu.vector_load %arg11[%get3A_1554, %get3A_1555, %get3A_1556] {strides = array<i32>} : memref<2x64x128xf32, #tpu.memory_space<vmem>>, vector<16xf32>,
      %add3A_1558 = arith.constant 0 : i32
      %add3A_1559 = arith.addi %scan3A_1068, %add3A_1558 : i32
      %get3A_1560 = arith.constant 1 : i32
      %get3A_1561 = arith.index_cast %get3A_1560 : i32 to index
      %get3A_1562 = arith.index_cast %add3A_1559 : i32 to index
      %get3A_1563 = arith.constant 48 : index
      %get3A_1564 = tpu.vector_load %arg11[%get3A_1561, %get3A_1562, %get3A_1563] {strides = array<i32>} : memref<2x64x128xf32, #tpu.memory_space<vmem>>, vector<16xf32>,
      %get3A_1565 = arith.constant 1 : i32
      %get3A_1566 = arith.index_cast %scan3A_1068 : i32 to index
      %get3A_1567 = arith.index_cast %get3A_1565 : i32 to index
      %get3A_1568 = arith.constant 48 : index
      %get3A_1569 = tpu.vector_load %arg12[%get3A_1566, %get3A_1567, %get3A_1568] {strides = array<i32>} : memref<32x2x128xf32, #tpu.memory_space<vmem>>, vector<16xf32>,
      %get3A_1570 = arith.constant 1 : i32
      %get3A_1571 = arith.index_cast %scan3A_1068 : i32 to index
      %get3A_1572 = arith.index_cast %get3A_1570 : i32 to index
      %get3A_1573 = arith.constant 48 : index
      %get3A_1574 = tpu.vector_load %arg13[%get3A_1571, %get3A_1572, %get3A_1573] {strides = array<i32>} : memref<32x2x128xf32, #tpu.memory_space<vmem>>, vector<16xf32>,
      %add3A_1575 = arith.addf %get3A_1557, %get3A_1564 : vector<16xf32>
      %abs3A_1576 = math.absf %get3A_1574 : vector<16xf32>
      %add3A_1577 = arith.constant 1.000000e+00 : f32
      %add3A_1578 = vector.broadcast %add3A_1577 : f32 to vector<16xf32>
      %add3A_1579 = arith.addf %abs3A_1576, %add3A_1578 : vector<16xf32>
      %div3A_1580 = arith.constant 1.000000e+00 : f32
      %div3A_1581 = vector.broadcast %div3A_1580 : f32 to vector<16xf32>
      %div3A_1582 = arith.divf %div3A_1581, %add3A_1579 : vector<16xf32>
      %sub3A_1583 = arith.subf %add3A_1575, %get3A_1569 : vector<16xf32>
      %abs3A_1584 = math.absf %sub3A_1583 : vector<16xf32>
      %mul3A_1585 = arith.mulf %abs3A_1584, %div3A_1582 : vector<16xf32>
      %mul3A_1586 = arith.mulf %add3A_1579, %abs3A_1584 : vector<16xf32>
      %mul3A_1587 = arith.constant 5.000000e-01 : f32
      %mul3A_1588 = vector.broadcast %mul3A_1587 : f32 to vector<16xf32>
      %mul3A_1589 = arith.mulf %mul3A_1588, %abs3A_1576 : vector<16xf32>
      %sub3A_1590 = arith.subf %add3A_1579, %div3A_1582 : vector<16xf32>
      %mul3A_1591 = arith.mulf %mul3A_1589, %sub3A_1590 : vector<16xf32>
      %sub3A_1592 = arith.subf %mul3A_1586, %mul3A_1591 : vector<16xf32>
      %max3A_1593 = arith.maximumf %mul3A_1585, %sub3A_1592 : vector<16xf32>
      %add3A_1594 = arith.addf %add3A_1550, %max3A_1593 : vector<16xf32>
      %add3A_1595 = arith.constant 32 : i32
      %add3A_1596 = arith.addi %scan3A_1068, %add3A_1595 : i32
      %get3A_1597 = arith.constant 0 : i32
      %get3A_1598 = arith.index_cast %get3A_1597 : i32 to index
      %get3A_1599 = arith.index_cast %add3A_1596 : i32 to index
      %get3A_1600 = arith.constant 64 : index
      %get3A_1601 = tpu.vector_load %arg11[%get3A_1598, %get3A_1599, %get3A_1600] {strides = array<i32>} : memref<2x64x128xf32, #tpu.memory_space<vmem>>, vector<16xf32>,
      %add3A_1602 = arith.constant 0 : i32
      %add3A_1603 = arith.addi %scan3A_1068, %add3A_1602 : i32
      %get3A_1604 = arith.constant 1 : i32
      %get3A_1605 = arith.index_cast %get3A_1604 : i32 to index
      %get3A_1606 = arith.index_cast %add3A_1603 : i32 to index
      %get3A_1607 = arith.constant 64 : index
      %get3A_1608 = tpu.vector_load %arg11[%get3A_1605, %get3A_1606, %get3A_1607] {strides = array<i32>} : memref<2x64x128xf32, #tpu.memory_space<vmem>>, vector<16xf32>,
      %get3A_1609 = arith.constant 1 : i32
      %get3A_1610 = arith.index_cast %scan3A_1068 : i32 to index
      %get3A_1611 = arith.index_cast %get3A_1609 : i32 to index
      %get3A_1612 = arith.constant 64 : index
      %get3A_1613 = tpu.vector_load %arg12[%get3A_1610, %get3A_1611, %get3A_1612] {strides = array<i32>} : memref<32x2x128xf32, #tpu.memory_space<vmem>>, vector<16xf32>,
      %get3A_1614 = arith.constant 1 : i32
      %get3A_1615 = arith.index_cast %scan3A_1068 : i32 to index
      %get3A_1616 = arith.index_cast %get3A_1614 : i32 to index
      %get3A_1617 = arith.constant 64 : index
      %get3A_1618 = tpu.vector_load %arg13[%get3A_1615, %get3A_1616, %get3A_1617] {strides = array<i32>} : memref<32x2x128xf32, #tpu.memory_space<vmem>>, vector<16xf32>,
      %add3A_1619 = arith.addf %get3A_1601, %get3A_1608 : vector<16xf32>
      %abs3A_1620 = math.absf %get3A_1618 : vector<16xf32>
      %add3A_1621 = arith.constant 1.000000e+00 : f32
      %add3A_1622 = vector.broadcast %add3A_1621 : f32 to vector<16xf32>
      %add3A_1623 = arith.addf %abs3A_1620, %add3A_1622 : vector<16xf32>
      %div3A_1624 = arith.constant 1.000000e+00 : f32
      %div3A_1625 = vector.broadcast %div3A_1624 : f32 to vector<16xf32>
      %div3A_1626 = arith.divf %div3A_1625, %add3A_1623 : vector<16xf32>
      %sub3A_1627 = arith.subf %add3A_1619, %get3A_1613 : vector<16xf32>
      %abs3A_1628 = math.absf %sub3A_1627 : vector<16xf32>
      %mul3A_1629 = arith.mulf %abs3A_1628, %div3A_1626 : vector<16xf32>
      %mul3A_1630 = arith.mulf %add3A_1623, %abs3A_1628 : vector<16xf32>
      %mul3A_1631 = arith.constant 5.000000e-01 : f32
      %mul3A_1632 = vector.broadcast %mul3A_1631 : f32 to vector<16xf32>
      %mul3A_1633 = arith.mulf %mul3A_1632, %abs3A_1620 : vector<16xf32>
      %sub3A_1634 = arith.subf %add3A_1623, %div3A_1626 : vector<16xf32>
      %mul3A_1635 = arith.mulf %mul3A_1633, %sub3A_1634 : vector<16xf32>
      %sub3A_1636 = arith.subf %mul3A_1630, %mul3A_1635 : vector<16xf32>
      %max3A_1637 = arith.maximumf %mul3A_1629, %sub3A_1636 : vector<16xf32>
      %add3A_1638 = arith.addf %add3A_1594, %max3A_1637 : vector<16xf32>
      %add3A_1639 = arith.constant 32 : i32
      %add3A_1640 = arith.addi %scan3A_1068, %add3A_1639 : i32
      %get3A_1641 = arith.constant 0 : i32
      %get3A_1642 = arith.index_cast %get3A_1641 : i32 to index
      %get3A_1643 = arith.index_cast %add3A_1640 : i32 to index
      %get3A_1644 = arith.constant 80 : index
      %get3A_1645 = tpu.vector_load %arg11[%get3A_1642, %get3A_1643, %get3A_1644] {strides = array<i32>} : memref<2x64x128xf32, #tpu.memory_space<vmem>>, vector<16xf32>,
      %add3A_1646 = arith.constant 0 : i32
      %add3A_1647 = arith.addi %scan3A_1068, %add3A_1646 : i32
      %get3A_1648 = arith.constant 1 : i32
      %get3A_1649 = arith.index_cast %get3A_1648 : i32 to index
      %get3A_1650 = arith.index_cast %add3A_1647 : i32 to index
      %get3A_1651 = arith.constant 80 : index
      %get3A_1652 = tpu.vector_load %arg11[%get3A_1649, %get3A_1650, %get3A_1651] {strides = array<i32>} : memref<2x64x128xf32, #tpu.memory_space<vmem>>, vector<16xf32>,
      %get3A_1653 = arith.constant 1 : i32
      %get3A_1654 = arith.index_cast %scan3A_1068 : i32 to index
      %get3A_1655 = arith.index_cast %get3A_1653 : i32 to index
      %get3A_1656 = arith.constant 80 : index
      %get3A_1657 = tpu.vector_load %arg12[%get3A_1654, %get3A_1655, %get3A_1656] {strides = array<i32>} : memref<32x2x128xf32, #tpu.memory_space<vmem>>, vector<16xf32>,
      %get3A_1658 = arith.constant 1 : i32
      %get3A_1659 = arith.index_cast %scan3A_1068 : i32 to index
      %get3A_1660 = arith.index_cast %get3A_1658 : i32 to index
      %get3A_1661 = arith.constant 80 : index
      %get3A_1662 = tpu.vector_load %arg13[%get3A_1659, %get3A_1660, %get3A_1661] {strides = array<i32>} : memref<32x2x128xf32, #tpu.memory_space<vmem>>, vector<16xf32>,
      %add3A_1663 = arith.addf %get3A_1645, %get3A_1652 : vector<16xf32>
      %abs3A_1664 = math.absf %get3A_1662 : vector<16xf32>
      %add3A_1665 = arith.constant 1.000000e+00 : f32
      %add3A_1666 = vector.broadcast %add3A_1665 : f32 to vector<16xf32>
      %add3A_1667 = arith.addf %abs3A_1664, %add3A_1666 : vector<16xf32>
      %div3A_1668 = arith.constant 1.000000e+00 : f32
      %div3A_1669 = vector.broadcast %div3A_1668 : f32 to vector<16xf32>
      %div3A_1670 = arith.divf %div3A_1669, %add3A_1667 : vector<16xf32>
      %sub3A_1671 = arith.subf %add3A_1663, %get3A_1657 : vector<16xf32>
      %abs3A_1672 = math.absf %sub3A_1671 : vector<16xf32>
      %mul3A_1673 = arith.mulf %abs3A_1672, %div3A_1670 : vector<16xf32>
      %mul3A_1674 = arith.mulf %add3A_1667, %abs3A_1672 : vector<16xf32>
      %mul3A_1675 = arith.constant 5.000000e-01 : f32
      %mul3A_1676 = vector.broadcast %mul3A_1675 : f32 to vector<16xf32>
      %mul3A_1677 = arith.mulf %mul3A_1676, %abs3A_1664 : vector<16xf32>
      %sub3A_1678 = arith.subf %add3A_1667, %div3A_1670 : vector<16xf32>
      %mul3A_1679 = arith.mulf %mul3A_1677, %sub3A_1678 : vector<16xf32>
      %sub3A_1680 = arith.subf %mul3A_1674, %mul3A_1679 : vector<16xf32>
      %max3A_1681 = arith.maximumf %mul3A_1673, %sub3A_1680 : vector<16xf32>
      %add3A_1682 = arith.addf %add3A_1638, %max3A_1681 : vector<16xf32>
      %add3A_1683 = arith.constant 32 : i32
      %add3A_1684 = arith.addi %scan3A_1068, %add3A_1683 : i32
      %get3A_1685 = arith.constant 0 : i32
      %get3A_1686 = arith.index_cast %get3A_1685 : i32 to index
      %get3A_1687 = arith.index_cast %add3A_1684 : i32 to index
      %get3A_1688 = arith.constant 96 : index
      %get3A_1689 = tpu.vector_load %arg11[%get3A_1686, %get3A_1687, %get3A_1688] {strides = array<i32>} : memref<2x64x128xf32, #tpu.memory_space<vmem>>, vector<16xf32>,
      %add3A_1690 = arith.constant 0 : i32
      %add3A_1691 = arith.addi %scan3A_1068, %add3A_1690 : i32
      %get3A_1692 = arith.constant 1 : i32
      %get3A_1693 = arith.index_cast %get3A_1692 : i32 to index
      %get3A_1694 = arith.index_cast %add3A_1691 : i32 to index
      %get3A_1695 = arith.constant 96 : index
      %get3A_1696 = tpu.vector_load %arg11[%get3A_1693, %get3A_1694, %get3A_1695] {strides = array<i32>} : memref<2x64x128xf32, #tpu.memory_space<vmem>>, vector<16xf32>,
      %get3A_1697 = arith.constant 1 : i32
      %get3A_1698 = arith.index_cast %scan3A_1068 : i32 to index
      %get3A_1699 = arith.index_cast %get3A_1697 : i32 to index
      %get3A_1700 = arith.constant 96 : index
      %get3A_1701 = tpu.vector_load %arg12[%get3A_1698, %get3A_1699, %get3A_1700] {strides = array<i32>} : memref<32x2x128xf32, #tpu.memory_space<vmem>>, vector<16xf32>,
      %get3A_1702 = arith.constant 1 : i32
      %get3A_1703 = arith.index_cast %scan3A_1068 : i32 to index
      %get3A_1704 = arith.index_cast %get3A_1702 : i32 to index
      %get3A_1705 = arith.constant 96 : index
      %get3A_1706 = tpu.vector_load %arg13[%get3A_1703, %get3A_1704, %get3A_1705] {strides = array<i32>} : memref<32x2x128xf32, #tpu.memory_space<vmem>>, vector<16xf32>,
      %add3A_1707 = arith.addf %get3A_1689, %get3A_1696 : vector<16xf32>
      %abs3A_1708 = math.absf %get3A_1706 : vector<16xf32>
      %add3A_1709 = arith.constant 1.000000e+00 : f32
      %add3A_1710 = vector.broadcast %add3A_1709 : f32 to vector<16xf32>
      %add3A_1711 = arith.addf %abs3A_1708, %add3A_1710 : vector<16xf32>
      %div3A_1712 = arith.constant 1.000000e+00 : f32
      %div3A_1713 = vector.broadcast %div3A_1712 : f32 to vector<16xf32>
      %div3A_1714 = arith.divf %div3A_1713, %add3A_1711 : vector<16xf32>
      %sub3A_1715 = arith.subf %add3A_1707, %get3A_1701 : vector<16xf32>
      %abs3A_1716 = math.absf %sub3A_1715 : vector<16xf32>
      %mul3A_1717 = arith.mulf %abs3A_1716, %div3A_1714 : vector<16xf32>
      %mul3A_1718 = arith.mulf %add3A_1711, %abs3A_1716 : vector<16xf32>
      %mul3A_1719 = arith.constant 5.000000e-01 : f32
      %mul3A_1720 = vector.broadcast %mul3A_1719 : f32 to vector<16xf32>
      %mul3A_1721 = arith.mulf %mul3A_1720, %abs3A_1708 : vector<16xf32>
      %sub3A_1722 = arith.subf %add3A_1711, %div3A_1714 : vector<16xf32>
      %mul3A_1723 = arith.mulf %mul3A_1721, %sub3A_1722 : vector<16xf32>
      %sub3A_1724 = arith.subf %mul3A_1718, %mul3A_1723 : vector<16xf32>
      %max3A_1725 = arith.maximumf %mul3A_1717, %sub3A_1724 : vector<16xf32>
      %add3A_1726 = arith.addf %add3A_1682, %max3A_1725 : vector<16xf32>
      %add3A_1727 = arith.constant 32 : i32
      %add3A_1728 = arith.addi %scan3A_1068, %add3A_1727 : i32
      %get3A_1729 = arith.constant 0 : i32
      %get3A_1730 = arith.index_cast %get3A_1729 : i32 to index
      %get3A_1731 = arith.index_cast %add3A_1728 : i32 to index
      %get3A_1732 = arith.constant 112 : index
      %get3A_1733 = tpu.vector_load %arg11[%get3A_1730, %get3A_1731, %get3A_1732] {strides = array<i32>} : memref<2x64x128xf32, #tpu.memory_space<vmem>>, vector<16xf32>,
      %add3A_1734 = arith.constant 0 : i32
      %add3A_1735 = arith.addi %scan3A_1068, %add3A_1734 : i32
      %get3A_1736 = arith.constant 1 : i32
      %get3A_1737 = arith.index_cast %get3A_1736 : i32 to index
      %get3A_1738 = arith.index_cast %add3A_1735 : i32 to index
      %get3A_1739 = arith.constant 112 : index
      %get3A_1740 = tpu.vector_load %arg11[%get3A_1737, %get3A_1738, %get3A_1739] {strides = array<i32>} : memref<2x64x128xf32, #tpu.memory_space<vmem>>, vector<16xf32>,
      %get3A_1741 = arith.constant 1 : i32
      %get3A_1742 = arith.index_cast %scan3A_1068 : i32 to index
      %get3A_1743 = arith.index_cast %get3A_1741 : i32 to index
      %get3A_1744 = arith.constant 112 : index
      %get3A_1745 = tpu.vector_load %arg12[%get3A_1742, %get3A_1743, %get3A_1744] {strides = array<i32>} : memref<32x2x128xf32, #tpu.memory_space<vmem>>, vector<16xf32>,
      %get3A_1746 = arith.constant 1 : i32
      %get3A_1747 = arith.index_cast %scan3A_1068 : i32 to index
      %get3A_1748 = arith.index_cast %get3A_1746 : i32 to index
      %get3A_1749 = arith.constant 112 : index
      %get3A_1750 = tpu.vector_load %arg13[%get3A_1747, %get3A_1748, %get3A_1749] {strides = array<i32>} : memref<32x2x128xf32, #tpu.memory_space<vmem>>, vector<16xf32>,
      %add3A_1751 = arith.addf %get3A_1733, %get3A_1740 : vector<16xf32>
      %abs3A_1752 = math.absf %get3A_1750 : vector<16xf32>
      %add3A_1753 = arith.constant 1.000000e+00 : f32
      %add3A_1754 = vector.broadcast %add3A_1753 : f32 to vector<16xf32>
      %add3A_1755 = arith.addf %abs3A_1752, %add3A_1754 : vector<16xf32>
      %div3A_1756 = arith.constant 1.000000e+00 : f32
      %div3A_1757 = vector.broadcast %div3A_1756 : f32 to vector<16xf32>
      %div3A_1758 = arith.divf %div3A_1757, %add3A_1755 : vector<16xf32>
      %sub3A_1759 = arith.subf %add3A_1751, %get3A_1745 : vector<16xf32>
      %abs3A_1760 = math.absf %sub3A_1759 : vector<16xf32>
      %mul3A_1761 = arith.mulf %abs3A_1760, %div3A_1758 : vector<16xf32>
      %mul3A_1762 = arith.mulf %add3A_1755, %abs3A_1760 : vector<16xf32>
      %mul3A_1763 = arith.constant 5.000000e-01 : f32
      %mul3A_1764 = vector.broadcast %mul3A_1763 : f32 to vector<16xf32>
      %mul3A_1765 = arith.mulf %mul3A_1764, %abs3A_1752 : vector<16xf32>
      %sub3A_1766 = arith.subf %add3A_1755, %div3A_1758 : vector<16xf32>
      %mul3A_1767 = arith.mulf %mul3A_1765, %sub3A_1766 : vector<16xf32>
      %sub3A_1768 = arith.subf %mul3A_1762, %mul3A_1767 : vector<16xf32>
      %max3A_1769 = arith.maximumf %mul3A_1761, %sub3A_1768 : vector<16xf32>
      %add3A_1770 = arith.addf %add3A_1726, %max3A_1769 : vector<16xf32>
      %broadcast_in_dim3A_1771 = vector.broadcast %scan3A_1068 : i32 to vector<16xi32>
      tpu.vector_store_idx %arg17[%iota3A, %broadcast_in_dim3A_1771], %add3A_1770 : memref<16x33xf32, #tpu.memory_space<vmem>>[vector<16xi32>, vector<16xi32>], vector<16xf32>,
    }
    %scan3A_242 = arith.constant 32 : i32
    %get3A = arith.constant 0 : i32
    %get3A_243 = arith.index_cast %get3A : i32 to index
    %get3A_244 = arith.constant 0 : index
    %get3A_245 = tpu.vector_load %arg17[%get3A_243, %get3A_244] {strides = array<i32>} : memref<16x33xf32, #tpu.memory_space<vmem>>, vector<16xf32>,
    %get3A_246 = arith.constant 1 : i32
    %get3A_247 = arith.index_cast %get3A_246 : i32 to index
    %get3A_248 = arith.constant 0 : index
    %get3A_249 = tpu.vector_load %arg17[%get3A_247, %get3A_248] {strides = array<i32>} : memref<16x33xf32, #tpu.memory_space<vmem>>, vector<16xf32>,
    %add3A_250 = arith.addf %get3A_245, %get3A_249 : vector<16xf32>
    %get3A_251 = arith.constant 2 : i32
    %get3A_252 = arith.index_cast %get3A_251 : i32 to index
    %get3A_253 = arith.constant 0 : index
    %get3A_254 = tpu.vector_load %arg17[%get3A_252, %get3A_253] {strides = array<i32>} : memref<16x33xf32, #tpu.memory_space<vmem>>, vector<16xf32>,
    %add3A_255 = arith.addf %add3A_250, %get3A_254 : vector<16xf32>
    %get3A_256 = arith.constant 3 : i32
    %get3A_257 = arith.index_cast %get3A_256 : i32 to index
    %get3A_258 = arith.constant 0 : index
    %get3A_259 = tpu.vector_load %arg17[%get3A_257, %get3A_258] {strides = array<i32>} : memref<16x33xf32, #tpu.memory_space<vmem>>, vector<16xf32>,
    %add3A_260 = arith.addf %add3A_255, %get3A_259 : vector<16xf32>
    %get3A_261 = arith.constant 4 : i32
    %get3A_262 = arith.index_cast %get3A_261 : i32 to index
    %get3A_263 = arith.constant 0 : index
    %get3A_264 = tpu.vector_load %arg17[%get3A_262, %get3A_263] {strides = array<i32>} : memref<16x33xf32, #tpu.memory_space<vmem>>, vector<16xf32>,
    %add3A_265 = arith.addf %add3A_260, %get3A_264 : vector<16xf32>
    %get3A_266 = arith.constant 5 : i32
    %get3A_267 = arith.index_cast %get3A_266 : i32 to index
    %get3A_268 = arith.constant 0 : index
    %get3A_269 = tpu.vector_load %arg17[%get3A_267, %get3A_268] {strides = array<i32>} : memref<16x33xf32, #tpu.memory_space<vmem>>, vector<16xf32>,
    %add3A_270 = arith.addf %add3A_265, %get3A_269 : vector<16xf32>
    %get3A_271 = arith.constant 6 : i32
    %get3A_272 = arith.index_cast %get3A_271 : i32 to index
    %get3A_273 = arith.constant 0 : index
    %get3A_274 = tpu.vector_load %arg17[%get3A_272, %get3A_273] {strides = array<i32>} : memref<16x33xf32, #tpu.memory_space<vmem>>, vector<16xf32>,
    %add3A_275 = arith.addf %add3A_270, %get3A_274 : vector<16xf32>
    %get3A_276 = arith.constant 7 : i32
    %get3A_277 = arith.index_cast %get3A_276 : i32 to index
    %get3A_278 = arith.constant 0 : index
    %get3A_279 = tpu.vector_load %arg17[%get3A_277, %get3A_278] {strides = array<i32>} : memref<16x33xf32, #tpu.memory_space<vmem>>, vector<16xf32>,
    %add3A_280 = arith.addf %add3A_275, %get3A_279 : vector<16xf32>
    %get3A_281 = arith.constant 8 : i32
    %get3A_282 = arith.index_cast %get3A_281 : i32 to index
    %get3A_283 = arith.constant 0 : index
    %get3A_284 = tpu.vector_load %arg17[%get3A_282, %get3A_283] {strides = array<i32>} : memref<16x33xf32, #tpu.memory_space<vmem>>, vector<16xf32>,
    %add3A_285 = arith.addf %add3A_280, %get3A_284 : vector<16xf32>
    %get3A_286 = arith.constant 9 : i32
    %get3A_287 = arith.index_cast %get3A_286 : i32 to index
    %get3A_288 = arith.constant 0 : index
    %get3A_289 = tpu.vector_load %arg17[%get3A_287, %get3A_288] {strides = array<i32>} : memref<16x33xf32, #tpu.memory_space<vmem>>, vector<16xf32>,
    %add3A_290 = arith.addf %add3A_285, %get3A_289 : vector<16xf32>
    %get3A_291 = arith.constant 10 : i32
    %get3A_292 = arith.index_cast %get3A_291 : i32 to index
    %get3A_293 = arith.constant 0 : index
    %get3A_294 = tpu.vector_load %arg17[%get3A_292, %get3A_293] {strides = array<i32>} : memref<16x33xf32, #tpu.memory_space<vmem>>, vector<16xf32>,
    %add3A_295 = arith.addf %add3A_290, %get3A_294 : vector<16xf32>
    %get3A_296 = arith.constant 11 : i32
    %get3A_297 = arith.index_cast %get3A_296 : i32 to index
    %get3A_298 = arith.constant 0 : index
    %get3A_299 = tpu.vector_load %arg17[%get3A_297, %get3A_298] {strides = array<i32>} : memref<16x33xf32, #tpu.memory_space<vmem>>, vector<16xf32>,
    %add3A_300 = arith.addf %add3A_295, %get3A_299 : vector<16xf32>
    %get3A_301 = arith.constant 12 : i32
    %get3A_302 = arith.index_cast %get3A_301 : i32 to index
    %get3A_303 = arith.constant 0 : index
    %get3A_304 = tpu.vector_load %arg17[%get3A_302, %get3A_303] {strides = array<i32>} : memref<16x33xf32, #tpu.memory_space<vmem>>, vector<16xf32>,
    %add3A_305 = arith.addf %add3A_300, %get3A_304 : vector<16xf32>
    %get3A_306 = arith.constant 13 : i32
    %get3A_307 = arith.index_cast %get3A_306 : i32 to index
    %get3A_308 = arith.constant 0 : index
    %get3A_309 = tpu.vector_load %arg17[%get3A_307, %get3A_308] {strides = array<i32>} : memref<16x33xf32, #tpu.memory_space<vmem>>, vector<16xf32>,
    %add3A_310 = arith.addf %add3A_305, %get3A_309 : vector<16xf32>
    %get3A_311 = arith.constant 14 : i32
    %get3A_312 = arith.index_cast %get3A_311 : i32 to index
    %get3A_313 = arith.constant 0 : index
    %get3A_314 = tpu.vector_load %arg17[%get3A_312, %get3A_313] {strides = array<i32>} : memref<16x33xf32, #tpu.memory_space<vmem>>, vector<16xf32>,
    %add3A_315 = arith.addf %add3A_310, %get3A_314 : vector<16xf32>
    %get3A_316 = arith.constant 15 : i32
    %get3A_317 = arith.index_cast %get3A_316 : i32 to index
    %get3A_318 = arith.constant 0 : index
    %get3A_319 = tpu.vector_load %arg17[%get3A_317, %get3A_318] {strides = array<i32>} : memref<16x33xf32, #tpu.memory_space<vmem>>, vector<16xf32>,
    %add3A_320 = arith.addf %add3A_315, %get3A_319 : vector<16xf32>
    %swap3A_321 = arith.constant 0 : index
    %swap3A_322 = tpu.vector_load %arg18[%swap3A_321] {strides = array<i32>} : memref<128xf32, #tpu.memory_space<vmem>>, vector<16xf32>,
    tpu.vector_store %arg18[%swap3A_321], %add3A_320 {strides = array<i32>} : memref<128xf32, #tpu.memory_space<vmem>>, vector<16xf32>,
    %get3A_323 = arith.constant 0 : i32
    %get3A_324 = arith.index_cast %get3A_323 : i32 to index
    %get3A_325 = arith.constant 16 : index
    %get3A_326 = tpu.vector_load %arg17[%get3A_324, %get3A_325] {strides = array<i32>} : memref<16x33xf32, #tpu.memory_space<vmem>>, vector<16xf32>,
    %get3A_327 = arith.constant 1 : i32
    %get3A_328 = arith.index_cast %get3A_327 : i32 to index
    %get3A_329 = arith.constant 16 : index
    %get3A_330 = tpu.vector_load %arg17[%get3A_328, %get3A_329] {strides = array<i32>} : memref<16x33xf32, #tpu.memory_space<vmem>>, vector<16xf32>,
    %add3A_331 = arith.addf %get3A_326, %get3A_330 : vector<16xf32>
    %get3A_332 = arith.constant 2 : i32
    %get3A_333 = arith.index_cast %get3A_332 : i32 to index
    %get3A_334 = arith.constant 16 : index
    %get3A_335 = tpu.vector_load %arg17[%get3A_333, %get3A_334] {strides = array<i32>} : memref<16x33xf32, #tpu.memory_space<vmem>>, vector<16xf32>,
    %add3A_336 = arith.addf %add3A_331, %get3A_335 : vector<16xf32>
    %get3A_337 = arith.constant 3 : i32
    %get3A_338 = arith.index_cast %get3A_337 : i32 to index
    %get3A_339 = arith.constant 16 : index
    %get3A_340 = tpu.vector_load %arg17[%get3A_338, %get3A_339] {strides = array<i32>} : memref<16x33xf32, #tpu.memory_space<vmem>>, vector<16xf32>,
    %add3A_341 = arith.addf %add3A_336, %get3A_340 : vector<16xf32>
    %get3A_342 = arith.constant 4 : i32
    %get3A_343 = arith.index_cast %get3A_342 : i32 to index
    %get3A_344 = arith.constant 16 : index
    %get3A_345 = tpu.vector_load %arg17[%get3A_343, %get3A_344] {strides = array<i32>} : memref<16x33xf32, #tpu.memory_space<vmem>>, vector<16xf32>,
    %add3A_346 = arith.addf %add3A_341, %get3A_345 : vector<16xf32>
    %get3A_347 = arith.constant 5 : i32
    %get3A_348 = arith.index_cast %get3A_347 : i32 to index
    %get3A_349 = arith.constant 16 : index
    %get3A_350 = tpu.vector_load %arg17[%get3A_348, %get3A_349] {strides = array<i32>} : memref<16x33xf32, #tpu.memory_space<vmem>>, vector<16xf32>,
    %add3A_351 = arith.addf %add3A_346, %get3A_350 : vector<16xf32>
    %get3A_352 = arith.constant 6 : i32
    %get3A_353 = arith.index_cast %get3A_352 : i32 to index
    %get3A_354 = arith.constant 16 : index
    %get3A_355 = tpu.vector_load %arg17[%get3A_353, %get3A_354] {strides = array<i32>} : memref<16x33xf32, #tpu.memory_space<vmem>>, vector<16xf32>,
    %add3A_356 = arith.addf %add3A_351, %get3A_355 : vector<16xf32>
    %get3A_357 = arith.constant 7 : i32
    %get3A_358 = arith.index_cast %get3A_357 : i32 to index
    %get3A_359 = arith.constant 16 : index
    %get3A_360 = tpu.vector_load %arg17[%get3A_358, %get3A_359] {strides = array<i32>} : memref<16x33xf32, #tpu.memory_space<vmem>>, vector<16xf32>,
    %add3A_361 = arith.addf %add3A_356, %get3A_360 : vector<16xf32>
    %get3A_362 = arith.constant 8 : i32
    %get3A_363 = arith.index_cast %get3A_362 : i32 to index
    %get3A_364 = arith.constant 16 : index
    %get3A_365 = tpu.vector_load %arg17[%get3A_363, %get3A_364] {strides = array<i32>} : memref<16x33xf32, #tpu.memory_space<vmem>>, vector<16xf32>,
    %add3A_366 = arith.addf %add3A_361, %get3A_365 : vector<16xf32>
    %get3A_367 = arith.constant 9 : i32
    %get3A_368 = arith.index_cast %get3A_367 : i32 to index
    %get3A_369 = arith.constant 16 : index
    %get3A_370 = tpu.vector_load %arg17[%get3A_368, %get3A_369] {strides = array<i32>} : memref<16x33xf32, #tpu.memory_space<vmem>>, vector<16xf32>,
    %add3A_371 = arith.addf %add3A_366, %get3A_370 : vector<16xf32>
    %get3A_372 = arith.constant 10 : i32
    %get3A_373 = arith.index_cast %get3A_372 : i32 to index
    %get3A_374 = arith.constant 16 : index
    %get3A_375 = tpu.vector_load %arg17[%get3A_373, %get3A_374] {strides = array<i32>} : memref<16x33xf32, #tpu.memory_space<vmem>>, vector<16xf32>,
    %add3A_376 = arith.addf %add3A_371, %get3A_375 : vector<16xf32>
    %get3A_377 = arith.constant 11 : i32
    %get3A_378 = arith.index_cast %get3A_377 : i32 to index
    %get3A_379 = arith.constant 16 : index
    %get3A_380 = tpu.vector_load %arg17[%get3A_378, %get3A_379] {strides = array<i32>} : memref<16x33xf32, #tpu.memory_space<vmem>>, vector<16xf32>,
    %add3A_381 = arith.addf %add3A_376, %get3A_380 : vector<16xf32>
    %get3A_382 = arith.constant 12 : i32
    %get3A_383 = arith.index_cast %get3A_382 : i32 to index
    %get3A_384 = arith.constant 16 : index
    %get3A_385 = tpu.vector_load %arg17[%get3A_383, %get3A_384] {strides = array<i32>} : memref<16x33xf32, #tpu.memory_space<vmem>>, vector<16xf32>,
    %add3A_386 = arith.addf %add3A_381, %get3A_385 : vector<16xf32>
    %get3A_387 = arith.constant 13 : i32
    %get3A_388 = arith.index_cast %get3A_387 : i32 to index
    %get3A_389 = arith.constant 16 : index
    %get3A_390 = tpu.vector_load %arg17[%get3A_388, %get3A_389] {strides = array<i32>} : memref<16x33xf32, #tpu.memory_space<vmem>>, vector<16xf32>,
    %add3A_391 = arith.addf %add3A_386, %get3A_390 : vector<16xf32>
    %get3A_392 = arith.constant 14 : i32
    %get3A_393 = arith.index_cast %get3A_392 : i32 to index
    %get3A_394 = arith.constant 16 : index
    %get3A_395 = tpu.vector_load %arg17[%get3A_393, %get3A_394] {strides = array<i32>} : memref<16x33xf32, #tpu.memory_space<vmem>>, vector<16xf32>,
    %add3A_396 = arith.addf %add3A_391, %get3A_395 : vector<16xf32>
    %get3A_397 = arith.constant 15 : i32
    %get3A_398 = arith.index_cast %get3A_397 : i32 to index
    %get3A_399 = arith.constant 16 : index
    %get3A_400 = tpu.vector_load %arg17[%get3A_398, %get3A_399] {strides = array<i32>} : memref<16x33xf32, #tpu.memory_space<vmem>>, vector<16xf32>,
    %add3A_401 = arith.addf %add3A_396, %get3A_400 : vector<16xf32>
    %swap3A_402 = arith.constant 16 : index
    %swap3A_403 = tpu.vector_load %arg18[%swap3A_402] {strides = array<i32>} : memref<128xf32, #tpu.memory_space<vmem>>, vector<16xf32>,
    tpu.vector_store %arg18[%swap3A_402], %add3A_401 {strides = array<i32>} : memref<128xf32, #tpu.memory_space<vmem>>, vector<16xf32>,
    %dma_wait3A_404 = arith.constant 0 : i32
    %dma_wait3A_405 = arith.constant 0 : i32
    %dma_wait3A_406 = arith.constant 0 : i32
    %dma_wait3A_407 = tpu.memref_slice %arg14[%dma_wait3A_404, %dma_wait3A_405, %dma_wait3A_406] : memref<2x64x128xf32, #tpu.memory_space<vmem>> -> memref<1x64x128xf32, #tpu.memory_space<vmem>>
    %dma_wait3A_408 = tpu.memref_squeeze %dma_wait3A_407 : memref<1x64x128xf32, #tpu.memory_space<vmem>> -> memref<64x128xf32, #tpu.memory_space<vmem>>
    %dma_wait3A_409 = arith.constant 64 : i32
    %dma_wait3A_410 = tpu.memref_slice %arg9[%dma_wait3A_409] : memref<256xi32, #tpu.memory_space<vmem>> -> memref<64xi32, #tpu.memory_space<vmem>>
    %dma_wait3A_411 = arith.constant 0 : i32
    %dma_wait3A_412 = arith.constant 0 : i32
    %dma_wait3A_413 = tpu.memref_slice %arg2[%dma_wait3A_411, %dma_wait3A_412] : memref<100001x128xf32, #tpu.memory_space<hbm>> -> memref<100001x128xf32, #tpu.memory_space<hbm>>
    tpu.wait_indirect_dma semaphore(%arg20 : memref<!tpu.dma_semaphore, #tpu.memory_space<semaphore_mem>>) src(%dma_wait3A_413 : memref<100001x128xf32, #tpu.memory_space<hbm>>) dst(%dma_wait3A_408 : memref<64x128xf32, #tpu.memory_space<vmem>>)
    %dma_wait3A_414 = arith.constant 1 : i32
    %dma_wait3A_415 = arith.constant 0 : i32
    %dma_wait3A_416 = arith.constant 0 : i32
    %dma_wait3A_417 = tpu.memref_slice %arg14[%dma_wait3A_414, %dma_wait3A_415, %dma_wait3A_416] : memref<2x64x128xf32, #tpu.memory_space<vmem>> -> memref<1x64x128xf32, #tpu.memory_space<vmem>>
    %dma_wait3A_418 = tpu.memref_squeeze %dma_wait3A_417 : memref<1x64x128xf32, #tpu.memory_space<vmem>> -> memref<64x128xf32, #tpu.memory_space<vmem>>
    %dma_wait3A_419 = arith.constant 64 : i32
    %dma_wait3A_420 = tpu.memref_slice %arg9[%dma_wait3A_419] : memref<256xi32, #tpu.memory_space<vmem>> -> memref<64xi32, #tpu.memory_space<vmem>>
    %dma_wait3A_421 = arith.constant 0 : i32
    %dma_wait3A_422 = arith.constant 0 : i32
    %dma_wait3A_423 = tpu.memref_slice %arg3[%dma_wait3A_421, %dma_wait3A_422] : memref<100001x128xf32, #tpu.memory_space<hbm>> -> memref<100001x128xf32, #tpu.memory_space<hbm>>
    tpu.wait_indirect_dma semaphore(%arg20 : memref<!tpu.dma_semaphore, #tpu.memory_space<semaphore_mem>>) src(%dma_wait3A_423 : memref<100001x128xf32, #tpu.memory_space<hbm>>) dst(%dma_wait3A_418 : memref<64x128xf32, #tpu.memory_space<vmem>>)
    %dma_wait3A_424 = arith.constant 32 : i32
    %dma_wait3A_425 = tpu.memref_slice %arg10[%dma_wait3A_424] : memref<128xi32, #tpu.memory_space<vmem>> -> memref<32xi32, #tpu.memory_space<vmem>>
    %dma_wait3A_426 = arith.constant 0 : i32
    %dma_wait3A_427 = arith.constant 0 : i32
    %dma_wait3A_428 = arith.constant 0 : i32
    %dma_wait3A_429 = tpu.memref_slice %arg4[%dma_wait3A_426, %dma_wait3A_427, %dma_wait3A_428] : memref<1000x2x128xf32, #tpu.memory_space<hbm>> -> memref<1000x2x128xf32, #tpu.memory_space<hbm>>
    tpu.wait_indirect_dma semaphore(%arg20 : memref<!tpu.dma_semaphore, #tpu.memory_space<semaphore_mem>>) src(%dma_wait3A_429 : memref<1000x2x128xf32, #tpu.memory_space<hbm>>) dst(%arg15 : memref<32x2x128xf32, #tpu.memory_space<vmem>>)
    %dma_wait3A_430 = arith.constant 32 : i32
    %dma_wait3A_431 = tpu.memref_slice %arg10[%dma_wait3A_430] : memref<128xi32, #tpu.memory_space<vmem>> -> memref<32xi32, #tpu.memory_space<vmem>>
    %dma_wait3A_432 = arith.constant 0 : i32
    %dma_wait3A_433 = arith.constant 0 : i32
    %dma_wait3A_434 = arith.constant 0 : i32
    %dma_wait3A_435 = tpu.memref_slice %arg5[%dma_wait3A_432, %dma_wait3A_433, %dma_wait3A_434] : memref<1000x2x128xf32, #tpu.memory_space<hbm>> -> memref<1000x2x128xf32, #tpu.memory_space<hbm>>
    tpu.wait_indirect_dma semaphore(%arg20 : memref<!tpu.dma_semaphore, #tpu.memory_space<semaphore_mem>>) src(%dma_wait3A_435 : memref<1000x2x128xf32, #tpu.memory_space<hbm>>) dst(%arg16 : memref<32x2x128xf32, #tpu.memory_space<vmem>>)
    %dma_start3A_436 = arith.constant 0 : i32
    %dma_start3A_437 = arith.constant 0 : i32
    %dma_start3A_438 = arith.constant 0 : i32
    %dma_start3A_439 = tpu.memref_slice %arg11[%dma_start3A_436, %dma_start3A_437, %dma_start3A_438] : memref<2x64x128xf32, #tpu.memory_space<vmem>> -> memref<1x64x128xf32, #tpu.memory_space<vmem>>
    %dma_start3A_440 = tpu.memref_squeeze %dma_start3A_439 : memref<1x64x128xf32, #tpu.memory_space<vmem>> -> memref<64x128xf32, #tpu.memory_space<vmem>>
    %dma_start3A_441 = arith.constant 128 : i32
    %dma_start3A_442 = tpu.memref_slice %arg9[%dma_start3A_441] : memref<256xi32, #tpu.memory_space<vmem>> -> memref<64xi32, #tpu.memory_space<vmem>>
    %dma_start3A_443 = arith.constant 0 : i32
    %dma_start3A_444 = arith.constant 0 : i32
    %dma_start3A_445 = tpu.memref_slice %arg2[%dma_start3A_443, %dma_start3A_444] : memref<100001x128xf32, #tpu.memory_space<hbm>> -> memref<100001x128xf32, #tpu.memory_space<hbm>>
    tpu.enqueue_indirect_dma source(%dma_start3A_445 : memref<100001x128xf32, #tpu.memory_space<hbm>>) target(%dma_start3A_440 : memref<64x128xf32, #tpu.memory_space<vmem>>) offsets(%dma_start3A_442 : memref<64xi32, #tpu.memory_space<vmem>>) semaphore(%arg19 : memref<!tpu.dma_semaphore, #tpu.memory_space<semaphore_mem>>)
    %dma_start3A_446 = arith.constant 1 : i32
    %dma_start3A_447 = arith.constant 0 : i32
    %dma_start3A_448 = arith.constant 0 : i32
    %dma_start3A_449 = tpu.memref_slice %arg11[%dma_start3A_446, %dma_start3A_447, %dma_start3A_448] : memref<2x64x128xf32, #tpu.memory_space<vmem>> -> memref<1x64x128xf32, #tpu.memory_space<vmem>>
    %dma_start3A_450 = tpu.memref_squeeze %dma_start3A_449 : memref<1x64x128xf32, #tpu.memory_space<vmem>> -> memref<64x128xf32, #tpu.memory_space<vmem>>
    %dma_start3A_451 = arith.constant 128 : i32
    %dma_start3A_452 = tpu.memref_slice %arg9[%dma_start3A_451] : memref<256xi32, #tpu.memory_space<vmem>> -> memref<64xi32, #tpu.memory_space<vmem>>
    %dma_start3A_453 = arith.constant 0 : i32
    %dma_start3A_454 = arith.constant 0 : i32
    %dma_start3A_455 = tpu.memref_slice %arg3[%dma_start3A_453, %dma_start3A_454] : memref<100001x128xf32, #tpu.memory_space<hbm>> -> memref<100001x128xf32, #tpu.memory_space<hbm>>
    tpu.enqueue_indirect_dma source(%dma_start3A_455 : memref<100001x128xf32, #tpu.memory_space<hbm>>) target(%dma_start3A_450 : memref<64x128xf32, #tpu.memory_space<vmem>>) offsets(%dma_start3A_452 : memref<64xi32, #tpu.memory_space<vmem>>) semaphore(%arg19 : memref<!tpu.dma_semaphore, #tpu.memory_space<semaphore_mem>>)
    %dma_start3A_456 = arith.constant 64 : i32
    %dma_start3A_457 = tpu.memref_slice %arg10[%dma_start3A_456] : memref<128xi32, #tpu.memory_space<vmem>> -> memref<32xi32, #tpu.memory_space<vmem>>
    %dma_start3A_458 = arith.constant 0 : i32
    %dma_start3A_459 = arith.constant 0 : i32
    %dma_start3A_460 = arith.constant 0 : i32
    %dma_start3A_461 = tpu.memref_slice %arg4[%dma_start3A_458, %dma_start3A_459, %dma_start3A_460] : memref<1000x2x128xf32, #tpu.memory_space<hbm>> -> memref<1000x2x128xf32, #tpu.memory_space<hbm>>
    tpu.enqueue_indirect_dma source(%dma_start3A_461 : memref<1000x2x128xf32, #tpu.memory_space<hbm>>) target(%arg12 : memref<32x2x128xf32, #tpu.memory_space<vmem>>) offsets(%dma_start3A_457 : memref<32xi32, #tpu.memory_space<vmem>>) semaphore(%arg19 : memref<!tpu.dma_semaphore, #tpu.memory_space<semaphore_mem>>)
    %dma_start3A_462 = arith.constant 64 : i32
    %dma_start3A_463 = tpu.memref_slice %arg10[%dma_start3A_462] : memref<128xi32, #tpu.memory_space<vmem>> -> memref<32xi32, #tpu.memory_space<vmem>>
    %dma_start3A_464 = arith.constant 0 : i32
    %dma_start3A_465 = arith.constant 0 : i32
    %dma_start3A_466 = arith.constant 0 : i32
    %dma_start3A_467 = tpu.memref_slice %arg5[%dma_start3A_464, %dma_start3A_465, %dma_start3A_466] : memref<1000x2x128xf32, #tpu.memory_space<hbm>> -> memref<1000x2x128xf32, #tpu.memory_space<hbm>>
    tpu.enqueue_indirect_dma source(%dma_start3A_467 : memref<1000x2x128xf32, #tpu.memory_space<hbm>>) target(%arg13 : memref<32x2x128xf32, #tpu.memory_space<vmem>>) offsets(%dma_start3A_463 : memref<32xi32, #tpu.memory_space<vmem>>) semaphore(%arg19 : memref<!tpu.dma_semaphore, #tpu.memory_space<semaphore_mem>>)
    %scan3A_468 = arith.constant 0 : i32
    %scan3A_469 = arith.constant 0 : i32
    %scan3A_470 = arith.constant 32 : i32
    %scan3A_471 = arith.addi %scan3A_469, %scan3A_470 : i32
    %scan3A_472 = arith.constant 1 : i32
    scf.for %scan3A_1068 = %scan3A_469 to %scan3A_471 step %scan3A_472  : i32 {
      %broadcast_in_dim3A_1069 = arith.constant 0.000000e+00 : f32
      %broadcast_in_dim3A_1070 = vector.broadcast %broadcast_in_dim3A_1069 : f32 to vector<16xf32>
      %add3A_1071 = arith.constant 0 : i32
      %add3A_1072 = arith.addi %scan3A_1068, %add3A_1071 : i32
      %get3A_1073 = arith.constant 0 : i32
      %get3A_1074 = arith.index_cast %get3A_1073 : i32 to index
      %get3A_1075 = arith.index_cast %add3A_1072 : i32 to index
      %get3A_1076 = arith.constant 0 : index
      %get3A_1077 = tpu.vector_load %arg14[%get3A_1074, %get3A_1075, %get3A_1076] {strides = array<i32>} : memref<2x64x128xf32, #tpu.memory_space<vmem>>, vector<16xf32>,
      %add3A_1078 = arith.constant 32 : i32
      %add3A_1079 = arith.addi %scan3A_1068, %add3A_1078 : i32
      %get3A_1080 = arith.constant 1 : i32
      %get3A_1081 = arith.index_cast %get3A_1080 : i32 to index
      %get3A_1082 = arith.index_cast %add3A_1079 : i32 to index
      %get3A_1083 = arith.constant 0 : index
      %get3A_1084 = tpu.vector_load %arg14[%get3A_1081, %get3A_1082, %get3A_1083] {strides = array<i32>} : memref<2x64x128xf32, #tpu.memory_space<vmem>>, vector<16xf32>,
      %get3A_1085 = arith.constant 0 : i32
      %get3A_1086 = arith.index_cast %scan3A_1068 : i32 to index
      %get3A_1087 = arith.index_cast %get3A_1085 : i32 to index
      %get3A_1088 = arith.constant 0 : index
      %get3A_1089 = tpu.vector_load %arg15[%get3A_1086, %get3A_1087, %get3A_1088] {strides = array<i32>} : memref<32x2x128xf32, #tpu.memory_space<vmem>>, vector<16xf32>,
      %get3A_1090 = arith.constant 0 : i32
      %get3A_1091 = arith.index_cast %scan3A_1068 : i32 to index
      %get3A_1092 = arith.index_cast %get3A_1090 : i32 to index
      %get3A_1093 = arith.constant 0 : index
      %get3A_1094 = tpu.vector_load %arg16[%get3A_1091, %get3A_1092, %get3A_1093] {strides = array<i32>} : memref<32x2x128xf32, #tpu.memory_space<vmem>>, vector<16xf32>,
      %add3A_1095 = arith.addf %get3A_1077, %get3A_1084 : vector<16xf32>
      %abs3A = math.absf %get3A_1094 : vector<16xf32>
      %add3A_1096 = arith.constant 1.000000e+00 : f32
      %add3A_1097 = vector.broadcast %add3A_1096 : f32 to vector<16xf32>
      %add3A_1098 = arith.addf %abs3A, %add3A_1097 : vector<16xf32>
      %div3A = arith.constant 1.000000e+00 : f32
      %div3A_1099 = vector.broadcast %div3A : f32 to vector<16xf32>
      %div3A_1100 = arith.divf %div3A_1099, %add3A_1098 : vector<16xf32>
      %sub3A = arith.subf %add3A_1095, %get3A_1089 : vector<16xf32>
      %abs3A_1101 = math.absf %sub3A : vector<16xf32>
      %mul3A_1102 = arith.mulf %abs3A_1101, %div3A_1100 : vector<16xf32>
      %mul3A_1103 = arith.mulf %add3A_1098, %abs3A_1101 : vector<16xf32>
      %mul3A_1104 = arith.constant 5.000000e-01 : f32
      %mul3A_1105 = vector.broadcast %mul3A_1104 : f32 to vector<16xf32>
      %mul3A_1106 = arith.mulf %mul3A_1105, %abs3A : vector<16xf32>
      %sub3A_1107 = arith.subf %add3A_1098, %div3A_1100 : vector<16xf32>
      %mul3A_1108 = arith.mulf %mul3A_1106, %sub3A_1107 : vector<16xf32>
      %sub3A_1109 = arith.subf %mul3A_1103, %mul3A_1108 : vector<16xf32>
      %max3A = arith.maximumf %mul3A_1102, %sub3A_1109 : vector<16xf32>
      %add3A_1110 = arith.addf %broadcast_in_dim3A_1070, %max3A : vector<16xf32>
      %add3A_1111 = arith.constant 0 : i32
      %add3A_1112 = arith.addi %scan3A_1068, %add3A_1111 : i32
      %get3A_1113 = arith.constant 0 : i32
      %get3A_1114 = arith.index_cast %get3A_1113 : i32 to index
      %get3A_1115 = arith.index_cast %add3A_1112 : i32 to index
      %get3A_1116 = arith.constant 16 : index
      %get3A_1117 = tpu.vector_load %arg14[%get3A_1114, %get3A_1115, %get3A_1116] {strides = array<i32>} : memref<2x64x128xf32, #tpu.memory_space<vmem>>, vector<16xf32>,
      %add3A_1118 = arith.constant 32 : i32
      %add3A_1119 = arith.addi %scan3A_1068, %add3A_1118 : i32
      %get3A_1120 = arith.constant 1 : i32
      %get3A_1121 = arith.index_cast %get3A_1120 : i32 to index
      %get3A_1122 = arith.index_cast %add3A_1119 : i32 to index
      %get3A_1123 = arith.constant 16 : index
      %get3A_1124 = tpu.vector_load %arg14[%get3A_1121, %get3A_1122, %get3A_1123] {strides = array<i32>} : memref<2x64x128xf32, #tpu.memory_space<vmem>>, vector<16xf32>,
      %get3A_1125 = arith.constant 0 : i32
      %get3A_1126 = arith.index_cast %scan3A_1068 : i32 to index
      %get3A_1127 = arith.index_cast %get3A_1125 : i32 to index
      %get3A_1128 = arith.constant 16 : index
      %get3A_1129 = tpu.vector_load %arg15[%get3A_1126, %get3A_1127, %get3A_1128] {strides = array<i32>} : memref<32x2x128xf32, #tpu.memory_space<vmem>>, vector<16xf32>,
      %get3A_1130 = arith.constant 0 : i32
      %get3A_1131 = arith.index_cast %scan3A_1068 : i32 to index
      %get3A_1132 = arith.index_cast %get3A_1130 : i32 to index
      %get3A_1133 = arith.constant 16 : index
      %get3A_1134 = tpu.vector_load %arg16[%get3A_1131, %get3A_1132, %get3A_1133] {strides = array<i32>} : memref<32x2x128xf32, #tpu.memory_space<vmem>>, vector<16xf32>,
      %add3A_1135 = arith.addf %get3A_1117, %get3A_1124 : vector<16xf32>
      %abs3A_1136 = math.absf %get3A_1134 : vector<16xf32>
      %add3A_1137 = arith.constant 1.000000e+00 : f32
      %add3A_1138 = vector.broadcast %add3A_1137 : f32 to vector<16xf32>
      %add3A_1139 = arith.addf %abs3A_1136, %add3A_1138 : vector<16xf32>
      %div3A_1140 = arith.constant 1.000000e+00 : f32
      %div3A_1141 = vector.broadcast %div3A_1140 : f32 to vector<16xf32>
      %div3A_1142 = arith.divf %div3A_1141, %add3A_1139 : vector<16xf32>
      %sub3A_1143 = arith.subf %add3A_1135, %get3A_1129 : vector<16xf32>
      %abs3A_1144 = math.absf %sub3A_1143 : vector<16xf32>
      %mul3A_1145 = arith.mulf %abs3A_1144, %div3A_1142 : vector<16xf32>
      %mul3A_1146 = arith.mulf %add3A_1139, %abs3A_1144 : vector<16xf32>
      %mul3A_1147 = arith.constant 5.000000e-01 : f32
      %mul3A_1148 = vector.broadcast %mul3A_1147 : f32 to vector<16xf32>
      %mul3A_1149 = arith.mulf %mul3A_1148, %abs3A_1136 : vector<16xf32>
      %sub3A_1150 = arith.subf %add3A_1139, %div3A_1142 : vector<16xf32>
      %mul3A_1151 = arith.mulf %mul3A_1149, %sub3A_1150 : vector<16xf32>
      %sub3A_1152 = arith.subf %mul3A_1146, %mul3A_1151 : vector<16xf32>
      %max3A_1153 = arith.maximumf %mul3A_1145, %sub3A_1152 : vector<16xf32>
      %add3A_1154 = arith.addf %add3A_1110, %max3A_1153 : vector<16xf32>
      %add3A_1155 = arith.constant 0 : i32
      %add3A_1156 = arith.addi %scan3A_1068, %add3A_1155 : i32
      %get3A_1157 = arith.constant 0 : i32
      %get3A_1158 = arith.index_cast %get3A_1157 : i32 to index
      %get3A_1159 = arith.index_cast %add3A_1156 : i32 to index
      %get3A_1160 = arith.constant 32 : index
      %get3A_1161 = tpu.vector_load %arg14[%get3A_1158, %get3A_1159, %get3A_1160] {strides = array<i32>} : memref<2x64x128xf32, #tpu.memory_space<vmem>>, vector<16xf32>,
      %add3A_1162 = arith.constant 32 : i32
      %add3A_1163 = arith.addi %scan3A_1068, %add3A_1162 : i32
      %get3A_1164 = arith.constant 1 : i32
      %get3A_1165 = arith.index_cast %get3A_1164 : i32 to index
      %get3A_1166 = arith.index_cast %add3A_1163 : i32 to index
      %get3A_1167 = arith.constant 32 : index
      %get3A_1168 = tpu.vector_load %arg14[%get3A_1165, %get3A_1166, %get3A_1167] {strides = array<i32>} : memref<2x64x128xf32, #tpu.memory_space<vmem>>, vector<16xf32>,
      %get3A_1169 = arith.constant 0 : i32
      %get3A_1170 = arith.index_cast %scan3A_1068 : i32 to index
      %get3A_1171 = arith.index_cast %get3A_1169 : i32 to index
      %get3A_1172 = arith.constant 32 : index
      %get3A_1173 = tpu.vector_load %arg15[%get3A_1170, %get3A_1171, %get3A_1172] {strides = array<i32>} : memref<32x2x128xf32, #tpu.memory_space<vmem>>, vector<16xf32>,
      %get3A_1174 = arith.constant 0 : i32
      %get3A_1175 = arith.index_cast %scan3A_1068 : i32 to index
      %get3A_1176 = arith.index_cast %get3A_1174 : i32 to index
      %get3A_1177 = arith.constant 32 : index
      %get3A_1178 = tpu.vector_load %arg16[%get3A_1175, %get3A_1176, %get3A_1177] {strides = array<i32>} : memref<32x2x128xf32, #tpu.memory_space<vmem>>, vector<16xf32>,
      %add3A_1179 = arith.addf %get3A_1161, %get3A_1168 : vector<16xf32>
      %abs3A_1180 = math.absf %get3A_1178 : vector<16xf32>
      %add3A_1181 = arith.constant 1.000000e+00 : f32
      %add3A_1182 = vector.broadcast %add3A_1181 : f32 to vector<16xf32>
      %add3A_1183 = arith.addf %abs3A_1180, %add3A_1182 : vector<16xf32>
      %div3A_1184 = arith.constant 1.000000e+00 : f32
      %div3A_1185 = vector.broadcast %div3A_1184 : f32 to vector<16xf32>
      %div3A_1186 = arith.divf %div3A_1185, %add3A_1183 : vector<16xf32>
      %sub3A_1187 = arith.subf %add3A_1179, %get3A_1173 : vector<16xf32>
      %abs3A_1188 = math.absf %sub3A_1187 : vector<16xf32>
      %mul3A_1189 = arith.mulf %abs3A_1188, %div3A_1186 : vector<16xf32>
      %mul3A_1190 = arith.mulf %add3A_1183, %abs3A_1188 : vector<16xf32>
      %mul3A_1191 = arith.constant 5.000000e-01 : f32
      %mul3A_1192 = vector.broadcast %mul3A_1191 : f32 to vector<16xf32>
      %mul3A_1193 = arith.mulf %mul3A_1192, %abs3A_1180 : vector<16xf32>
      %sub3A_1194 = arith.subf %add3A_1183, %div3A_1186 : vector<16xf32>
      %mul3A_1195 = arith.mulf %mul3A_1193, %sub3A_1194 : vector<16xf32>
      %sub3A_1196 = arith.subf %mul3A_1190, %mul3A_1195 : vector<16xf32>
      %max3A_1197 = arith.maximumf %mul3A_1189, %sub3A_1196 : vector<16xf32>
      %add3A_1198 = arith.addf %add3A_1154, %max3A_1197 : vector<16xf32>
      %add3A_1199 = arith.constant 0 : i32
      %add3A_1200 = arith.addi %scan3A_1068, %add3A_1199 : i32
      %get3A_1201 = arith.constant 0 : i32
      %get3A_1202 = arith.index_cast %get3A_1201 : i32 to index
      %get3A_1203 = arith.index_cast %add3A_1200 : i32 to index
      %get3A_1204 = arith.constant 48 : index
      %get3A_1205 = tpu.vector_load %arg14[%get3A_1202, %get3A_1203, %get3A_1204] {strides = array<i32>} : memref<2x64x128xf32, #tpu.memory_space<vmem>>, vector<16xf32>,
      %add3A_1206 = arith.constant 32 : i32
      %add3A_1207 = arith.addi %scan3A_1068, %add3A_1206 : i32
      %get3A_1208 = arith.constant 1 : i32
      %get3A_1209 = arith.index_cast %get3A_1208 : i32 to index
      %get3A_1210 = arith.index_cast %add3A_1207 : i32 to index
      %get3A_1211 = arith.constant 48 : index
      %get3A_1212 = tpu.vector_load %arg14[%get3A_1209, %get3A_1210, %get3A_1211] {strides = array<i32>} : memref<2x64x128xf32, #tpu.memory_space<vmem>>, vector<16xf32>,
      %get3A_1213 = arith.constant 0 : i32
      %get3A_1214 = arith.index_cast %scan3A_1068 : i32 to index
      %get3A_1215 = arith.index_cast %get3A_1213 : i32 to index
      %get3A_1216 = arith.constant 48 : index
      %get3A_1217 = tpu.vector_load %arg15[%get3A_1214, %get3A_1215, %get3A_1216] {strides = array<i32>} : memref<32x2x128xf32, #tpu.memory_space<vmem>>, vector<16xf32>,
      %get3A_1218 = arith.constant 0 : i32
      %get3A_1219 = arith.index_cast %scan3A_1068 : i32 to index
      %get3A_1220 = arith.index_cast %get3A_1218 : i32 to index
      %get3A_1221 = arith.constant 48 : index
      %get3A_1222 = tpu.vector_load %arg16[%get3A_1219, %get3A_1220, %get3A_1221] {strides = array<i32>} : memref<32x2x128xf32, #tpu.memory_space<vmem>>, vector<16xf32>,
      %add3A_1223 = arith.addf %get3A_1205, %get3A_1212 : vector<16xf32>
      %abs3A_1224 = math.absf %get3A_1222 : vector<16xf32>
      %add3A_1225 = arith.constant 1.000000e+00 : f32
      %add3A_1226 = vector.broadcast %add3A_1225 : f32 to vector<16xf32>
      %add3A_1227 = arith.addf %abs3A_1224, %add3A_1226 : vector<16xf32>
      %div3A_1228 = arith.constant 1.000000e+00 : f32
      %div3A_1229 = vector.broadcast %div3A_1228 : f32 to vector<16xf32>
      %div3A_1230 = arith.divf %div3A_1229, %add3A_1227 : vector<16xf32>
      %sub3A_1231 = arith.subf %add3A_1223, %get3A_1217 : vector<16xf32>
      %abs3A_1232 = math.absf %sub3A_1231 : vector<16xf32>
      %mul3A_1233 = arith.mulf %abs3A_1232, %div3A_1230 : vector<16xf32>
      %mul3A_1234 = arith.mulf %add3A_1227, %abs3A_1232 : vector<16xf32>
      %mul3A_1235 = arith.constant 5.000000e-01 : f32
      %mul3A_1236 = vector.broadcast %mul3A_1235 : f32 to vector<16xf32>
      %mul3A_1237 = arith.mulf %mul3A_1236, %abs3A_1224 : vector<16xf32>
      %sub3A_1238 = arith.subf %add3A_1227, %div3A_1230 : vector<16xf32>
      %mul3A_1239 = arith.mulf %mul3A_1237, %sub3A_1238 : vector<16xf32>
      %sub3A_1240 = arith.subf %mul3A_1234, %mul3A_1239 : vector<16xf32>
      %max3A_1241 = arith.maximumf %mul3A_1233, %sub3A_1240 : vector<16xf32>
      %add3A_1242 = arith.addf %add3A_1198, %max3A_1241 : vector<16xf32>
      %add3A_1243 = arith.constant 0 : i32
      %add3A_1244 = arith.addi %scan3A_1068, %add3A_1243 : i32
      %get3A_1245 = arith.constant 0 : i32
      %get3A_1246 = arith.index_cast %get3A_1245 : i32 to index
      %get3A_1247 = arith.index_cast %add3A_1244 : i32 to index
      %get3A_1248 = arith.constant 64 : index
      %get3A_1249 = tpu.vector_load %arg14[%get3A_1246, %get3A_1247, %get3A_1248] {strides = array<i32>} : memref<2x64x128xf32, #tpu.memory_space<vmem>>, vector<16xf32>,
      %add3A_1250 = arith.constant 32 : i32
      %add3A_1251 = arith.addi %scan3A_1068, %add3A_1250 : i32
      %get3A_1252 = arith.constant 1 : i32
      %get3A_1253 = arith.index_cast %get3A_1252 : i32 to index
      %get3A_1254 = arith.index_cast %add3A_1251 : i32 to index
      %get3A_1255 = arith.constant 64 : index
      %get3A_1256 = tpu.vector_load %arg14[%get3A_1253, %get3A_1254, %get3A_1255] {strides = array<i32>} : memref<2x64x128xf32, #tpu.memory_space<vmem>>, vector<16xf32>,
      %get3A_1257 = arith.constant 0 : i32
      %get3A_1258 = arith.index_cast %scan3A_1068 : i32 to index
      %get3A_1259 = arith.index_cast %get3A_1257 : i32 to index
      %get3A_1260 = arith.constant 64 : index
      %get3A_1261 = tpu.vector_load %arg15[%get3A_1258, %get3A_1259, %get3A_1260] {strides = array<i32>} : memref<32x2x128xf32, #tpu.memory_space<vmem>>, vector<16xf32>,
      %get3A_1262 = arith.constant 0 : i32
      %get3A_1263 = arith.index_cast %scan3A_1068 : i32 to index
      %get3A_1264 = arith.index_cast %get3A_1262 : i32 to index
      %get3A_1265 = arith.constant 64 : index
      %get3A_1266 = tpu.vector_load %arg16[%get3A_1263, %get3A_1264, %get3A_1265] {strides = array<i32>} : memref<32x2x128xf32, #tpu.memory_space<vmem>>, vector<16xf32>,
      %add3A_1267 = arith.addf %get3A_1249, %get3A_1256 : vector<16xf32>
      %abs3A_1268 = math.absf %get3A_1266 : vector<16xf32>
      %add3A_1269 = arith.constant 1.000000e+00 : f32
      %add3A_1270 = vector.broadcast %add3A_1269 : f32 to vector<16xf32>
      %add3A_1271 = arith.addf %abs3A_1268, %add3A_1270 : vector<16xf32>
      %div3A_1272 = arith.constant 1.000000e+00 : f32
      %div3A_1273 = vector.broadcast %div3A_1272 : f32 to vector<16xf32>
      %div3A_1274 = arith.divf %div3A_1273, %add3A_1271 : vector<16xf32>
      %sub3A_1275 = arith.subf %add3A_1267, %get3A_1261 : vector<16xf32>
      %abs3A_1276 = math.absf %sub3A_1275 : vector<16xf32>
      %mul3A_1277 = arith.mulf %abs3A_1276, %div3A_1274 : vector<16xf32>
      %mul3A_1278 = arith.mulf %add3A_1271, %abs3A_1276 : vector<16xf32>
      %mul3A_1279 = arith.constant 5.000000e-01 : f32
      %mul3A_1280 = vector.broadcast %mul3A_1279 : f32 to vector<16xf32>
      %mul3A_1281 = arith.mulf %mul3A_1280, %abs3A_1268 : vector<16xf32>
      %sub3A_1282 = arith.subf %add3A_1271, %div3A_1274 : vector<16xf32>
      %mul3A_1283 = arith.mulf %mul3A_1281, %sub3A_1282 : vector<16xf32>
      %sub3A_1284 = arith.subf %mul3A_1278, %mul3A_1283 : vector<16xf32>
      %max3A_1285 = arith.maximumf %mul3A_1277, %sub3A_1284 : vector<16xf32>
      %add3A_1286 = arith.addf %add3A_1242, %max3A_1285 : vector<16xf32>
      %add3A_1287 = arith.constant 0 : i32
      %add3A_1288 = arith.addi %scan3A_1068, %add3A_1287 : i32
      %get3A_1289 = arith.constant 0 : i32
      %get3A_1290 = arith.index_cast %get3A_1289 : i32 to index
      %get3A_1291 = arith.index_cast %add3A_1288 : i32 to index
      %get3A_1292 = arith.constant 80 : index
      %get3A_1293 = tpu.vector_load %arg14[%get3A_1290, %get3A_1291, %get3A_1292] {strides = array<i32>} : memref<2x64x128xf32, #tpu.memory_space<vmem>>, vector<16xf32>,
      %add3A_1294 = arith.constant 32 : i32
      %add3A_1295 = arith.addi %scan3A_1068, %add3A_1294 : i32
      %get3A_1296 = arith.constant 1 : i32
      %get3A_1297 = arith.index_cast %get3A_1296 : i32 to index
      %get3A_1298 = arith.index_cast %add3A_1295 : i32 to index
      %get3A_1299 = arith.constant 80 : index
      %get3A_1300 = tpu.vector_load %arg14[%get3A_1297, %get3A_1298, %get3A_1299] {strides = array<i32>} : memref<2x64x128xf32, #tpu.memory_space<vmem>>, vector<16xf32>,
      %get3A_1301 = arith.constant 0 : i32
      %get3A_1302 = arith.index_cast %scan3A_1068 : i32 to index
      %get3A_1303 = arith.index_cast %get3A_1301 : i32 to index
      %get3A_1304 = arith.constant 80 : index
      %get3A_1305 = tpu.vector_load %arg15[%get3A_1302, %get3A_1303, %get3A_1304] {strides = array<i32>} : memref<32x2x128xf32, #tpu.memory_space<vmem>>, vector<16xf32>,
      %get3A_1306 = arith.constant 0 : i32
      %get3A_1307 = arith.index_cast %scan3A_1068 : i32 to index
      %get3A_1308 = arith.index_cast %get3A_1306 : i32 to index
      %get3A_1309 = arith.constant 80 : index
      %get3A_1310 = tpu.vector_load %arg16[%get3A_1307, %get3A_1308, %get3A_1309] {strides = array<i32>} : memref<32x2x128xf32, #tpu.memory_space<vmem>>, vector<16xf32>,
      %add3A_1311 = arith.addf %get3A_1293, %get3A_1300 : vector<16xf32>
      %abs3A_1312 = math.absf %get3A_1310 : vector<16xf32>
      %add3A_1313 = arith.constant 1.000000e+00 : f32
      %add3A_1314 = vector.broadcast %add3A_1313 : f32 to vector<16xf32>
      %add3A_1315 = arith.addf %abs3A_1312, %add3A_1314 : vector<16xf32>
      %div3A_1316 = arith.constant 1.000000e+00 : f32
      %div3A_1317 = vector.broadcast %div3A_1316 : f32 to vector<16xf32>
      %div3A_1318 = arith.divf %div3A_1317, %add3A_1315 : vector<16xf32>
      %sub3A_1319 = arith.subf %add3A_1311, %get3A_1305 : vector<16xf32>
      %abs3A_1320 = math.absf %sub3A_1319 : vector<16xf32>
      %mul3A_1321 = arith.mulf %abs3A_1320, %div3A_1318 : vector<16xf32>
      %mul3A_1322 = arith.mulf %add3A_1315, %abs3A_1320 : vector<16xf32>
      %mul3A_1323 = arith.constant 5.000000e-01 : f32
      %mul3A_1324 = vector.broadcast %mul3A_1323 : f32 to vector<16xf32>
      %mul3A_1325 = arith.mulf %mul3A_1324, %abs3A_1312 : vector<16xf32>
      %sub3A_1326 = arith.subf %add3A_1315, %div3A_1318 : vector<16xf32>
      %mul3A_1327 = arith.mulf %mul3A_1325, %sub3A_1326 : vector<16xf32>
      %sub3A_1328 = arith.subf %mul3A_1322, %mul3A_1327 : vector<16xf32>
      %max3A_1329 = arith.maximumf %mul3A_1321, %sub3A_1328 : vector<16xf32>
      %add3A_1330 = arith.addf %add3A_1286, %max3A_1329 : vector<16xf32>
      %add3A_1331 = arith.constant 0 : i32
      %add3A_1332 = arith.addi %scan3A_1068, %add3A_1331 : i32
      %get3A_1333 = arith.constant 0 : i32
      %get3A_1334 = arith.index_cast %get3A_1333 : i32 to index
      %get3A_1335 = arith.index_cast %add3A_1332 : i32 to index
      %get3A_1336 = arith.constant 96 : index
      %get3A_1337 = tpu.vector_load %arg14[%get3A_1334, %get3A_1335, %get3A_1336] {strides = array<i32>} : memref<2x64x128xf32, #tpu.memory_space<vmem>>, vector<16xf32>,
      %add3A_1338 = arith.constant 32 : i32
      %add3A_1339 = arith.addi %scan3A_1068, %add3A_1338 : i32
      %get3A_1340 = arith.constant 1 : i32
      %get3A_1341 = arith.index_cast %get3A_1340 : i32 to index
      %get3A_1342 = arith.index_cast %add3A_1339 : i32 to index
      %get3A_1343 = arith.constant 96 : index
      %get3A_1344 = tpu.vector_load %arg14[%get3A_1341, %get3A_1342, %get3A_1343] {strides = array<i32>} : memref<2x64x128xf32, #tpu.memory_space<vmem>>, vector<16xf32>,
      %get3A_1345 = arith.constant 0 : i32
      %get3A_1346 = arith.index_cast %scan3A_1068 : i32 to index
      %get3A_1347 = arith.index_cast %get3A_1345 : i32 to index
      %get3A_1348 = arith.constant 96 : index
      %get3A_1349 = tpu.vector_load %arg15[%get3A_1346, %get3A_1347, %get3A_1348] {strides = array<i32>} : memref<32x2x128xf32, #tpu.memory_space<vmem>>, vector<16xf32>,
      %get3A_1350 = arith.constant 0 : i32
      %get3A_1351 = arith.index_cast %scan3A_1068 : i32 to index
      %get3A_1352 = arith.index_cast %get3A_1350 : i32 to index
      %get3A_1353 = arith.constant 96 : index
      %get3A_1354 = tpu.vector_load %arg16[%get3A_1351, %get3A_1352, %get3A_1353] {strides = array<i32>} : memref<32x2x128xf32, #tpu.memory_space<vmem>>, vector<16xf32>,
      %add3A_1355 = arith.addf %get3A_1337, %get3A_1344 : vector<16xf32>
      %abs3A_1356 = math.absf %get3A_1354 : vector<16xf32>
      %add3A_1357 = arith.constant 1.000000e+00 : f32
      %add3A_1358 = vector.broadcast %add3A_1357 : f32 to vector<16xf32>
      %add3A_1359 = arith.addf %abs3A_1356, %add3A_1358 : vector<16xf32>
      %div3A_1360 = arith.constant 1.000000e+00 : f32
      %div3A_1361 = vector.broadcast %div3A_1360 : f32 to vector<16xf32>
      %div3A_1362 = arith.divf %div3A_1361, %add3A_1359 : vector<16xf32>
      %sub3A_1363 = arith.subf %add3A_1355, %get3A_1349 : vector<16xf32>
      %abs3A_1364 = math.absf %sub3A_1363 : vector<16xf32>
      %mul3A_1365 = arith.mulf %abs3A_1364, %div3A_1362 : vector<16xf32>
      %mul3A_1366 = arith.mulf %add3A_1359, %abs3A_1364 : vector<16xf32>
      %mul3A_1367 = arith.constant 5.000000e-01 : f32
      %mul3A_1368 = vector.broadcast %mul3A_1367 : f32 to vector<16xf32>
      %mul3A_1369 = arith.mulf %mul3A_1368, %abs3A_1356 : vector<16xf32>
      %sub3A_1370 = arith.subf %add3A_1359, %div3A_1362 : vector<16xf32>
      %mul3A_1371 = arith.mulf %mul3A_1369, %sub3A_1370 : vector<16xf32>
      %sub3A_1372 = arith.subf %mul3A_1366, %mul3A_1371 : vector<16xf32>
      %max3A_1373 = arith.maximumf %mul3A_1365, %sub3A_1372 : vector<16xf32>
      %add3A_1374 = arith.addf %add3A_1330, %max3A_1373 : vector<16xf32>
      %add3A_1375 = arith.constant 0 : i32
      %add3A_1376 = arith.addi %scan3A_1068, %add3A_1375 : i32
      %get3A_1377 = arith.constant 0 : i32
      %get3A_1378 = arith.index_cast %get3A_1377 : i32 to index
      %get3A_1379 = arith.index_cast %add3A_1376 : i32 to index
      %get3A_1380 = arith.constant 112 : index
      %get3A_1381 = tpu.vector_load %arg14[%get3A_1378, %get3A_1379, %get3A_1380] {strides = array<i32>} : memref<2x64x128xf32, #tpu.memory_space<vmem>>, vector<16xf32>,
      %add3A_1382 = arith.constant 32 : i32
      %add3A_1383 = arith.addi %scan3A_1068, %add3A_1382 : i32
      %get3A_1384 = arith.constant 1 : i32
      %get3A_1385 = arith.index_cast %get3A_1384 : i32 to index
      %get3A_1386 = arith.index_cast %add3A_1383 : i32 to index
      %get3A_1387 = arith.constant 112 : index
      %get3A_1388 = tpu.vector_load %arg14[%get3A_1385, %get3A_1386, %get3A_1387] {strides = array<i32>} : memref<2x64x128xf32, #tpu.memory_space<vmem>>, vector<16xf32>,
      %get3A_1389 = arith.constant 0 : i32
      %get3A_1390 = arith.index_cast %scan3A_1068 : i32 to index
      %get3A_1391 = arith.index_cast %get3A_1389 : i32 to index
      %get3A_1392 = arith.constant 112 : index
      %get3A_1393 = tpu.vector_load %arg15[%get3A_1390, %get3A_1391, %get3A_1392] {strides = array<i32>} : memref<32x2x128xf32, #tpu.memory_space<vmem>>, vector<16xf32>,
      %get3A_1394 = arith.constant 0 : i32
      %get3A_1395 = arith.index_cast %scan3A_1068 : i32 to index
      %get3A_1396 = arith.index_cast %get3A_1394 : i32 to index
      %get3A_1397 = arith.constant 112 : index
      %get3A_1398 = tpu.vector_load %arg16[%get3A_1395, %get3A_1396, %get3A_1397] {strides = array<i32>} : memref<32x2x128xf32, #tpu.memory_space<vmem>>, vector<16xf32>,
      %add3A_1399 = arith.addf %get3A_1381, %get3A_1388 : vector<16xf32>
      %abs3A_1400 = math.absf %get3A_1398 : vector<16xf32>
      %add3A_1401 = arith.constant 1.000000e+00 : f32
      %add3A_1402 = vector.broadcast %add3A_1401 : f32 to vector<16xf32>
      %add3A_1403 = arith.addf %abs3A_1400, %add3A_1402 : vector<16xf32>
      %div3A_1404 = arith.constant 1.000000e+00 : f32
      %div3A_1405 = vector.broadcast %div3A_1404 : f32 to vector<16xf32>
      %div3A_1406 = arith.divf %div3A_1405, %add3A_1403 : vector<16xf32>
      %sub3A_1407 = arith.subf %add3A_1399, %get3A_1393 : vector<16xf32>
      %abs3A_1408 = math.absf %sub3A_1407 : vector<16xf32>
      %mul3A_1409 = arith.mulf %abs3A_1408, %div3A_1406 : vector<16xf32>
      %mul3A_1410 = arith.mulf %add3A_1403, %abs3A_1408 : vector<16xf32>
      %mul3A_1411 = arith.constant 5.000000e-01 : f32
      %mul3A_1412 = vector.broadcast %mul3A_1411 : f32 to vector<16xf32>
      %mul3A_1413 = arith.mulf %mul3A_1412, %abs3A_1400 : vector<16xf32>
      %sub3A_1414 = arith.subf %add3A_1403, %div3A_1406 : vector<16xf32>
      %mul3A_1415 = arith.mulf %mul3A_1413, %sub3A_1414 : vector<16xf32>
      %sub3A_1416 = arith.subf %mul3A_1410, %mul3A_1415 : vector<16xf32>
      %max3A_1417 = arith.maximumf %mul3A_1409, %sub3A_1416 : vector<16xf32>
      %add3A_1418 = arith.addf %add3A_1374, %max3A_1417 : vector<16xf32>
      %add3A_1419 = arith.constant 32 : i32
      %add3A_1420 = arith.addi %scan3A_1068, %add3A_1419 : i32
      %get3A_1421 = arith.constant 0 : i32
      %get3A_1422 = arith.index_cast %get3A_1421 : i32 to index
      %get3A_1423 = arith.index_cast %add3A_1420 : i32 to index
      %get3A_1424 = arith.constant 0 : index
      %get3A_1425 = tpu.vector_load %arg14[%get3A_1422, %get3A_1423, %get3A_1424] {strides = array<i32>} : memref<2x64x128xf32, #tpu.memory_space<vmem>>, vector<16xf32>,
      %add3A_1426 = arith.constant 0 : i32
      %add3A_1427 = arith.addi %scan3A_1068, %add3A_1426 : i32
      %get3A_1428 = arith.constant 1 : i32
      %get3A_1429 = arith.index_cast %get3A_1428 : i32 to index
      %get3A_1430 = arith.index_cast %add3A_1427 : i32 to index
      %get3A_1431 = arith.constant 0 : index
      %get3A_1432 = tpu.vector_load %arg14[%get3A_1429, %get3A_1430, %get3A_1431] {strides = array<i32>} : memref<2x64x128xf32, #tpu.memory_space<vmem>>, vector<16xf32>,
      %get3A_1433 = arith.constant 1 : i32
      %get3A_1434 = arith.index_cast %scan3A_1068 : i32 to index
      %get3A_1435 = arith.index_cast %get3A_1433 : i32 to index
      %get3A_1436 = arith.constant 0 : index
      %get3A_1437 = tpu.vector_load %arg15[%get3A_1434, %get3A_1435, %get3A_1436] {strides = array<i32>} : memref<32x2x128xf32, #tpu.memory_space<vmem>>, vector<16xf32>,
      %get3A_1438 = arith.constant 1 : i32
      %get3A_1439 = arith.index_cast %scan3A_1068 : i32 to index
      %get3A_1440 = arith.index_cast %get3A_1438 : i32 to index
      %get3A_1441 = arith.constant 0 : index
      %get3A_1442 = tpu.vector_load %arg16[%get3A_1439, %get3A_1440, %get3A_1441] {strides = array<i32>} : memref<32x2x128xf32, #tpu.memory_space<vmem>>, vector<16xf32>,
      %add3A_1443 = arith.addf %get3A_1425, %get3A_1432 : vector<16xf32>
      %abs3A_1444 = math.absf %get3A_1442 : vector<16xf32>
      %add3A_1445 = arith.constant 1.000000e+00 : f32
      %add3A_1446 = vector.broadcast %add3A_1445 : f32 to vector<16xf32>
      %add3A_1447 = arith.addf %abs3A_1444, %add3A_1446 : vector<16xf32>
      %div3A_1448 = arith.constant 1.000000e+00 : f32
      %div3A_1449 = vector.broadcast %div3A_1448 : f32 to vector<16xf32>
      %div3A_1450 = arith.divf %div3A_1449, %add3A_1447 : vector<16xf32>
      %sub3A_1451 = arith.subf %add3A_1443, %get3A_1437 : vector<16xf32>
      %abs3A_1452 = math.absf %sub3A_1451 : vector<16xf32>
      %mul3A_1453 = arith.mulf %abs3A_1452, %div3A_1450 : vector<16xf32>
      %mul3A_1454 = arith.mulf %add3A_1447, %abs3A_1452 : vector<16xf32>
      %mul3A_1455 = arith.constant 5.000000e-01 : f32
      %mul3A_1456 = vector.broadcast %mul3A_1455 : f32 to vector<16xf32>
      %mul3A_1457 = arith.mulf %mul3A_1456, %abs3A_1444 : vector<16xf32>
      %sub3A_1458 = arith.subf %add3A_1447, %div3A_1450 : vector<16xf32>
      %mul3A_1459 = arith.mulf %mul3A_1457, %sub3A_1458 : vector<16xf32>
      %sub3A_1460 = arith.subf %mul3A_1454, %mul3A_1459 : vector<16xf32>
      %max3A_1461 = arith.maximumf %mul3A_1453, %sub3A_1460 : vector<16xf32>
      %add3A_1462 = arith.addf %add3A_1418, %max3A_1461 : vector<16xf32>
      %add3A_1463 = arith.constant 32 : i32
      %add3A_1464 = arith.addi %scan3A_1068, %add3A_1463 : i32
      %get3A_1465 = arith.constant 0 : i32
      %get3A_1466 = arith.index_cast %get3A_1465 : i32 to index
      %get3A_1467 = arith.index_cast %add3A_1464 : i32 to index
      %get3A_1468 = arith.constant 16 : index
      %get3A_1469 = tpu.vector_load %arg14[%get3A_1466, %get3A_1467, %get3A_1468] {strides = array<i32>} : memref<2x64x128xf32, #tpu.memory_space<vmem>>, vector<16xf32>,
      %add3A_1470 = arith.constant 0 : i32
      %add3A_1471 = arith.addi %scan3A_1068, %add3A_1470 : i32
      %get3A_1472 = arith.constant 1 : i32
      %get3A_1473 = arith.index_cast %get3A_1472 : i32 to index
      %get3A_1474 = arith.index_cast %add3A_1471 : i32 to index
      %get3A_1475 = arith.constant 16 : index
      %get3A_1476 = tpu.vector_load %arg14[%get3A_1473, %get3A_1474, %get3A_1475] {strides = array<i32>} : memref<2x64x128xf32, #tpu.memory_space<vmem>>, vector<16xf32>,
      %get3A_1477 = arith.constant 1 : i32
      %get3A_1478 = arith.index_cast %scan3A_1068 : i32 to index
      %get3A_1479 = arith.index_cast %get3A_1477 : i32 to index
      %get3A_1480 = arith.constant 16 : index
      %get3A_1481 = tpu.vector_load %arg15[%get3A_1478, %get3A_1479, %get3A_1480] {strides = array<i32>} : memref<32x2x128xf32, #tpu.memory_space<vmem>>, vector<16xf32>,
      %get3A_1482 = arith.constant 1 : i32
      %get3A_1483 = arith.index_cast %scan3A_1068 : i32 to index
      %get3A_1484 = arith.index_cast %get3A_1482 : i32 to index
      %get3A_1485 = arith.constant 16 : index
      %get3A_1486 = tpu.vector_load %arg16[%get3A_1483, %get3A_1484, %get3A_1485] {strides = array<i32>} : memref<32x2x128xf32, #tpu.memory_space<vmem>>, vector<16xf32>,
      %add3A_1487 = arith.addf %get3A_1469, %get3A_1476 : vector<16xf32>
      %abs3A_1488 = math.absf %get3A_1486 : vector<16xf32>
      %add3A_1489 = arith.constant 1.000000e+00 : f32
      %add3A_1490 = vector.broadcast %add3A_1489 : f32 to vector<16xf32>
      %add3A_1491 = arith.addf %abs3A_1488, %add3A_1490 : vector<16xf32>
      %div3A_1492 = arith.constant 1.000000e+00 : f32
      %div3A_1493 = vector.broadcast %div3A_1492 : f32 to vector<16xf32>
      %div3A_1494 = arith.divf %div3A_1493, %add3A_1491 : vector<16xf32>
      %sub3A_1495 = arith.subf %add3A_1487, %get3A_1481 : vector<16xf32>
      %abs3A_1496 = math.absf %sub3A_1495 : vector<16xf32>
      %mul3A_1497 = arith.mulf %abs3A_1496, %div3A_1494 : vector<16xf32>
      %mul3A_1498 = arith.mulf %add3A_1491, %abs3A_1496 : vector<16xf32>
      %mul3A_1499 = arith.constant 5.000000e-01 : f32
      %mul3A_1500 = vector.broadcast %mul3A_1499 : f32 to vector<16xf32>
      %mul3A_1501 = arith.mulf %mul3A_1500, %abs3A_1488 : vector<16xf32>
      %sub3A_1502 = arith.subf %add3A_1491, %div3A_1494 : vector<16xf32>
      %mul3A_1503 = arith.mulf %mul3A_1501, %sub3A_1502 : vector<16xf32>
      %sub3A_1504 = arith.subf %mul3A_1498, %mul3A_1503 : vector<16xf32>
      %max3A_1505 = arith.maximumf %mul3A_1497, %sub3A_1504 : vector<16xf32>
      %add3A_1506 = arith.addf %add3A_1462, %max3A_1505 : vector<16xf32>
      %add3A_1507 = arith.constant 32 : i32
      %add3A_1508 = arith.addi %scan3A_1068, %add3A_1507 : i32
      %get3A_1509 = arith.constant 0 : i32
      %get3A_1510 = arith.index_cast %get3A_1509 : i32 to index
      %get3A_1511 = arith.index_cast %add3A_1508 : i32 to index
      %get3A_1512 = arith.constant 32 : index
      %get3A_1513 = tpu.vector_load %arg14[%get3A_1510, %get3A_1511, %get3A_1512] {strides = array<i32>} : memref<2x64x128xf32, #tpu.memory_space<vmem>>, vector<16xf32>,
      %add3A_1514 = arith.constant 0 : i32
      %add3A_1515 = arith.addi %scan3A_1068, %add3A_1514 : i32
      %get3A_1516 = arith.constant 1 : i32
      %get3A_1517 = arith.index_cast %get3A_1516 : i32 to index
      %get3A_1518 = arith.index_cast %add3A_1515 : i32 to index
      %get3A_1519 = arith.constant 32 : index
      %get3A_1520 = tpu.vector_load %arg14[%get3A_1517, %get3A_1518, %get3A_1519] {strides = array<i32>} : memref<2x64x128xf32, #tpu.memory_space<vmem>>, vector<16xf32>,
      %get3A_1521 = arith.constant 1 : i32
      %get3A_1522 = arith.index_cast %scan3A_1068 : i32 to index
      %get3A_1523 = arith.index_cast %get3A_1521 : i32 to index
      %get3A_1524 = arith.constant 32 : index
      %get3A_1525 = tpu.vector_load %arg15[%get3A_1522, %get3A_1523, %get3A_1524] {strides = array<i32>} : memref<32x2x128xf32, #tpu.memory_space<vmem>>, vector<16xf32>,
      %get3A_1526 = arith.constant 1 : i32
      %get3A_1527 = arith.index_cast %scan3A_1068 : i32 to index
      %get3A_1528 = arith.index_cast %get3A_1526 : i32 to index
      %get3A_1529 = arith.constant 32 : index
      %get3A_1530 = tpu.vector_load %arg16[%get3A_1527, %get3A_1528, %get3A_1529] {strides = array<i32>} : memref<32x2x128xf32, #tpu.memory_space<vmem>>, vector<16xf32>,
      %add3A_1531 = arith.addf %get3A_1513, %get3A_1520 : vector<16xf32>
      %abs3A_1532 = math.absf %get3A_1530 : vector<16xf32>
      %add3A_1533 = arith.constant 1.000000e+00 : f32
      %add3A_1534 = vector.broadcast %add3A_1533 : f32 to vector<16xf32>
      %add3A_1535 = arith.addf %abs3A_1532, %add3A_1534 : vector<16xf32>
      %div3A_1536 = arith.constant 1.000000e+00 : f32
      %div3A_1537 = vector.broadcast %div3A_1536 : f32 to vector<16xf32>
      %div3A_1538 = arith.divf %div3A_1537, %add3A_1535 : vector<16xf32>
      %sub3A_1539 = arith.subf %add3A_1531, %get3A_1525 : vector<16xf32>
      %abs3A_1540 = math.absf %sub3A_1539 : vector<16xf32>
      %mul3A_1541 = arith.mulf %abs3A_1540, %div3A_1538 : vector<16xf32>
      %mul3A_1542 = arith.mulf %add3A_1535, %abs3A_1540 : vector<16xf32>
      %mul3A_1543 = arith.constant 5.000000e-01 : f32
      %mul3A_1544 = vector.broadcast %mul3A_1543 : f32 to vector<16xf32>
      %mul3A_1545 = arith.mulf %mul3A_1544, %abs3A_1532 : vector<16xf32>
      %sub3A_1546 = arith.subf %add3A_1535, %div3A_1538 : vector<16xf32>
      %mul3A_1547 = arith.mulf %mul3A_1545, %sub3A_1546 : vector<16xf32>
      %sub3A_1548 = arith.subf %mul3A_1542, %mul3A_1547 : vector<16xf32>
      %max3A_1549 = arith.maximumf %mul3A_1541, %sub3A_1548 : vector<16xf32>
      %add3A_1550 = arith.addf %add3A_1506, %max3A_1549 : vector<16xf32>
      %add3A_1551 = arith.constant 32 : i32
      %add3A_1552 = arith.addi %scan3A_1068, %add3A_1551 : i32
      %get3A_1553 = arith.constant 0 : i32
      %get3A_1554 = arith.index_cast %get3A_1553 : i32 to index
      %get3A_1555 = arith.index_cast %add3A_1552 : i32 to index
      %get3A_1556 = arith.constant 48 : index
      %get3A_1557 = tpu.vector_load %arg14[%get3A_1554, %get3A_1555, %get3A_1556] {strides = array<i32>} : memref<2x64x128xf32, #tpu.memory_space<vmem>>, vector<16xf32>,
      %add3A_1558 = arith.constant 0 : i32
      %add3A_1559 = arith.addi %scan3A_1068, %add3A_1558 : i32
      %get3A_1560 = arith.constant 1 : i32
      %get3A_1561 = arith.index_cast %get3A_1560 : i32 to index
      %get3A_1562 = arith.index_cast %add3A_1559 : i32 to index
      %get3A_1563 = arith.constant 48 : index
      %get3A_1564 = tpu.vector_load %arg14[%get3A_1561, %get3A_1562, %get3A_1563] {strides = array<i32>} : memref<2x64x128xf32, #tpu.memory_space<vmem>>, vector<16xf32>,
      %get3A_1565 = arith.constant 1 : i32
      %get3A_1566 = arith.index_cast %scan3A_1068 : i32 to index
      %get3A_1567 = arith.index_cast %get3A_1565 : i32 to index
      %get3A_1568 = arith.constant 48 : index
      %get3A_1569 = tpu.vector_load %arg15[%get3A_1566, %get3A_1567, %get3A_1568] {strides = array<i32>} : memref<32x2x128xf32, #tpu.memory_space<vmem>>, vector<16xf32>,
      %get3A_1570 = arith.constant 1 : i32
      %get3A_1571 = arith.index_cast %scan3A_1068 : i32 to index
      %get3A_1572 = arith.index_cast %get3A_1570 : i32 to index
      %get3A_1573 = arith.constant 48 : index
      %get3A_1574 = tpu.vector_load %arg16[%get3A_1571, %get3A_1572, %get3A_1573] {strides = array<i32>} : memref<32x2x128xf32, #tpu.memory_space<vmem>>, vector<16xf32>,
      %add3A_1575 = arith.addf %get3A_1557, %get3A_1564 : vector<16xf32>
      %abs3A_1576 = math.absf %get3A_1574 : vector<16xf32>
      %add3A_1577 = arith.constant 1.000000e+00 : f32
      %add3A_1578 = vector.broadcast %add3A_1577 : f32 to vector<16xf32>
      %add3A_1579 = arith.addf %abs3A_1576, %add3A_1578 : vector<16xf32>
      %div3A_1580 = arith.constant 1.000000e+00 : f32
      %div3A_1581 = vector.broadcast %div3A_1580 : f32 to vector<16xf32>
      %div3A_1582 = arith.divf %div3A_1581, %add3A_1579 : vector<16xf32>
      %sub3A_1583 = arith.subf %add3A_1575, %get3A_1569 : vector<16xf32>
      %abs3A_1584 = math.absf %sub3A_1583 : vector<16xf32>
      %mul3A_1585 = arith.mulf %abs3A_1584, %div3A_1582 : vector<16xf32>
      %mul3A_1586 = arith.mulf %add3A_1579, %abs3A_1584 : vector<16xf32>
      %mul3A_1587 = arith.constant 5.000000e-01 : f32
      %mul3A_1588 = vector.broadcast %mul3A_1587 : f32 to vector<16xf32>
      %mul3A_1589 = arith.mulf %mul3A_1588, %abs3A_1576 : vector<16xf32>
      %sub3A_1590 = arith.subf %add3A_1579, %div3A_1582 : vector<16xf32>
      %mul3A_1591 = arith.mulf %mul3A_1589, %sub3A_1590 : vector<16xf32>
      %sub3A_1592 = arith.subf %mul3A_1586, %mul3A_1591 : vector<16xf32>
      %max3A_1593 = arith.maximumf %mul3A_1585, %sub3A_1592 : vector<16xf32>
      %add3A_1594 = arith.addf %add3A_1550, %max3A_1593 : vector<16xf32>
      %add3A_1595 = arith.constant 32 : i32
      %add3A_1596 = arith.addi %scan3A_1068, %add3A_1595 : i32
      %get3A_1597 = arith.constant 0 : i32
      %get3A_1598 = arith.index_cast %get3A_1597 : i32 to index
      %get3A_1599 = arith.index_cast %add3A_1596 : i32 to index
      %get3A_1600 = arith.constant 64 : index
      %get3A_1601 = tpu.vector_load %arg14[%get3A_1598, %get3A_1599, %get3A_1600] {strides = array<i32>} : memref<2x64x128xf32, #tpu.memory_space<vmem>>, vector<16xf32>,
      %add3A_1602 = arith.constant 0 : i32
      %add3A_1603 = arith.addi %scan3A_1068, %add3A_1602 : i32
      %get3A_1604 = arith.constant 1 : i32
      %get3A_1605 = arith.index_cast %get3A_1604 : i32 to index
      %get3A_1606 = arith.index_cast %add3A_1603 : i32 to index
      %get3A_1607 = arith.constant 64 : index
      %get3A_1608 = tpu.vector_load %arg14[%get3A_1605, %get3A_1606, %get3A_1607] {strides = array<i32>} : memref<2x64x128xf32, #tpu.memory_space<vmem>>, vector<16xf32>,
      %get3A_1609 = arith.constant 1 : i32
      %get3A_1610 = arith.index_cast %scan3A_1068 : i32 to index
      %get3A_1611 = arith.index_cast %get3A_1609 : i32 to index
      %get3A_1612 = arith.constant 64 : index
      %get3A_1613 = tpu.vector_load %arg15[%get3A_1610, %get3A_1611, %get3A_1612] {strides = array<i32>} : memref<32x2x128xf32, #tpu.memory_space<vmem>>, vector<16xf32>,
      %get3A_1614 = arith.constant 1 : i32
      %get3A_1615 = arith.index_cast %scan3A_1068 : i32 to index
      %get3A_1616 = arith.index_cast %get3A_1614 : i32 to index
      %get3A_1617 = arith.constant 64 : index
      %get3A_1618 = tpu.vector_load %arg16[%get3A_1615, %get3A_1616, %get3A_1617] {strides = array<i32>} : memref<32x2x128xf32, #tpu.memory_space<vmem>>, vector<16xf32>,
      %add3A_1619 = arith.addf %get3A_1601, %get3A_1608 : vector<16xf32>
      %abs3A_1620 = math.absf %get3A_1618 : vector<16xf32>
      %add3A_1621 = arith.constant 1.000000e+00 : f32
      %add3A_1622 = vector.broadcast %add3A_1621 : f32 to vector<16xf32>
      %add3A_1623 = arith.addf %abs3A_1620, %add3A_1622 : vector<16xf32>
      %div3A_1624 = arith.constant 1.000000e+00 : f32
      %div3A_1625 = vector.broadcast %div3A_1624 : f32 to vector<16xf32>
      %div3A_1626 = arith.divf %div3A_1625, %add3A_1623 : vector<16xf32>
      %sub3A_1627 = arith.subf %add3A_1619, %get3A_1613 : vector<16xf32>
      %abs3A_1628 = math.absf %sub3A_1627 : vector<16xf32>
      %mul3A_1629 = arith.mulf %abs3A_1628, %div3A_1626 : vector<16xf32>
      %mul3A_1630 = arith.mulf %add3A_1623, %abs3A_1628 : vector<16xf32>
      %mul3A_1631 = arith.constant 5.000000e-01 : f32
      %mul3A_1632 = vector.broadcast %mul3A_1631 : f32 to vector<16xf32>
      %mul3A_1633 = arith.mulf %mul3A_1632, %abs3A_1620 : vector<16xf32>
      %sub3A_1634 = arith.subf %add3A_1623, %div3A_1626 : vector<16xf32>
      %mul3A_1635 = arith.mulf %mul3A_1633, %sub3A_1634 : vector<16xf32>
      %sub3A_1636 = arith.subf %mul3A_1630, %mul3A_1635 : vector<16xf32>
      %max3A_1637 = arith.maximumf %mul3A_1629, %sub3A_1636 : vector<16xf32>
      %add3A_1638 = arith.addf %add3A_1594, %max3A_1637 : vector<16xf32>
      %add3A_1639 = arith.constant 32 : i32
      %add3A_1640 = arith.addi %scan3A_1068, %add3A_1639 : i32
      %get3A_1641 = arith.constant 0 : i32
      %get3A_1642 = arith.index_cast %get3A_1641 : i32 to index
      %get3A_1643 = arith.index_cast %add3A_1640 : i32 to index
      %get3A_1644 = arith.constant 80 : index
      %get3A_1645 = tpu.vector_load %arg14[%get3A_1642, %get3A_1643, %get3A_1644] {strides = array<i32>} : memref<2x64x128xf32, #tpu.memory_space<vmem>>, vector<16xf32>,
      %add3A_1646 = arith.constant 0 : i32
      %add3A_1647 = arith.addi %scan3A_1068, %add3A_1646 : i32
      %get3A_1648 = arith.constant 1 : i32
      %get3A_1649 = arith.index_cast %get3A_1648 : i32 to index
      %get3A_1650 = arith.index_cast %add3A_1647 : i32 to index
      %get3A_1651 = arith.constant 80 : index
      %get3A_1652 = tpu.vector_load %arg14[%get3A_1649, %get3A_1650, %get3A_1651] {strides = array<i32>} : memref<2x64x128xf32, #tpu.memory_space<vmem>>, vector<16xf32>,
      %get3A_1653 = arith.constant 1 : i32
      %get3A_1654 = arith.index_cast %scan3A_1068 : i32 to index
      %get3A_1655 = arith.index_cast %get3A_1653 : i32 to index
      %get3A_1656 = arith.constant 80 : index
      %get3A_1657 = tpu.vector_load %arg15[%get3A_1654, %get3A_1655, %get3A_1656] {strides = array<i32>} : memref<32x2x128xf32, #tpu.memory_space<vmem>>, vector<16xf32>,
      %get3A_1658 = arith.constant 1 : i32
      %get3A_1659 = arith.index_cast %scan3A_1068 : i32 to index
      %get3A_1660 = arith.index_cast %get3A_1658 : i32 to index
      %get3A_1661 = arith.constant 80 : index
      %get3A_1662 = tpu.vector_load %arg16[%get3A_1659, %get3A_1660, %get3A_1661] {strides = array<i32>} : memref<32x2x128xf32, #tpu.memory_space<vmem>>, vector<16xf32>,
      %add3A_1663 = arith.addf %get3A_1645, %get3A_1652 : vector<16xf32>
      %abs3A_1664 = math.absf %get3A_1662 : vector<16xf32>
      %add3A_1665 = arith.constant 1.000000e+00 : f32
      %add3A_1666 = vector.broadcast %add3A_1665 : f32 to vector<16xf32>
      %add3A_1667 = arith.addf %abs3A_1664, %add3A_1666 : vector<16xf32>
      %div3A_1668 = arith.constant 1.000000e+00 : f32
      %div3A_1669 = vector.broadcast %div3A_1668 : f32 to vector<16xf32>
      %div3A_1670 = arith.divf %div3A_1669, %add3A_1667 : vector<16xf32>
      %sub3A_1671 = arith.subf %add3A_1663, %get3A_1657 : vector<16xf32>
      %abs3A_1672 = math.absf %sub3A_1671 : vector<16xf32>
      %mul3A_1673 = arith.mulf %abs3A_1672, %div3A_1670 : vector<16xf32>
      %mul3A_1674 = arith.mulf %add3A_1667, %abs3A_1672 : vector<16xf32>
      %mul3A_1675 = arith.constant 5.000000e-01 : f32
      %mul3A_1676 = vector.broadcast %mul3A_1675 : f32 to vector<16xf32>
      %mul3A_1677 = arith.mulf %mul3A_1676, %abs3A_1664 : vector<16xf32>
      %sub3A_1678 = arith.subf %add3A_1667, %div3A_1670 : vector<16xf32>
      %mul3A_1679 = arith.mulf %mul3A_1677, %sub3A_1678 : vector<16xf32>
      %sub3A_1680 = arith.subf %mul3A_1674, %mul3A_1679 : vector<16xf32>
      %max3A_1681 = arith.maximumf %mul3A_1673, %sub3A_1680 : vector<16xf32>
      %add3A_1682 = arith.addf %add3A_1638, %max3A_1681 : vector<16xf32>
      %add3A_1683 = arith.constant 32 : i32
      %add3A_1684 = arith.addi %scan3A_1068, %add3A_1683 : i32
      %get3A_1685 = arith.constant 0 : i32
      %get3A_1686 = arith.index_cast %get3A_1685 : i32 to index
      %get3A_1687 = arith.index_cast %add3A_1684 : i32 to index
      %get3A_1688 = arith.constant 96 : index
      %get3A_1689 = tpu.vector_load %arg14[%get3A_1686, %get3A_1687, %get3A_1688] {strides = array<i32>} : memref<2x64x128xf32, #tpu.memory_space<vmem>>, vector<16xf32>,
      %add3A_1690 = arith.constant 0 : i32
      %add3A_1691 = arith.addi %scan3A_1068, %add3A_1690 : i32
      %get3A_1692 = arith.constant 1 : i32
      %get3A_1693 = arith.index_cast %get3A_1692 : i32 to index
      %get3A_1694 = arith.index_cast %add3A_1691 : i32 to index
      %get3A_1695 = arith.constant 96 : index
      %get3A_1696 = tpu.vector_load %arg14[%get3A_1693, %get3A_1694, %get3A_1695] {strides = array<i32>} : memref<2x64x128xf32, #tpu.memory_space<vmem>>, vector<16xf32>,
      %get3A_1697 = arith.constant 1 : i32
      %get3A_1698 = arith.index_cast %scan3A_1068 : i32 to index
      %get3A_1699 = arith.index_cast %get3A_1697 : i32 to index
      %get3A_1700 = arith.constant 96 : index
      %get3A_1701 = tpu.vector_load %arg15[%get3A_1698, %get3A_1699, %get3A_1700] {strides = array<i32>} : memref<32x2x128xf32, #tpu.memory_space<vmem>>, vector<16xf32>,
      %get3A_1702 = arith.constant 1 : i32
      %get3A_1703 = arith.index_cast %scan3A_1068 : i32 to index
      %get3A_1704 = arith.index_cast %get3A_1702 : i32 to index
      %get3A_1705 = arith.constant 96 : index
      %get3A_1706 = tpu.vector_load %arg16[%get3A_1703, %get3A_1704, %get3A_1705] {strides = array<i32>} : memref<32x2x128xf32, #tpu.memory_space<vmem>>, vector<16xf32>,
      %add3A_1707 = arith.addf %get3A_1689, %get3A_1696 : vector<16xf32>
      %abs3A_1708 = math.absf %get3A_1706 : vector<16xf32>
      %add3A_1709 = arith.constant 1.000000e+00 : f32
      %add3A_1710 = vector.broadcast %add3A_1709 : f32 to vector<16xf32>
      %add3A_1711 = arith.addf %abs3A_1708, %add3A_1710 : vector<16xf32>
      %div3A_1712 = arith.constant 1.000000e+00 : f32
      %div3A_1713 = vector.broadcast %div3A_1712 : f32 to vector<16xf32>
      %div3A_1714 = arith.divf %div3A_1713, %add3A_1711 : vector<16xf32>
      %sub3A_1715 = arith.subf %add3A_1707, %get3A_1701 : vector<16xf32>
      %abs3A_1716 = math.absf %sub3A_1715 : vector<16xf32>
      %mul3A_1717 = arith.mulf %abs3A_1716, %div3A_1714 : vector<16xf32>
      %mul3A_1718 = arith.mulf %add3A_1711, %abs3A_1716 : vector<16xf32>
      %mul3A_1719 = arith.constant 5.000000e-01 : f32
      %mul3A_1720 = vector.broadcast %mul3A_1719 : f32 to vector<16xf32>
      %mul3A_1721 = arith.mulf %mul3A_1720, %abs3A_1708 : vector<16xf32>
      %sub3A_1722 = arith.subf %add3A_1711, %div3A_1714 : vector<16xf32>
      %mul3A_1723 = arith.mulf %mul3A_1721, %sub3A_1722 : vector<16xf32>
      %sub3A_1724 = arith.subf %mul3A_1718, %mul3A_1723 : vector<16xf32>
      %max3A_1725 = arith.maximumf %mul3A_1717, %sub3A_1724 : vector<16xf32>
      %add3A_1726 = arith.addf %add3A_1682, %max3A_1725 : vector<16xf32>
      %add3A_1727 = arith.constant 32 : i32
      %add3A_1728 = arith.addi %scan3A_1068, %add3A_1727 : i32
      %get3A_1729 = arith.constant 0 : i32
      %get3A_1730 = arith.index_cast %get3A_1729 : i32 to index
      %get3A_1731 = arith.index_cast %add3A_1728 : i32 to index
      %get3A_1732 = arith.constant 112 : index
      %get3A_1733 = tpu.vector_load %arg14[%get3A_1730, %get3A_1731, %get3A_1732] {strides = array<i32>} : memref<2x64x128xf32, #tpu.memory_space<vmem>>, vector<16xf32>,
      %add3A_1734 = arith.constant 0 : i32
      %add3A_1735 = arith.addi %scan3A_1068, %add3A_1734 : i32
      %get3A_1736 = arith.constant 1 : i32
      %get3A_1737 = arith.index_cast %get3A_1736 : i32 to index
      %get3A_1738 = arith.index_cast %add3A_1735 : i32 to index
      %get3A_1739 = arith.constant 112 : index
      %get3A_1740 = tpu.vector_load %arg14[%get3A_1737, %get3A_1738, %get3A_1739] {strides = array<i32>} : memref<2x64x128xf32, #tpu.memory_space<vmem>>, vector<16xf32>,
      %get3A_1741 = arith.constant 1 : i32
      %get3A_1742 = arith.index_cast %scan3A_1068 : i32 to index
      %get3A_1743 = arith.index_cast %get3A_1741 : i32 to index
      %get3A_1744 = arith.constant 112 : index
      %get3A_1745 = tpu.vector_load %arg15[%get3A_1742, %get3A_1743, %get3A_1744] {strides = array<i32>} : memref<32x2x128xf32, #tpu.memory_space<vmem>>, vector<16xf32>,
      %get3A_1746 = arith.constant 1 : i32
      %get3A_1747 = arith.index_cast %scan3A_1068 : i32 to index
      %get3A_1748 = arith.index_cast %get3A_1746 : i32 to index
      %get3A_1749 = arith.constant 112 : index
      %get3A_1750 = tpu.vector_load %arg16[%get3A_1747, %get3A_1748, %get3A_1749] {strides = array<i32>} : memref<32x2x128xf32, #tpu.memory_space<vmem>>, vector<16xf32>,
      %add3A_1751 = arith.addf %get3A_1733, %get3A_1740 : vector<16xf32>
      %abs3A_1752 = math.absf %get3A_1750 : vector<16xf32>
      %add3A_1753 = arith.constant 1.000000e+00 : f32
      %add3A_1754 = vector.broadcast %add3A_1753 : f32 to vector<16xf32>
      %add3A_1755 = arith.addf %abs3A_1752, %add3A_1754 : vector<16xf32>
      %div3A_1756 = arith.constant 1.000000e+00 : f32
      %div3A_1757 = vector.broadcast %div3A_1756 : f32 to vector<16xf32>
      %div3A_1758 = arith.divf %div3A_1757, %add3A_1755 : vector<16xf32>
      %sub3A_1759 = arith.subf %add3A_1751, %get3A_1745 : vector<16xf32>
      %abs3A_1760 = math.absf %sub3A_1759 : vector<16xf32>
      %mul3A_1761 = arith.mulf %abs3A_1760, %div3A_1758 : vector<16xf32>
      %mul3A_1762 = arith.mulf %add3A_1755, %abs3A_1760 : vector<16xf32>
      %mul3A_1763 = arith.constant 5.000000e-01 : f32
      %mul3A_1764 = vector.broadcast %mul3A_1763 : f32 to vector<16xf32>
      %mul3A_1765 = arith.mulf %mul3A_1764, %abs3A_1752 : vector<16xf32>
      %sub3A_1766 = arith.subf %add3A_1755, %div3A_1758 : vector<16xf32>
      %mul3A_1767 = arith.mulf %mul3A_1765, %sub3A_1766 : vector<16xf32>
      %sub3A_1768 = arith.subf %mul3A_1762, %mul3A_1767 : vector<16xf32>
      %max3A_1769 = arith.maximumf %mul3A_1761, %sub3A_1768 : vector<16xf32>
      %add3A_1770 = arith.addf %add3A_1726, %max3A_1769 : vector<16xf32>
      %broadcast_in_dim3A_1771 = vector.broadcast %scan3A_1068 : i32 to vector<16xi32>
      tpu.vector_store_idx %arg17[%iota3A, %broadcast_in_dim3A_1771], %add3A_1770 : memref<16x33xf32, #tpu.memory_space<vmem>>[vector<16xi32>, vector<16xi32>], vector<16xf32>,
    }
    %scan3A_473 = arith.constant 32 : i32
    %get3A_474 = arith.constant 0 : i32
    %get3A_475 = arith.index_cast %get3A_474 : i32 to index
    %get3A_476 = arith.constant 0 : index
    %get3A_477 = tpu.vector_load %arg17[%get3A_475, %get3A_476] {strides = array<i32>} : memref<16x33xf32, #tpu.memory_space<vmem>>, vector<16xf32>,
    %get3A_478 = arith.constant 1 : i32
    %get3A_479 = arith.index_cast %get3A_478 : i32 to index
    %get3A_480 = arith.constant 0 : index
    %get3A_481 = tpu.vector_load %arg17[%get3A_479, %get3A_480] {strides = array<i32>} : memref<16x33xf32, #tpu.memory_space<vmem>>, vector<16xf32>,
    %add3A_482 = arith.addf %get3A_477, %get3A_481 : vector<16xf32>
    %get3A_483 = arith.constant 2 : i32
    %get3A_484 = arith.index_cast %get3A_483 : i32 to index
    %get3A_485 = arith.constant 0 : index
    %get3A_486 = tpu.vector_load %arg17[%get3A_484, %get3A_485] {strides = array<i32>} : memref<16x33xf32, #tpu.memory_space<vmem>>, vector<16xf32>,
    %add3A_487 = arith.addf %add3A_482, %get3A_486 : vector<16xf32>
    %get3A_488 = arith.constant 3 : i32
    %get3A_489 = arith.index_cast %get3A_488 : i32 to index
    %get3A_490 = arith.constant 0 : index
    %get3A_491 = tpu.vector_load %arg17[%get3A_489, %get3A_490] {strides = array<i32>} : memref<16x33xf32, #tpu.memory_space<vmem>>, vector<16xf32>,
    %add3A_492 = arith.addf %add3A_487, %get3A_491 : vector<16xf32>
    %get3A_493 = arith.constant 4 : i32
    %get3A_494 = arith.index_cast %get3A_493 : i32 to index
    %get3A_495 = arith.constant 0 : index
    %get3A_496 = tpu.vector_load %arg17[%get3A_494, %get3A_495] {strides = array<i32>} : memref<16x33xf32, #tpu.memory_space<vmem>>, vector<16xf32>,
    %add3A_497 = arith.addf %add3A_492, %get3A_496 : vector<16xf32>
    %get3A_498 = arith.constant 5 : i32
    %get3A_499 = arith.index_cast %get3A_498 : i32 to index
    %get3A_500 = arith.constant 0 : index
    %get3A_501 = tpu.vector_load %arg17[%get3A_499, %get3A_500] {strides = array<i32>} : memref<16x33xf32, #tpu.memory_space<vmem>>, vector<16xf32>,
    %add3A_502 = arith.addf %add3A_497, %get3A_501 : vector<16xf32>
    %get3A_503 = arith.constant 6 : i32
    %get3A_504 = arith.index_cast %get3A_503 : i32 to index
    %get3A_505 = arith.constant 0 : index
    %get3A_506 = tpu.vector_load %arg17[%get3A_504, %get3A_505] {strides = array<i32>} : memref<16x33xf32, #tpu.memory_space<vmem>>, vector<16xf32>,
    %add3A_507 = arith.addf %add3A_502, %get3A_506 : vector<16xf32>
    %get3A_508 = arith.constant 7 : i32
    %get3A_509 = arith.index_cast %get3A_508 : i32 to index
    %get3A_510 = arith.constant 0 : index
    %get3A_511 = tpu.vector_load %arg17[%get3A_509, %get3A_510] {strides = array<i32>} : memref<16x33xf32, #tpu.memory_space<vmem>>, vector<16xf32>,
    %add3A_512 = arith.addf %add3A_507, %get3A_511 : vector<16xf32>
    %get3A_513 = arith.constant 8 : i32
    %get3A_514 = arith.index_cast %get3A_513 : i32 to index
    %get3A_515 = arith.constant 0 : index
    %get3A_516 = tpu.vector_load %arg17[%get3A_514, %get3A_515] {strides = array<i32>} : memref<16x33xf32, #tpu.memory_space<vmem>>, vector<16xf32>,
    %add3A_517 = arith.addf %add3A_512, %get3A_516 : vector<16xf32>
    %get3A_518 = arith.constant 9 : i32
    %get3A_519 = arith.index_cast %get3A_518 : i32 to index
    %get3A_520 = arith.constant 0 : index
    %get3A_521 = tpu.vector_load %arg17[%get3A_519, %get3A_520] {strides = array<i32>} : memref<16x33xf32, #tpu.memory_space<vmem>>, vector<16xf32>,
    %add3A_522 = arith.addf %add3A_517, %get3A_521 : vector<16xf32>
    %get3A_523 = arith.constant 10 : i32
    %get3A_524 = arith.index_cast %get3A_523 : i32 to index
    %get3A_525 = arith.constant 0 : index
    %get3A_526 = tpu.vector_load %arg17[%get3A_524, %get3A_525] {strides = array<i32>} : memref<16x33xf32, #tpu.memory_space<vmem>>, vector<16xf32>,
    %add3A_527 = arith.addf %add3A_522, %get3A_526 : vector<16xf32>
    %get3A_528 = arith.constant 11 : i32
    %get3A_529 = arith.index_cast %get3A_528 : i32 to index
    %get3A_530 = arith.constant 0 : index
    %get3A_531 = tpu.vector_load %arg17[%get3A_529, %get3A_530] {strides = array<i32>} : memref<16x33xf32, #tpu.memory_space<vmem>>, vector<16xf32>,
    %add3A_532 = arith.addf %add3A_527, %get3A_531 : vector<16xf32>
    %get3A_533 = arith.constant 12 : i32
    %get3A_534 = arith.index_cast %get3A_533 : i32 to index
    %get3A_535 = arith.constant 0 : index
    %get3A_536 = tpu.vector_load %arg17[%get3A_534, %get3A_535] {strides = array<i32>} : memref<16x33xf32, #tpu.memory_space<vmem>>, vector<16xf32>,
    %add3A_537 = arith.addf %add3A_532, %get3A_536 : vector<16xf32>
    %get3A_538 = arith.constant 13 : i32
    %get3A_539 = arith.index_cast %get3A_538 : i32 to index
    %get3A_540 = arith.constant 0 : index
    %get3A_541 = tpu.vector_load %arg17[%get3A_539, %get3A_540] {strides = array<i32>} : memref<16x33xf32, #tpu.memory_space<vmem>>, vector<16xf32>,
    %add3A_542 = arith.addf %add3A_537, %get3A_541 : vector<16xf32>
    %get3A_543 = arith.constant 14 : i32
    %get3A_544 = arith.index_cast %get3A_543 : i32 to index
    %get3A_545 = arith.constant 0 : index
    %get3A_546 = tpu.vector_load %arg17[%get3A_544, %get3A_545] {strides = array<i32>} : memref<16x33xf32, #tpu.memory_space<vmem>>, vector<16xf32>,
    %add3A_547 = arith.addf %add3A_542, %get3A_546 : vector<16xf32>
    %get3A_548 = arith.constant 15 : i32
    %get3A_549 = arith.index_cast %get3A_548 : i32 to index
    %get3A_550 = arith.constant 0 : index
    %get3A_551 = tpu.vector_load %arg17[%get3A_549, %get3A_550] {strides = array<i32>} : memref<16x33xf32, #tpu.memory_space<vmem>>, vector<16xf32>,
    %add3A_552 = arith.addf %add3A_547, %get3A_551 : vector<16xf32>
    %swap3A_553 = arith.constant 32 : index
    %swap3A_554 = tpu.vector_load %arg18[%swap3A_553] {strides = array<i32>} : memref<128xf32, #tpu.memory_space<vmem>>, vector<16xf32>,
    tpu.vector_store %arg18[%swap3A_553], %add3A_552 {strides = array<i32>} : memref<128xf32, #tpu.memory_space<vmem>>, vector<16xf32>,
    %get3A_555 = arith.constant 0 : i32
    %get3A_556 = arith.index_cast %get3A_555 : i32 to index
    %get3A_557 = arith.constant 16 : index
    %get3A_558 = tpu.vector_load %arg17[%get3A_556, %get3A_557] {strides = array<i32>} : memref<16x33xf32, #tpu.memory_space<vmem>>, vector<16xf32>,
    %get3A_559 = arith.constant 1 : i32
    %get3A_560 = arith.index_cast %get3A_559 : i32 to index
    %get3A_561 = arith.constant 16 : index
    %get3A_562 = tpu.vector_load %arg17[%get3A_560, %get3A_561] {strides = array<i32>} : memref<16x33xf32, #tpu.memory_space<vmem>>, vector<16xf32>,
    %add3A_563 = arith.addf %get3A_558, %get3A_562 : vector<16xf32>
    %get3A_564 = arith.constant 2 : i32
    %get3A_565 = arith.index_cast %get3A_564 : i32 to index
    %get3A_566 = arith.constant 16 : index
    %get3A_567 = tpu.vector_load %arg17[%get3A_565, %get3A_566] {strides = array<i32>} : memref<16x33xf32, #tpu.memory_space<vmem>>, vector<16xf32>,
    %add3A_568 = arith.addf %add3A_563, %get3A_567 : vector<16xf32>
    %get3A_569 = arith.constant 3 : i32
    %get3A_570 = arith.index_cast %get3A_569 : i32 to index
    %get3A_571 = arith.constant 16 : index
    %get3A_572 = tpu.vector_load %arg17[%get3A_570, %get3A_571] {strides = array<i32>} : memref<16x33xf32, #tpu.memory_space<vmem>>, vector<16xf32>,
    %add3A_573 = arith.addf %add3A_568, %get3A_572 : vector<16xf32>
    %get3A_574 = arith.constant 4 : i32
    %get3A_575 = arith.index_cast %get3A_574 : i32 to index
    %get3A_576 = arith.constant 16 : index
    %get3A_577 = tpu.vector_load %arg17[%get3A_575, %get3A_576] {strides = array<i32>} : memref<16x33xf32, #tpu.memory_space<vmem>>, vector<16xf32>,
    %add3A_578 = arith.addf %add3A_573, %get3A_577 : vector<16xf32>
    %get3A_579 = arith.constant 5 : i32
    %get3A_580 = arith.index_cast %get3A_579 : i32 to index
    %get3A_581 = arith.constant 16 : index
    %get3A_582 = tpu.vector_load %arg17[%get3A_580, %get3A_581] {strides = array<i32>} : memref<16x33xf32, #tpu.memory_space<vmem>>, vector<16xf32>,
    %add3A_583 = arith.addf %add3A_578, %get3A_582 : vector<16xf32>
    %get3A_584 = arith.constant 6 : i32
    %get3A_585 = arith.index_cast %get3A_584 : i32 to index
    %get3A_586 = arith.constant 16 : index
    %get3A_587 = tpu.vector_load %arg17[%get3A_585, %get3A_586] {strides = array<i32>} : memref<16x33xf32, #tpu.memory_space<vmem>>, vector<16xf32>,
    %add3A_588 = arith.addf %add3A_583, %get3A_587 : vector<16xf32>
    %get3A_589 = arith.constant 7 : i32
    %get3A_590 = arith.index_cast %get3A_589 : i32 to index
    %get3A_591 = arith.constant 16 : index
    %get3A_592 = tpu.vector_load %arg17[%get3A_590, %get3A_591] {strides = array<i32>} : memref<16x33xf32, #tpu.memory_space<vmem>>, vector<16xf32>,
    %add3A_593 = arith.addf %add3A_588, %get3A_592 : vector<16xf32>
    %get3A_594 = arith.constant 8 : i32
    %get3A_595 = arith.index_cast %get3A_594 : i32 to index
    %get3A_596 = arith.constant 16 : index
    %get3A_597 = tpu.vector_load %arg17[%get3A_595, %get3A_596] {strides = array<i32>} : memref<16x33xf32, #tpu.memory_space<vmem>>, vector<16xf32>,
    %add3A_598 = arith.addf %add3A_593, %get3A_597 : vector<16xf32>
    %get3A_599 = arith.constant 9 : i32
    %get3A_600 = arith.index_cast %get3A_599 : i32 to index
    %get3A_601 = arith.constant 16 : index
    %get3A_602 = tpu.vector_load %arg17[%get3A_600, %get3A_601] {strides = array<i32>} : memref<16x33xf32, #tpu.memory_space<vmem>>, vector<16xf32>,
    %add3A_603 = arith.addf %add3A_598, %get3A_602 : vector<16xf32>
    %get3A_604 = arith.constant 10 : i32
    %get3A_605 = arith.index_cast %get3A_604 : i32 to index
    %get3A_606 = arith.constant 16 : index
    %get3A_607 = tpu.vector_load %arg17[%get3A_605, %get3A_606] {strides = array<i32>} : memref<16x33xf32, #tpu.memory_space<vmem>>, vector<16xf32>,
    %add3A_608 = arith.addf %add3A_603, %get3A_607 : vector<16xf32>
    %get3A_609 = arith.constant 11 : i32
    %get3A_610 = arith.index_cast %get3A_609 : i32 to index
    %get3A_611 = arith.constant 16 : index
    %get3A_612 = tpu.vector_load %arg17[%get3A_610, %get3A_611] {strides = array<i32>} : memref<16x33xf32, #tpu.memory_space<vmem>>, vector<16xf32>,
    %add3A_613 = arith.addf %add3A_608, %get3A_612 : vector<16xf32>
    %get3A_614 = arith.constant 12 : i32
    %get3A_615 = arith.index_cast %get3A_614 : i32 to index
    %get3A_616 = arith.constant 16 : index
    %get3A_617 = tpu.vector_load %arg17[%get3A_615, %get3A_616] {strides = array<i32>} : memref<16x33xf32, #tpu.memory_space<vmem>>, vector<16xf32>,
    %add3A_618 = arith.addf %add3A_613, %get3A_617 : vector<16xf32>
    %get3A_619 = arith.constant 13 : i32
    %get3A_620 = arith.index_cast %get3A_619 : i32 to index
    %get3A_621 = arith.constant 16 : index
    %get3A_622 = tpu.vector_load %arg17[%get3A_620, %get3A_621] {strides = array<i32>} : memref<16x33xf32, #tpu.memory_space<vmem>>, vector<16xf32>,
    %add3A_623 = arith.addf %add3A_618, %get3A_622 : vector<16xf32>
    %get3A_624 = arith.constant 14 : i32
    %get3A_625 = arith.index_cast %get3A_624 : i32 to index
    %get3A_626 = arith.constant 16 : index
    %get3A_627 = tpu.vector_load %arg17[%get3A_625, %get3A_626] {strides = array<i32>} : memref<16x33xf32, #tpu.memory_space<vmem>>, vector<16xf32>,
    %add3A_628 = arith.addf %add3A_623, %get3A_627 : vector<16xf32>
    %get3A_629 = arith.constant 15 : i32
    %get3A_630 = arith.index_cast %get3A_629 : i32 to index
    %get3A_631 = arith.constant 16 : index
    %get3A_632 = tpu.vector_load %arg17[%get3A_630, %get3A_631] {strides = array<i32>} : memref<16x33xf32, #tpu.memory_space<vmem>>, vector<16xf32>,
    %add3A_633 = arith.addf %add3A_628, %get3A_632 : vector<16xf32>
    %swap3A_634 = arith.constant 48 : index
    %swap3A_635 = tpu.vector_load %arg18[%swap3A_634] {strides = array<i32>} : memref<128xf32, #tpu.memory_space<vmem>>, vector<16xf32>,
    tpu.vector_store %arg18[%swap3A_634], %add3A_633 {strides = array<i32>} : memref<128xf32, #tpu.memory_space<vmem>>, vector<16xf32>,
    %dma_wait3A_636 = arith.constant 0 : i32
    %dma_wait3A_637 = arith.constant 0 : i32
    %dma_wait3A_638 = arith.constant 0 : i32
    %dma_wait3A_639 = tpu.memref_slice %arg11[%dma_wait3A_636, %dma_wait3A_637, %dma_wait3A_638] : memref<2x64x128xf32, #tpu.memory_space<vmem>> -> memref<1x64x128xf32, #tpu.memory_space<vmem>>
    %dma_wait3A_640 = tpu.memref_squeeze %dma_wait3A_639 : memref<1x64x128xf32, #tpu.memory_space<vmem>> -> memref<64x128xf32, #tpu.memory_space<vmem>>
    %dma_wait3A_641 = arith.constant 128 : i32
    %dma_wait3A_642 = tpu.memref_slice %arg9[%dma_wait3A_641] : memref<256xi32, #tpu.memory_space<vmem>> -> memref<64xi32, #tpu.memory_space<vmem>>
    %dma_wait3A_643 = arith.constant 0 : i32
    %dma_wait3A_644 = arith.constant 0 : i32
    %dma_wait3A_645 = tpu.memref_slice %arg2[%dma_wait3A_643, %dma_wait3A_644] : memref<100001x128xf32, #tpu.memory_space<hbm>> -> memref<100001x128xf32, #tpu.memory_space<hbm>>
    tpu.wait_indirect_dma semaphore(%arg19 : memref<!tpu.dma_semaphore, #tpu.memory_space<semaphore_mem>>) src(%dma_wait3A_645 : memref<100001x128xf32, #tpu.memory_space<hbm>>) dst(%dma_wait3A_640 : memref<64x128xf32, #tpu.memory_space<vmem>>)
    %dma_wait3A_646 = arith.constant 1 : i32
    %dma_wait3A_647 = arith.constant 0 : i32
    %dma_wait3A_648 = arith.constant 0 : i32
    %dma_wait3A_649 = tpu.memref_slice %arg11[%dma_wait3A_646, %dma_wait3A_647, %dma_wait3A_648] : memref<2x64x128xf32, #tpu.memory_space<vmem>> -> memref<1x64x128xf32, #tpu.memory_space<vmem>>
    %dma_wait3A_650 = tpu.memref_squeeze %dma_wait3A_649 : memref<1x64x128xf32, #tpu.memory_space<vmem>> -> memref<64x128xf32, #tpu.memory_space<vmem>>
    %dma_wait3A_651 = arith.constant 128 : i32
    %dma_wait3A_652 = tpu.memref_slice %arg9[%dma_wait3A_651] : memref<256xi32, #tpu.memory_space<vmem>> -> memref<64xi32, #tpu.memory_space<vmem>>
    %dma_wait3A_653 = arith.constant 0 : i32
    %dma_wait3A_654 = arith.constant 0 : i32
    %dma_wait3A_655 = tpu.memref_slice %arg3[%dma_wait3A_653, %dma_wait3A_654] : memref<100001x128xf32, #tpu.memory_space<hbm>> -> memref<100001x128xf32, #tpu.memory_space<hbm>>
    tpu.wait_indirect_dma semaphore(%arg19 : memref<!tpu.dma_semaphore, #tpu.memory_space<semaphore_mem>>) src(%dma_wait3A_655 : memref<100001x128xf32, #tpu.memory_space<hbm>>) dst(%dma_wait3A_650 : memref<64x128xf32, #tpu.memory_space<vmem>>)
    %dma_wait3A_656 = arith.constant 64 : i32
    %dma_wait3A_657 = tpu.memref_slice %arg10[%dma_wait3A_656] : memref<128xi32, #tpu.memory_space<vmem>> -> memref<32xi32, #tpu.memory_space<vmem>>
    %dma_wait3A_658 = arith.constant 0 : i32
    %dma_wait3A_659 = arith.constant 0 : i32
    %dma_wait3A_660 = arith.constant 0 : i32
    %dma_wait3A_661 = tpu.memref_slice %arg4[%dma_wait3A_658, %dma_wait3A_659, %dma_wait3A_660] : memref<1000x2x128xf32, #tpu.memory_space<hbm>> -> memref<1000x2x128xf32, #tpu.memory_space<hbm>>
    tpu.wait_indirect_dma semaphore(%arg19 : memref<!tpu.dma_semaphore, #tpu.memory_space<semaphore_mem>>) src(%dma_wait3A_661 : memref<1000x2x128xf32, #tpu.memory_space<hbm>>) dst(%arg12 : memref<32x2x128xf32, #tpu.memory_space<vmem>>)
    %dma_wait3A_662 = arith.constant 64 : i32
    %dma_wait3A_663 = tpu.memref_slice %arg10[%dma_wait3A_662] : memref<128xi32, #tpu.memory_space<vmem>> -> memref<32xi32, #tpu.memory_space<vmem>>
    %dma_wait3A_664 = arith.constant 0 : i32
    %dma_wait3A_665 = arith.constant 0 : i32
    %dma_wait3A_666 = arith.constant 0 : i32
    %dma_wait3A_667 = tpu.memref_slice %arg5[%dma_wait3A_664, %dma_wait3A_665, %dma_wait3A_666] : memref<1000x2x128xf32, #tpu.memory_space<hbm>> -> memref<1000x2x128xf32, #tpu.memory_space<hbm>>
    tpu.wait_indirect_dma semaphore(%arg19 : memref<!tpu.dma_semaphore, #tpu.memory_space<semaphore_mem>>) src(%dma_wait3A_667 : memref<1000x2x128xf32, #tpu.memory_space<hbm>>) dst(%arg13 : memref<32x2x128xf32, #tpu.memory_space<vmem>>)
    %dma_start3A_668 = arith.constant 0 : i32
    %dma_start3A_669 = arith.constant 0 : i32
    %dma_start3A_670 = arith.constant 0 : i32
    %dma_start3A_671 = tpu.memref_slice %arg14[%dma_start3A_668, %dma_start3A_669, %dma_start3A_670] : memref<2x64x128xf32, #tpu.memory_space<vmem>> -> memref<1x64x128xf32, #tpu.memory_space<vmem>>
    %dma_start3A_672 = tpu.memref_squeeze %dma_start3A_671 : memref<1x64x128xf32, #tpu.memory_space<vmem>> -> memref<64x128xf32, #tpu.memory_space<vmem>>
    %dma_start3A_673 = arith.constant 192 : i32
    %dma_start3A_674 = tpu.memref_slice %arg9[%dma_start3A_673] : memref<256xi32, #tpu.memory_space<vmem>> -> memref<64xi32, #tpu.memory_space<vmem>>
    %dma_start3A_675 = arith.constant 0 : i32
    %dma_start3A_676 = arith.constant 0 : i32
    %dma_start3A_677 = tpu.memref_slice %arg2[%dma_start3A_675, %dma_start3A_676] : memref<100001x128xf32, #tpu.memory_space<hbm>> -> memref<100001x128xf32, #tpu.memory_space<hbm>>
    tpu.enqueue_indirect_dma source(%dma_start3A_677 : memref<100001x128xf32, #tpu.memory_space<hbm>>) target(%dma_start3A_672 : memref<64x128xf32, #tpu.memory_space<vmem>>) offsets(%dma_start3A_674 : memref<64xi32, #tpu.memory_space<vmem>>) semaphore(%arg20 : memref<!tpu.dma_semaphore, #tpu.memory_space<semaphore_mem>>)
    %dma_start3A_678 = arith.constant 1 : i32
    %dma_start3A_679 = arith.constant 0 : i32
    %dma_start3A_680 = arith.constant 0 : i32
    %dma_start3A_681 = tpu.memref_slice %arg14[%dma_start3A_678, %dma_start3A_679, %dma_start3A_680] : memref<2x64x128xf32, #tpu.memory_space<vmem>> -> memref<1x64x128xf32, #tpu.memory_space<vmem>>
    %dma_start3A_682 = tpu.memref_squeeze %dma_start3A_681 : memref<1x64x128xf32, #tpu.memory_space<vmem>> -> memref<64x128xf32, #tpu.memory_space<vmem>>
    %dma_start3A_683 = arith.constant 192 : i32
    %dma_start3A_684 = tpu.memref_slice %arg9[%dma_start3A_683] : memref<256xi32, #tpu.memory_space<vmem>> -> memref<64xi32, #tpu.memory_space<vmem>>
    %dma_start3A_685 = arith.constant 0 : i32
    %dma_start3A_686 = arith.constant 0 : i32
    %dma_start3A_687 = tpu.memref_slice %arg3[%dma_start3A_685, %dma_start3A_686] : memref<100001x128xf32, #tpu.memory_space<hbm>> -> memref<100001x128xf32, #tpu.memory_space<hbm>>
    tpu.enqueue_indirect_dma source(%dma_start3A_687 : memref<100001x128xf32, #tpu.memory_space<hbm>>) target(%dma_start3A_682 : memref<64x128xf32, #tpu.memory_space<vmem>>) offsets(%dma_start3A_684 : memref<64xi32, #tpu.memory_space<vmem>>) semaphore(%arg20 : memref<!tpu.dma_semaphore, #tpu.memory_space<semaphore_mem>>)
    %dma_start3A_688 = arith.constant 96 : i32
    %dma_start3A_689 = tpu.memref_slice %arg10[%dma_start3A_688] : memref<128xi32, #tpu.memory_space<vmem>> -> memref<32xi32, #tpu.memory_space<vmem>>
    %dma_start3A_690 = arith.constant 0 : i32
    %dma_start3A_691 = arith.constant 0 : i32
    %dma_start3A_692 = arith.constant 0 : i32
    %dma_start3A_693 = tpu.memref_slice %arg4[%dma_start3A_690, %dma_start3A_691, %dma_start3A_692] : memref<1000x2x128xf32, #tpu.memory_space<hbm>> -> memref<1000x2x128xf32, #tpu.memory_space<hbm>>
    tpu.enqueue_indirect_dma source(%dma_start3A_693 : memref<1000x2x128xf32, #tpu.memory_space<hbm>>) target(%arg15 : memref<32x2x128xf32, #tpu.memory_space<vmem>>) offsets(%dma_start3A_689 : memref<32xi32, #tpu.memory_space<vmem>>) semaphore(%arg20 : memref<!tpu.dma_semaphore, #tpu.memory_space<semaphore_mem>>)
    %dma_start3A_694 = arith.constant 96 : i32
    %dma_start3A_695 = tpu.memref_slice %arg10[%dma_start3A_694] : memref<128xi32, #tpu.memory_space<vmem>> -> memref<32xi32, #tpu.memory_space<vmem>>
    %dma_start3A_696 = arith.constant 0 : i32
    %dma_start3A_697 = arith.constant 0 : i32
    %dma_start3A_698 = arith.constant 0 : i32
    %dma_start3A_699 = tpu.memref_slice %arg5[%dma_start3A_696, %dma_start3A_697, %dma_start3A_698] : memref<1000x2x128xf32, #tpu.memory_space<hbm>> -> memref<1000x2x128xf32, #tpu.memory_space<hbm>>
    tpu.enqueue_indirect_dma source(%dma_start3A_699 : memref<1000x2x128xf32, #tpu.memory_space<hbm>>) target(%arg16 : memref<32x2x128xf32, #tpu.memory_space<vmem>>) offsets(%dma_start3A_695 : memref<32xi32, #tpu.memory_space<vmem>>) semaphore(%arg20 : memref<!tpu.dma_semaphore, #tpu.memory_space<semaphore_mem>>)
    %scan3A_700 = arith.constant 0 : i32
    %scan3A_701 = arith.constant 0 : i32
    %scan3A_702 = arith.constant 32 : i32
    %scan3A_703 = arith.addi %scan3A_701, %scan3A_702 : i32
    %scan3A_704 = arith.constant 1 : i32
    scf.for %scan3A_1068 = %scan3A_701 to %scan3A_703 step %scan3A_704  : i32 {
      %broadcast_in_dim3A_1069 = arith.constant 0.000000e+00 : f32
      %broadcast_in_dim3A_1070 = vector.broadcast %broadcast_in_dim3A_1069 : f32 to vector<16xf32>
      %add3A_1071 = arith.constant 0 : i32
      %add3A_1072 = arith.addi %scan3A_1068, %add3A_1071 : i32
      %get3A_1073 = arith.constant 0 : i32
      %get3A_1074 = arith.index_cast %get3A_1073 : i32 to index
      %get3A_1075 = arith.index_cast %add3A_1072 : i32 to index
      %get3A_1076 = arith.constant 0 : index
      %get3A_1077 = tpu.vector_load %arg11[%get3A_1074, %get3A_1075, %get3A_1076] {strides = array<i32>} : memref<2x64x128xf32, #tpu.memory_space<vmem>>, vector<16xf32>,
      %add3A_1078 = arith.constant 32 : i32
      %add3A_1079 = arith.addi %scan3A_1068, %add3A_1078 : i32
      %get3A_1080 = arith.constant 1 : i32
      %get3A_1081 = arith.index_cast %get3A_1080 : i32 to index
      %get3A_1082 = arith.index_cast %add3A_1079 : i32 to index
      %get3A_1083 = arith.constant 0 : index
      %get3A_1084 = tpu.vector_load %arg11[%get3A_1081, %get3A_1082, %get3A_1083] {strides = array<i32>} : memref<2x64x128xf32, #tpu.memory_space<vmem>>, vector<16xf32>,
      %get3A_1085 = arith.constant 0 : i32
      %get3A_1086 = arith.index_cast %scan3A_1068 : i32 to index
      %get3A_1087 = arith.index_cast %get3A_1085 : i32 to index
      %get3A_1088 = arith.constant 0 : index
      %get3A_1089 = tpu.vector_load %arg12[%get3A_1086, %get3A_1087, %get3A_1088] {strides = array<i32>} : memref<32x2x128xf32, #tpu.memory_space<vmem>>, vector<16xf32>,
      %get3A_1090 = arith.constant 0 : i32
      %get3A_1091 = arith.index_cast %scan3A_1068 : i32 to index
      %get3A_1092 = arith.index_cast %get3A_1090 : i32 to index
      %get3A_1093 = arith.constant 0 : index
      %get3A_1094 = tpu.vector_load %arg13[%get3A_1091, %get3A_1092, %get3A_1093] {strides = array<i32>} : memref<32x2x128xf32, #tpu.memory_space<vmem>>, vector<16xf32>,
      %add3A_1095 = arith.addf %get3A_1077, %get3A_1084 : vector<16xf32>
      %abs3A = math.absf %get3A_1094 : vector<16xf32>
      %add3A_1096 = arith.constant 1.000000e+00 : f32
      %add3A_1097 = vector.broadcast %add3A_1096 : f32 to vector<16xf32>
      %add3A_1098 = arith.addf %abs3A, %add3A_1097 : vector<16xf32>
      %div3A = arith.constant 1.000000e+00 : f32
      %div3A_1099 = vector.broadcast %div3A : f32 to vector<16xf32>
      %div3A_1100 = arith.divf %div3A_1099, %add3A_1098 : vector<16xf32>
      %sub3A = arith.subf %add3A_1095, %get3A_1089 : vector<16xf32>
      %abs3A_1101 = math.absf %sub3A : vector<16xf32>
      %mul3A_1102 = arith.mulf %abs3A_1101, %div3A_1100 : vector<16xf32>
      %mul3A_1103 = arith.mulf %add3A_1098, %abs3A_1101 : vector<16xf32>
      %mul3A_1104 = arith.constant 5.000000e-01 : f32
      %mul3A_1105 = vector.broadcast %mul3A_1104 : f32 to vector<16xf32>
      %mul3A_1106 = arith.mulf %mul3A_1105, %abs3A : vector<16xf32>
      %sub3A_1107 = arith.subf %add3A_1098, %div3A_1100 : vector<16xf32>
      %mul3A_1108 = arith.mulf %mul3A_1106, %sub3A_1107 : vector<16xf32>
      %sub3A_1109 = arith.subf %mul3A_1103, %mul3A_1108 : vector<16xf32>
      %max3A = arith.maximumf %mul3A_1102, %sub3A_1109 : vector<16xf32>
      %add3A_1110 = arith.addf %broadcast_in_dim3A_1070, %max3A : vector<16xf32>
      %add3A_1111 = arith.constant 0 : i32
      %add3A_1112 = arith.addi %scan3A_1068, %add3A_1111 : i32
      %get3A_1113 = arith.constant 0 : i32
      %get3A_1114 = arith.index_cast %get3A_1113 : i32 to index
      %get3A_1115 = arith.index_cast %add3A_1112 : i32 to index
      %get3A_1116 = arith.constant 16 : index
      %get3A_1117 = tpu.vector_load %arg11[%get3A_1114, %get3A_1115, %get3A_1116] {strides = array<i32>} : memref<2x64x128xf32, #tpu.memory_space<vmem>>, vector<16xf32>,
      %add3A_1118 = arith.constant 32 : i32
      %add3A_1119 = arith.addi %scan3A_1068, %add3A_1118 : i32
      %get3A_1120 = arith.constant 1 : i32
      %get3A_1121 = arith.index_cast %get3A_1120 : i32 to index
      %get3A_1122 = arith.index_cast %add3A_1119 : i32 to index
      %get3A_1123 = arith.constant 16 : index
      %get3A_1124 = tpu.vector_load %arg11[%get3A_1121, %get3A_1122, %get3A_1123] {strides = array<i32>} : memref<2x64x128xf32, #tpu.memory_space<vmem>>, vector<16xf32>,
      %get3A_1125 = arith.constant 0 : i32
      %get3A_1126 = arith.index_cast %scan3A_1068 : i32 to index
      %get3A_1127 = arith.index_cast %get3A_1125 : i32 to index
      %get3A_1128 = arith.constant 16 : index
      %get3A_1129 = tpu.vector_load %arg12[%get3A_1126, %get3A_1127, %get3A_1128] {strides = array<i32>} : memref<32x2x128xf32, #tpu.memory_space<vmem>>, vector<16xf32>,
      %get3A_1130 = arith.constant 0 : i32
      %get3A_1131 = arith.index_cast %scan3A_1068 : i32 to index
      %get3A_1132 = arith.index_cast %get3A_1130 : i32 to index
      %get3A_1133 = arith.constant 16 : index
      %get3A_1134 = tpu.vector_load %arg13[%get3A_1131, %get3A_1132, %get3A_1133] {strides = array<i32>} : memref<32x2x128xf32, #tpu.memory_space<vmem>>, vector<16xf32>,
      %add3A_1135 = arith.addf %get3A_1117, %get3A_1124 : vector<16xf32>
      %abs3A_1136 = math.absf %get3A_1134 : vector<16xf32>
      %add3A_1137 = arith.constant 1.000000e+00 : f32
      %add3A_1138 = vector.broadcast %add3A_1137 : f32 to vector<16xf32>
      %add3A_1139 = arith.addf %abs3A_1136, %add3A_1138 : vector<16xf32>
      %div3A_1140 = arith.constant 1.000000e+00 : f32
      %div3A_1141 = vector.broadcast %div3A_1140 : f32 to vector<16xf32>
      %div3A_1142 = arith.divf %div3A_1141, %add3A_1139 : vector<16xf32>
      %sub3A_1143 = arith.subf %add3A_1135, %get3A_1129 : vector<16xf32>
      %abs3A_1144 = math.absf %sub3A_1143 : vector<16xf32>
      %mul3A_1145 = arith.mulf %abs3A_1144, %div3A_1142 : vector<16xf32>
      %mul3A_1146 = arith.mulf %add3A_1139, %abs3A_1144 : vector<16xf32>
      %mul3A_1147 = arith.constant 5.000000e-01 : f32
      %mul3A_1148 = vector.broadcast %mul3A_1147 : f32 to vector<16xf32>
      %mul3A_1149 = arith.mulf %mul3A_1148, %abs3A_1136 : vector<16xf32>
      %sub3A_1150 = arith.subf %add3A_1139, %div3A_1142 : vector<16xf32>
      %mul3A_1151 = arith.mulf %mul3A_1149, %sub3A_1150 : vector<16xf32>
      %sub3A_1152 = arith.subf %mul3A_1146, %mul3A_1151 : vector<16xf32>
      %max3A_1153 = arith.maximumf %mul3A_1145, %sub3A_1152 : vector<16xf32>
      %add3A_1154 = arith.addf %add3A_1110, %max3A_1153 : vector<16xf32>
      %add3A_1155 = arith.constant 0 : i32
      %add3A_1156 = arith.addi %scan3A_1068, %add3A_1155 : i32
      %get3A_1157 = arith.constant 0 : i32
      %get3A_1158 = arith.index_cast %get3A_1157 : i32 to index
      %get3A_1159 = arith.index_cast %add3A_1156 : i32 to index
      %get3A_1160 = arith.constant 32 : index
      %get3A_1161 = tpu.vector_load %arg11[%get3A_1158, %get3A_1159, %get3A_1160] {strides = array<i32>} : memref<2x64x128xf32, #tpu.memory_space<vmem>>, vector<16xf32>,
      %add3A_1162 = arith.constant 32 : i32
      %add3A_1163 = arith.addi %scan3A_1068, %add3A_1162 : i32
      %get3A_1164 = arith.constant 1 : i32
      %get3A_1165 = arith.index_cast %get3A_1164 : i32 to index
      %get3A_1166 = arith.index_cast %add3A_1163 : i32 to index
      %get3A_1167 = arith.constant 32 : index
      %get3A_1168 = tpu.vector_load %arg11[%get3A_1165, %get3A_1166, %get3A_1167] {strides = array<i32>} : memref<2x64x128xf32, #tpu.memory_space<vmem>>, vector<16xf32>,
      %get3A_1169 = arith.constant 0 : i32
      %get3A_1170 = arith.index_cast %scan3A_1068 : i32 to index
      %get3A_1171 = arith.index_cast %get3A_1169 : i32 to index
      %get3A_1172 = arith.constant 32 : index
      %get3A_1173 = tpu.vector_load %arg12[%get3A_1170, %get3A_1171, %get3A_1172] {strides = array<i32>} : memref<32x2x128xf32, #tpu.memory_space<vmem>>, vector<16xf32>,
      %get3A_1174 = arith.constant 0 : i32
      %get3A_1175 = arith.index_cast %scan3A_1068 : i32 to index
      %get3A_1176 = arith.index_cast %get3A_1174 : i32 to index
      %get3A_1177 = arith.constant 32 : index
      %get3A_1178 = tpu.vector_load %arg13[%get3A_1175, %get3A_1176, %get3A_1177] {strides = array<i32>} : memref<32x2x128xf32, #tpu.memory_space<vmem>>, vector<16xf32>,
      %add3A_1179 = arith.addf %get3A_1161, %get3A_1168 : vector<16xf32>
      %abs3A_1180 = math.absf %get3A_1178 : vector<16xf32>
      %add3A_1181 = arith.constant 1.000000e+00 : f32
      %add3A_1182 = vector.broadcast %add3A_1181 : f32 to vector<16xf32>
      %add3A_1183 = arith.addf %abs3A_1180, %add3A_1182 : vector<16xf32>
      %div3A_1184 = arith.constant 1.000000e+00 : f32
      %div3A_1185 = vector.broadcast %div3A_1184 : f32 to vector<16xf32>
      %div3A_1186 = arith.divf %div3A_1185, %add3A_1183 : vector<16xf32>
      %sub3A_1187 = arith.subf %add3A_1179, %get3A_1173 : vector<16xf32>
      %abs3A_1188 = math.absf %sub3A_1187 : vector<16xf32>
      %mul3A_1189 = arith.mulf %abs3A_1188, %div3A_1186 : vector<16xf32>
      %mul3A_1190 = arith.mulf %add3A_1183, %abs3A_1188 : vector<16xf32>
      %mul3A_1191 = arith.constant 5.000000e-01 : f32
      %mul3A_1192 = vector.broadcast %mul3A_1191 : f32 to vector<16xf32>
      %mul3A_1193 = arith.mulf %mul3A_1192, %abs3A_1180 : vector<16xf32>
      %sub3A_1194 = arith.subf %add3A_1183, %div3A_1186 : vector<16xf32>
      %mul3A_1195 = arith.mulf %mul3A_1193, %sub3A_1194 : vector<16xf32>
      %sub3A_1196 = arith.subf %mul3A_1190, %mul3A_1195 : vector<16xf32>
      %max3A_1197 = arith.maximumf %mul3A_1189, %sub3A_1196 : vector<16xf32>
      %add3A_1198 = arith.addf %add3A_1154, %max3A_1197 : vector<16xf32>
      %add3A_1199 = arith.constant 0 : i32
      %add3A_1200 = arith.addi %scan3A_1068, %add3A_1199 : i32
      %get3A_1201 = arith.constant 0 : i32
      %get3A_1202 = arith.index_cast %get3A_1201 : i32 to index
      %get3A_1203 = arith.index_cast %add3A_1200 : i32 to index
      %get3A_1204 = arith.constant 48 : index
      %get3A_1205 = tpu.vector_load %arg11[%get3A_1202, %get3A_1203, %get3A_1204] {strides = array<i32>} : memref<2x64x128xf32, #tpu.memory_space<vmem>>, vector<16xf32>,
      %add3A_1206 = arith.constant 32 : i32
      %add3A_1207 = arith.addi %scan3A_1068, %add3A_1206 : i32
      %get3A_1208 = arith.constant 1 : i32
      %get3A_1209 = arith.index_cast %get3A_1208 : i32 to index
      %get3A_1210 = arith.index_cast %add3A_1207 : i32 to index
      %get3A_1211 = arith.constant 48 : index
      %get3A_1212 = tpu.vector_load %arg11[%get3A_1209, %get3A_1210, %get3A_1211] {strides = array<i32>} : memref<2x64x128xf32, #tpu.memory_space<vmem>>, vector<16xf32>,
      %get3A_1213 = arith.constant 0 : i32
      %get3A_1214 = arith.index_cast %scan3A_1068 : i32 to index
      %get3A_1215 = arith.index_cast %get3A_1213 : i32 to index
      %get3A_1216 = arith.constant 48 : index
      %get3A_1217 = tpu.vector_load %arg12[%get3A_1214, %get3A_1215, %get3A_1216] {strides = array<i32>} : memref<32x2x128xf32, #tpu.memory_space<vmem>>, vector<16xf32>,
      %get3A_1218 = arith.constant 0 : i32
      %get3A_1219 = arith.index_cast %scan3A_1068 : i32 to index
      %get3A_1220 = arith.index_cast %get3A_1218 : i32 to index
      %get3A_1221 = arith.constant 48 : index
      %get3A_1222 = tpu.vector_load %arg13[%get3A_1219, %get3A_1220, %get3A_1221] {strides = array<i32>} : memref<32x2x128xf32, #tpu.memory_space<vmem>>, vector<16xf32>,
      %add3A_1223 = arith.addf %get3A_1205, %get3A_1212 : vector<16xf32>
      %abs3A_1224 = math.absf %get3A_1222 : vector<16xf32>
      %add3A_1225 = arith.constant 1.000000e+00 : f32
      %add3A_1226 = vector.broadcast %add3A_1225 : f32 to vector<16xf32>
      %add3A_1227 = arith.addf %abs3A_1224, %add3A_1226 : vector<16xf32>
      %div3A_1228 = arith.constant 1.000000e+00 : f32
      %div3A_1229 = vector.broadcast %div3A_1228 : f32 to vector<16xf32>
      %div3A_1230 = arith.divf %div3A_1229, %add3A_1227 : vector<16xf32>
      %sub3A_1231 = arith.subf %add3A_1223, %get3A_1217 : vector<16xf32>
      %abs3A_1232 = math.absf %sub3A_1231 : vector<16xf32>
      %mul3A_1233 = arith.mulf %abs3A_1232, %div3A_1230 : vector<16xf32>
      %mul3A_1234 = arith.mulf %add3A_1227, %abs3A_1232 : vector<16xf32>
      %mul3A_1235 = arith.constant 5.000000e-01 : f32
      %mul3A_1236 = vector.broadcast %mul3A_1235 : f32 to vector<16xf32>
      %mul3A_1237 = arith.mulf %mul3A_1236, %abs3A_1224 : vector<16xf32>
      %sub3A_1238 = arith.subf %add3A_1227, %div3A_1230 : vector<16xf32>
      %mul3A_1239 = arith.mulf %mul3A_1237, %sub3A_1238 : vector<16xf32>
      %sub3A_1240 = arith.subf %mul3A_1234, %mul3A_1239 : vector<16xf32>
      %max3A_1241 = arith.maximumf %mul3A_1233, %sub3A_1240 : vector<16xf32>
      %add3A_1242 = arith.addf %add3A_1198, %max3A_1241 : vector<16xf32>
      %add3A_1243 = arith.constant 0 : i32
      %add3A_1244 = arith.addi %scan3A_1068, %add3A_1243 : i32
      %get3A_1245 = arith.constant 0 : i32
      %get3A_1246 = arith.index_cast %get3A_1245 : i32 to index
      %get3A_1247 = arith.index_cast %add3A_1244 : i32 to index
      %get3A_1248 = arith.constant 64 : index
      %get3A_1249 = tpu.vector_load %arg11[%get3A_1246, %get3A_1247, %get3A_1248] {strides = array<i32>} : memref<2x64x128xf32, #tpu.memory_space<vmem>>, vector<16xf32>,
      %add3A_1250 = arith.constant 32 : i32
      %add3A_1251 = arith.addi %scan3A_1068, %add3A_1250 : i32
      %get3A_1252 = arith.constant 1 : i32
      %get3A_1253 = arith.index_cast %get3A_1252 : i32 to index
      %get3A_1254 = arith.index_cast %add3A_1251 : i32 to index
      %get3A_1255 = arith.constant 64 : index
      %get3A_1256 = tpu.vector_load %arg11[%get3A_1253, %get3A_1254, %get3A_1255] {strides = array<i32>} : memref<2x64x128xf32, #tpu.memory_space<vmem>>, vector<16xf32>,
      %get3A_1257 = arith.constant 0 : i32
      %get3A_1258 = arith.index_cast %scan3A_1068 : i32 to index
      %get3A_1259 = arith.index_cast %get3A_1257 : i32 to index
      %get3A_1260 = arith.constant 64 : index
      %get3A_1261 = tpu.vector_load %arg12[%get3A_1258, %get3A_1259, %get3A_1260] {strides = array<i32>} : memref<32x2x128xf32, #tpu.memory_space<vmem>>, vector<16xf32>,
      %get3A_1262 = arith.constant 0 : i32
      %get3A_1263 = arith.index_cast %scan3A_1068 : i32 to index
      %get3A_1264 = arith.index_cast %get3A_1262 : i32 to index
      %get3A_1265 = arith.constant 64 : index
      %get3A_1266 = tpu.vector_load %arg13[%get3A_1263, %get3A_1264, %get3A_1265] {strides = array<i32>} : memref<32x2x128xf32, #tpu.memory_space<vmem>>, vector<16xf32>,
      %add3A_1267 = arith.addf %get3A_1249, %get3A_1256 : vector<16xf32>
      %abs3A_1268 = math.absf %get3A_1266 : vector<16xf32>
      %add3A_1269 = arith.constant 1.000000e+00 : f32
      %add3A_1270 = vector.broadcast %add3A_1269 : f32 to vector<16xf32>
      %add3A_1271 = arith.addf %abs3A_1268, %add3A_1270 : vector<16xf32>
      %div3A_1272 = arith.constant 1.000000e+00 : f32
      %div3A_1273 = vector.broadcast %div3A_1272 : f32 to vector<16xf32>
      %div3A_1274 = arith.divf %div3A_1273, %add3A_1271 : vector<16xf32>
      %sub3A_1275 = arith.subf %add3A_1267, %get3A_1261 : vector<16xf32>
      %abs3A_1276 = math.absf %sub3A_1275 : vector<16xf32>
      %mul3A_1277 = arith.mulf %abs3A_1276, %div3A_1274 : vector<16xf32>
      %mul3A_1278 = arith.mulf %add3A_1271, %abs3A_1276 : vector<16xf32>
      %mul3A_1279 = arith.constant 5.000000e-01 : f32
      %mul3A_1280 = vector.broadcast %mul3A_1279 : f32 to vector<16xf32>
      %mul3A_1281 = arith.mulf %mul3A_1280, %abs3A_1268 : vector<16xf32>
      %sub3A_1282 = arith.subf %add3A_1271, %div3A_1274 : vector<16xf32>
      %mul3A_1283 = arith.mulf %mul3A_1281, %sub3A_1282 : vector<16xf32>
      %sub3A_1284 = arith.subf %mul3A_1278, %mul3A_1283 : vector<16xf32>
      %max3A_1285 = arith.maximumf %mul3A_1277, %sub3A_1284 : vector<16xf32>
      %add3A_1286 = arith.addf %add3A_1242, %max3A_1285 : vector<16xf32>
      %add3A_1287 = arith.constant 0 : i32
      %add3A_1288 = arith.addi %scan3A_1068, %add3A_1287 : i32
      %get3A_1289 = arith.constant 0 : i32
      %get3A_1290 = arith.index_cast %get3A_1289 : i32 to index
      %get3A_1291 = arith.index_cast %add3A_1288 : i32 to index
      %get3A_1292 = arith.constant 80 : index
      %get3A_1293 = tpu.vector_load %arg11[%get3A_1290, %get3A_1291, %get3A_1292] {strides = array<i32>} : memref<2x64x128xf32, #tpu.memory_space<vmem>>, vector<16xf32>,
      %add3A_1294 = arith.constant 32 : i32
      %add3A_1295 = arith.addi %scan3A_1068, %add3A_1294 : i32
      %get3A_1296 = arith.constant 1 : i32
      %get3A_1297 = arith.index_cast %get3A_1296 : i32 to index
      %get3A_1298 = arith.index_cast %add3A_1295 : i32 to index
      %get3A_1299 = arith.constant 80 : index
      %get3A_1300 = tpu.vector_load %arg11[%get3A_1297, %get3A_1298, %get3A_1299] {strides = array<i32>} : memref<2x64x128xf32, #tpu.memory_space<vmem>>, vector<16xf32>,
      %get3A_1301 = arith.constant 0 : i32
      %get3A_1302 = arith.index_cast %scan3A_1068 : i32 to index
      %get3A_1303 = arith.index_cast %get3A_1301 : i32 to index
      %get3A_1304 = arith.constant 80 : index
      %get3A_1305 = tpu.vector_load %arg12[%get3A_1302, %get3A_1303, %get3A_1304] {strides = array<i32>} : memref<32x2x128xf32, #tpu.memory_space<vmem>>, vector<16xf32>,
      %get3A_1306 = arith.constant 0 : i32
      %get3A_1307 = arith.index_cast %scan3A_1068 : i32 to index
      %get3A_1308 = arith.index_cast %get3A_1306 : i32 to index
      %get3A_1309 = arith.constant 80 : index
      %get3A_1310 = tpu.vector_load %arg13[%get3A_1307, %get3A_1308, %get3A_1309] {strides = array<i32>} : memref<32x2x128xf32, #tpu.memory_space<vmem>>, vector<16xf32>,
      %add3A_1311 = arith.addf %get3A_1293, %get3A_1300 : vector<16xf32>
      %abs3A_1312 = math.absf %get3A_1310 : vector<16xf32>
      %add3A_1313 = arith.constant 1.000000e+00 : f32
      %add3A_1314 = vector.broadcast %add3A_1313 : f32 to vector<16xf32>
      %add3A_1315 = arith.addf %abs3A_1312, %add3A_1314 : vector<16xf32>
      %div3A_1316 = arith.constant 1.000000e+00 : f32
      %div3A_1317 = vector.broadcast %div3A_1316 : f32 to vector<16xf32>
      %div3A_1318 = arith.divf %div3A_1317, %add3A_1315 : vector<16xf32>
      %sub3A_1319 = arith.subf %add3A_1311, %get3A_1305 : vector<16xf32>
      %abs3A_1320 = math.absf %sub3A_1319 : vector<16xf32>
      %mul3A_1321 = arith.mulf %abs3A_1320, %div3A_1318 : vector<16xf32>
      %mul3A_1322 = arith.mulf %add3A_1315, %abs3A_1320 : vector<16xf32>
      %mul3A_1323 = arith.constant 5.000000e-01 : f32
      %mul3A_1324 = vector.broadcast %mul3A_1323 : f32 to vector<16xf32>
      %mul3A_1325 = arith.mulf %mul3A_1324, %abs3A_1312 : vector<16xf32>
      %sub3A_1326 = arith.subf %add3A_1315, %div3A_1318 : vector<16xf32>
      %mul3A_1327 = arith.mulf %mul3A_1325, %sub3A_1326 : vector<16xf32>
      %sub3A_1328 = arith.subf %mul3A_1322, %mul3A_1327 : vector<16xf32>
      %max3A_1329 = arith.maximumf %mul3A_1321, %sub3A_1328 : vector<16xf32>
      %add3A_1330 = arith.addf %add3A_1286, %max3A_1329 : vector<16xf32>
      %add3A_1331 = arith.constant 0 : i32
      %add3A_1332 = arith.addi %scan3A_1068, %add3A_1331 : i32
      %get3A_1333 = arith.constant 0 : i32
      %get3A_1334 = arith.index_cast %get3A_1333 : i32 to index
      %get3A_1335 = arith.index_cast %add3A_1332 : i32 to index
      %get3A_1336 = arith.constant 96 : index
      %get3A_1337 = tpu.vector_load %arg11[%get3A_1334, %get3A_1335, %get3A_1336] {strides = array<i32>} : memref<2x64x128xf32, #tpu.memory_space<vmem>>, vector<16xf32>,
      %add3A_1338 = arith.constant 32 : i32
      %add3A_1339 = arith.addi %scan3A_1068, %add3A_1338 : i32
      %get3A_1340 = arith.constant 1 : i32
      %get3A_1341 = arith.index_cast %get3A_1340 : i32 to index
      %get3A_1342 = arith.index_cast %add3A_1339 : i32 to index
      %get3A_1343 = arith.constant 96 : index
      %get3A_1344 = tpu.vector_load %arg11[%get3A_1341, %get3A_1342, %get3A_1343] {strides = array<i32>} : memref<2x64x128xf32, #tpu.memory_space<vmem>>, vector<16xf32>,
      %get3A_1345 = arith.constant 0 : i32
      %get3A_1346 = arith.index_cast %scan3A_1068 : i32 to index
      %get3A_1347 = arith.index_cast %get3A_1345 : i32 to index
      %get3A_1348 = arith.constant 96 : index
      %get3A_1349 = tpu.vector_load %arg12[%get3A_1346, %get3A_1347, %get3A_1348] {strides = array<i32>} : memref<32x2x128xf32, #tpu.memory_space<vmem>>, vector<16xf32>,
      %get3A_1350 = arith.constant 0 : i32
      %get3A_1351 = arith.index_cast %scan3A_1068 : i32 to index
      %get3A_1352 = arith.index_cast %get3A_1350 : i32 to index
      %get3A_1353 = arith.constant 96 : index
      %get3A_1354 = tpu.vector_load %arg13[%get3A_1351, %get3A_1352, %get3A_1353] {strides = array<i32>} : memref<32x2x128xf32, #tpu.memory_space<vmem>>, vector<16xf32>,
      %add3A_1355 = arith.addf %get3A_1337, %get3A_1344 : vector<16xf32>
      %abs3A_1356 = math.absf %get3A_1354 : vector<16xf32>
      %add3A_1357 = arith.constant 1.000000e+00 : f32
      %add3A_1358 = vector.broadcast %add3A_1357 : f32 to vector<16xf32>
      %add3A_1359 = arith.addf %abs3A_1356, %add3A_1358 : vector<16xf32>
      %div3A_1360 = arith.constant 1.000000e+00 : f32
      %div3A_1361 = vector.broadcast %div3A_1360 : f32 to vector<16xf32>
      %div3A_1362 = arith.divf %div3A_1361, %add3A_1359 : vector<16xf32>
      %sub3A_1363 = arith.subf %add3A_1355, %get3A_1349 : vector<16xf32>
      %abs3A_1364 = math.absf %sub3A_1363 : vector<16xf32>
      %mul3A_1365 = arith.mulf %abs3A_1364, %div3A_1362 : vector<16xf32>
      %mul3A_1366 = arith.mulf %add3A_1359, %abs3A_1364 : vector<16xf32>
      %mul3A_1367 = arith.constant 5.000000e-01 : f32
      %mul3A_1368 = vector.broadcast %mul3A_1367 : f32 to vector<16xf32>
      %mul3A_1369 = arith.mulf %mul3A_1368, %abs3A_1356 : vector<16xf32>
      %sub3A_1370 = arith.subf %add3A_1359, %div3A_1362 : vector<16xf32>
      %mul3A_1371 = arith.mulf %mul3A_1369, %sub3A_1370 : vector<16xf32>
      %sub3A_1372 = arith.subf %mul3A_1366, %mul3A_1371 : vector<16xf32>
      %max3A_1373 = arith.maximumf %mul3A_1365, %sub3A_1372 : vector<16xf32>
      %add3A_1374 = arith.addf %add3A_1330, %max3A_1373 : vector<16xf32>
      %add3A_1375 = arith.constant 0 : i32
      %add3A_1376 = arith.addi %scan3A_1068, %add3A_1375 : i32
      %get3A_1377 = arith.constant 0 : i32
      %get3A_1378 = arith.index_cast %get3A_1377 : i32 to index
      %get3A_1379 = arith.index_cast %add3A_1376 : i32 to index
      %get3A_1380 = arith.constant 112 : index
      %get3A_1381 = tpu.vector_load %arg11[%get3A_1378, %get3A_1379, %get3A_1380] {strides = array<i32>} : memref<2x64x128xf32, #tpu.memory_space<vmem>>, vector<16xf32>,
      %add3A_1382 = arith.constant 32 : i32
      %add3A_1383 = arith.addi %scan3A_1068, %add3A_1382 : i32
      %get3A_1384 = arith.constant 1 : i32
      %get3A_1385 = arith.index_cast %get3A_1384 : i32 to index
      %get3A_1386 = arith.index_cast %add3A_1383 : i32 to index
      %get3A_1387 = arith.constant 112 : index
      %get3A_1388 = tpu.vector_load %arg11[%get3A_1385, %get3A_1386, %get3A_1387] {strides = array<i32>} : memref<2x64x128xf32, #tpu.memory_space<vmem>>, vector<16xf32>,
      %get3A_1389 = arith.constant 0 : i32
      %get3A_1390 = arith.index_cast %scan3A_1068 : i32 to index
      %get3A_1391 = arith.index_cast %get3A_1389 : i32 to index
      %get3A_1392 = arith.constant 112 : index
      %get3A_1393 = tpu.vector_load %arg12[%get3A_1390, %get3A_1391, %get3A_1392] {strides = array<i32>} : memref<32x2x128xf32, #tpu.memory_space<vmem>>, vector<16xf32>,
      %get3A_1394 = arith.constant 0 : i32
      %get3A_1395 = arith.index_cast %scan3A_1068 : i32 to index
      %get3A_1396 = arith.index_cast %get3A_1394 : i32 to index
      %get3A_1397 = arith.constant 112 : index
      %get3A_1398 = tpu.vector_load %arg13[%get3A_1395, %get3A_1396, %get3A_1397] {strides = array<i32>} : memref<32x2x128xf32, #tpu.memory_space<vmem>>, vector<16xf32>,
      %add3A_1399 = arith.addf %get3A_1381, %get3A_1388 : vector<16xf32>
      %abs3A_1400 = math.absf %get3A_1398 : vector<16xf32>
      %add3A_1401 = arith.constant 1.000000e+00 : f32
      %add3A_1402 = vector.broadcast %add3A_1401 : f32 to vector<16xf32>
      %add3A_1403 = arith.addf %abs3A_1400, %add3A_1402 : vector<16xf32>
      %div3A_1404 = arith.constant 1.000000e+00 : f32
      %div3A_1405 = vector.broadcast %div3A_1404 : f32 to vector<16xf32>
      %div3A_1406 = arith.divf %div3A_1405, %add3A_1403 : vector<16xf32>
      %sub3A_1407 = arith.subf %add3A_1399, %get3A_1393 : vector<16xf32>
      %abs3A_1408 = math.absf %sub3A_1407 : vector<16xf32>
      %mul3A_1409 = arith.mulf %abs3A_1408, %div3A_1406 : vector<16xf32>
      %mul3A_1410 = arith.mulf %add3A_1403, %abs3A_1408 : vector<16xf32>
      %mul3A_1411 = arith.constant 5.000000e-01 : f32
      %mul3A_1412 = vector.broadcast %mul3A_1411 : f32 to vector<16xf32>
      %mul3A_1413 = arith.mulf %mul3A_1412, %abs3A_1400 : vector<16xf32>
      %sub3A_1414 = arith.subf %add3A_1403, %div3A_1406 : vector<16xf32>
      %mul3A_1415 = arith.mulf %mul3A_1413, %sub3A_1414 : vector<16xf32>
      %sub3A_1416 = arith.subf %mul3A_1410, %mul3A_1415 : vector<16xf32>
      %max3A_1417 = arith.maximumf %mul3A_1409, %sub3A_1416 : vector<16xf32>
      %add3A_1418 = arith.addf %add3A_1374, %max3A_1417 : vector<16xf32>
      %add3A_1419 = arith.constant 32 : i32
      %add3A_1420 = arith.addi %scan3A_1068, %add3A_1419 : i32
      %get3A_1421 = arith.constant 0 : i32
      %get3A_1422 = arith.index_cast %get3A_1421 : i32 to index
      %get3A_1423 = arith.index_cast %add3A_1420 : i32 to index
      %get3A_1424 = arith.constant 0 : index
      %get3A_1425 = tpu.vector_load %arg11[%get3A_1422, %get3A_1423, %get3A_1424] {strides = array<i32>} : memref<2x64x128xf32, #tpu.memory_space<vmem>>, vector<16xf32>,
      %add3A_1426 = arith.constant 0 : i32
      %add3A_1427 = arith.addi %scan3A_1068, %add3A_1426 : i32
      %get3A_1428 = arith.constant 1 : i32
      %get3A_1429 = arith.index_cast %get3A_1428 : i32 to index
      %get3A_1430 = arith.index_cast %add3A_1427 : i32 to index
      %get3A_1431 = arith.constant 0 : index
      %get3A_1432 = tpu.vector_load %arg11[%get3A_1429, %get3A_1430, %get3A_1431] {strides = array<i32>} : memref<2x64x128xf32, #tpu.memory_space<vmem>>, vector<16xf32>,
      %get3A_1433 = arith.constant 1 : i32
      %get3A_1434 = arith.index_cast %scan3A_1068 : i32 to index
      %get3A_1435 = arith.index_cast %get3A_1433 : i32 to index
      %get3A_1436 = arith.constant 0 : index
      %get3A_1437 = tpu.vector_load %arg12[%get3A_1434, %get3A_1435, %get3A_1436] {strides = array<i32>} : memref<32x2x128xf32, #tpu.memory_space<vmem>>, vector<16xf32>,
      %get3A_1438 = arith.constant 1 : i32
      %get3A_1439 = arith.index_cast %scan3A_1068 : i32 to index
      %get3A_1440 = arith.index_cast %get3A_1438 : i32 to index
      %get3A_1441 = arith.constant 0 : index
      %get3A_1442 = tpu.vector_load %arg13[%get3A_1439, %get3A_1440, %get3A_1441] {strides = array<i32>} : memref<32x2x128xf32, #tpu.memory_space<vmem>>, vector<16xf32>,
      %add3A_1443 = arith.addf %get3A_1425, %get3A_1432 : vector<16xf32>
      %abs3A_1444 = math.absf %get3A_1442 : vector<16xf32>
      %add3A_1445 = arith.constant 1.000000e+00 : f32
      %add3A_1446 = vector.broadcast %add3A_1445 : f32 to vector<16xf32>
      %add3A_1447 = arith.addf %abs3A_1444, %add3A_1446 : vector<16xf32>
      %div3A_1448 = arith.constant 1.000000e+00 : f32
      %div3A_1449 = vector.broadcast %div3A_1448 : f32 to vector<16xf32>
      %div3A_1450 = arith.divf %div3A_1449, %add3A_1447 : vector<16xf32>
      %sub3A_1451 = arith.subf %add3A_1443, %get3A_1437 : vector<16xf32>
      %abs3A_1452 = math.absf %sub3A_1451 : vector<16xf32>
      %mul3A_1453 = arith.mulf %abs3A_1452, %div3A_1450 : vector<16xf32>
      %mul3A_1454 = arith.mulf %add3A_1447, %abs3A_1452 : vector<16xf32>
      %mul3A_1455 = arith.constant 5.000000e-01 : f32
      %mul3A_1456 = vector.broadcast %mul3A_1455 : f32 to vector<16xf32>
      %mul3A_1457 = arith.mulf %mul3A_1456, %abs3A_1444 : vector<16xf32>
      %sub3A_1458 = arith.subf %add3A_1447, %div3A_1450 : vector<16xf32>
      %mul3A_1459 = arith.mulf %mul3A_1457, %sub3A_1458 : vector<16xf32>
      %sub3A_1460 = arith.subf %mul3A_1454, %mul3A_1459 : vector<16xf32>
      %max3A_1461 = arith.maximumf %mul3A_1453, %sub3A_1460 : vector<16xf32>
      %add3A_1462 = arith.addf %add3A_1418, %max3A_1461 : vector<16xf32>
      %add3A_1463 = arith.constant 32 : i32
      %add3A_1464 = arith.addi %scan3A_1068, %add3A_1463 : i32
      %get3A_1465 = arith.constant 0 : i32
      %get3A_1466 = arith.index_cast %get3A_1465 : i32 to index
      %get3A_1467 = arith.index_cast %add3A_1464 : i32 to index
      %get3A_1468 = arith.constant 16 : index
      %get3A_1469 = tpu.vector_load %arg11[%get3A_1466, %get3A_1467, %get3A_1468] {strides = array<i32>} : memref<2x64x128xf32, #tpu.memory_space<vmem>>, vector<16xf32>,
      %add3A_1470 = arith.constant 0 : i32
      %add3A_1471 = arith.addi %scan3A_1068, %add3A_1470 : i32
      %get3A_1472 = arith.constant 1 : i32
      %get3A_1473 = arith.index_cast %get3A_1472 : i32 to index
      %get3A_1474 = arith.index_cast %add3A_1471 : i32 to index
      %get3A_1475 = arith.constant 16 : index
      %get3A_1476 = tpu.vector_load %arg11[%get3A_1473, %get3A_1474, %get3A_1475] {strides = array<i32>} : memref<2x64x128xf32, #tpu.memory_space<vmem>>, vector<16xf32>,
      %get3A_1477 = arith.constant 1 : i32
      %get3A_1478 = arith.index_cast %scan3A_1068 : i32 to index
      %get3A_1479 = arith.index_cast %get3A_1477 : i32 to index
      %get3A_1480 = arith.constant 16 : index
      %get3A_1481 = tpu.vector_load %arg12[%get3A_1478, %get3A_1479, %get3A_1480] {strides = array<i32>} : memref<32x2x128xf32, #tpu.memory_space<vmem>>, vector<16xf32>,
      %get3A_1482 = arith.constant 1 : i32
      %get3A_1483 = arith.index_cast %scan3A_1068 : i32 to index
      %get3A_1484 = arith.index_cast %get3A_1482 : i32 to index
      %get3A_1485 = arith.constant 16 : index
      %get3A_1486 = tpu.vector_load %arg13[%get3A_1483, %get3A_1484, %get3A_1485] {strides = array<i32>} : memref<32x2x128xf32, #tpu.memory_space<vmem>>, vector<16xf32>,
      %add3A_1487 = arith.addf %get3A_1469, %get3A_1476 : vector<16xf32>
      %abs3A_1488 = math.absf %get3A_1486 : vector<16xf32>
      %add3A_1489 = arith.constant 1.000000e+00 : f32
      %add3A_1490 = vector.broadcast %add3A_1489 : f32 to vector<16xf32>
      %add3A_1491 = arith.addf %abs3A_1488, %add3A_1490 : vector<16xf32>
      %div3A_1492 = arith.constant 1.000000e+00 : f32
      %div3A_1493 = vector.broadcast %div3A_1492 : f32 to vector<16xf32>
      %div3A_1494 = arith.divf %div3A_1493, %add3A_1491 : vector<16xf32>
      %sub3A_1495 = arith.subf %add3A_1487, %get3A_1481 : vector<16xf32>
      %abs3A_1496 = math.absf %sub3A_1495 : vector<16xf32>
      %mul3A_1497 = arith.mulf %abs3A_1496, %div3A_1494 : vector<16xf32>
      %mul3A_1498 = arith.mulf %add3A_1491, %abs3A_1496 : vector<16xf32>
      %mul3A_1499 = arith.constant 5.000000e-01 : f32
      %mul3A_1500 = vector.broadcast %mul3A_1499 : f32 to vector<16xf32>
      %mul3A_1501 = arith.mulf %mul3A_1500, %abs3A_1488 : vector<16xf32>
      %sub3A_1502 = arith.subf %add3A_1491, %div3A_1494 : vector<16xf32>
      %mul3A_1503 = arith.mulf %mul3A_1501, %sub3A_1502 : vector<16xf32>
      %sub3A_1504 = arith.subf %mul3A_1498, %mul3A_1503 : vector<16xf32>
      %max3A_1505 = arith.maximumf %mul3A_1497, %sub3A_1504 : vector<16xf32>
      %add3A_1506 = arith.addf %add3A_1462, %max3A_1505 : vector<16xf32>
      %add3A_1507 = arith.constant 32 : i32
      %add3A_1508 = arith.addi %scan3A_1068, %add3A_1507 : i32
      %get3A_1509 = arith.constant 0 : i32
      %get3A_1510 = arith.index_cast %get3A_1509 : i32 to index
      %get3A_1511 = arith.index_cast %add3A_1508 : i32 to index
      %get3A_1512 = arith.constant 32 : index
      %get3A_1513 = tpu.vector_load %arg11[%get3A_1510, %get3A_1511, %get3A_1512] {strides = array<i32>} : memref<2x64x128xf32, #tpu.memory_space<vmem>>, vector<16xf32>,
      %add3A_1514 = arith.constant 0 : i32
      %add3A_1515 = arith.addi %scan3A_1068, %add3A_1514 : i32
      %get3A_1516 = arith.constant 1 : i32
      %get3A_1517 = arith.index_cast %get3A_1516 : i32 to index
      %get3A_1518 = arith.index_cast %add3A_1515 : i32 to index
      %get3A_1519 = arith.constant 32 : index
      %get3A_1520 = tpu.vector_load %arg11[%get3A_1517, %get3A_1518, %get3A_1519] {strides = array<i32>} : memref<2x64x128xf32, #tpu.memory_space<vmem>>, vector<16xf32>,
      %get3A_1521 = arith.constant 1 : i32
      %get3A_1522 = arith.index_cast %scan3A_1068 : i32 to index
      %get3A_1523 = arith.index_cast %get3A_1521 : i32 to index
      %get3A_1524 = arith.constant 32 : index
      %get3A_1525 = tpu.vector_load %arg12[%get3A_1522, %get3A_1523, %get3A_1524] {strides = array<i32>} : memref<32x2x128xf32, #tpu.memory_space<vmem>>, vector<16xf32>,
      %get3A_1526 = arith.constant 1 : i32
      %get3A_1527 = arith.index_cast %scan3A_1068 : i32 to index
      %get3A_1528 = arith.index_cast %get3A_1526 : i32 to index
      %get3A_1529 = arith.constant 32 : index
      %get3A_1530 = tpu.vector_load %arg13[%get3A_1527, %get3A_1528, %get3A_1529] {strides = array<i32>} : memref<32x2x128xf32, #tpu.memory_space<vmem>>, vector<16xf32>,
      %add3A_1531 = arith.addf %get3A_1513, %get3A_1520 : vector<16xf32>
      %abs3A_1532 = math.absf %get3A_1530 : vector<16xf32>
      %add3A_1533 = arith.constant 1.000000e+00 : f32
      %add3A_1534 = vector.broadcast %add3A_1533 : f32 to vector<16xf32>
      %add3A_1535 = arith.addf %abs3A_1532, %add3A_1534 : vector<16xf32>
      %div3A_1536 = arith.constant 1.000000e+00 : f32
      %div3A_1537 = vector.broadcast %div3A_1536 : f32 to vector<16xf32>
      %div3A_1538 = arith.divf %div3A_1537, %add3A_1535 : vector<16xf32>
      %sub3A_1539 = arith.subf %add3A_1531, %get3A_1525 : vector<16xf32>
      %abs3A_1540 = math.absf %sub3A_1539 : vector<16xf32>
      %mul3A_1541 = arith.mulf %abs3A_1540, %div3A_1538 : vector<16xf32>
      %mul3A_1542 = arith.mulf %add3A_1535, %abs3A_1540 : vector<16xf32>
      %mul3A_1543 = arith.constant 5.000000e-01 : f32
      %mul3A_1544 = vector.broadcast %mul3A_1543 : f32 to vector<16xf32>
      %mul3A_1545 = arith.mulf %mul3A_1544, %abs3A_1532 : vector<16xf32>
      %sub3A_1546 = arith.subf %add3A_1535, %div3A_1538 : vector<16xf32>
      %mul3A_1547 = arith.mulf %mul3A_1545, %sub3A_1546 : vector<16xf32>
      %sub3A_1548 = arith.subf %mul3A_1542, %mul3A_1547 : vector<16xf32>
      %max3A_1549 = arith.maximumf %mul3A_1541, %sub3A_1548 : vector<16xf32>
      %add3A_1550 = arith.addf %add3A_1506, %max3A_1549 : vector<16xf32>
      %add3A_1551 = arith.constant 32 : i32
      %add3A_1552 = arith.addi %scan3A_1068, %add3A_1551 : i32
      %get3A_1553 = arith.constant 0 : i32
      %get3A_1554 = arith.index_cast %get3A_1553 : i32 to index
      %get3A_1555 = arith.index_cast %add3A_1552 : i32 to index
      %get3A_1556 = arith.constant 48 : index
      %get3A_1557 = tpu.vector_load %arg11[%get3A_1554, %get3A_1555, %get3A_1556] {strides = array<i32>} : memref<2x64x128xf32, #tpu.memory_space<vmem>>, vector<16xf32>,
      %add3A_1558 = arith.constant 0 : i32
      %add3A_1559 = arith.addi %scan3A_1068, %add3A_1558 : i32
      %get3A_1560 = arith.constant 1 : i32
      %get3A_1561 = arith.index_cast %get3A_1560 : i32 to index
      %get3A_1562 = arith.index_cast %add3A_1559 : i32 to index
      %get3A_1563 = arith.constant 48 : index
      %get3A_1564 = tpu.vector_load %arg11[%get3A_1561, %get3A_1562, %get3A_1563] {strides = array<i32>} : memref<2x64x128xf32, #tpu.memory_space<vmem>>, vector<16xf32>,
      %get3A_1565 = arith.constant 1 : i32
      %get3A_1566 = arith.index_cast %scan3A_1068 : i32 to index
      %get3A_1567 = arith.index_cast %get3A_1565 : i32 to index
      %get3A_1568 = arith.constant 48 : index
      %get3A_1569 = tpu.vector_load %arg12[%get3A_1566, %get3A_1567, %get3A_1568] {strides = array<i32>} : memref<32x2x128xf32, #tpu.memory_space<vmem>>, vector<16xf32>,
      %get3A_1570 = arith.constant 1 : i32
      %get3A_1571 = arith.index_cast %scan3A_1068 : i32 to index
      %get3A_1572 = arith.index_cast %get3A_1570 : i32 to index
      %get3A_1573 = arith.constant 48 : index
      %get3A_1574 = tpu.vector_load %arg13[%get3A_1571, %get3A_1572, %get3A_1573] {strides = array<i32>} : memref<32x2x128xf32, #tpu.memory_space<vmem>>, vector<16xf32>,
      %add3A_1575 = arith.addf %get3A_1557, %get3A_1564 : vector<16xf32>
      %abs3A_1576 = math.absf %get3A_1574 : vector<16xf32>
      %add3A_1577 = arith.constant 1.000000e+00 : f32
      %add3A_1578 = vector.broadcast %add3A_1577 : f32 to vector<16xf32>
      %add3A_1579 = arith.addf %abs3A_1576, %add3A_1578 : vector<16xf32>
      %div3A_1580 = arith.constant 1.000000e+00 : f32
      %div3A_1581 = vector.broadcast %div3A_1580 : f32 to vector<16xf32>
      %div3A_1582 = arith.divf %div3A_1581, %add3A_1579 : vector<16xf32>
      %sub3A_1583 = arith.subf %add3A_1575, %get3A_1569 : vector<16xf32>
      %abs3A_1584 = math.absf %sub3A_1583 : vector<16xf32>
      %mul3A_1585 = arith.mulf %abs3A_1584, %div3A_1582 : vector<16xf32>
      %mul3A_1586 = arith.mulf %add3A_1579, %abs3A_1584 : vector<16xf32>
      %mul3A_1587 = arith.constant 5.000000e-01 : f32
      %mul3A_1588 = vector.broadcast %mul3A_1587 : f32 to vector<16xf32>
      %mul3A_1589 = arith.mulf %mul3A_1588, %abs3A_1576 : vector<16xf32>
      %sub3A_1590 = arith.subf %add3A_1579, %div3A_1582 : vector<16xf32>
      %mul3A_1591 = arith.mulf %mul3A_1589, %sub3A_1590 : vector<16xf32>
      %sub3A_1592 = arith.subf %mul3A_1586, %mul3A_1591 : vector<16xf32>
      %max3A_1593 = arith.maximumf %mul3A_1585, %sub3A_1592 : vector<16xf32>
      %add3A_1594 = arith.addf %add3A_1550, %max3A_1593 : vector<16xf32>
      %add3A_1595 = arith.constant 32 : i32
      %add3A_1596 = arith.addi %scan3A_1068, %add3A_1595 : i32
      %get3A_1597 = arith.constant 0 : i32
      %get3A_1598 = arith.index_cast %get3A_1597 : i32 to index
      %get3A_1599 = arith.index_cast %add3A_1596 : i32 to index
      %get3A_1600 = arith.constant 64 : index
      %get3A_1601 = tpu.vector_load %arg11[%get3A_1598, %get3A_1599, %get3A_1600] {strides = array<i32>} : memref<2x64x128xf32, #tpu.memory_space<vmem>>, vector<16xf32>,
      %add3A_1602 = arith.constant 0 : i32
      %add3A_1603 = arith.addi %scan3A_1068, %add3A_1602 : i32
      %get3A_1604 = arith.constant 1 : i32
      %get3A_1605 = arith.index_cast %get3A_1604 : i32 to index
      %get3A_1606 = arith.index_cast %add3A_1603 : i32 to index
      %get3A_1607 = arith.constant 64 : index
      %get3A_1608 = tpu.vector_load %arg11[%get3A_1605, %get3A_1606, %get3A_1607] {strides = array<i32>} : memref<2x64x128xf32, #tpu.memory_space<vmem>>, vector<16xf32>,
      %get3A_1609 = arith.constant 1 : i32
      %get3A_1610 = arith.index_cast %scan3A_1068 : i32 to index
      %get3A_1611 = arith.index_cast %get3A_1609 : i32 to index
      %get3A_1612 = arith.constant 64 : index
      %get3A_1613 = tpu.vector_load %arg12[%get3A_1610, %get3A_1611, %get3A_1612] {strides = array<i32>} : memref<32x2x128xf32, #tpu.memory_space<vmem>>, vector<16xf32>,
      %get3A_1614 = arith.constant 1 : i32
      %get3A_1615 = arith.index_cast %scan3A_1068 : i32 to index
      %get3A_1616 = arith.index_cast %get3A_1614 : i32 to index
      %get3A_1617 = arith.constant 64 : index
      %get3A_1618 = tpu.vector_load %arg13[%get3A_1615, %get3A_1616, %get3A_1617] {strides = array<i32>} : memref<32x2x128xf32, #tpu.memory_space<vmem>>, vector<16xf32>,
      %add3A_1619 = arith.addf %get3A_1601, %get3A_1608 : vector<16xf32>
      %abs3A_1620 = math.absf %get3A_1618 : vector<16xf32>
      %add3A_1621 = arith.constant 1.000000e+00 : f32
      %add3A_1622 = vector.broadcast %add3A_1621 : f32 to vector<16xf32>
      %add3A_1623 = arith.addf %abs3A_1620, %add3A_1622 : vector<16xf32>
      %div3A_1624 = arith.constant 1.000000e+00 : f32
      %div3A_1625 = vector.broadcast %div3A_1624 : f32 to vector<16xf32>
      %div3A_1626 = arith.divf %div3A_1625, %add3A_1623 : vector<16xf32>
      %sub3A_1627 = arith.subf %add3A_1619, %get3A_1613 : vector<16xf32>
      %abs3A_1628 = math.absf %sub3A_1627 : vector<16xf32>
      %mul3A_1629 = arith.mulf %abs3A_1628, %div3A_1626 : vector<16xf32>
      %mul3A_1630 = arith.mulf %add3A_1623, %abs3A_1628 : vector<16xf32>
      %mul3A_1631 = arith.constant 5.000000e-01 : f32
      %mul3A_1632 = vector.broadcast %mul3A_1631 : f32 to vector<16xf32>
      %mul3A_1633 = arith.mulf %mul3A_1632, %abs3A_1620 : vector<16xf32>
      %sub3A_1634 = arith.subf %add3A_1623, %div3A_1626 : vector<16xf32>
      %mul3A_1635 = arith.mulf %mul3A_1633, %sub3A_1634 : vector<16xf32>
      %sub3A_1636 = arith.subf %mul3A_1630, %mul3A_1635 : vector<16xf32>
      %max3A_1637 = arith.maximumf %mul3A_1629, %sub3A_1636 : vector<16xf32>
      %add3A_1638 = arith.addf %add3A_1594, %max3A_1637 : vector<16xf32>
      %add3A_1639 = arith.constant 32 : i32
      %add3A_1640 = arith.addi %scan3A_1068, %add3A_1639 : i32
      %get3A_1641 = arith.constant 0 : i32
      %get3A_1642 = arith.index_cast %get3A_1641 : i32 to index
      %get3A_1643 = arith.index_cast %add3A_1640 : i32 to index
      %get3A_1644 = arith.constant 80 : index
      %get3A_1645 = tpu.vector_load %arg11[%get3A_1642, %get3A_1643, %get3A_1644] {strides = array<i32>} : memref<2x64x128xf32, #tpu.memory_space<vmem>>, vector<16xf32>,
      %add3A_1646 = arith.constant 0 : i32
      %add3A_1647 = arith.addi %scan3A_1068, %add3A_1646 : i32
      %get3A_1648 = arith.constant 1 : i32
      %get3A_1649 = arith.index_cast %get3A_1648 : i32 to index
      %get3A_1650 = arith.index_cast %add3A_1647 : i32 to index
      %get3A_1651 = arith.constant 80 : index
      %get3A_1652 = tpu.vector_load %arg11[%get3A_1649, %get3A_1650, %get3A_1651] {strides = array<i32>} : memref<2x64x128xf32, #tpu.memory_space<vmem>>, vector<16xf32>,
      %get3A_1653 = arith.constant 1 : i32
      %get3A_1654 = arith.index_cast %scan3A_1068 : i32 to index
      %get3A_1655 = arith.index_cast %get3A_1653 : i32 to index
      %get3A_1656 = arith.constant 80 : index
      %get3A_1657 = tpu.vector_load %arg12[%get3A_1654, %get3A_1655, %get3A_1656] {strides = array<i32>} : memref<32x2x128xf32, #tpu.memory_space<vmem>>, vector<16xf32>,
      %get3A_1658 = arith.constant 1 : i32
      %get3A_1659 = arith.index_cast %scan3A_1068 : i32 to index
      %get3A_1660 = arith.index_cast %get3A_1658 : i32 to index
      %get3A_1661 = arith.constant 80 : index
      %get3A_1662 = tpu.vector_load %arg13[%get3A_1659, %get3A_1660, %get3A_1661] {strides = array<i32>} : memref<32x2x128xf32, #tpu.memory_space<vmem>>, vector<16xf32>,
      %add3A_1663 = arith.addf %get3A_1645, %get3A_1652 : vector<16xf32>
      %abs3A_1664 = math.absf %get3A_1662 : vector<16xf32>
      %add3A_1665 = arith.constant 1.000000e+00 : f32
      %add3A_1666 = vector.broadcast %add3A_1665 : f32 to vector<16xf32>
      %add3A_1667 = arith.addf %abs3A_1664, %add3A_1666 : vector<16xf32>
      %div3A_1668 = arith.constant 1.000000e+00 : f32
      %div3A_1669 = vector.broadcast %div3A_1668 : f32 to vector<16xf32>
      %div3A_1670 = arith.divf %div3A_1669, %add3A_1667 : vector<16xf32>
      %sub3A_1671 = arith.subf %add3A_1663, %get3A_1657 : vector<16xf32>
      %abs3A_1672 = math.absf %sub3A_1671 : vector<16xf32>
      %mul3A_1673 = arith.mulf %abs3A_1672, %div3A_1670 : vector<16xf32>
      %mul3A_1674 = arith.mulf %add3A_1667, %abs3A_1672 : vector<16xf32>
      %mul3A_1675 = arith.constant 5.000000e-01 : f32
      %mul3A_1676 = vector.broadcast %mul3A_1675 : f32 to vector<16xf32>
      %mul3A_1677 = arith.mulf %mul3A_1676, %abs3A_1664 : vector<16xf32>
      %sub3A_1678 = arith.subf %add3A_1667, %div3A_1670 : vector<16xf32>
      %mul3A_1679 = arith.mulf %mul3A_1677, %sub3A_1678 : vector<16xf32>
      %sub3A_1680 = arith.subf %mul3A_1674, %mul3A_1679 : vector<16xf32>
      %max3A_1681 = arith.maximumf %mul3A_1673, %sub3A_1680 : vector<16xf32>
      %add3A_1682 = arith.addf %add3A_1638, %max3A_1681 : vector<16xf32>
      %add3A_1683 = arith.constant 32 : i32
      %add3A_1684 = arith.addi %scan3A_1068, %add3A_1683 : i32
      %get3A_1685 = arith.constant 0 : i32
      %get3A_1686 = arith.index_cast %get3A_1685 : i32 to index
      %get3A_1687 = arith.index_cast %add3A_1684 : i32 to index
      %get3A_1688 = arith.constant 96 : index
      %get3A_1689 = tpu.vector_load %arg11[%get3A_1686, %get3A_1687, %get3A_1688] {strides = array<i32>} : memref<2x64x128xf32, #tpu.memory_space<vmem>>, vector<16xf32>,
      %add3A_1690 = arith.constant 0 : i32
      %add3A_1691 = arith.addi %scan3A_1068, %add3A_1690 : i32
      %get3A_1692 = arith.constant 1 : i32
      %get3A_1693 = arith.index_cast %get3A_1692 : i32 to index
      %get3A_1694 = arith.index_cast %add3A_1691 : i32 to index
      %get3A_1695 = arith.constant 96 : index
      %get3A_1696 = tpu.vector_load %arg11[%get3A_1693, %get3A_1694, %get3A_1695] {strides = array<i32>} : memref<2x64x128xf32, #tpu.memory_space<vmem>>, vector<16xf32>,
      %get3A_1697 = arith.constant 1 : i32
      %get3A_1698 = arith.index_cast %scan3A_1068 : i32 to index
      %get3A_1699 = arith.index_cast %get3A_1697 : i32 to index
      %get3A_1700 = arith.constant 96 : index
      %get3A_1701 = tpu.vector_load %arg12[%get3A_1698, %get3A_1699, %get3A_1700] {strides = array<i32>} : memref<32x2x128xf32, #tpu.memory_space<vmem>>, vector<16xf32>,
      %get3A_1702 = arith.constant 1 : i32
      %get3A_1703 = arith.index_cast %scan3A_1068 : i32 to index
      %get3A_1704 = arith.index_cast %get3A_1702 : i32 to index
      %get3A_1705 = arith.constant 96 : index
      %get3A_1706 = tpu.vector_load %arg13[%get3A_1703, %get3A_1704, %get3A_1705] {strides = array<i32>} : memref<32x2x128xf32, #tpu.memory_space<vmem>>, vector<16xf32>,
      %add3A_1707 = arith.addf %get3A_1689, %get3A_1696 : vector<16xf32>
      %abs3A_1708 = math.absf %get3A_1706 : vector<16xf32>
      %add3A_1709 = arith.constant 1.000000e+00 : f32
      %add3A_1710 = vector.broadcast %add3A_1709 : f32 to vector<16xf32>
      %add3A_1711 = arith.addf %abs3A_1708, %add3A_1710 : vector<16xf32>
      %div3A_1712 = arith.constant 1.000000e+00 : f32
      %div3A_1713 = vector.broadcast %div3A_1712 : f32 to vector<16xf32>
      %div3A_1714 = arith.divf %div3A_1713, %add3A_1711 : vector<16xf32>
      %sub3A_1715 = arith.subf %add3A_1707, %get3A_1701 : vector<16xf32>
      %abs3A_1716 = math.absf %sub3A_1715 : vector<16xf32>
      %mul3A_1717 = arith.mulf %abs3A_1716, %div3A_1714 : vector<16xf32>
      %mul3A_1718 = arith.mulf %add3A_1711, %abs3A_1716 : vector<16xf32>
      %mul3A_1719 = arith.constant 5.000000e-01 : f32
      %mul3A_1720 = vector.broadcast %mul3A_1719 : f32 to vector<16xf32>
      %mul3A_1721 = arith.mulf %mul3A_1720, %abs3A_1708 : vector<16xf32>
      %sub3A_1722 = arith.subf %add3A_1711, %div3A_1714 : vector<16xf32>
      %mul3A_1723 = arith.mulf %mul3A_1721, %sub3A_1722 : vector<16xf32>
      %sub3A_1724 = arith.subf %mul3A_1718, %mul3A_1723 : vector<16xf32>
      %max3A_1725 = arith.maximumf %mul3A_1717, %sub3A_1724 : vector<16xf32>
      %add3A_1726 = arith.addf %add3A_1682, %max3A_1725 : vector<16xf32>
      %add3A_1727 = arith.constant 32 : i32
      %add3A_1728 = arith.addi %scan3A_1068, %add3A_1727 : i32
      %get3A_1729 = arith.constant 0 : i32
      %get3A_1730 = arith.index_cast %get3A_1729 : i32 to index
      %get3A_1731 = arith.index_cast %add3A_1728 : i32 to index
      %get3A_1732 = arith.constant 112 : index
      %get3A_1733 = tpu.vector_load %arg11[%get3A_1730, %get3A_1731, %get3A_1732] {strides = array<i32>} : memref<2x64x128xf32, #tpu.memory_space<vmem>>, vector<16xf32>,
      %add3A_1734 = arith.constant 0 : i32
      %add3A_1735 = arith.addi %scan3A_1068, %add3A_1734 : i32
      %get3A_1736 = arith.constant 1 : i32
      %get3A_1737 = arith.index_cast %get3A_1736 : i32 to index
      %get3A_1738 = arith.index_cast %add3A_1735 : i32 to index
      %get3A_1739 = arith.constant 112 : index
      %get3A_1740 = tpu.vector_load %arg11[%get3A_1737, %get3A_1738, %get3A_1739] {strides = array<i32>} : memref<2x64x128xf32, #tpu.memory_space<vmem>>, vector<16xf32>,
      %get3A_1741 = arith.constant 1 : i32
      %get3A_1742 = arith.index_cast %scan3A_1068 : i32 to index
      %get3A_1743 = arith.index_cast %get3A_1741 : i32 to index
      %get3A_1744 = arith.constant 112 : index
      %get3A_1745 = tpu.vector_load %arg12[%get3A_1742, %get3A_1743, %get3A_1744] {strides = array<i32>} : memref<32x2x128xf32, #tpu.memory_space<vmem>>, vector<16xf32>,
      %get3A_1746 = arith.constant 1 : i32
      %get3A_1747 = arith.index_cast %scan3A_1068 : i32 to index
      %get3A_1748 = arith.index_cast %get3A_1746 : i32 to index
      %get3A_1749 = arith.constant 112 : index
      %get3A_1750 = tpu.vector_load %arg13[%get3A_1747, %get3A_1748, %get3A_1749] {strides = array<i32>} : memref<32x2x128xf32, #tpu.memory_space<vmem>>, vector<16xf32>,
      %add3A_1751 = arith.addf %get3A_1733, %get3A_1740 : vector<16xf32>
      %abs3A_1752 = math.absf %get3A_1750 : vector<16xf32>
      %add3A_1753 = arith.constant 1.000000e+00 : f32
      %add3A_1754 = vector.broadcast %add3A_1753 : f32 to vector<16xf32>
      %add3A_1755 = arith.addf %abs3A_1752, %add3A_1754 : vector<16xf32>
      %div3A_1756 = arith.constant 1.000000e+00 : f32
      %div3A_1757 = vector.broadcast %div3A_1756 : f32 to vector<16xf32>
      %div3A_1758 = arith.divf %div3A_1757, %add3A_1755 : vector<16xf32>
      %sub3A_1759 = arith.subf %add3A_1751, %get3A_1745 : vector<16xf32>
      %abs3A_1760 = math.absf %sub3A_1759 : vector<16xf32>
      %mul3A_1761 = arith.mulf %abs3A_1760, %div3A_1758 : vector<16xf32>
      %mul3A_1762 = arith.mulf %add3A_1755, %abs3A_1760 : vector<16xf32>
      %mul3A_1763 = arith.constant 5.000000e-01 : f32
      %mul3A_1764 = vector.broadcast %mul3A_1763 : f32 to vector<16xf32>
      %mul3A_1765 = arith.mulf %mul3A_1764, %abs3A_1752 : vector<16xf32>
      %sub3A_1766 = arith.subf %add3A_1755, %div3A_1758 : vector<16xf32>
      %mul3A_1767 = arith.mulf %mul3A_1765, %sub3A_1766 : vector<16xf32>
      %sub3A_1768 = arith.subf %mul3A_1762, %mul3A_1767 : vector<16xf32>
      %max3A_1769 = arith.maximumf %mul3A_1761, %sub3A_1768 : vector<16xf32>
      %add3A_1770 = arith.addf %add3A_1726, %max3A_1769 : vector<16xf32>
      %broadcast_in_dim3A_1771 = vector.broadcast %scan3A_1068 : i32 to vector<16xi32>
      tpu.vector_store_idx %arg17[%iota3A, %broadcast_in_dim3A_1771], %add3A_1770 : memref<16x33xf32, #tpu.memory_space<vmem>>[vector<16xi32>, vector<16xi32>], vector<16xf32>,
    }
    %scan3A_705 = arith.constant 32 : i32
    %get3A_706 = arith.constant 0 : i32
    %get3A_707 = arith.index_cast %get3A_706 : i32 to index
    %get3A_708 = arith.constant 0 : index
    %get3A_709 = tpu.vector_load %arg17[%get3A_707, %get3A_708] {strides = array<i32>} : memref<16x33xf32, #tpu.memory_space<vmem>>, vector<16xf32>,
    %get3A_710 = arith.constant 1 : i32
    %get3A_711 = arith.index_cast %get3A_710 : i32 to index
    %get3A_712 = arith.constant 0 : index
    %get3A_713 = tpu.vector_load %arg17[%get3A_711, %get3A_712] {strides = array<i32>} : memref<16x33xf32, #tpu.memory_space<vmem>>, vector<16xf32>,
    %add3A_714 = arith.addf %get3A_709, %get3A_713 : vector<16xf32>
    %get3A_715 = arith.constant 2 : i32
    %get3A_716 = arith.index_cast %get3A_715 : i32 to index
    %get3A_717 = arith.constant 0 : index
    %get3A_718 = tpu.vector_load %arg17[%get3A_716, %get3A_717] {strides = array<i32>} : memref<16x33xf32, #tpu.memory_space<vmem>>, vector<16xf32>,
    %add3A_719 = arith.addf %add3A_714, %get3A_718 : vector<16xf32>
    %get3A_720 = arith.constant 3 : i32
    %get3A_721 = arith.index_cast %get3A_720 : i32 to index
    %get3A_722 = arith.constant 0 : index
    %get3A_723 = tpu.vector_load %arg17[%get3A_721, %get3A_722] {strides = array<i32>} : memref<16x33xf32, #tpu.memory_space<vmem>>, vector<16xf32>,
    %add3A_724 = arith.addf %add3A_719, %get3A_723 : vector<16xf32>
    %get3A_725 = arith.constant 4 : i32
    %get3A_726 = arith.index_cast %get3A_725 : i32 to index
    %get3A_727 = arith.constant 0 : index
    %get3A_728 = tpu.vector_load %arg17[%get3A_726, %get3A_727] {strides = array<i32>} : memref<16x33xf32, #tpu.memory_space<vmem>>, vector<16xf32>,
    %add3A_729 = arith.addf %add3A_724, %get3A_728 : vector<16xf32>
    %get3A_730 = arith.constant 5 : i32
    %get3A_731 = arith.index_cast %get3A_730 : i32 to index
    %get3A_732 = arith.constant 0 : index
    %get3A_733 = tpu.vector_load %arg17[%get3A_731, %get3A_732] {strides = array<i32>} : memref<16x33xf32, #tpu.memory_space<vmem>>, vector<16xf32>,
    %add3A_734 = arith.addf %add3A_729, %get3A_733 : vector<16xf32>
    %get3A_735 = arith.constant 6 : i32
    %get3A_736 = arith.index_cast %get3A_735 : i32 to index
    %get3A_737 = arith.constant 0 : index
    %get3A_738 = tpu.vector_load %arg17[%get3A_736, %get3A_737] {strides = array<i32>} : memref<16x33xf32, #tpu.memory_space<vmem>>, vector<16xf32>,
    %add3A_739 = arith.addf %add3A_734, %get3A_738 : vector<16xf32>
    %get3A_740 = arith.constant 7 : i32
    %get3A_741 = arith.index_cast %get3A_740 : i32 to index
    %get3A_742 = arith.constant 0 : index
    %get3A_743 = tpu.vector_load %arg17[%get3A_741, %get3A_742] {strides = array<i32>} : memref<16x33xf32, #tpu.memory_space<vmem>>, vector<16xf32>,
    %add3A_744 = arith.addf %add3A_739, %get3A_743 : vector<16xf32>
    %get3A_745 = arith.constant 8 : i32
    %get3A_746 = arith.index_cast %get3A_745 : i32 to index
    %get3A_747 = arith.constant 0 : index
    %get3A_748 = tpu.vector_load %arg17[%get3A_746, %get3A_747] {strides = array<i32>} : memref<16x33xf32, #tpu.memory_space<vmem>>, vector<16xf32>,
    %add3A_749 = arith.addf %add3A_744, %get3A_748 : vector<16xf32>
    %get3A_750 = arith.constant 9 : i32
    %get3A_751 = arith.index_cast %get3A_750 : i32 to index
    %get3A_752 = arith.constant 0 : index
    %get3A_753 = tpu.vector_load %arg17[%get3A_751, %get3A_752] {strides = array<i32>} : memref<16x33xf32, #tpu.memory_space<vmem>>, vector<16xf32>,
    %add3A_754 = arith.addf %add3A_749, %get3A_753 : vector<16xf32>
    %get3A_755 = arith.constant 10 : i32
    %get3A_756 = arith.index_cast %get3A_755 : i32 to index
    %get3A_757 = arith.constant 0 : index
    %get3A_758 = tpu.vector_load %arg17[%get3A_756, %get3A_757] {strides = array<i32>} : memref<16x33xf32, #tpu.memory_space<vmem>>, vector<16xf32>,
    %add3A_759 = arith.addf %add3A_754, %get3A_758 : vector<16xf32>
    %get3A_760 = arith.constant 11 : i32
    %get3A_761 = arith.index_cast %get3A_760 : i32 to index
    %get3A_762 = arith.constant 0 : index
    %get3A_763 = tpu.vector_load %arg17[%get3A_761, %get3A_762] {strides = array<i32>} : memref<16x33xf32, #tpu.memory_space<vmem>>, vector<16xf32>,
    %add3A_764 = arith.addf %add3A_759, %get3A_763 : vector<16xf32>
    %get3A_765 = arith.constant 12 : i32
    %get3A_766 = arith.index_cast %get3A_765 : i32 to index
    %get3A_767 = arith.constant 0 : index
    %get3A_768 = tpu.vector_load %arg17[%get3A_766, %get3A_767] {strides = array<i32>} : memref<16x33xf32, #tpu.memory_space<vmem>>, vector<16xf32>,
    %add3A_769 = arith.addf %add3A_764, %get3A_768 : vector<16xf32>
    %get3A_770 = arith.constant 13 : i32
    %get3A_771 = arith.index_cast %get3A_770 : i32 to index
    %get3A_772 = arith.constant 0 : index
    %get3A_773 = tpu.vector_load %arg17[%get3A_771, %get3A_772] {strides = array<i32>} : memref<16x33xf32, #tpu.memory_space<vmem>>, vector<16xf32>,
    %add3A_774 = arith.addf %add3A_769, %get3A_773 : vector<16xf32>
    %get3A_775 = arith.constant 14 : i32
    %get3A_776 = arith.index_cast %get3A_775 : i32 to index
    %get3A_777 = arith.constant 0 : index
    %get3A_778 = tpu.vector_load %arg17[%get3A_776, %get3A_777] {strides = array<i32>} : memref<16x33xf32, #tpu.memory_space<vmem>>, vector<16xf32>,
    %add3A_779 = arith.addf %add3A_774, %get3A_778 : vector<16xf32>
    %get3A_780 = arith.constant 15 : i32
    %get3A_781 = arith.index_cast %get3A_780 : i32 to index
    %get3A_782 = arith.constant 0 : index
    %get3A_783 = tpu.vector_load %arg17[%get3A_781, %get3A_782] {strides = array<i32>} : memref<16x33xf32, #tpu.memory_space<vmem>>, vector<16xf32>,
    %add3A_784 = arith.addf %add3A_779, %get3A_783 : vector<16xf32>
    %swap3A_785 = arith.constant 64 : index
    %swap3A_786 = tpu.vector_load %arg18[%swap3A_785] {strides = array<i32>} : memref<128xf32, #tpu.memory_space<vmem>>, vector<16xf32>,
    tpu.vector_store %arg18[%swap3A_785], %add3A_784 {strides = array<i32>} : memref<128xf32, #tpu.memory_space<vmem>>, vector<16xf32>,
    %get3A_787 = arith.constant 0 : i32
    %get3A_788 = arith.index_cast %get3A_787 : i32 to index
    %get3A_789 = arith.constant 16 : index
    %get3A_790 = tpu.vector_load %arg17[%get3A_788, %get3A_789] {strides = array<i32>} : memref<16x33xf32, #tpu.memory_space<vmem>>, vector<16xf32>,
    %get3A_791 = arith.constant 1 : i32
    %get3A_792 = arith.index_cast %get3A_791 : i32 to index
    %get3A_793 = arith.constant 16 : index
    %get3A_794 = tpu.vector_load %arg17[%get3A_792, %get3A_793] {strides = array<i32>} : memref<16x33xf32, #tpu.memory_space<vmem>>, vector<16xf32>,
    %add3A_795 = arith.addf %get3A_790, %get3A_794 : vector<16xf32>
    %get3A_796 = arith.constant 2 : i32
    %get3A_797 = arith.index_cast %get3A_796 : i32 to index
    %get3A_798 = arith.constant 16 : index
    %get3A_799 = tpu.vector_load %arg17[%get3A_797, %get3A_798] {strides = array<i32>} : memref<16x33xf32, #tpu.memory_space<vmem>>, vector<16xf32>,
    %add3A_800 = arith.addf %add3A_795, %get3A_799 : vector<16xf32>
    %get3A_801 = arith.constant 3 : i32
    %get3A_802 = arith.index_cast %get3A_801 : i32 to index
    %get3A_803 = arith.constant 16 : index
    %get3A_804 = tpu.vector_load %arg17[%get3A_802, %get3A_803] {strides = array<i32>} : memref<16x33xf32, #tpu.memory_space<vmem>>, vector<16xf32>,
    %add3A_805 = arith.addf %add3A_800, %get3A_804 : vector<16xf32>
    %get3A_806 = arith.constant 4 : i32
    %get3A_807 = arith.index_cast %get3A_806 : i32 to index
    %get3A_808 = arith.constant 16 : index
    %get3A_809 = tpu.vector_load %arg17[%get3A_807, %get3A_808] {strides = array<i32>} : memref<16x33xf32, #tpu.memory_space<vmem>>, vector<16xf32>,
    %add3A_810 = arith.addf %add3A_805, %get3A_809 : vector<16xf32>
    %get3A_811 = arith.constant 5 : i32
    %get3A_812 = arith.index_cast %get3A_811 : i32 to index
    %get3A_813 = arith.constant 16 : index
    %get3A_814 = tpu.vector_load %arg17[%get3A_812, %get3A_813] {strides = array<i32>} : memref<16x33xf32, #tpu.memory_space<vmem>>, vector<16xf32>,
    %add3A_815 = arith.addf %add3A_810, %get3A_814 : vector<16xf32>
    %get3A_816 = arith.constant 6 : i32
    %get3A_817 = arith.index_cast %get3A_816 : i32 to index
    %get3A_818 = arith.constant 16 : index
    %get3A_819 = tpu.vector_load %arg17[%get3A_817, %get3A_818] {strides = array<i32>} : memref<16x33xf32, #tpu.memory_space<vmem>>, vector<16xf32>,
    %add3A_820 = arith.addf %add3A_815, %get3A_819 : vector<16xf32>
    %get3A_821 = arith.constant 7 : i32
    %get3A_822 = arith.index_cast %get3A_821 : i32 to index
    %get3A_823 = arith.constant 16 : index
    %get3A_824 = tpu.vector_load %arg17[%get3A_822, %get3A_823] {strides = array<i32>} : memref<16x33xf32, #tpu.memory_space<vmem>>, vector<16xf32>,
    %add3A_825 = arith.addf %add3A_820, %get3A_824 : vector<16xf32>
    %get3A_826 = arith.constant 8 : i32
    %get3A_827 = arith.index_cast %get3A_826 : i32 to index
    %get3A_828 = arith.constant 16 : index
    %get3A_829 = tpu.vector_load %arg17[%get3A_827, %get3A_828] {strides = array<i32>} : memref<16x33xf32, #tpu.memory_space<vmem>>, vector<16xf32>,
    %add3A_830 = arith.addf %add3A_825, %get3A_829 : vector<16xf32>
    %get3A_831 = arith.constant 9 : i32
    %get3A_832 = arith.index_cast %get3A_831 : i32 to index
    %get3A_833 = arith.constant 16 : index
    %get3A_834 = tpu.vector_load %arg17[%get3A_832, %get3A_833] {strides = array<i32>} : memref<16x33xf32, #tpu.memory_space<vmem>>, vector<16xf32>,
    %add3A_835 = arith.addf %add3A_830, %get3A_834 : vector<16xf32>
    %get3A_836 = arith.constant 10 : i32
    %get3A_837 = arith.index_cast %get3A_836 : i32 to index
    %get3A_838 = arith.constant 16 : index
    %get3A_839 = tpu.vector_load %arg17[%get3A_837, %get3A_838] {strides = array<i32>} : memref<16x33xf32, #tpu.memory_space<vmem>>, vector<16xf32>,
    %add3A_840 = arith.addf %add3A_835, %get3A_839 : vector<16xf32>
    %get3A_841 = arith.constant 11 : i32
    %get3A_842 = arith.index_cast %get3A_841 : i32 to index
    %get3A_843 = arith.constant 16 : index
    %get3A_844 = tpu.vector_load %arg17[%get3A_842, %get3A_843] {strides = array<i32>} : memref<16x33xf32, #tpu.memory_space<vmem>>, vector<16xf32>,
    %add3A_845 = arith.addf %add3A_840, %get3A_844 : vector<16xf32>
    %get3A_846 = arith.constant 12 : i32
    %get3A_847 = arith.index_cast %get3A_846 : i32 to index
    %get3A_848 = arith.constant 16 : index
    %get3A_849 = tpu.vector_load %arg17[%get3A_847, %get3A_848] {strides = array<i32>} : memref<16x33xf32, #tpu.memory_space<vmem>>, vector<16xf32>,
    %add3A_850 = arith.addf %add3A_845, %get3A_849 : vector<16xf32>
    %get3A_851 = arith.constant 13 : i32
    %get3A_852 = arith.index_cast %get3A_851 : i32 to index
    %get3A_853 = arith.constant 16 : index
    %get3A_854 = tpu.vector_load %arg17[%get3A_852, %get3A_853] {strides = array<i32>} : memref<16x33xf32, #tpu.memory_space<vmem>>, vector<16xf32>,
    %add3A_855 = arith.addf %add3A_850, %get3A_854 : vector<16xf32>
    %get3A_856 = arith.constant 14 : i32
    %get3A_857 = arith.index_cast %get3A_856 : i32 to index
    %get3A_858 = arith.constant 16 : index
    %get3A_859 = tpu.vector_load %arg17[%get3A_857, %get3A_858] {strides = array<i32>} : memref<16x33xf32, #tpu.memory_space<vmem>>, vector<16xf32>,
    %add3A_860 = arith.addf %add3A_855, %get3A_859 : vector<16xf32>
    %get3A_861 = arith.constant 15 : i32
    %get3A_862 = arith.index_cast %get3A_861 : i32 to index
    %get3A_863 = arith.constant 16 : index
    %get3A_864 = tpu.vector_load %arg17[%get3A_862, %get3A_863] {strides = array<i32>} : memref<16x33xf32, #tpu.memory_space<vmem>>, vector<16xf32>,
    %add3A_865 = arith.addf %add3A_860, %get3A_864 : vector<16xf32>
    %swap3A_866 = arith.constant 80 : index
    %swap3A_867 = tpu.vector_load %arg18[%swap3A_866] {strides = array<i32>} : memref<128xf32, #tpu.memory_space<vmem>>, vector<16xf32>,
    tpu.vector_store %arg18[%swap3A_866], %add3A_865 {strides = array<i32>} : memref<128xf32, #tpu.memory_space<vmem>>, vector<16xf32>,
    %dma_wait3A_868 = arith.constant 0 : i32
    %dma_wait3A_869 = arith.constant 0 : i32
    %dma_wait3A_870 = arith.constant 0 : i32
    %dma_wait3A_871 = tpu.memref_slice %arg14[%dma_wait3A_868, %dma_wait3A_869, %dma_wait3A_870] : memref<2x64x128xf32, #tpu.memory_space<vmem>> -> memref<1x64x128xf32, #tpu.memory_space<vmem>>
    %dma_wait3A_872 = tpu.memref_squeeze %dma_wait3A_871 : memref<1x64x128xf32, #tpu.memory_space<vmem>> -> memref<64x128xf32, #tpu.memory_space<vmem>>
    %dma_wait3A_873 = arith.constant 192 : i32
    %dma_wait3A_874 = tpu.memref_slice %arg9[%dma_wait3A_873] : memref<256xi32, #tpu.memory_space<vmem>> -> memref<64xi32, #tpu.memory_space<vmem>>
    %dma_wait3A_875 = arith.constant 0 : i32
    %dma_wait3A_876 = arith.constant 0 : i32
    %dma_wait3A_877 = tpu.memref_slice %arg2[%dma_wait3A_875, %dma_wait3A_876] : memref<100001x128xf32, #tpu.memory_space<hbm>> -> memref<100001x128xf32, #tpu.memory_space<hbm>>
    tpu.wait_indirect_dma semaphore(%arg20 : memref<!tpu.dma_semaphore, #tpu.memory_space<semaphore_mem>>) src(%dma_wait3A_877 : memref<100001x128xf32, #tpu.memory_space<hbm>>) dst(%dma_wait3A_872 : memref<64x128xf32, #tpu.memory_space<vmem>>)
    %dma_wait3A_878 = arith.constant 1 : i32
    %dma_wait3A_879 = arith.constant 0 : i32
    %dma_wait3A_880 = arith.constant 0 : i32
    %dma_wait3A_881 = tpu.memref_slice %arg14[%dma_wait3A_878, %dma_wait3A_879, %dma_wait3A_880] : memref<2x64x128xf32, #tpu.memory_space<vmem>> -> memref<1x64x128xf32, #tpu.memory_space<vmem>>
    %dma_wait3A_882 = tpu.memref_squeeze %dma_wait3A_881 : memref<1x64x128xf32, #tpu.memory_space<vmem>> -> memref<64x128xf32, #tpu.memory_space<vmem>>
    %dma_wait3A_883 = arith.constant 192 : i32
    %dma_wait3A_884 = tpu.memref_slice %arg9[%dma_wait3A_883] : memref<256xi32, #tpu.memory_space<vmem>> -> memref<64xi32, #tpu.memory_space<vmem>>
    %dma_wait3A_885 = arith.constant 0 : i32
    %dma_wait3A_886 = arith.constant 0 : i32
    %dma_wait3A_887 = tpu.memref_slice %arg3[%dma_wait3A_885, %dma_wait3A_886] : memref<100001x128xf32, #tpu.memory_space<hbm>> -> memref<100001x128xf32, #tpu.memory_space<hbm>>
    tpu.wait_indirect_dma semaphore(%arg20 : memref<!tpu.dma_semaphore, #tpu.memory_space<semaphore_mem>>) src(%dma_wait3A_887 : memref<100001x128xf32, #tpu.memory_space<hbm>>) dst(%dma_wait3A_882 : memref<64x128xf32, #tpu.memory_space<vmem>>)
    %dma_wait3A_888 = arith.constant 96 : i32
    %dma_wait3A_889 = tpu.memref_slice %arg10[%dma_wait3A_888] : memref<128xi32, #tpu.memory_space<vmem>> -> memref<32xi32, #tpu.memory_space<vmem>>
    %dma_wait3A_890 = arith.constant 0 : i32
    %dma_wait3A_891 = arith.constant 0 : i32
    %dma_wait3A_892 = arith.constant 0 : i32
    %dma_wait3A_893 = tpu.memref_slice %arg4[%dma_wait3A_890, %dma_wait3A_891, %dma_wait3A_892] : memref<1000x2x128xf32, #tpu.memory_space<hbm>> -> memref<1000x2x128xf32, #tpu.memory_space<hbm>>
    tpu.wait_indirect_dma semaphore(%arg20 : memref<!tpu.dma_semaphore, #tpu.memory_space<semaphore_mem>>) src(%dma_wait3A_893 : memref<1000x2x128xf32, #tpu.memory_space<hbm>>) dst(%arg15 : memref<32x2x128xf32, #tpu.memory_space<vmem>>)
    %dma_wait3A_894 = arith.constant 96 : i32
    %dma_wait3A_895 = tpu.memref_slice %arg10[%dma_wait3A_894] : memref<128xi32, #tpu.memory_space<vmem>> -> memref<32xi32, #tpu.memory_space<vmem>>
    %dma_wait3A_896 = arith.constant 0 : i32
    %dma_wait3A_897 = arith.constant 0 : i32
    %dma_wait3A_898 = arith.constant 0 : i32
    %dma_wait3A_899 = tpu.memref_slice %arg5[%dma_wait3A_896, %dma_wait3A_897, %dma_wait3A_898] : memref<1000x2x128xf32, #tpu.memory_space<hbm>> -> memref<1000x2x128xf32, #tpu.memory_space<hbm>>
    tpu.wait_indirect_dma semaphore(%arg20 : memref<!tpu.dma_semaphore, #tpu.memory_space<semaphore_mem>>) src(%dma_wait3A_899 : memref<1000x2x128xf32, #tpu.memory_space<hbm>>) dst(%arg16 : memref<32x2x128xf32, #tpu.memory_space<vmem>>)
    %scan3A_900 = arith.constant 0 : i32
    %scan3A_901 = arith.constant 0 : i32
    %scan3A_902 = arith.constant 32 : i32
    %scan3A_903 = arith.addi %scan3A_901, %scan3A_902 : i32
    %scan3A_904 = arith.constant 1 : i32
    scf.for %scan3A_1068 = %scan3A_901 to %scan3A_903 step %scan3A_904  : i32 {
      %broadcast_in_dim3A_1069 = arith.constant 0.000000e+00 : f32
      %broadcast_in_dim3A_1070 = vector.broadcast %broadcast_in_dim3A_1069 : f32 to vector<16xf32>
      %add3A_1071 = arith.constant 0 : i32
      %add3A_1072 = arith.addi %scan3A_1068, %add3A_1071 : i32
      %get3A_1073 = arith.constant 0 : i32
      %get3A_1074 = arith.index_cast %get3A_1073 : i32 to index
      %get3A_1075 = arith.index_cast %add3A_1072 : i32 to index
      %get3A_1076 = arith.constant 0 : index
      %get3A_1077 = tpu.vector_load %arg14[%get3A_1074, %get3A_1075, %get3A_1076] {strides = array<i32>} : memref<2x64x128xf32, #tpu.memory_space<vmem>>, vector<16xf32>,
      %add3A_1078 = arith.constant 32 : i32
      %add3A_1079 = arith.addi %scan3A_1068, %add3A_1078 : i32
      %get3A_1080 = arith.constant 1 : i32
      %get3A_1081 = arith.index_cast %get3A_1080 : i32 to index
      %get3A_1082 = arith.index_cast %add3A_1079 : i32 to index
      %get3A_1083 = arith.constant 0 : index
      %get3A_1084 = tpu.vector_load %arg14[%get3A_1081, %get3A_1082, %get3A_1083] {strides = array<i32>} : memref<2x64x128xf32, #tpu.memory_space<vmem>>, vector<16xf32>,
      %get3A_1085 = arith.constant 0 : i32
      %get3A_1086 = arith.index_cast %scan3A_1068 : i32 to index
      %get3A_1087 = arith.index_cast %get3A_1085 : i32 to index
      %get3A_1088 = arith.constant 0 : index
      %get3A_1089 = tpu.vector_load %arg15[%get3A_1086, %get3A_1087, %get3A_1088] {strides = array<i32>} : memref<32x2x128xf32, #tpu.memory_space<vmem>>, vector<16xf32>,
      %get3A_1090 = arith.constant 0 : i32
      %get3A_1091 = arith.index_cast %scan3A_1068 : i32 to index
      %get3A_1092 = arith.index_cast %get3A_1090 : i32 to index
      %get3A_1093 = arith.constant 0 : index
      %get3A_1094 = tpu.vector_load %arg16[%get3A_1091, %get3A_1092, %get3A_1093] {strides = array<i32>} : memref<32x2x128xf32, #tpu.memory_space<vmem>>, vector<16xf32>,
      %add3A_1095 = arith.addf %get3A_1077, %get3A_1084 : vector<16xf32>
      %abs3A = math.absf %get3A_1094 : vector<16xf32>
      %add3A_1096 = arith.constant 1.000000e+00 : f32
      %add3A_1097 = vector.broadcast %add3A_1096 : f32 to vector<16xf32>
      %add3A_1098 = arith.addf %abs3A, %add3A_1097 : vector<16xf32>
      %div3A = arith.constant 1.000000e+00 : f32
      %div3A_1099 = vector.broadcast %div3A : f32 to vector<16xf32>
      %div3A_1100 = arith.divf %div3A_1099, %add3A_1098 : vector<16xf32>
      %sub3A = arith.subf %add3A_1095, %get3A_1089 : vector<16xf32>
      %abs3A_1101 = math.absf %sub3A : vector<16xf32>
      %mul3A_1102 = arith.mulf %abs3A_1101, %div3A_1100 : vector<16xf32>
      %mul3A_1103 = arith.mulf %add3A_1098, %abs3A_1101 : vector<16xf32>
      %mul3A_1104 = arith.constant 5.000000e-01 : f32
      %mul3A_1105 = vector.broadcast %mul3A_1104 : f32 to vector<16xf32>
      %mul3A_1106 = arith.mulf %mul3A_1105, %abs3A : vector<16xf32>
      %sub3A_1107 = arith.subf %add3A_1098, %div3A_1100 : vector<16xf32>
      %mul3A_1108 = arith.mulf %mul3A_1106, %sub3A_1107 : vector<16xf32>
      %sub3A_1109 = arith.subf %mul3A_1103, %mul3A_1108 : vector<16xf32>
      %max3A = arith.maximumf %mul3A_1102, %sub3A_1109 : vector<16xf32>
      %add3A_1110 = arith.addf %broadcast_in_dim3A_1070, %max3A : vector<16xf32>
      %add3A_1111 = arith.constant 0 : i32
      %add3A_1112 = arith.addi %scan3A_1068, %add3A_1111 : i32
      %get3A_1113 = arith.constant 0 : i32
      %get3A_1114 = arith.index_cast %get3A_1113 : i32 to index
      %get3A_1115 = arith.index_cast %add3A_1112 : i32 to index
      %get3A_1116 = arith.constant 16 : index
      %get3A_1117 = tpu.vector_load %arg14[%get3A_1114, %get3A_1115, %get3A_1116] {strides = array<i32>} : memref<2x64x128xf32, #tpu.memory_space<vmem>>, vector<16xf32>,
      %add3A_1118 = arith.constant 32 : i32
      %add3A_1119 = arith.addi %scan3A_1068, %add3A_1118 : i32
      %get3A_1120 = arith.constant 1 : i32
      %get3A_1121 = arith.index_cast %get3A_1120 : i32 to index
      %get3A_1122 = arith.index_cast %add3A_1119 : i32 to index
      %get3A_1123 = arith.constant 16 : index
      %get3A_1124 = tpu.vector_load %arg14[%get3A_1121, %get3A_1122, %get3A_1123] {strides = array<i32>} : memref<2x64x128xf32, #tpu.memory_space<vmem>>, vector<16xf32>,
      %get3A_1125 = arith.constant 0 : i32
      %get3A_1126 = arith.index_cast %scan3A_1068 : i32 to index
      %get3A_1127 = arith.index_cast %get3A_1125 : i32 to index
      %get3A_1128 = arith.constant 16 : index
      %get3A_1129 = tpu.vector_load %arg15[%get3A_1126, %get3A_1127, %get3A_1128] {strides = array<i32>} : memref<32x2x128xf32, #tpu.memory_space<vmem>>, vector<16xf32>,
      %get3A_1130 = arith.constant 0 : i32
      %get3A_1131 = arith.index_cast %scan3A_1068 : i32 to index
      %get3A_1132 = arith.index_cast %get3A_1130 : i32 to index
      %get3A_1133 = arith.constant 16 : index
      %get3A_1134 = tpu.vector_load %arg16[%get3A_1131, %get3A_1132, %get3A_1133] {strides = array<i32>} : memref<32x2x128xf32, #tpu.memory_space<vmem>>, vector<16xf32>,
      %add3A_1135 = arith.addf %get3A_1117, %get3A_1124 : vector<16xf32>
      %abs3A_1136 = math.absf %get3A_1134 : vector<16xf32>
      %add3A_1137 = arith.constant 1.000000e+00 : f32
      %add3A_1138 = vector.broadcast %add3A_1137 : f32 to vector<16xf32>
      %add3A_1139 = arith.addf %abs3A_1136, %add3A_1138 : vector<16xf32>
      %div3A_1140 = arith.constant 1.000000e+00 : f32
      %div3A_1141 = vector.broadcast %div3A_1140 : f32 to vector<16xf32>
      %div3A_1142 = arith.divf %div3A_1141, %add3A_1139 : vector<16xf32>
      %sub3A_1143 = arith.subf %add3A_1135, %get3A_1129 : vector<16xf32>
      %abs3A_1144 = math.absf %sub3A_1143 : vector<16xf32>
      %mul3A_1145 = arith.mulf %abs3A_1144, %div3A_1142 : vector<16xf32>
      %mul3A_1146 = arith.mulf %add3A_1139, %abs3A_1144 : vector<16xf32>
      %mul3A_1147 = arith.constant 5.000000e-01 : f32
      %mul3A_1148 = vector.broadcast %mul3A_1147 : f32 to vector<16xf32>
      %mul3A_1149 = arith.mulf %mul3A_1148, %abs3A_1136 : vector<16xf32>
      %sub3A_1150 = arith.subf %add3A_1139, %div3A_1142 : vector<16xf32>
      %mul3A_1151 = arith.mulf %mul3A_1149, %sub3A_1150 : vector<16xf32>
      %sub3A_1152 = arith.subf %mul3A_1146, %mul3A_1151 : vector<16xf32>
      %max3A_1153 = arith.maximumf %mul3A_1145, %sub3A_1152 : vector<16xf32>
      %add3A_1154 = arith.addf %add3A_1110, %max3A_1153 : vector<16xf32>
      %add3A_1155 = arith.constant 0 : i32
      %add3A_1156 = arith.addi %scan3A_1068, %add3A_1155 : i32
      %get3A_1157 = arith.constant 0 : i32
      %get3A_1158 = arith.index_cast %get3A_1157 : i32 to index
      %get3A_1159 = arith.index_cast %add3A_1156 : i32 to index
      %get3A_1160 = arith.constant 32 : index
      %get3A_1161 = tpu.vector_load %arg14[%get3A_1158, %get3A_1159, %get3A_1160] {strides = array<i32>} : memref<2x64x128xf32, #tpu.memory_space<vmem>>, vector<16xf32>,
      %add3A_1162 = arith.constant 32 : i32
      %add3A_1163 = arith.addi %scan3A_1068, %add3A_1162 : i32
      %get3A_1164 = arith.constant 1 : i32
      %get3A_1165 = arith.index_cast %get3A_1164 : i32 to index
      %get3A_1166 = arith.index_cast %add3A_1163 : i32 to index
      %get3A_1167 = arith.constant 32 : index
      %get3A_1168 = tpu.vector_load %arg14[%get3A_1165, %get3A_1166, %get3A_1167] {strides = array<i32>} : memref<2x64x128xf32, #tpu.memory_space<vmem>>, vector<16xf32>,
      %get3A_1169 = arith.constant 0 : i32
      %get3A_1170 = arith.index_cast %scan3A_1068 : i32 to index
      %get3A_1171 = arith.index_cast %get3A_1169 : i32 to index
      %get3A_1172 = arith.constant 32 : index
      %get3A_1173 = tpu.vector_load %arg15[%get3A_1170, %get3A_1171, %get3A_1172] {strides = array<i32>} : memref<32x2x128xf32, #tpu.memory_space<vmem>>, vector<16xf32>,
      %get3A_1174 = arith.constant 0 : i32
      %get3A_1175 = arith.index_cast %scan3A_1068 : i32 to index
      %get3A_1176 = arith.index_cast %get3A_1174 : i32 to index
      %get3A_1177 = arith.constant 32 : index
      %get3A_1178 = tpu.vector_load %arg16[%get3A_1175, %get3A_1176, %get3A_1177] {strides = array<i32>} : memref<32x2x128xf32, #tpu.memory_space<vmem>>, vector<16xf32>,
      %add3A_1179 = arith.addf %get3A_1161, %get3A_1168 : vector<16xf32>
      %abs3A_1180 = math.absf %get3A_1178 : vector<16xf32>
      %add3A_1181 = arith.constant 1.000000e+00 : f32
      %add3A_1182 = vector.broadcast %add3A_1181 : f32 to vector<16xf32>
      %add3A_1183 = arith.addf %abs3A_1180, %add3A_1182 : vector<16xf32>
      %div3A_1184 = arith.constant 1.000000e+00 : f32
      %div3A_1185 = vector.broadcast %div3A_1184 : f32 to vector<16xf32>
      %div3A_1186 = arith.divf %div3A_1185, %add3A_1183 : vector<16xf32>
      %sub3A_1187 = arith.subf %add3A_1179, %get3A_1173 : vector<16xf32>
      %abs3A_1188 = math.absf %sub3A_1187 : vector<16xf32>
      %mul3A_1189 = arith.mulf %abs3A_1188, %div3A_1186 : vector<16xf32>
      %mul3A_1190 = arith.mulf %add3A_1183, %abs3A_1188 : vector<16xf32>
      %mul3A_1191 = arith.constant 5.000000e-01 : f32
      %mul3A_1192 = vector.broadcast %mul3A_1191 : f32 to vector<16xf32>
      %mul3A_1193 = arith.mulf %mul3A_1192, %abs3A_1180 : vector<16xf32>
      %sub3A_1194 = arith.subf %add3A_1183, %div3A_1186 : vector<16xf32>
      %mul3A_1195 = arith.mulf %mul3A_1193, %sub3A_1194 : vector<16xf32>
      %sub3A_1196 = arith.subf %mul3A_1190, %mul3A_1195 : vector<16xf32>
      %max3A_1197 = arith.maximumf %mul3A_1189, %sub3A_1196 : vector<16xf32>
      %add3A_1198 = arith.addf %add3A_1154, %max3A_1197 : vector<16xf32>
      %add3A_1199 = arith.constant 0 : i32
      %add3A_1200 = arith.addi %scan3A_1068, %add3A_1199 : i32
      %get3A_1201 = arith.constant 0 : i32
      %get3A_1202 = arith.index_cast %get3A_1201 : i32 to index
      %get3A_1203 = arith.index_cast %add3A_1200 : i32 to index
      %get3A_1204 = arith.constant 48 : index
      %get3A_1205 = tpu.vector_load %arg14[%get3A_1202, %get3A_1203, %get3A_1204] {strides = array<i32>} : memref<2x64x128xf32, #tpu.memory_space<vmem>>, vector<16xf32>,
      %add3A_1206 = arith.constant 32 : i32
      %add3A_1207 = arith.addi %scan3A_1068, %add3A_1206 : i32
      %get3A_1208 = arith.constant 1 : i32
      %get3A_1209 = arith.index_cast %get3A_1208 : i32 to index
      %get3A_1210 = arith.index_cast %add3A_1207 : i32 to index
      %get3A_1211 = arith.constant 48 : index
      %get3A_1212 = tpu.vector_load %arg14[%get3A_1209, %get3A_1210, %get3A_1211] {strides = array<i32>} : memref<2x64x128xf32, #tpu.memory_space<vmem>>, vector<16xf32>,
      %get3A_1213 = arith.constant 0 : i32
      %get3A_1214 = arith.index_cast %scan3A_1068 : i32 to index
      %get3A_1215 = arith.index_cast %get3A_1213 : i32 to index
      %get3A_1216 = arith.constant 48 : index
      %get3A_1217 = tpu.vector_load %arg15[%get3A_1214, %get3A_1215, %get3A_1216] {strides = array<i32>} : memref<32x2x128xf32, #tpu.memory_space<vmem>>, vector<16xf32>,
      %get3A_1218 = arith.constant 0 : i32
      %get3A_1219 = arith.index_cast %scan3A_1068 : i32 to index
      %get3A_1220 = arith.index_cast %get3A_1218 : i32 to index
      %get3A_1221 = arith.constant 48 : index
      %get3A_1222 = tpu.vector_load %arg16[%get3A_1219, %get3A_1220, %get3A_1221] {strides = array<i32>} : memref<32x2x128xf32, #tpu.memory_space<vmem>>, vector<16xf32>,
      %add3A_1223 = arith.addf %get3A_1205, %get3A_1212 : vector<16xf32>
      %abs3A_1224 = math.absf %get3A_1222 : vector<16xf32>
      %add3A_1225 = arith.constant 1.000000e+00 : f32
      %add3A_1226 = vector.broadcast %add3A_1225 : f32 to vector<16xf32>
      %add3A_1227 = arith.addf %abs3A_1224, %add3A_1226 : vector<16xf32>
      %div3A_1228 = arith.constant 1.000000e+00 : f32
      %div3A_1229 = vector.broadcast %div3A_1228 : f32 to vector<16xf32>
      %div3A_1230 = arith.divf %div3A_1229, %add3A_1227 : vector<16xf32>
      %sub3A_1231 = arith.subf %add3A_1223, %get3A_1217 : vector<16xf32>
      %abs3A_1232 = math.absf %sub3A_1231 : vector<16xf32>
      %mul3A_1233 = arith.mulf %abs3A_1232, %div3A_1230 : vector<16xf32>
      %mul3A_1234 = arith.mulf %add3A_1227, %abs3A_1232 : vector<16xf32>
      %mul3A_1235 = arith.constant 5.000000e-01 : f32
      %mul3A_1236 = vector.broadcast %mul3A_1235 : f32 to vector<16xf32>
      %mul3A_1237 = arith.mulf %mul3A_1236, %abs3A_1224 : vector<16xf32>
      %sub3A_1238 = arith.subf %add3A_1227, %div3A_1230 : vector<16xf32>
      %mul3A_1239 = arith.mulf %mul3A_1237, %sub3A_1238 : vector<16xf32>
      %sub3A_1240 = arith.subf %mul3A_1234, %mul3A_1239 : vector<16xf32>
      %max3A_1241 = arith.maximumf %mul3A_1233, %sub3A_1240 : vector<16xf32>
      %add3A_1242 = arith.addf %add3A_1198, %max3A_1241 : vector<16xf32>
      %add3A_1243 = arith.constant 0 : i32
      %add3A_1244 = arith.addi %scan3A_1068, %add3A_1243 : i32
      %get3A_1245 = arith.constant 0 : i32
      %get3A_1246 = arith.index_cast %get3A_1245 : i32 to index
      %get3A_1247 = arith.index_cast %add3A_1244 : i32 to index
      %get3A_1248 = arith.constant 64 : index
      %get3A_1249 = tpu.vector_load %arg14[%get3A_1246, %get3A_1247, %get3A_1248] {strides = array<i32>} : memref<2x64x128xf32, #tpu.memory_space<vmem>>, vector<16xf32>,
      %add3A_1250 = arith.constant 32 : i32
      %add3A_1251 = arith.addi %scan3A_1068, %add3A_1250 : i32
      %get3A_1252 = arith.constant 1 : i32
      %get3A_1253 = arith.index_cast %get3A_1252 : i32 to index
      %get3A_1254 = arith.index_cast %add3A_1251 : i32 to index
      %get3A_1255 = arith.constant 64 : index
      %get3A_1256 = tpu.vector_load %arg14[%get3A_1253, %get3A_1254, %get3A_1255] {strides = array<i32>} : memref<2x64x128xf32, #tpu.memory_space<vmem>>, vector<16xf32>,
      %get3A_1257 = arith.constant 0 : i32
      %get3A_1258 = arith.index_cast %scan3A_1068 : i32 to index
      %get3A_1259 = arith.index_cast %get3A_1257 : i32 to index
      %get3A_1260 = arith.constant 64 : index
      %get3A_1261 = tpu.vector_load %arg15[%get3A_1258, %get3A_1259, %get3A_1260] {strides = array<i32>} : memref<32x2x128xf32, #tpu.memory_space<vmem>>, vector<16xf32>,
      %get3A_1262 = arith.constant 0 : i32
      %get3A_1263 = arith.index_cast %scan3A_1068 : i32 to index
      %get3A_1264 = arith.index_cast %get3A_1262 : i32 to index
      %get3A_1265 = arith.constant 64 : index
      %get3A_1266 = tpu.vector_load %arg16[%get3A_1263, %get3A_1264, %get3A_1265] {strides = array<i32>} : memref<32x2x128xf32, #tpu.memory_space<vmem>>, vector<16xf32>,
      %add3A_1267 = arith.addf %get3A_1249, %get3A_1256 : vector<16xf32>
      %abs3A_1268 = math.absf %get3A_1266 : vector<16xf32>
      %add3A_1269 = arith.constant 1.000000e+00 : f32
      %add3A_1270 = vector.broadcast %add3A_1269 : f32 to vector<16xf32>
      %add3A_1271 = arith.addf %abs3A_1268, %add3A_1270 : vector<16xf32>
      %div3A_1272 = arith.constant 1.000000e+00 : f32
      %div3A_1273 = vector.broadcast %div3A_1272 : f32 to vector<16xf32>
      %div3A_1274 = arith.divf %div3A_1273, %add3A_1271 : vector<16xf32>
      %sub3A_1275 = arith.subf %add3A_1267, %get3A_1261 : vector<16xf32>
      %abs3A_1276 = math.absf %sub3A_1275 : vector<16xf32>
      %mul3A_1277 = arith.mulf %abs3A_1276, %div3A_1274 : vector<16xf32>
      %mul3A_1278 = arith.mulf %add3A_1271, %abs3A_1276 : vector<16xf32>
      %mul3A_1279 = arith.constant 5.000000e-01 : f32
      %mul3A_1280 = vector.broadcast %mul3A_1279 : f32 to vector<16xf32>
      %mul3A_1281 = arith.mulf %mul3A_1280, %abs3A_1268 : vector<16xf32>
      %sub3A_1282 = arith.subf %add3A_1271, %div3A_1274 : vector<16xf32>
      %mul3A_1283 = arith.mulf %mul3A_1281, %sub3A_1282 : vector<16xf32>
      %sub3A_1284 = arith.subf %mul3A_1278, %mul3A_1283 : vector<16xf32>
      %max3A_1285 = arith.maximumf %mul3A_1277, %sub3A_1284 : vector<16xf32>
      %add3A_1286 = arith.addf %add3A_1242, %max3A_1285 : vector<16xf32>
      %add3A_1287 = arith.constant 0 : i32
      %add3A_1288 = arith.addi %scan3A_1068, %add3A_1287 : i32
      %get3A_1289 = arith.constant 0 : i32
      %get3A_1290 = arith.index_cast %get3A_1289 : i32 to index
      %get3A_1291 = arith.index_cast %add3A_1288 : i32 to index
      %get3A_1292 = arith.constant 80 : index
      %get3A_1293 = tpu.vector_load %arg14[%get3A_1290, %get3A_1291, %get3A_1292] {strides = array<i32>} : memref<2x64x128xf32, #tpu.memory_space<vmem>>, vector<16xf32>,
      %add3A_1294 = arith.constant 32 : i32
      %add3A_1295 = arith.addi %scan3A_1068, %add3A_1294 : i32
      %get3A_1296 = arith.constant 1 : i32
      %get3A_1297 = arith.index_cast %get3A_1296 : i32 to index
      %get3A_1298 = arith.index_cast %add3A_1295 : i32 to index
      %get3A_1299 = arith.constant 80 : index
      %get3A_1300 = tpu.vector_load %arg14[%get3A_1297, %get3A_1298, %get3A_1299] {strides = array<i32>} : memref<2x64x128xf32, #tpu.memory_space<vmem>>, vector<16xf32>,
      %get3A_1301 = arith.constant 0 : i32
      %get3A_1302 = arith.index_cast %scan3A_1068 : i32 to index
      %get3A_1303 = arith.index_cast %get3A_1301 : i32 to index
      %get3A_1304 = arith.constant 80 : index
      %get3A_1305 = tpu.vector_load %arg15[%get3A_1302, %get3A_1303, %get3A_1304] {strides = array<i32>} : memref<32x2x128xf32, #tpu.memory_space<vmem>>, vector<16xf32>,
      %get3A_1306 = arith.constant 0 : i32
      %get3A_1307 = arith.index_cast %scan3A_1068 : i32 to index
      %get3A_1308 = arith.index_cast %get3A_1306 : i32 to index
      %get3A_1309 = arith.constant 80 : index
      %get3A_1310 = tpu.vector_load %arg16[%get3A_1307, %get3A_1308, %get3A_1309] {strides = array<i32>} : memref<32x2x128xf32, #tpu.memory_space<vmem>>, vector<16xf32>,
      %add3A_1311 = arith.addf %get3A_1293, %get3A_1300 : vector<16xf32>
      %abs3A_1312 = math.absf %get3A_1310 : vector<16xf32>
      %add3A_1313 = arith.constant 1.000000e+00 : f32
      %add3A_1314 = vector.broadcast %add3A_1313 : f32 to vector<16xf32>
      %add3A_1315 = arith.addf %abs3A_1312, %add3A_1314 : vector<16xf32>
      %div3A_1316 = arith.constant 1.000000e+00 : f32
      %div3A_1317 = vector.broadcast %div3A_1316 : f32 to vector<16xf32>
      %div3A_1318 = arith.divf %div3A_1317, %add3A_1315 : vector<16xf32>
      %sub3A_1319 = arith.subf %add3A_1311, %get3A_1305 : vector<16xf32>
      %abs3A_1320 = math.absf %sub3A_1319 : vector<16xf32>
      %mul3A_1321 = arith.mulf %abs3A_1320, %div3A_1318 : vector<16xf32>
      %mul3A_1322 = arith.mulf %add3A_1315, %abs3A_1320 : vector<16xf32>
      %mul3A_1323 = arith.constant 5.000000e-01 : f32
      %mul3A_1324 = vector.broadcast %mul3A_1323 : f32 to vector<16xf32>
      %mul3A_1325 = arith.mulf %mul3A_1324, %abs3A_1312 : vector<16xf32>
      %sub3A_1326 = arith.subf %add3A_1315, %div3A_1318 : vector<16xf32>
      %mul3A_1327 = arith.mulf %mul3A_1325, %sub3A_1326 : vector<16xf32>
      %sub3A_1328 = arith.subf %mul3A_1322, %mul3A_1327 : vector<16xf32>
      %max3A_1329 = arith.maximumf %mul3A_1321, %sub3A_1328 : vector<16xf32>
      %add3A_1330 = arith.addf %add3A_1286, %max3A_1329 : vector<16xf32>
      %add3A_1331 = arith.constant 0 : i32
      %add3A_1332 = arith.addi %scan3A_1068, %add3A_1331 : i32
      %get3A_1333 = arith.constant 0 : i32
      %get3A_1334 = arith.index_cast %get3A_1333 : i32 to index
      %get3A_1335 = arith.index_cast %add3A_1332 : i32 to index
      %get3A_1336 = arith.constant 96 : index
      %get3A_1337 = tpu.vector_load %arg14[%get3A_1334, %get3A_1335, %get3A_1336] {strides = array<i32>} : memref<2x64x128xf32, #tpu.memory_space<vmem>>, vector<16xf32>,
      %add3A_1338 = arith.constant 32 : i32
      %add3A_1339 = arith.addi %scan3A_1068, %add3A_1338 : i32
      %get3A_1340 = arith.constant 1 : i32
      %get3A_1341 = arith.index_cast %get3A_1340 : i32 to index
      %get3A_1342 = arith.index_cast %add3A_1339 : i32 to index
      %get3A_1343 = arith.constant 96 : index
      %get3A_1344 = tpu.vector_load %arg14[%get3A_1341, %get3A_1342, %get3A_1343] {strides = array<i32>} : memref<2x64x128xf32, #tpu.memory_space<vmem>>, vector<16xf32>,
      %get3A_1345 = arith.constant 0 : i32
      %get3A_1346 = arith.index_cast %scan3A_1068 : i32 to index
      %get3A_1347 = arith.index_cast %get3A_1345 : i32 to index
      %get3A_1348 = arith.constant 96 : index
      %get3A_1349 = tpu.vector_load %arg15[%get3A_1346, %get3A_1347, %get3A_1348] {strides = array<i32>} : memref<32x2x128xf32, #tpu.memory_space<vmem>>, vector<16xf32>,
      %get3A_1350 = arith.constant 0 : i32
      %get3A_1351 = arith.index_cast %scan3A_1068 : i32 to index
      %get3A_1352 = arith.index_cast %get3A_1350 : i32 to index
      %get3A_1353 = arith.constant 96 : index
      %get3A_1354 = tpu.vector_load %arg16[%get3A_1351, %get3A_1352, %get3A_1353] {strides = array<i32>} : memref<32x2x128xf32, #tpu.memory_space<vmem>>, vector<16xf32>,
      %add3A_1355 = arith.addf %get3A_1337, %get3A_1344 : vector<16xf32>
      %abs3A_1356 = math.absf %get3A_1354 : vector<16xf32>
      %add3A_1357 = arith.constant 1.000000e+00 : f32
      %add3A_1358 = vector.broadcast %add3A_1357 : f32 to vector<16xf32>
      %add3A_1359 = arith.addf %abs3A_1356, %add3A_1358 : vector<16xf32>
      %div3A_1360 = arith.constant 1.000000e+00 : f32
      %div3A_1361 = vector.broadcast %div3A_1360 : f32 to vector<16xf32>
      %div3A_1362 = arith.divf %div3A_1361, %add3A_1359 : vector<16xf32>
      %sub3A_1363 = arith.subf %add3A_1355, %get3A_1349 : vector<16xf32>
      %abs3A_1364 = math.absf %sub3A_1363 : vector<16xf32>
      %mul3A_1365 = arith.mulf %abs3A_1364, %div3A_1362 : vector<16xf32>
      %mul3A_1366 = arith.mulf %add3A_1359, %abs3A_1364 : vector<16xf32>
      %mul3A_1367 = arith.constant 5.000000e-01 : f32
      %mul3A_1368 = vector.broadcast %mul3A_1367 : f32 to vector<16xf32>
      %mul3A_1369 = arith.mulf %mul3A_1368, %abs3A_1356 : vector<16xf32>
      %sub3A_1370 = arith.subf %add3A_1359, %div3A_1362 : vector<16xf32>
      %mul3A_1371 = arith.mulf %mul3A_1369, %sub3A_1370 : vector<16xf32>
      %sub3A_1372 = arith.subf %mul3A_1366, %mul3A_1371 : vector<16xf32>
      %max3A_1373 = arith.maximumf %mul3A_1365, %sub3A_1372 : vector<16xf32>
      %add3A_1374 = arith.addf %add3A_1330, %max3A_1373 : vector<16xf32>
      %add3A_1375 = arith.constant 0 : i32
      %add3A_1376 = arith.addi %scan3A_1068, %add3A_1375 : i32
      %get3A_1377 = arith.constant 0 : i32
      %get3A_1378 = arith.index_cast %get3A_1377 : i32 to index
      %get3A_1379 = arith.index_cast %add3A_1376 : i32 to index
      %get3A_1380 = arith.constant 112 : index
      %get3A_1381 = tpu.vector_load %arg14[%get3A_1378, %get3A_1379, %get3A_1380] {strides = array<i32>} : memref<2x64x128xf32, #tpu.memory_space<vmem>>, vector<16xf32>,
      %add3A_1382 = arith.constant 32 : i32
      %add3A_1383 = arith.addi %scan3A_1068, %add3A_1382 : i32
      %get3A_1384 = arith.constant 1 : i32
      %get3A_1385 = arith.index_cast %get3A_1384 : i32 to index
      %get3A_1386 = arith.index_cast %add3A_1383 : i32 to index
      %get3A_1387 = arith.constant 112 : index
      %get3A_1388 = tpu.vector_load %arg14[%get3A_1385, %get3A_1386, %get3A_1387] {strides = array<i32>} : memref<2x64x128xf32, #tpu.memory_space<vmem>>, vector<16xf32>,
      %get3A_1389 = arith.constant 0 : i32
      %get3A_1390 = arith.index_cast %scan3A_1068 : i32 to index
      %get3A_1391 = arith.index_cast %get3A_1389 : i32 to index
      %get3A_1392 = arith.constant 112 : index
      %get3A_1393 = tpu.vector_load %arg15[%get3A_1390, %get3A_1391, %get3A_1392] {strides = array<i32>} : memref<32x2x128xf32, #tpu.memory_space<vmem>>, vector<16xf32>,
      %get3A_1394 = arith.constant 0 : i32
      %get3A_1395 = arith.index_cast %scan3A_1068 : i32 to index
      %get3A_1396 = arith.index_cast %get3A_1394 : i32 to index
      %get3A_1397 = arith.constant 112 : index
      %get3A_1398 = tpu.vector_load %arg16[%get3A_1395, %get3A_1396, %get3A_1397] {strides = array<i32>} : memref<32x2x128xf32, #tpu.memory_space<vmem>>, vector<16xf32>,
      %add3A_1399 = arith.addf %get3A_1381, %get3A_1388 : vector<16xf32>
      %abs3A_1400 = math.absf %get3A_1398 : vector<16xf32>
      %add3A_1401 = arith.constant 1.000000e+00 : f32
      %add3A_1402 = vector.broadcast %add3A_1401 : f32 to vector<16xf32>
      %add3A_1403 = arith.addf %abs3A_1400, %add3A_1402 : vector<16xf32>
      %div3A_1404 = arith.constant 1.000000e+00 : f32
      %div3A_1405 = vector.broadcast %div3A_1404 : f32 to vector<16xf32>
      %div3A_1406 = arith.divf %div3A_1405, %add3A_1403 : vector<16xf32>
      %sub3A_1407 = arith.subf %add3A_1399, %get3A_1393 : vector<16xf32>
      %abs3A_1408 = math.absf %sub3A_1407 : vector<16xf32>
      %mul3A_1409 = arith.mulf %abs3A_1408, %div3A_1406 : vector<16xf32>
      %mul3A_1410 = arith.mulf %add3A_1403, %abs3A_1408 : vector<16xf32>
      %mul3A_1411 = arith.constant 5.000000e-01 : f32
      %mul3A_1412 = vector.broadcast %mul3A_1411 : f32 to vector<16xf32>
      %mul3A_1413 = arith.mulf %mul3A_1412, %abs3A_1400 : vector<16xf32>
      %sub3A_1414 = arith.subf %add3A_1403, %div3A_1406 : vector<16xf32>
      %mul3A_1415 = arith.mulf %mul3A_1413, %sub3A_1414 : vector<16xf32>
      %sub3A_1416 = arith.subf %mul3A_1410, %mul3A_1415 : vector<16xf32>
      %max3A_1417 = arith.maximumf %mul3A_1409, %sub3A_1416 : vector<16xf32>
      %add3A_1418 = arith.addf %add3A_1374, %max3A_1417 : vector<16xf32>
      %add3A_1419 = arith.constant 32 : i32
      %add3A_1420 = arith.addi %scan3A_1068, %add3A_1419 : i32
      %get3A_1421 = arith.constant 0 : i32
      %get3A_1422 = arith.index_cast %get3A_1421 : i32 to index
      %get3A_1423 = arith.index_cast %add3A_1420 : i32 to index
      %get3A_1424 = arith.constant 0 : index
      %get3A_1425 = tpu.vector_load %arg14[%get3A_1422, %get3A_1423, %get3A_1424] {strides = array<i32>} : memref<2x64x128xf32, #tpu.memory_space<vmem>>, vector<16xf32>,
      %add3A_1426 = arith.constant 0 : i32
      %add3A_1427 = arith.addi %scan3A_1068, %add3A_1426 : i32
      %get3A_1428 = arith.constant 1 : i32
      %get3A_1429 = arith.index_cast %get3A_1428 : i32 to index
      %get3A_1430 = arith.index_cast %add3A_1427 : i32 to index
      %get3A_1431 = arith.constant 0 : index
      %get3A_1432 = tpu.vector_load %arg14[%get3A_1429, %get3A_1430, %get3A_1431] {strides = array<i32>} : memref<2x64x128xf32, #tpu.memory_space<vmem>>, vector<16xf32>,
      %get3A_1433 = arith.constant 1 : i32
      %get3A_1434 = arith.index_cast %scan3A_1068 : i32 to index
      %get3A_1435 = arith.index_cast %get3A_1433 : i32 to index
      %get3A_1436 = arith.constant 0 : index
      %get3A_1437 = tpu.vector_load %arg15[%get3A_1434, %get3A_1435, %get3A_1436] {strides = array<i32>} : memref<32x2x128xf32, #tpu.memory_space<vmem>>, vector<16xf32>,
      %get3A_1438 = arith.constant 1 : i32
      %get3A_1439 = arith.index_cast %scan3A_1068 : i32 to index
      %get3A_1440 = arith.index_cast %get3A_1438 : i32 to index
      %get3A_1441 = arith.constant 0 : index
      %get3A_1442 = tpu.vector_load %arg16[%get3A_1439, %get3A_1440, %get3A_1441] {strides = array<i32>} : memref<32x2x128xf32, #tpu.memory_space<vmem>>, vector<16xf32>,
      %add3A_1443 = arith.addf %get3A_1425, %get3A_1432 : vector<16xf32>
      %abs3A_1444 = math.absf %get3A_1442 : vector<16xf32>
      %add3A_1445 = arith.constant 1.000000e+00 : f32
      %add3A_1446 = vector.broadcast %add3A_1445 : f32 to vector<16xf32>
      %add3A_1447 = arith.addf %abs3A_1444, %add3A_1446 : vector<16xf32>
      %div3A_1448 = arith.constant 1.000000e+00 : f32
      %div3A_1449 = vector.broadcast %div3A_1448 : f32 to vector<16xf32>
      %div3A_1450 = arith.divf %div3A_1449, %add3A_1447 : vector<16xf32>
      %sub3A_1451 = arith.subf %add3A_1443, %get3A_1437 : vector<16xf32>
      %abs3A_1452 = math.absf %sub3A_1451 : vector<16xf32>
      %mul3A_1453 = arith.mulf %abs3A_1452, %div3A_1450 : vector<16xf32>
      %mul3A_1454 = arith.mulf %add3A_1447, %abs3A_1452 : vector<16xf32>
      %mul3A_1455 = arith.constant 5.000000e-01 : f32
      %mul3A_1456 = vector.broadcast %mul3A_1455 : f32 to vector<16xf32>
      %mul3A_1457 = arith.mulf %mul3A_1456, %abs3A_1444 : vector<16xf32>
      %sub3A_1458 = arith.subf %add3A_1447, %div3A_1450 : vector<16xf32>
      %mul3A_1459 = arith.mulf %mul3A_1457, %sub3A_1458 : vector<16xf32>
      %sub3A_1460 = arith.subf %mul3A_1454, %mul3A_1459 : vector<16xf32>
      %max3A_1461 = arith.maximumf %mul3A_1453, %sub3A_1460 : vector<16xf32>
      %add3A_1462 = arith.addf %add3A_1418, %max3A_1461 : vector<16xf32>
      %add3A_1463 = arith.constant 32 : i32
      %add3A_1464 = arith.addi %scan3A_1068, %add3A_1463 : i32
      %get3A_1465 = arith.constant 0 : i32
      %get3A_1466 = arith.index_cast %get3A_1465 : i32 to index
      %get3A_1467 = arith.index_cast %add3A_1464 : i32 to index
      %get3A_1468 = arith.constant 16 : index
      %get3A_1469 = tpu.vector_load %arg14[%get3A_1466, %get3A_1467, %get3A_1468] {strides = array<i32>} : memref<2x64x128xf32, #tpu.memory_space<vmem>>, vector<16xf32>,
      %add3A_1470 = arith.constant 0 : i32
      %add3A_1471 = arith.addi %scan3A_1068, %add3A_1470 : i32
      %get3A_1472 = arith.constant 1 : i32
      %get3A_1473 = arith.index_cast %get3A_1472 : i32 to index
      %get3A_1474 = arith.index_cast %add3A_1471 : i32 to index
      %get3A_1475 = arith.constant 16 : index
      %get3A_1476 = tpu.vector_load %arg14[%get3A_1473, %get3A_1474, %get3A_1475] {strides = array<i32>} : memref<2x64x128xf32, #tpu.memory_space<vmem>>, vector<16xf32>,
      %get3A_1477 = arith.constant 1 : i32
      %get3A_1478 = arith.index_cast %scan3A_1068 : i32 to index
      %get3A_1479 = arith.index_cast %get3A_1477 : i32 to index
      %get3A_1480 = arith.constant 16 : index
      %get3A_1481 = tpu.vector_load %arg15[%get3A_1478, %get3A_1479, %get3A_1480] {strides = array<i32>} : memref<32x2x128xf32, #tpu.memory_space<vmem>>, vector<16xf32>,
      %get3A_1482 = arith.constant 1 : i32
      %get3A_1483 = arith.index_cast %scan3A_1068 : i32 to index
      %get3A_1484 = arith.index_cast %get3A_1482 : i32 to index
      %get3A_1485 = arith.constant 16 : index
      %get3A_1486 = tpu.vector_load %arg16[%get3A_1483, %get3A_1484, %get3A_1485] {strides = array<i32>} : memref<32x2x128xf32, #tpu.memory_space<vmem>>, vector<16xf32>,
      %add3A_1487 = arith.addf %get3A_1469, %get3A_1476 : vector<16xf32>
      %abs3A_1488 = math.absf %get3A_1486 : vector<16xf32>
      %add3A_1489 = arith.constant 1.000000e+00 : f32
      %add3A_1490 = vector.broadcast %add3A_1489 : f32 to vector<16xf32>
      %add3A_1491 = arith.addf %abs3A_1488, %add3A_1490 : vector<16xf32>
      %div3A_1492 = arith.constant 1.000000e+00 : f32
      %div3A_1493 = vector.broadcast %div3A_1492 : f32 to vector<16xf32>
      %div3A_1494 = arith.divf %div3A_1493, %add3A_1491 : vector<16xf32>
      %sub3A_1495 = arith.subf %add3A_1487, %get3A_1481 : vector<16xf32>
      %abs3A_1496 = math.absf %sub3A_1495 : vector<16xf32>
      %mul3A_1497 = arith.mulf %abs3A_1496, %div3A_1494 : vector<16xf32>
      %mul3A_1498 = arith.mulf %add3A_1491, %abs3A_1496 : vector<16xf32>
      %mul3A_1499 = arith.constant 5.000000e-01 : f32
      %mul3A_1500 = vector.broadcast %mul3A_1499 : f32 to vector<16xf32>
      %mul3A_1501 = arith.mulf %mul3A_1500, %abs3A_1488 : vector<16xf32>
      %sub3A_1502 = arith.subf %add3A_1491, %div3A_1494 : vector<16xf32>
      %mul3A_1503 = arith.mulf %mul3A_1501, %sub3A_1502 : vector<16xf32>
      %sub3A_1504 = arith.subf %mul3A_1498, %mul3A_1503 : vector<16xf32>
      %max3A_1505 = arith.maximumf %mul3A_1497, %sub3A_1504 : vector<16xf32>
      %add3A_1506 = arith.addf %add3A_1462, %max3A_1505 : vector<16xf32>
      %add3A_1507 = arith.constant 32 : i32
      %add3A_1508 = arith.addi %scan3A_1068, %add3A_1507 : i32
      %get3A_1509 = arith.constant 0 : i32
      %get3A_1510 = arith.index_cast %get3A_1509 : i32 to index
      %get3A_1511 = arith.index_cast %add3A_1508 : i32 to index
      %get3A_1512 = arith.constant 32 : index
      %get3A_1513 = tpu.vector_load %arg14[%get3A_1510, %get3A_1511, %get3A_1512] {strides = array<i32>} : memref<2x64x128xf32, #tpu.memory_space<vmem>>, vector<16xf32>,
      %add3A_1514 = arith.constant 0 : i32
      %add3A_1515 = arith.addi %scan3A_1068, %add3A_1514 : i32
      %get3A_1516 = arith.constant 1 : i32
      %get3A_1517 = arith.index_cast %get3A_1516 : i32 to index
      %get3A_1518 = arith.index_cast %add3A_1515 : i32 to index
      %get3A_1519 = arith.constant 32 : index
      %get3A_1520 = tpu.vector_load %arg14[%get3A_1517, %get3A_1518, %get3A_1519] {strides = array<i32>} : memref<2x64x128xf32, #tpu.memory_space<vmem>>, vector<16xf32>,
      %get3A_1521 = arith.constant 1 : i32
      %get3A_1522 = arith.index_cast %scan3A_1068 : i32 to index
      %get3A_1523 = arith.index_cast %get3A_1521 : i32 to index
      %get3A_1524 = arith.constant 32 : index
      %get3A_1525 = tpu.vector_load %arg15[%get3A_1522, %get3A_1523, %get3A_1524] {strides = array<i32>} : memref<32x2x128xf32, #tpu.memory_space<vmem>>, vector<16xf32>,
      %get3A_1526 = arith.constant 1 : i32
      %get3A_1527 = arith.index_cast %scan3A_1068 : i32 to index
      %get3A_1528 = arith.index_cast %get3A_1526 : i32 to index
      %get3A_1529 = arith.constant 32 : index
      %get3A_1530 = tpu.vector_load %arg16[%get3A_1527, %get3A_1528, %get3A_1529] {strides = array<i32>} : memref<32x2x128xf32, #tpu.memory_space<vmem>>, vector<16xf32>,
      %add3A_1531 = arith.addf %get3A_1513, %get3A_1520 : vector<16xf32>
      %abs3A_1532 = math.absf %get3A_1530 : vector<16xf32>
      %add3A_1533 = arith.constant 1.000000e+00 : f32
      %add3A_1534 = vector.broadcast %add3A_1533 : f32 to vector<16xf32>
      %add3A_1535 = arith.addf %abs3A_1532, %add3A_1534 : vector<16xf32>
      %div3A_1536 = arith.constant 1.000000e+00 : f32
      %div3A_1537 = vector.broadcast %div3A_1536 : f32 to vector<16xf32>
      %div3A_1538 = arith.divf %div3A_1537, %add3A_1535 : vector<16xf32>
      %sub3A_1539 = arith.subf %add3A_1531, %get3A_1525 : vector<16xf32>
      %abs3A_1540 = math.absf %sub3A_1539 : vector<16xf32>
      %mul3A_1541 = arith.mulf %abs3A_1540, %div3A_1538 : vector<16xf32>
      %mul3A_1542 = arith.mulf %add3A_1535, %abs3A_1540 : vector<16xf32>
      %mul3A_1543 = arith.constant 5.000000e-01 : f32
      %mul3A_1544 = vector.broadcast %mul3A_1543 : f32 to vector<16xf32>
      %mul3A_1545 = arith.mulf %mul3A_1544, %abs3A_1532 : vector<16xf32>
      %sub3A_1546 = arith.subf %add3A_1535, %div3A_1538 : vector<16xf32>
      %mul3A_1547 = arith.mulf %mul3A_1545, %sub3A_1546 : vector<16xf32>
      %sub3A_1548 = arith.subf %mul3A_1542, %mul3A_1547 : vector<16xf32>
      %max3A_1549 = arith.maximumf %mul3A_1541, %sub3A_1548 : vector<16xf32>
      %add3A_1550 = arith.addf %add3A_1506, %max3A_1549 : vector<16xf32>
      %add3A_1551 = arith.constant 32 : i32
      %add3A_1552 = arith.addi %scan3A_1068, %add3A_1551 : i32
      %get3A_1553 = arith.constant 0 : i32
      %get3A_1554 = arith.index_cast %get3A_1553 : i32 to index
      %get3A_1555 = arith.index_cast %add3A_1552 : i32 to index
      %get3A_1556 = arith.constant 48 : index
      %get3A_1557 = tpu.vector_load %arg14[%get3A_1554, %get3A_1555, %get3A_1556] {strides = array<i32>} : memref<2x64x128xf32, #tpu.memory_space<vmem>>, vector<16xf32>,
      %add3A_1558 = arith.constant 0 : i32
      %add3A_1559 = arith.addi %scan3A_1068, %add3A_1558 : i32
      %get3A_1560 = arith.constant 1 : i32
      %get3A_1561 = arith.index_cast %get3A_1560 : i32 to index
      %get3A_1562 = arith.index_cast %add3A_1559 : i32 to index
      %get3A_1563 = arith.constant 48 : index
      %get3A_1564 = tpu.vector_load %arg14[%get3A_1561, %get3A_1562, %get3A_1563] {strides = array<i32>} : memref<2x64x128xf32, #tpu.memory_space<vmem>>, vector<16xf32>,
      %get3A_1565 = arith.constant 1 : i32
      %get3A_1566 = arith.index_cast %scan3A_1068 : i32 to index
      %get3A_1567 = arith.index_cast %get3A_1565 : i32 to index
      %get3A_1568 = arith.constant 48 : index
      %get3A_1569 = tpu.vector_load %arg15[%get3A_1566, %get3A_1567, %get3A_1568] {strides = array<i32>} : memref<32x2x128xf32, #tpu.memory_space<vmem>>, vector<16xf32>,
      %get3A_1570 = arith.constant 1 : i32
      %get3A_1571 = arith.index_cast %scan3A_1068 : i32 to index
      %get3A_1572 = arith.index_cast %get3A_1570 : i32 to index
      %get3A_1573 = arith.constant 48 : index
      %get3A_1574 = tpu.vector_load %arg16[%get3A_1571, %get3A_1572, %get3A_1573] {strides = array<i32>} : memref<32x2x128xf32, #tpu.memory_space<vmem>>, vector<16xf32>,
      %add3A_1575 = arith.addf %get3A_1557, %get3A_1564 : vector<16xf32>
      %abs3A_1576 = math.absf %get3A_1574 : vector<16xf32>
      %add3A_1577 = arith.constant 1.000000e+00 : f32
      %add3A_1578 = vector.broadcast %add3A_1577 : f32 to vector<16xf32>
      %add3A_1579 = arith.addf %abs3A_1576, %add3A_1578 : vector<16xf32>
      %div3A_1580 = arith.constant 1.000000e+00 : f32
      %div3A_1581 = vector.broadcast %div3A_1580 : f32 to vector<16xf32>
      %div3A_1582 = arith.divf %div3A_1581, %add3A_1579 : vector<16xf32>
      %sub3A_1583 = arith.subf %add3A_1575, %get3A_1569 : vector<16xf32>
      %abs3A_1584 = math.absf %sub3A_1583 : vector<16xf32>
      %mul3A_1585 = arith.mulf %abs3A_1584, %div3A_1582 : vector<16xf32>
      %mul3A_1586 = arith.mulf %add3A_1579, %abs3A_1584 : vector<16xf32>
      %mul3A_1587 = arith.constant 5.000000e-01 : f32
      %mul3A_1588 = vector.broadcast %mul3A_1587 : f32 to vector<16xf32>
      %mul3A_1589 = arith.mulf %mul3A_1588, %abs3A_1576 : vector<16xf32>
      %sub3A_1590 = arith.subf %add3A_1579, %div3A_1582 : vector<16xf32>
      %mul3A_1591 = arith.mulf %mul3A_1589, %sub3A_1590 : vector<16xf32>
      %sub3A_1592 = arith.subf %mul3A_1586, %mul3A_1591 : vector<16xf32>
      %max3A_1593 = arith.maximumf %mul3A_1585, %sub3A_1592 : vector<16xf32>
      %add3A_1594 = arith.addf %add3A_1550, %max3A_1593 : vector<16xf32>
      %add3A_1595 = arith.constant 32 : i32
      %add3A_1596 = arith.addi %scan3A_1068, %add3A_1595 : i32
      %get3A_1597 = arith.constant 0 : i32
      %get3A_1598 = arith.index_cast %get3A_1597 : i32 to index
      %get3A_1599 = arith.index_cast %add3A_1596 : i32 to index
      %get3A_1600 = arith.constant 64 : index
      %get3A_1601 = tpu.vector_load %arg14[%get3A_1598, %get3A_1599, %get3A_1600] {strides = array<i32>} : memref<2x64x128xf32, #tpu.memory_space<vmem>>, vector<16xf32>,
      %add3A_1602 = arith.constant 0 : i32
      %add3A_1603 = arith.addi %scan3A_1068, %add3A_1602 : i32
      %get3A_1604 = arith.constant 1 : i32
      %get3A_1605 = arith.index_cast %get3A_1604 : i32 to index
      %get3A_1606 = arith.index_cast %add3A_1603 : i32 to index
      %get3A_1607 = arith.constant 64 : index
      %get3A_1608 = tpu.vector_load %arg14[%get3A_1605, %get3A_1606, %get3A_1607] {strides = array<i32>} : memref<2x64x128xf32, #tpu.memory_space<vmem>>, vector<16xf32>,
      %get3A_1609 = arith.constant 1 : i32
      %get3A_1610 = arith.index_cast %scan3A_1068 : i32 to index
      %get3A_1611 = arith.index_cast %get3A_1609 : i32 to index
      %get3A_1612 = arith.constant 64 : index
      %get3A_1613 = tpu.vector_load %arg15[%get3A_1610, %get3A_1611, %get3A_1612] {strides = array<i32>} : memref<32x2x128xf32, #tpu.memory_space<vmem>>, vector<16xf32>,
      %get3A_1614 = arith.constant 1 : i32
      %get3A_1615 = arith.index_cast %scan3A_1068 : i32 to index
      %get3A_1616 = arith.index_cast %get3A_1614 : i32 to index
      %get3A_1617 = arith.constant 64 : index
      %get3A_1618 = tpu.vector_load %arg16[%get3A_1615, %get3A_1616, %get3A_1617] {strides = array<i32>} : memref<32x2x128xf32, #tpu.memory_space<vmem>>, vector<16xf32>,
      %add3A_1619 = arith.addf %get3A_1601, %get3A_1608 : vector<16xf32>
      %abs3A_1620 = math.absf %get3A_1618 : vector<16xf32>
      %add3A_1621 = arith.constant 1.000000e+00 : f32
      %add3A_1622 = vector.broadcast %add3A_1621 : f32 to vector<16xf32>
      %add3A_1623 = arith.addf %abs3A_1620, %add3A_1622 : vector<16xf32>
      %div3A_1624 = arith.constant 1.000000e+00 : f32
      %div3A_1625 = vector.broadcast %div3A_1624 : f32 to vector<16xf32>
      %div3A_1626 = arith.divf %div3A_1625, %add3A_1623 : vector<16xf32>
      %sub3A_1627 = arith.subf %add3A_1619, %get3A_1613 : vector<16xf32>
      %abs3A_1628 = math.absf %sub3A_1627 : vector<16xf32>
      %mul3A_1629 = arith.mulf %abs3A_1628, %div3A_1626 : vector<16xf32>
      %mul3A_1630 = arith.mulf %add3A_1623, %abs3A_1628 : vector<16xf32>
      %mul3A_1631 = arith.constant 5.000000e-01 : f32
      %mul3A_1632 = vector.broadcast %mul3A_1631 : f32 to vector<16xf32>
      %mul3A_1633 = arith.mulf %mul3A_1632, %abs3A_1620 : vector<16xf32>
      %sub3A_1634 = arith.subf %add3A_1623, %div3A_1626 : vector<16xf32>
      %mul3A_1635 = arith.mulf %mul3A_1633, %sub3A_1634 : vector<16xf32>
      %sub3A_1636 = arith.subf %mul3A_1630, %mul3A_1635 : vector<16xf32>
      %max3A_1637 = arith.maximumf %mul3A_1629, %sub3A_1636 : vector<16xf32>
      %add3A_1638 = arith.addf %add3A_1594, %max3A_1637 : vector<16xf32>
      %add3A_1639 = arith.constant 32 : i32
      %add3A_1640 = arith.addi %scan3A_1068, %add3A_1639 : i32
      %get3A_1641 = arith.constant 0 : i32
      %get3A_1642 = arith.index_cast %get3A_1641 : i32 to index
      %get3A_1643 = arith.index_cast %add3A_1640 : i32 to index
      %get3A_1644 = arith.constant 80 : index
      %get3A_1645 = tpu.vector_load %arg14[%get3A_1642, %get3A_1643, %get3A_1644] {strides = array<i32>} : memref<2x64x128xf32, #tpu.memory_space<vmem>>, vector<16xf32>,
      %add3A_1646 = arith.constant 0 : i32
      %add3A_1647 = arith.addi %scan3A_1068, %add3A_1646 : i32
      %get3A_1648 = arith.constant 1 : i32
      %get3A_1649 = arith.index_cast %get3A_1648 : i32 to index
      %get3A_1650 = arith.index_cast %add3A_1647 : i32 to index
      %get3A_1651 = arith.constant 80 : index
      %get3A_1652 = tpu.vector_load %arg14[%get3A_1649, %get3A_1650, %get3A_1651] {strides = array<i32>} : memref<2x64x128xf32, #tpu.memory_space<vmem>>, vector<16xf32>,
      %get3A_1653 = arith.constant 1 : i32
      %get3A_1654 = arith.index_cast %scan3A_1068 : i32 to index
      %get3A_1655 = arith.index_cast %get3A_1653 : i32 to index
      %get3A_1656 = arith.constant 80 : index
      %get3A_1657 = tpu.vector_load %arg15[%get3A_1654, %get3A_1655, %get3A_1656] {strides = array<i32>} : memref<32x2x128xf32, #tpu.memory_space<vmem>>, vector<16xf32>,
      %get3A_1658 = arith.constant 1 : i32
      %get3A_1659 = arith.index_cast %scan3A_1068 : i32 to index
      %get3A_1660 = arith.index_cast %get3A_1658 : i32 to index
      %get3A_1661 = arith.constant 80 : index
      %get3A_1662 = tpu.vector_load %arg16[%get3A_1659, %get3A_1660, %get3A_1661] {strides = array<i32>} : memref<32x2x128xf32, #tpu.memory_space<vmem>>, vector<16xf32>,
      %add3A_1663 = arith.addf %get3A_1645, %get3A_1652 : vector<16xf32>
      %abs3A_1664 = math.absf %get3A_1662 : vector<16xf32>
      %add3A_1665 = arith.constant 1.000000e+00 : f32
      %add3A_1666 = vector.broadcast %add3A_1665 : f32 to vector<16xf32>
      %add3A_1667 = arith.addf %abs3A_1664, %add3A_1666 : vector<16xf32>
      %div3A_1668 = arith.constant 1.000000e+00 : f32
      %div3A_1669 = vector.broadcast %div3A_1668 : f32 to vector<16xf32>
      %div3A_1670 = arith.divf %div3A_1669, %add3A_1667 : vector<16xf32>
      %sub3A_1671 = arith.subf %add3A_1663, %get3A_1657 : vector<16xf32>
      %abs3A_1672 = math.absf %sub3A_1671 : vector<16xf32>
      %mul3A_1673 = arith.mulf %abs3A_1672, %div3A_1670 : vector<16xf32>
      %mul3A_1674 = arith.mulf %add3A_1667, %abs3A_1672 : vector<16xf32>
      %mul3A_1675 = arith.constant 5.000000e-01 : f32
      %mul3A_1676 = vector.broadcast %mul3A_1675 : f32 to vector<16xf32>
      %mul3A_1677 = arith.mulf %mul3A_1676, %abs3A_1664 : vector<16xf32>
      %sub3A_1678 = arith.subf %add3A_1667, %div3A_1670 : vector<16xf32>
      %mul3A_1679 = arith.mulf %mul3A_1677, %sub3A_1678 : vector<16xf32>
      %sub3A_1680 = arith.subf %mul3A_1674, %mul3A_1679 : vector<16xf32>
      %max3A_1681 = arith.maximumf %mul3A_1673, %sub3A_1680 : vector<16xf32>
      %add3A_1682 = arith.addf %add3A_1638, %max3A_1681 : vector<16xf32>
      %add3A_1683 = arith.constant 32 : i32
      %add3A_1684 = arith.addi %scan3A_1068, %add3A_1683 : i32
      %get3A_1685 = arith.constant 0 : i32
      %get3A_1686 = arith.index_cast %get3A_1685 : i32 to index
      %get3A_1687 = arith.index_cast %add3A_1684 : i32 to index
      %get3A_1688 = arith.constant 96 : index
      %get3A_1689 = tpu.vector_load %arg14[%get3A_1686, %get3A_1687, %get3A_1688] {strides = array<i32>} : memref<2x64x128xf32, #tpu.memory_space<vmem>>, vector<16xf32>,
      %add3A_1690 = arith.constant 0 : i32
      %add3A_1691 = arith.addi %scan3A_1068, %add3A_1690 : i32
      %get3A_1692 = arith.constant 1 : i32
      %get3A_1693 = arith.index_cast %get3A_1692 : i32 to index
      %get3A_1694 = arith.index_cast %add3A_1691 : i32 to index
      %get3A_1695 = arith.constant 96 : index
      %get3A_1696 = tpu.vector_load %arg14[%get3A_1693, %get3A_1694, %get3A_1695] {strides = array<i32>} : memref<2x64x128xf32, #tpu.memory_space<vmem>>, vector<16xf32>,
      %get3A_1697 = arith.constant 1 : i32
      %get3A_1698 = arith.index_cast %scan3A_1068 : i32 to index
      %get3A_1699 = arith.index_cast %get3A_1697 : i32 to index
      %get3A_1700 = arith.constant 96 : index
      %get3A_1701 = tpu.vector_load %arg15[%get3A_1698, %get3A_1699, %get3A_1700] {strides = array<i32>} : memref<32x2x128xf32, #tpu.memory_space<vmem>>, vector<16xf32>,
      %get3A_1702 = arith.constant 1 : i32
      %get3A_1703 = arith.index_cast %scan3A_1068 : i32 to index
      %get3A_1704 = arith.index_cast %get3A_1702 : i32 to index
      %get3A_1705 = arith.constant 96 : index
      %get3A_1706 = tpu.vector_load %arg16[%get3A_1703, %get3A_1704, %get3A_1705] {strides = array<i32>} : memref<32x2x128xf32, #tpu.memory_space<vmem>>, vector<16xf32>,
      %add3A_1707 = arith.addf %get3A_1689, %get3A_1696 : vector<16xf32>
      %abs3A_1708 = math.absf %get3A_1706 : vector<16xf32>
      %add3A_1709 = arith.constant 1.000000e+00 : f32
      %add3A_1710 = vector.broadcast %add3A_1709 : f32 to vector<16xf32>
      %add3A_1711 = arith.addf %abs3A_1708, %add3A_1710 : vector<16xf32>
      %div3A_1712 = arith.constant 1.000000e+00 : f32
      %div3A_1713 = vector.broadcast %div3A_1712 : f32 to vector<16xf32>
      %div3A_1714 = arith.divf %div3A_1713, %add3A_1711 : vector<16xf32>
      %sub3A_1715 = arith.subf %add3A_1707, %get3A_1701 : vector<16xf32>
      %abs3A_1716 = math.absf %sub3A_1715 : vector<16xf32>
      %mul3A_1717 = arith.mulf %abs3A_1716, %div3A_1714 : vector<16xf32>
      %mul3A_1718 = arith.mulf %add3A_1711, %abs3A_1716 : vector<16xf32>
      %mul3A_1719 = arith.constant 5.000000e-01 : f32
      %mul3A_1720 = vector.broadcast %mul3A_1719 : f32 to vector<16xf32>
      %mul3A_1721 = arith.mulf %mul3A_1720, %abs3A_1708 : vector<16xf32>
      %sub3A_1722 = arith.subf %add3A_1711, %div3A_1714 : vector<16xf32>
      %mul3A_1723 = arith.mulf %mul3A_1721, %sub3A_1722 : vector<16xf32>
      %sub3A_1724 = arith.subf %mul3A_1718, %mul3A_1723 : vector<16xf32>
      %max3A_1725 = arith.maximumf %mul3A_1717, %sub3A_1724 : vector<16xf32>
      %add3A_1726 = arith.addf %add3A_1682, %max3A_1725 : vector<16xf32>
      %add3A_1727 = arith.constant 32 : i32
      %add3A_1728 = arith.addi %scan3A_1068, %add3A_1727 : i32
      %get3A_1729 = arith.constant 0 : i32
      %get3A_1730 = arith.index_cast %get3A_1729 : i32 to index
      %get3A_1731 = arith.index_cast %add3A_1728 : i32 to index
      %get3A_1732 = arith.constant 112 : index
      %get3A_1733 = tpu.vector_load %arg14[%get3A_1730, %get3A_1731, %get3A_1732] {strides = array<i32>} : memref<2x64x128xf32, #tpu.memory_space<vmem>>, vector<16xf32>,
      %add3A_1734 = arith.constant 0 : i32
      %add3A_1735 = arith.addi %scan3A_1068, %add3A_1734 : i32
      %get3A_1736 = arith.constant 1 : i32
      %get3A_1737 = arith.index_cast %get3A_1736 : i32 to index
      %get3A_1738 = arith.index_cast %add3A_1735 : i32 to index
      %get3A_1739 = arith.constant 112 : index
      %get3A_1740 = tpu.vector_load %arg14[%get3A_1737, %get3A_1738, %get3A_1739] {strides = array<i32>} : memref<2x64x128xf32, #tpu.memory_space<vmem>>, vector<16xf32>,
      %get3A_1741 = arith.constant 1 : i32
      %get3A_1742 = arith.index_cast %scan3A_1068 : i32 to index
      %get3A_1743 = arith.index_cast %get3A_1741 : i32 to index
      %get3A_1744 = arith.constant 112 : index
      %get3A_1745 = tpu.vector_load %arg15[%get3A_1742, %get3A_1743, %get3A_1744] {strides = array<i32>} : memref<32x2x128xf32, #tpu.memory_space<vmem>>, vector<16xf32>,
      %get3A_1746 = arith.constant 1 : i32
      %get3A_1747 = arith.index_cast %scan3A_1068 : i32 to index
      %get3A_1748 = arith.index_cast %get3A_1746 : i32 to index
      %get3A_1749 = arith.constant 112 : index
      %get3A_1750 = tpu.vector_load %arg16[%get3A_1747, %get3A_1748, %get3A_1749] {strides = array<i32>} : memref<32x2x128xf32, #tpu.memory_space<vmem>>, vector<16xf32>,
      %add3A_1751 = arith.addf %get3A_1733, %get3A_1740 : vector<16xf32>
      %abs3A_1752 = math.absf %get3A_1750 : vector<16xf32>
      %add3A_1753 = arith.constant 1.000000e+00 : f32
      %add3A_1754 = vector.broadcast %add3A_1753 : f32 to vector<16xf32>
      %add3A_1755 = arith.addf %abs3A_1752, %add3A_1754 : vector<16xf32>
      %div3A_1756 = arith.constant 1.000000e+00 : f32
      %div3A_1757 = vector.broadcast %div3A_1756 : f32 to vector<16xf32>
      %div3A_1758 = arith.divf %div3A_1757, %add3A_1755 : vector<16xf32>
      %sub3A_1759 = arith.subf %add3A_1751, %get3A_1745 : vector<16xf32>
      %abs3A_1760 = math.absf %sub3A_1759 : vector<16xf32>
      %mul3A_1761 = arith.mulf %abs3A_1760, %div3A_1758 : vector<16xf32>
      %mul3A_1762 = arith.mulf %add3A_1755, %abs3A_1760 : vector<16xf32>
      %mul3A_1763 = arith.constant 5.000000e-01 : f32
      %mul3A_1764 = vector.broadcast %mul3A_1763 : f32 to vector<16xf32>
      %mul3A_1765 = arith.mulf %mul3A_1764, %abs3A_1752 : vector<16xf32>
      %sub3A_1766 = arith.subf %add3A_1755, %div3A_1758 : vector<16xf32>
      %mul3A_1767 = arith.mulf %mul3A_1765, %sub3A_1766 : vector<16xf32>
      %sub3A_1768 = arith.subf %mul3A_1762, %mul3A_1767 : vector<16xf32>
      %max3A_1769 = arith.maximumf %mul3A_1761, %sub3A_1768 : vector<16xf32>
      %add3A_1770 = arith.addf %add3A_1726, %max3A_1769 : vector<16xf32>
      %broadcast_in_dim3A_1771 = vector.broadcast %scan3A_1068 : i32 to vector<16xi32>
      tpu.vector_store_idx %arg17[%iota3A, %broadcast_in_dim3A_1771], %add3A_1770 : memref<16x33xf32, #tpu.memory_space<vmem>>[vector<16xi32>, vector<16xi32>], vector<16xf32>,
    }
    %scan3A_905 = arith.constant 32 : i32
    %get3A_906 = arith.constant 0 : i32
    %get3A_907 = arith.index_cast %get3A_906 : i32 to index
    %get3A_908 = arith.constant 0 : index
    %get3A_909 = tpu.vector_load %arg17[%get3A_907, %get3A_908] {strides = array<i32>} : memref<16x33xf32, #tpu.memory_space<vmem>>, vector<16xf32>,
    %get3A_910 = arith.constant 1 : i32
    %get3A_911 = arith.index_cast %get3A_910 : i32 to index
    %get3A_912 = arith.constant 0 : index
    %get3A_913 = tpu.vector_load %arg17[%get3A_911, %get3A_912] {strides = array<i32>} : memref<16x33xf32, #tpu.memory_space<vmem>>, vector<16xf32>,
    %add3A_914 = arith.addf %get3A_909, %get3A_913 : vector<16xf32>
    %get3A_915 = arith.constant 2 : i32
    %get3A_916 = arith.index_cast %get3A_915 : i32 to index
    %get3A_917 = arith.constant 0 : index
    %get3A_918 = tpu.vector_load %arg17[%get3A_916, %get3A_917] {strides = array<i32>} : memref<16x33xf32, #tpu.memory_space<vmem>>, vector<16xf32>,
    %add3A_919 = arith.addf %add3A_914, %get3A_918 : vector<16xf32>
    %get3A_920 = arith.constant 3 : i32
    %get3A_921 = arith.index_cast %get3A_920 : i32 to index
    %get3A_922 = arith.constant 0 : index
    %get3A_923 = tpu.vector_load %arg17[%get3A_921, %get3A_922] {strides = array<i32>} : memref<16x33xf32, #tpu.memory_space<vmem>>, vector<16xf32>,
    %add3A_924 = arith.addf %add3A_919, %get3A_923 : vector<16xf32>
    %get3A_925 = arith.constant 4 : i32
    %get3A_926 = arith.index_cast %get3A_925 : i32 to index
    %get3A_927 = arith.constant 0 : index
    %get3A_928 = tpu.vector_load %arg17[%get3A_926, %get3A_927] {strides = array<i32>} : memref<16x33xf32, #tpu.memory_space<vmem>>, vector<16xf32>,
    %add3A_929 = arith.addf %add3A_924, %get3A_928 : vector<16xf32>
    %get3A_930 = arith.constant 5 : i32
    %get3A_931 = arith.index_cast %get3A_930 : i32 to index
    %get3A_932 = arith.constant 0 : index
    %get3A_933 = tpu.vector_load %arg17[%get3A_931, %get3A_932] {strides = array<i32>} : memref<16x33xf32, #tpu.memory_space<vmem>>, vector<16xf32>,
    %add3A_934 = arith.addf %add3A_929, %get3A_933 : vector<16xf32>
    %get3A_935 = arith.constant 6 : i32
    %get3A_936 = arith.index_cast %get3A_935 : i32 to index
    %get3A_937 = arith.constant 0 : index
    %get3A_938 = tpu.vector_load %arg17[%get3A_936, %get3A_937] {strides = array<i32>} : memref<16x33xf32, #tpu.memory_space<vmem>>, vector<16xf32>,
    %add3A_939 = arith.addf %add3A_934, %get3A_938 : vector<16xf32>
    %get3A_940 = arith.constant 7 : i32
    %get3A_941 = arith.index_cast %get3A_940 : i32 to index
    %get3A_942 = arith.constant 0 : index
    %get3A_943 = tpu.vector_load %arg17[%get3A_941, %get3A_942] {strides = array<i32>} : memref<16x33xf32, #tpu.memory_space<vmem>>, vector<16xf32>,
    %add3A_944 = arith.addf %add3A_939, %get3A_943 : vector<16xf32>
    %get3A_945 = arith.constant 8 : i32
    %get3A_946 = arith.index_cast %get3A_945 : i32 to index
    %get3A_947 = arith.constant 0 : index
    %get3A_948 = tpu.vector_load %arg17[%get3A_946, %get3A_947] {strides = array<i32>} : memref<16x33xf32, #tpu.memory_space<vmem>>, vector<16xf32>,
    %add3A_949 = arith.addf %add3A_944, %get3A_948 : vector<16xf32>
    %get3A_950 = arith.constant 9 : i32
    %get3A_951 = arith.index_cast %get3A_950 : i32 to index
    %get3A_952 = arith.constant 0 : index
    %get3A_953 = tpu.vector_load %arg17[%get3A_951, %get3A_952] {strides = array<i32>} : memref<16x33xf32, #tpu.memory_space<vmem>>, vector<16xf32>,
    %add3A_954 = arith.addf %add3A_949, %get3A_953 : vector<16xf32>
    %get3A_955 = arith.constant 10 : i32
    %get3A_956 = arith.index_cast %get3A_955 : i32 to index
    %get3A_957 = arith.constant 0 : index
    %get3A_958 = tpu.vector_load %arg17[%get3A_956, %get3A_957] {strides = array<i32>} : memref<16x33xf32, #tpu.memory_space<vmem>>, vector<16xf32>,
    %add3A_959 = arith.addf %add3A_954, %get3A_958 : vector<16xf32>
    %get3A_960 = arith.constant 11 : i32
    %get3A_961 = arith.index_cast %get3A_960 : i32 to index
    %get3A_962 = arith.constant 0 : index
    %get3A_963 = tpu.vector_load %arg17[%get3A_961, %get3A_962] {strides = array<i32>} : memref<16x33xf32, #tpu.memory_space<vmem>>, vector<16xf32>,
    %add3A_964 = arith.addf %add3A_959, %get3A_963 : vector<16xf32>
    %get3A_965 = arith.constant 12 : i32
    %get3A_966 = arith.index_cast %get3A_965 : i32 to index
    %get3A_967 = arith.constant 0 : index
    %get3A_968 = tpu.vector_load %arg17[%get3A_966, %get3A_967] {strides = array<i32>} : memref<16x33xf32, #tpu.memory_space<vmem>>, vector<16xf32>,
    %add3A_969 = arith.addf %add3A_964, %get3A_968 : vector<16xf32>
    %get3A_970 = arith.constant 13 : i32
    %get3A_971 = arith.index_cast %get3A_970 : i32 to index
    %get3A_972 = arith.constant 0 : index
    %get3A_973 = tpu.vector_load %arg17[%get3A_971, %get3A_972] {strides = array<i32>} : memref<16x33xf32, #tpu.memory_space<vmem>>, vector<16xf32>,
    %add3A_974 = arith.addf %add3A_969, %get3A_973 : vector<16xf32>
    %get3A_975 = arith.constant 14 : i32
    %get3A_976 = arith.index_cast %get3A_975 : i32 to index
    %get3A_977 = arith.constant 0 : index
    %get3A_978 = tpu.vector_load %arg17[%get3A_976, %get3A_977] {strides = array<i32>} : memref<16x33xf32, #tpu.memory_space<vmem>>, vector<16xf32>,
    %add3A_979 = arith.addf %add3A_974, %get3A_978 : vector<16xf32>
    %get3A_980 = arith.constant 15 : i32
    %get3A_981 = arith.index_cast %get3A_980 : i32 to index
    %get3A_982 = arith.constant 0 : index
    %get3A_983 = tpu.vector_load %arg17[%get3A_981, %get3A_982] {strides = array<i32>} : memref<16x33xf32, #tpu.memory_space<vmem>>, vector<16xf32>,
    %add3A_984 = arith.addf %add3A_979, %get3A_983 : vector<16xf32>
    %swap3A_985 = arith.constant 96 : index
    %swap3A_986 = tpu.vector_load %arg18[%swap3A_985] {strides = array<i32>} : memref<128xf32, #tpu.memory_space<vmem>>, vector<16xf32>,
    tpu.vector_store %arg18[%swap3A_985], %add3A_984 {strides = array<i32>} : memref<128xf32, #tpu.memory_space<vmem>>, vector<16xf32>,
    %get3A_987 = arith.constant 0 : i32
    %get3A_988 = arith.index_cast %get3A_987 : i32 to index
    %get3A_989 = arith.constant 16 : index
    %get3A_990 = tpu.vector_load %arg17[%get3A_988, %get3A_989] {strides = array<i32>} : memref<16x33xf32, #tpu.memory_space<vmem>>, vector<16xf32>,
    %get3A_991 = arith.constant 1 : i32
    %get3A_992 = arith.index_cast %get3A_991 : i32 to index
    %get3A_993 = arith.constant 16 : index
    %get3A_994 = tpu.vector_load %arg17[%get3A_992, %get3A_993] {strides = array<i32>} : memref<16x33xf32, #tpu.memory_space<vmem>>, vector<16xf32>,
    %add3A_995 = arith.addf %get3A_990, %get3A_994 : vector<16xf32>
    %get3A_996 = arith.constant 2 : i32
    %get3A_997 = arith.index_cast %get3A_996 : i32 to index
    %get3A_998 = arith.constant 16 : index
    %get3A_999 = tpu.vector_load %arg17[%get3A_997, %get3A_998] {strides = array<i32>} : memref<16x33xf32, #tpu.memory_space<vmem>>, vector<16xf32>,
    %add3A_1000 = arith.addf %add3A_995, %get3A_999 : vector<16xf32>
    %get3A_1001 = arith.constant 3 : i32
    %get3A_1002 = arith.index_cast %get3A_1001 : i32 to index
    %get3A_1003 = arith.constant 16 : index
    %get3A_1004 = tpu.vector_load %arg17[%get3A_1002, %get3A_1003] {strides = array<i32>} : memref<16x33xf32, #tpu.memory_space<vmem>>, vector<16xf32>,
    %add3A_1005 = arith.addf %add3A_1000, %get3A_1004 : vector<16xf32>
    %get3A_1006 = arith.constant 4 : i32
    %get3A_1007 = arith.index_cast %get3A_1006 : i32 to index
    %get3A_1008 = arith.constant 16 : index
    %get3A_1009 = tpu.vector_load %arg17[%get3A_1007, %get3A_1008] {strides = array<i32>} : memref<16x33xf32, #tpu.memory_space<vmem>>, vector<16xf32>,
    %add3A_1010 = arith.addf %add3A_1005, %get3A_1009 : vector<16xf32>
    %get3A_1011 = arith.constant 5 : i32
    %get3A_1012 = arith.index_cast %get3A_1011 : i32 to index
    %get3A_1013 = arith.constant 16 : index
    %get3A_1014 = tpu.vector_load %arg17[%get3A_1012, %get3A_1013] {strides = array<i32>} : memref<16x33xf32, #tpu.memory_space<vmem>>, vector<16xf32>,
    %add3A_1015 = arith.addf %add3A_1010, %get3A_1014 : vector<16xf32>
    %get3A_1016 = arith.constant 6 : i32
    %get3A_1017 = arith.index_cast %get3A_1016 : i32 to index
    %get3A_1018 = arith.constant 16 : index
    %get3A_1019 = tpu.vector_load %arg17[%get3A_1017, %get3A_1018] {strides = array<i32>} : memref<16x33xf32, #tpu.memory_space<vmem>>, vector<16xf32>,
    %add3A_1020 = arith.addf %add3A_1015, %get3A_1019 : vector<16xf32>
    %get3A_1021 = arith.constant 7 : i32
    %get3A_1022 = arith.index_cast %get3A_1021 : i32 to index
    %get3A_1023 = arith.constant 16 : index
    %get3A_1024 = tpu.vector_load %arg17[%get3A_1022, %get3A_1023] {strides = array<i32>} : memref<16x33xf32, #tpu.memory_space<vmem>>, vector<16xf32>,
    %add3A_1025 = arith.addf %add3A_1020, %get3A_1024 : vector<16xf32>
    %get3A_1026 = arith.constant 8 : i32
    %get3A_1027 = arith.index_cast %get3A_1026 : i32 to index
    %get3A_1028 = arith.constant 16 : index
    %get3A_1029 = tpu.vector_load %arg17[%get3A_1027, %get3A_1028] {strides = array<i32>} : memref<16x33xf32, #tpu.memory_space<vmem>>, vector<16xf32>,
    %add3A_1030 = arith.addf %add3A_1025, %get3A_1029 : vector<16xf32>
    %get3A_1031 = arith.constant 9 : i32
    %get3A_1032 = arith.index_cast %get3A_1031 : i32 to index
    %get3A_1033 = arith.constant 16 : index
    %get3A_1034 = tpu.vector_load %arg17[%get3A_1032, %get3A_1033] {strides = array<i32>} : memref<16x33xf32, #tpu.memory_space<vmem>>, vector<16xf32>,
    %add3A_1035 = arith.addf %add3A_1030, %get3A_1034 : vector<16xf32>
    %get3A_1036 = arith.constant 10 : i32
    %get3A_1037 = arith.index_cast %get3A_1036 : i32 to index
    %get3A_1038 = arith.constant 16 : index
    %get3A_1039 = tpu.vector_load %arg17[%get3A_1037, %get3A_1038] {strides = array<i32>} : memref<16x33xf32, #tpu.memory_space<vmem>>, vector<16xf32>,
    %add3A_1040 = arith.addf %add3A_1035, %get3A_1039 : vector<16xf32>
    %get3A_1041 = arith.constant 11 : i32
    %get3A_1042 = arith.index_cast %get3A_1041 : i32 to index
    %get3A_1043 = arith.constant 16 : index
    %get3A_1044 = tpu.vector_load %arg17[%get3A_1042, %get3A_1043] {strides = array<i32>} : memref<16x33xf32, #tpu.memory_space<vmem>>, vector<16xf32>,
    %add3A_1045 = arith.addf %add3A_1040, %get3A_1044 : vector<16xf32>
    %get3A_1046 = arith.constant 12 : i32
    %get3A_1047 = arith.index_cast %get3A_1046 : i32 to index
    %get3A_1048 = arith.constant 16 : index
    %get3A_1049 = tpu.vector_load %arg17[%get3A_1047, %get3A_1048] {strides = array<i32>} : memref<16x33xf32, #tpu.memory_space<vmem>>, vector<16xf32>,
    %add3A_1050 = arith.addf %add3A_1045, %get3A_1049 : vector<16xf32>
    %get3A_1051 = arith.constant 13 : i32
    %get3A_1052 = arith.index_cast %get3A_1051 : i32 to index
    %get3A_1053 = arith.constant 16 : index
    %get3A_1054 = tpu.vector_load %arg17[%get3A_1052, %get3A_1053] {strides = array<i32>} : memref<16x33xf32, #tpu.memory_space<vmem>>, vector<16xf32>,
    %add3A_1055 = arith.addf %add3A_1050, %get3A_1054 : vector<16xf32>
    %get3A_1056 = arith.constant 14 : i32
    %get3A_1057 = arith.index_cast %get3A_1056 : i32 to index
    %get3A_1058 = arith.constant 16 : index
    %get3A_1059 = tpu.vector_load %arg17[%get3A_1057, %get3A_1058] {strides = array<i32>} : memref<16x33xf32, #tpu.memory_space<vmem>>, vector<16xf32>,
    %add3A_1060 = arith.addf %add3A_1055, %get3A_1059 : vector<16xf32>
    %get3A_1061 = arith.constant 15 : i32
    %get3A_1062 = arith.index_cast %get3A_1061 : i32 to index
    %get3A_1063 = arith.constant 16 : index
    %get3A_1064 = tpu.vector_load %arg17[%get3A_1062, %get3A_1063] {strides = array<i32>} : memref<16x33xf32, #tpu.memory_space<vmem>>, vector<16xf32>,
    %add3A_1065 = arith.addf %add3A_1060, %get3A_1064 : vector<16xf32>
    %swap3A_1066 = arith.constant 112 : index
    %swap3A_1067 = tpu.vector_load %arg18[%swap3A_1066] {strides = array<i32>} : memref<128xf32, #tpu.memory_space<vmem>>, vector<16xf32>,
    tpu.vector_store %arg18[%swap3A_1066], %add3A_1065 {strides = array<i32>} : memref<128xf32, #tpu.memory_space<vmem>>, vector<16xf32>,
    "tpu.region"() ({
      %run_scoped3A = tpu.sem_alloc : memref<!tpu.dma_semaphore, #tpu.memory_space<semaphore_mem>>
      %dma_start3A_1068 = tpu.memref_slice %arg7[%mul3A_2] : memref<4096xf32, #tpu.memory_space<hbm>> -> memref<128xf32, #tpu.memory_space<hbm>>
      %dma_start3A_1069 = tpu.memref_slice %arg7[%mul3A_2] : memref<4096xf32, #tpu.memory_space<hbm>> -> memref<128xf32, #tpu.memory_space<hbm>>
      tpu.enqueue_dma source(%arg18 : memref<128xf32, #tpu.memory_space<vmem>>) target(%dma_start3A_1069 : memref<128xf32, #tpu.memory_space<hbm>>) target_semaphore(%run_scoped3A : memref<!tpu.dma_semaphore, #tpu.memory_space<semaphore_mem>>)
      %dma_wait3A_1070 = tpu.memref_slice %arg7[%mul3A_2] : memref<4096xf32, #tpu.memory_space<hbm>> -> memref<128xf32, #tpu.memory_space<hbm>>
      %dma_wait3A_1071 = tpu.memref_slice %arg7[%mul3A_2] : memref<4096xf32, #tpu.memory_space<hbm>> -> memref<128xf32, #tpu.memory_space<hbm>>
      tpu.wait_dma2 semaphore(%run_scoped3A : memref<!tpu.dma_semaphore, #tpu.memory_space<semaphore_mem>>) src(%arg18 : memref<128xf32, #tpu.memory_space<vmem>>) dst(%dma_wait3A_1071 : memref<128xf32, #tpu.memory_space<hbm>>)
      tpu.yield
    }) : () -> ()
    return
  }
}

</mosaic_0001>

<sc_bundles>
// kernel: _run.3.cloned.1.call-start
scs
__scs_entry_jumppad:
0x0: {  	(pc) =	sbr.rel $0x88, $3  }
0x1: {  	(tag) =	ssettag $0x0;
	lr =	simm.s32 $0x1  }
0x2: {  	[smem:$0x3F9C] =	sst lr;
	_ =	strace $0xD0000000  }
0x3: {  	_ = 	snop  }
0x4: {  	_ = 	snop  }
0x5: {  	_ = 	snop  }
0x6: {  	_ = 	snop  }
0x7: {  	_ = 	snop  }
__scs_overlays_trampoline_lowered:
0x8: {  	[smem:$0x3FAB] =	sst s0  }
0x9: {  	[smem:$0x3FAC] =	sst s1  }
0xa: {  	[smem:$0x3FAD] =	sst s2  }
0xb: {  	[smem:$0x3FAE] =	sst s3  }
0xc: {  	[smem:$0x3FAF] =	sst s4  }
0xd: {  	[smem:$0x3FB0] =	sst s5  }
0xe: {  	[smem:$0x3FB1] =	sst s6  }
0xf: {  	[smem:$0x3FB2] =	sst s7  }
0x10: {  	[smem:$0x3FB3] =	sst s8  }
0x11: {  	[smem:$0x3FB4] =	sst s9;
	s0 =	simm.s32 @!p0 $0x0  }
0x12: {  	s1 =	sld [smem:$0x3F9A];
	s0 =	simm.s32 @p0 $0x1  }
0x13: {  	[smem:$0x3FB5] =	sst s0;
	s0 =	simm.s32 @!p1 $0x0  }
0x14: {  	s2 =	sld [smem:$0x3F99];
	s0 =	simm.s32 @p1 $0x1  }
0x15: {  	[smem:$0x3FB6] =	sst s0;
	s0 =	simm.s32 @!p2 $0x0  }
0x16: {  	s3 =	sld [smem:$0x3FDB];
	s0 =	simm.s32 @p2 $0x1  }
0x17: {  	s4 =	simm.s32 $0x1BF5;
	[smem:$0x3FB8] =	sst s0  }
0x18: {  	s0 =	sld [smem:$0x3F9B];
	_ =	swait.ge [sflag:s4], $0x0  }
0x19: {  	s7 =	sld [smem:$0x3F9C]  }
0x1a: {  	s8 =	sadd.s32 $0xFFFFE003, lr  }
0x1b: {  	s9 =	sadd.s32 $0xFFFFFEF7, lr;
	s5 =	simm.s32 $0xFFFFFFFF;
	p2 =	slt.u32 s8, $0xFFFFF086  }
0x1c: {  	p1 =	slt.u32 s9, $0xF7A;
	s5 =	simm.s32 @!p2 $0x0  }
0x1d: {  	s5 =	simm.s32 @p1 $0x1;
	p0 =	seq.s32 s7, s2  }
0x1e: {  	s7 =	smul.u32 @!p0 $0xF7A, s2;
	p2 =	seq.s32 @!p0 s5, $0x0  }
0x1f: {  	s9 =	smul.u32 $0xF7A, s1;
	s8 =	simm.s32 @!p0 $0x1BF5;
	p2 =	por !p2, p0  }
0x20: {  	[sflag:s8] =	ssyncset.s32 @!p0 $0xFFFFF086;
	s6 =	sadd.s32 @!p0 s3, s7;
	s7 =	simm.s32 @!p0 $0x108  }
0x21: {  	s3 =	sadd.s32 s3, s9;
	s6 =	sadd.s32 @!p0 $0x88, s6;
	s7 =	simm.s32 @p2 $0x1082  }
0x22: {  	[simem:s7], [sflag:s8] =	dma.local @!p0 [hbm:s6], $0xF7A  }
0x23: {  	s9 =	sor.u32 $0xD0000000, s2;
	s6 =	simm.s32 $0x108;
	_ =	swait.ge @!p0 [sflag:s8], $0x0  }
0x24: {  	s3 =	sadd.s32 $0x88, s3;
	s6 =	simm.s32 @!p1 $0x1082;
	[sflag:s4] =	ssyncset.s32 $0xFFFFF086  }
0x25: {  	[simem:s6], [sflag:s4] =	dma.local [hbm:s3], $0xF7A  }
0x26: {  	[smem:$0x3F9C] =	sst s1;
	(tag) =	ssettag s2;
	_ =	strace s9  }
0x27: {  	s1 =	sld [smem:$0x3FAC]  }
0x28: {  	s2 =	sld [smem:$0x3FAD]  }
0x29: {  	s4 =	sld [smem:$0x3FAF]  }
0x2a: {  	p0 =	seq.s32 s5, $0x0;
	s5 =	sld [smem:$0x3FB0]  }
0x2b: {  	s6 =	sld [smem:$0x3FB1]  }
0x2c: {  	s7 =	sld [smem:$0x3FB2]  }
0x2d: {  	s3 =	simm.s32 $0x108;
	s8 =	sld [smem:$0x3FB3]  }
0x2e: {  	s3 =	simm.s32 @!p0 $0x1082;
	s9 =	sld [smem:$0x3FB4]  }
0x2f: {  	lr =	sadd.s32 s0, s3;
	s0 =	sld [smem:$0x3FAB]  }
0x30: {  	s3 =	sld [smem:$0x3FAE]  }
0x31: {  	[smem:$0x3FB7] =	sst s10  }
0x32: {  	s10 =	sld [smem:$0x3FB5];
	_ =	sdelay $0x3  }
0x33: {  	p0 =	seq.s32 s10, $0x1;
	s10 =	sld [smem:$0x3FB7];
	_ =	sdelay $0x3  }
0x34: {  	[smem:$0x3FB7] =	sst s10  }
0x35: {  	s10 =	sld [smem:$0x3FB6];
	_ =	sdelay $0x3  }
0x36: {  	p1 =	seq.s32 s10, $0x1;
	s10 =	sld [smem:$0x3FB7];
	_ =	sdelay $0x3  }
0x37: {  	[smem:$0x3FB7] =	sst s10  }
0x38: {  	s10 =	sld [smem:$0x3FB8]  }
0x39: {  	_ = 	snop;
	(pc) =	sbr.ind lr, $3  }
0x3a: {  	_ = 	snop  }
0x3b: {  	_ = 	snop  }
0x3c: {  	p2 =	seq.s32 s10, $0x1;
	s10 =	sld [smem:$0x3FB7]  }
0x3d: {  	_ =	shalt  }
0x3e: {  	_ =	shalt  }
0x3f: {  	_ =	shalt  }
0x40: {  	_ =	shalt  }
0x41: {  	_ =	shalt  }
0x42: {  	_ =	shalt  }
0x43: {  	_ =	shalt  }
0x44: {  	_ =	shalt  }
0x45: {  	_ =	shalt  }
0x46: {  	_ =	shalt  }
0x47: {  	_ =	shalt  }
0x48: {  	_ =	shalt  }
0x49: {  	_ =	shalt  }
0x4a: {  	_ =	shalt  }
0x4b: {  	_ =	shalt  }
0x4c: {  	_ =	shalt  }
0x4d: {  	_ =	shalt  }
0x4e: {  	_ =	shalt  }
0x4f: {  	_ =	shalt  }
0x50: {  	_ =	shalt  }
0x51: {  	_ =	shalt  }
0x52: {  	_ =	shalt  }
0x53: {  	_ =	shalt  }
0x54: {  	_ =	shalt  }
0x55: {  	_ =	shalt  }
0x56: {  	_ =	shalt  }
0x57: {  	_ =	shalt  }
0x58: {  	_ =	shalt  }
0x59: {  	_ =	shalt  }
0x5a: {  	_ =	shalt  }
0x5b: {  	_ =	shalt  }
0x5c: {  	_ =	shalt  }
0x5d: {  	_ =	shalt  }
0x5e: {  	_ =	shalt  }
0x5f: {  	_ =	shalt  }
0x60: {  	_ =	shalt  }
0x61: {  	_ =	shalt  }
0x62: {  	_ =	shalt  }
0x63: {  	_ =	shalt  }
0x64: {  	_ =	shalt  }
0x65: {  	_ =	shalt  }
0x66: {  	_ =	shalt  }
0x67: {  	_ =	shalt  }
0x68: {  	_ =	shalt  }
0x69: {  	_ =	shalt  }
0x6a: {  	_ =	shalt  }
0x6b: {  	_ =	shalt  }
0x6c: {  	_ =	shalt  }
0x6d: {  	_ =	shalt  }
0x6e: {  	_ =	shalt  }
0x6f: {  	_ =	shalt  }
0x70: {  	_ =	shalt  }
0x71: {  	_ =	shalt  }
0x72: {  	_ =	shalt  }
0x73: {  	_ =	shalt  }
0x74: {  	_ =	shalt  }
0x75: {  	_ =	shalt  }
0x76: {  	_ =	shalt  }
0x77: {  	_ =	shalt  }
0x78: {  	_ =	shalt  }
0x79: {  	_ =	shalt  }
0x7a: {  	_ =	shalt  }
0x7b: {  	_ =	shalt  }
0x7c: {  	_ =	shalt  }
0x7d: {  	_ =	shalt  }
0x7e: {  	_ =	shalt  }
0x7f: {  	_ =	shalt  }
0x80: {  	_ =	shalt  }
0x81: {  	_ =	shalt  }
0x82: {  	_ =	shalt  }
0x83: {  	_ =	shalt  }
0x84: {  	_ =	shalt  }
0x85: {  	_ =	shalt  }
0x86: {  	_ =	shalt  }
0x87: {  	_ =	shalt  }
.Lfunc_end0:
.L_simem_size_0:
called_computation_lowered:
.L_overlay_start_0:
0x88: {  	s2 =	sld [smem:$0x3FD9]  }
0x89: {  	s3 =	sld [smem:$0x3FFE];
	_ =	sdelay $0x1  }
0x8a: {  	s1 =	srdreg.scid  }
0x8b: {  	s0 =	sand.u32 $0x1, s1  }
0x8c: {  	s17 =	sshll.u32 s0, $0xA;
	s2 =	sadd.s32 s3, s2  }
0x8d: {  	s2 =	sadd.s32 s2, s17  }
0x8e: {  	[smem:$0x3FC3] =	sst s2  }
0x8f: {  	_ = 	snop  }
0x90: {  	s2 =	sld [smem:$0x3FC9]  }
0x91: {  	s18 =	sld [smem:$0x3FC8]  }
0x92: {  	s4 =	sld [smem:$0x3FC7]  }
0x93: {  	s5 =	sld [smem:$0x3FC6]  }
0x94: {  	s6 =	sld [smem:$0x3FD0];
	(tm) =	ssettm $0x1  }
0x95: {  	s7 =	sld [smem:$0x3FFB];
	_ =	sdelay $0x3  }
0x96: {  	_ =	strace s7  }
0x97: {  	s7 =	sld [smem:$0x3FFC];
	_ =	sdelay $0x3  }
0x98: {  	_ =	strace s7  }
0x99: {  	s7 =	sld [smem:$0x3FFD];
	_ =	sdelay $0x3  }
0x9a: {  	_ =	strace s7  }
0x9b: {  	_ =	strace $0x8FFFFFFF  }
0x9c: {  	s19 =	sld [smem:$0x3FDB];
	_ =	sdelay $0x1  }
0x9d: {  	s8 =	simm.s32 $_scs_section_size  }
0x9e: {  	s9 =	simm.s32 $_size__tile_overlayer_lowered;
	s10 =	simm.s32 $_tile_overlayer_lowered  }
0x9f: {  	s22 =	simm.s32 $0x1BFF;
	s21 =	sshll.u32 s10, $0x1;
	s7 =	sadd.s32 s8, s19  }
0xa0: {  	s11 =	simm.s32 $0x0;
	s20 =	sshll.u32 s9, $0x1;
	s9 =	sadd.s32 s21, s7  }
0xa1: {  	[timem:s11], [sflag:s22] =	dma.local [hbm:s9], s20  }
0xa2: {  	_ =	swait.ge [sflag:s22], s20  }
0xa3: {  	s8 =	ssub.s32 $0x0, s20;
	[sflag:s22] =	ssyncset.done $0x0  }
0xa4: {  	[sflag:s22] =	ssyncadd.s32 s8;
	_ =	sdelay $0x1  }
0xa5: {  	s23 =	simm.s32 $0x1B8B  }
0xa6: {  	_ =	swait.ge [sflag:s23], $0x1  }
0xa7: {  	[sflag:s23] =	ssyncset.done $0x0  }
0xa8: {  	s25 =	simm.s32 $0x1B8E;
	s24 =	sld [smem:$0x3FFE];
	[sflag:s23] =	ssyncadd.s32 $0xFFFFFFFF  }
0xa9: {  	s26 =	simm.s32 $execute0_lowered;
	[smem:$0x3FD2] =	sst s25  }
0xaa: {  	s9 =	sshll.u32 s26, $0x1;
	_ =	strace $0x80000046;
	[dreg:$0x1] =	wrdreg $0xFFFFFFFF  }
0xab: {  	s28 =	simm.s32 $_size_execute0_lowered;
	s7 =	sadd.s32 s7, s9;
	[dreg:$0x0] =	wrdreg $0x0  }
0xac: {  	s9 =	sshll.u32 s28, $0x1;
	[dreg:$0x2] =	wrdreg s7  }
0xad: {  	[dreg:$0x3] =	wrdreg s9  }
0xae: {  	[dreg:$0x4] =	wrdreg $0xC0  }
0xaf: {  	_ =	task [dreg:s11], $0x5FFFF  }
0xb0: {  	[dreg:$0x1] =	wrdreg $0xFFFFFFFF  }
0xb1: {  	[dreg:$0x0] =	wrdreg $0x60  }
0xb2: {  	[dreg:$0x2] =	wrdreg s2  }
0xb3: {  	[dreg:$0x3] =	wrdreg s18  }
0xb4: {  	[dreg:$0x4] =	wrdreg s4  }
0xb5: {  	[dreg:$0x5] =	wrdreg s5  }
0xb6: {  	[dreg:$0x6] =	wrdreg s24  }
0xb7: {  	[dreg:$0x7] =	wrdreg s6  }
0xb8: {  	[dreg:$0x8] =	wrdreg $0x9  }
0xb9: {  	_ =	task.clear_ibuf [dreg:s11], $0x9FFFF;
	_ =	strace $0x90000046  }
0xba: {  	s29 =	simm.s32 $0x9;
	_ =	strace $0x80000048  }
0xbb: {  	_ =	swait.ge [sflag:s29], $0x1  }
0xbc: {  	[sflag:s29] =	ssyncadd.s32 $0xFFFFFFFF  }
0xbd: {  	_ =	strace $0x90000048  }
0xbe: {  	_ =	sfence  }
0xbf: {  	s30 =	sld [smem:$0x0];
	_ =	sdelay $0x2  }
0xc0: {  	s31 =	sshll.u32 s1, $0xD;
	s1 =	sshrl.u32 s1, $0x2  }
0xc1: {  	s3 =	sand.u32 $0x4000, s31;
	s1 =	sadd.s32 s1, s30  }
0xc2: {  	s0 =	sor.u32 s3, s0;
	s1 =	sshll.u32 s1, $0x11  }
0xc3: {  	s0 =	sor.u32 s1, s0  }
0xc4: {  	s0 =	sadd.s32 $0x8F2B, s0  }
0xc5: {  	[sflag:s0] =	ssyncadd.remote.s32 $0x1  }
0xc6: {  	_ =	sfence.sel $0xFFFF  }
0xc7: {  	[dreg:$0x0] =	wrdreg $0xFFFFFFFF;
	(pc) =	sbr.abs _section_cstart, $3  }
0xc8: {  	[dreg:$0x1] =	wrdreg $0xFFFFFFFF  }
0xc9: {  	_ =	task.clear_ibuf [dreg:s11], $0x2FFFF;
	_ =	strace $0x9FFFFFFF  }
0xca: {  	(tm) =	ssettm $0x7FFFFFFF  }
0xcb: {  	_ =	shalt  }
tec
execute0_lowered:
.L_overlay_start_1:
0x0: {  	(tag) =	ssettag $0x1  }
0x1: {  	s0 =	rddreg [dreg:$0x0]  }
0x2: {  	s2 =	rddreg [dreg:$0x1]  }
0x3: {  	s3 =	rddreg [dreg:$0x2]  }
0x4: {  	s4 =	rddreg [dreg:$0x3]  }
0x5: {  	s1 =	rddreg [dreg:$0x4]  }
0x6: {  	s5 =	rddreg [dreg:$0x5]  }
0x7: {  	s6 =	srdreg.scid;
	s8 =	stileid.u32;
	v0 =	vlaneseq.u32  }
0x8: {  	s11 =	simm.s32 $0x40;
	s14 =	simm.s32 $0x20;
	s18 =	simm.s32 $0x1;
	v0 =	vmul.u32 $0x80, v0  }
0x9: {  	s23 =	simm.s32 $0x10180;
	s24 =	simm.s32 $0x12180;
	s25 =	simm.s32 $0x14180  }
0xa: {  	s28 =	simm.s32 $0x4080;
	s29 =	simm.s32 $0x6180;
	s30 =	simm.s32 $0x4140;
	v1 =	vor.u32 $0x1, v0;
	v2 =	vor.u32 $0x2, v0  }
0xb: {  	s31 =	simm.s32 $0x40C0;
	s7 =	sand.u32 $0x1, s6;
	s6 =	simm.s32 $0x0;
	v3 =	vor.u32 $0x800, v0;
	v4 =	vor.u32 $0x801, v0;
	v5 =	vor.u32 $0x802, v0  }
0xc: {  	s8 =	sshll.u32 s8, $0x8;
	s9 =	sshll.u32 s7, $0x7;
	s7 =	ssub.s32 $0x2, s7;
	v6 =	vor.u32 $0x1000, v0;
	v7 =	vor.u32 $0x1001, v0;
	v8 =	vor.u32 $0x1002, v0  }
0xd: {  	[smem:$0x7FF] =	sst s6;
	s8 =	sor.u32 s9, s8;
	s10 =	sshrl.u32 s7, $0x1;
	v9 =	vor.u32 $0x1800, v0;
	v10 =	vor.u32 $0x1801, v0;
	v11 =	vor.u32 $0x1802, v0  }
0xe: {  	_ =	strace $0x80000047;
	v12 =	vor.u32 $0x2000, v0;
	v13 =	vor.u32 $0x2001, v0;
	v14 =	vor.u32 $0x2002, v0;
	s9 =	sshll.u32 s8, $0x4;
	s26 =	ssub.s32 s7, s10  }
0xf: {  	v15 =	vor.u32 $0x2800, v0;
	v16 =	vor.u32 $0x2801, v0;
	v17 =	vor.u32 $0x2802, v0;
	s8 =	sshrl.u32 s8, $0x3;
	s10 =	simm.s32 $0x3;
	s1 =	sadd.s32 s9, s1  }
0x10: {  	v18 =	vor.u32 $0x3000, v0;
	v19 =	vor.u32 $0x3001, v0;
	v20 =	vor.u32 $0x3002, v0;
	s8 =	sadd.s32 s5, s8;
	s9 =	smax.u32 s26, $0x1;
	s26 =	simm.s32 $0x2  }
0x11: {  	v21 =	vor.u32 $0x3800, v0;
	v22 =	vor.u32 $0x3801, v0;
	v23 =	vor.u32 $0x3802, v0;
	s5 =	simm.s32 $0x0;
	s7 =	sadd.s32 $0x400, s1;
	s1 =	simm.s32 $0x4160  }
.LBB2_1:
0x12: {  	[tilespmem:s6], [sflag:$0x3] =	stream.linear.gather [hbm4b:s7+s6], $0x4000, $0x38;
	[tilespmem:$0x14A00] =	vst v63  }
0x13: {  	_ =	swait.ge [sflag:s10], $0x4000  }
0x14: {  	[sflag:s10] =	ssyncset.done $0x0  }
0x15: {  	[sflag:s10] =	ssyncadd.s32 $0xFFFFC000  }
0x16: {  	v24 =	vld.idx.msk [tilespmem:v0+s6+$0x0], $0xffff  }
0x17: {  	v25 =	vld.idx.msk [tilespmem:v1+s6+$0x0], $0xffff  }
0x18: {  	v26 =	vld.idx.msk [tilespmem:v2+s6+$0x0], $0xffff;
	_ =	sdelay $0x2  }
0x19: {  	[tilespmem:$0x4000] =	vst v24  }
0x1a: {  	[tilespmem:$0x4020] =	vst v25  }
0x1b: {  	[tilespmem:$0x4100] =	vst v26  }
0x1c: {  	v24 =	vld.idx.msk [tilespmem:v3+s6+$0x0], $0xffff  }
0x1d: {  	v25 =	vld.idx.msk [tilespmem:v4+s6+$0x0], $0xffff  }
0x1e: {  	v26 =	vld.idx.msk [tilespmem:v5+s6+$0x0], $0xffff;
	_ =	sdelay $0x2  }
0x1f: {  	[tilespmem:$0x4010] =	vst v24  }
0x20: {  	[tilespmem:$0x4030] =	vst v25  }
0x21: {  	[tilespmem:$0x4110] =	vst v26  }
0x22: {  	v24 =	vld.idx.msk [tilespmem:v6+s6+$0x0], $0xffff  }
0x23: {  	v25 =	vld.idx.msk [tilespmem:v7+s6+$0x0], $0xffff  }
0x24: {  	v26 =	vld.idx.msk [tilespmem:v8+s6+$0x0], $0xffff;
	_ =	sdelay $0x2  }
0x25: {  	[tilespmem:$0x4040] =	vst v24  }
0x26: {  	[tilespmem:$0x4060] =	vst v25  }
0x27: {  	[tilespmem:$0x4120] =	vst v26  }
0x28: {  	v24 =	vld.idx.msk [tilespmem:v9+s6+$0x0], $0xffff  }
0x29: {  	v25 =	vld.idx.msk [tilespmem:v10+s6+$0x0], $0xffff  }
0x2a: {  	v26 =	vld.idx.msk [tilespmem:v11+s6+$0x0], $0xffff;
	_ =	sdelay $0x2  }
0x2b: {  	[tilespmem:$0x4050] =	vst v24  }
0x2c: {  	[tilespmem:$0x4070] =	vst v25  }
0x2d: {  	[tilespmem:$0x4130] =	vst v26  }
0x2e: {  	v24 =	vld.idx.msk [tilespmem:v12+s6+$0x0], $0xffff  }
0x2f: {  	v25 =	vld.idx.msk [tilespmem:v13+s6+$0x0], $0xffff  }
0x30: {  	v26 =	vld.idx.msk [tilespmem:v14+s6+$0x0], $0xffff;
	_ =	sdelay $0x2  }
0x31: {  	[tilespmem:$0x4080] =	vst v24  }
0x32: {  	[tilespmem:$0x40A0] =	vst v25  }
0x33: {  	[tilespmem:$0x4140] =	vst v26  }
0x34: {  	v24 =	vld.idx.msk [tilespmem:v15+s6+$0x0], $0xffff  }
0x35: {  	v25 =	vld.idx.msk [tilespmem:v16+s6+$0x0], $0xffff  }
0x36: {  	v26 =	vld.idx.msk [tilespmem:v17+s6+$0x0], $0xffff;
	_ =	sdelay $0x2  }
0x37: {  	[tilespmem:$0x4090] =	vst v24  }
0x38: {  	[tilespmem:$0x40B0] =	vst v25  }
0x39: {  	[tilespmem:$0x4150] =	vst v26  }
0x3a: {  	v24 =	vld.idx.msk [tilespmem:v18+s6+$0x0], $0xffff  }
0x3b: {  	v25 =	vld.idx.msk [tilespmem:v19+s6+$0x0], $0xffff  }
0x3c: {  	v26 =	vld.idx.msk [tilespmem:v20+s6+$0x0], $0xffff;
	_ =	sdelay $0x2  }
0x3d: {  	[tilespmem:$0x40C0] =	vst v24  }
0x3e: {  	[tilespmem:$0x40E0] =	vst v25  }
0x3f: {  	[tilespmem:$0x4160] =	vst v26  }
0x40: {  	v24 =	vld.idx.msk [tilespmem:v21+s6+$0x0], $0xffff  }
0x41: {  	v25 =	vld.idx.msk [tilespmem:v22+s6+$0x0], $0xffff  }
0x42: {  	v26 =	vld.idx.msk [tilespmem:v23+s6+$0x0], $0xffff;
	_ =	sdelay $0x2  }
0x43: {  	[tilespmem:$0x40D0] =	vst v24  }
0x44: {  	[tilespmem:$0x40F0] =	vst v25  }
0x45: {  	s12 =	simm.s32 $0x4000;
	s13 =	simm.s32 $0x4180;
	[tilespmem:$0x4170] =	vst v26  }
0x46: {  	[tilespmem:s13], [sflag:$0x1] =	stream.indirect.gather [hbm4b:s0+s11], $0x80, s12, s11, $0xb8;
	[tilespmem:$0x14A00] =	vst v63  }
0x47: {  	_ = 	snop  }
0x48: {  	[tilespmem:s29], [sflag:$0x1] =	stream.indirect.gather [hbm4b:s2+s11], $0x80, s12, s11, $0xb8;
	[tilespmem:$0x14A00] =	vst v63  }
0x49: {  	s15 =	simm.s32 $0x4100;
	s16 =	simm.s32 $0x8180  }
0x4a: {  	[tilespmem:s16], [sflag:$0x1] =	stream.indirect.gather [hbm4b:s3+s14], $0x100, s15, s14, $0xb8;
	[tilespmem:$0x14A00] =	vst v63  }
0x4b: {  	s17 =	simm.s32 $0xA180  }
0x4c: {  	[tilespmem:s17], [sflag:$0x1] =	stream.indirect.gather [hbm4b:s4+s14], $0x100, s15, s14, $0xb8;
	[tilespmem:$0x14A00] =	vst v63  }
0x4d: {  	_ =	swait.ge [sflag:s18], $0x2000  }
0x4e: {  	[sflag:s18] =	ssyncset.done $0x0  }
0x4f: {  	[sflag:s18] =	ssyncadd.s32 $0xFFFFE000  }
0x50: {  	_ =	swait.ge [sflag:s18], $0x2000  }
0x51: {  	[sflag:s18] =	ssyncset.done $0x0  }
0x52: {  	[sflag:s18] =	ssyncadd.s32 $0xFFFFE000  }
0x53: {  	_ =	swait.ge [sflag:s18], $0x2000  }
0x54: {  	[sflag:s18] =	ssyncset.done $0x0  }
0x55: {  	[sflag:s18] =	ssyncadd.s32 $0xFFFFE000  }
0x56: {  	_ =	swait.ge [sflag:s18], $0x2000  }
0x57: {  	[sflag:s18] =	ssyncset.done $0x0  }
0x58: {  	s19 =	simm.s32 $0x4040;
	s20 =	simm.s32 $0xC180;
	[sflag:s18] =	ssyncadd.s32 $0xFFFFE000  }
0x59: {  	[tilespmem:s20], [sflag:$0x2] =	stream.indirect.gather [hbm4b:s0+s11], $0x80, s19, s11, $0xb8;
	[tilespmem:$0x14A00] =	vst v63  }
0x5a: {  	s21 =	simm.s32 $0xE180  }
0x5b: {  	[tilespmem:s21], [sflag:$0x2] =	stream.indirect.gather [hbm4b:s2+s11], $0x80, s19, s11, $0xb8;
	[tilespmem:$0x14A00] =	vst v63  }
0x5c: {  	s22 =	simm.s32 $0x4120  }
0x5d: {  	[tilespmem:s23], [sflag:$0x2] =	stream.indirect.gather [hbm4b:s3+s14], $0x100, s22, s14, $0xb8;
	[tilespmem:$0x14A00] =	vst v63  }
0x5e: {  	_ = 	snop  }
0x5f: {  	[tilespmem:s24], [sflag:$0x2] =	stream.indirect.gather [hbm4b:s4+s14], $0x100, s22, s14, $0xb8;
	[tilespmem:$0x14A00] =	vst v63  }
0x60: {  	s12 =	simm.s32 $0x8200;
	v24 =	vld [tilespmem:s29+$0x1010]  }
0x61: {  	v25 =	vld [tilespmem:s12+$0xFFFFFFD0]  }
0x62: {  	v26 =	vld [tilespmem:s29+$0x1050]  }
0x63: {  	v27 =	vld [tilespmem:s29+$0xFFFFE050]  }
0x64: {  	v28 =	vld [tilespmem:s12+$0xFFFFFFB0]  }
0x65: {  	v29 =	vld [tilespmem:s29+$0x1030]  }
0x66: {  	s13 =	simm.s32 $0xA200;
	v30 =	vld [tilespmem:s29+$0xFFFFE030]  }
0x67: {  	v31 =	vld [tilespmem:s13+$0xFFFFFF80]  }
0x68: {  	v32 =	vld [tilespmem:s29+$0xFFFFE000]  }
0x69: {  	v33 =	vld [tilespmem:s13+$0xFFFFFF90]  }
0x6a: {  	v35 =	vld [tilespmem:s13+$0xFFFFFFA0]  }
0x6b: {  	v36 =	vld [tilespmem:s29+$0x1020]  }
0x6c: {  	v55 =	vld [tilespmem:s29+$0xFFFFE020]  }
0x6d: {  	v41 =	vld [tilespmem:s29+$0x1000]  }
0x6e: {  	v42 =	vld [tilespmem:s29+$0xFFFFE010]  }
0x6f: {  	v38 =	vld [tilespmem:s13+$0xFFFFFFB0]  }
0x70: {  	v40 =	vld [tilespmem:s13+$0xFFFFFFC0]  }
0x71: {  	v34 =	vld [tilespmem:s13+$0xFFFFFFD0];
	v31 =	vand.u32 $0x7FFFFFFF, v31  }
0x72: {  	v43 =	vld [tilespmem:s12+$0xFFFFFF80];
	v26 =	vadd.f32 v26, v27;
	v27 =	vand.u32 $0x7FFFFFFF, v33;
	v33 =	vadd.f32 v36, v55  }
0x73: {  	v44 =	vld [tilespmem:s12+$0xFFFFFF90];
	v56 =	vand.u32 $0x7FFFFFFF, v35;
	v32 =	vadd.f32 v41, v32;
	v24 =	vadd.f32 v24, v42  }
0x74: {  	v59 =	vld [tilespmem:s13+$0xFFFFFFE0];
	v38 =	vand.u32 $0x7FFFFFFF, v38;
	v37 =	vadd.f32 $1.000000000e+00, v31;
	v39 =	vadd.f32 $1.000000000e+00, v27  }
0x75: {  	v60 =	vld [tilespmem:s29+$0xFFFFE040];
	v40 =	vand.u32 $0x7FFFFFFF, v40;
	v58 =	vadd.f32 $1.000000000e+00, v38;
	v25 =	vsub.f32 v26, v25  }
0x76: {  	v48 =	vld [tilespmem:s29+$0x1040];
	v26 =	vadd.f32 v29, v30;
	v29 =	vand.u32 $0x7FFFFFFF, v34;
	(erf) = vrcp.f32 v37  }
0x77: {  	v38 =	vmul.f32 $5.000000000e-01, v38;
	v30 =	vld [tilespmem:s12+$0xFFFFFFA0];
	v57 =	vadd.f32 $1.000000000e+00, v29;
	(erf) = vrcp.f32 v39  }
0x78: {  	v31 =	vmul.f32 $5.000000000e-01, v31;
	v26 =	vsub.f32 v26, v28;
	v28 =	vadd.f32 $1.000000000e+00, v56  }
0x79: {  	v41 =	vand.u32 $0x7FFFFFFF, v59;
	v27 =	vmul.f32 $5.000000000e-01, v27;
	(erf) = vrcp.f32 v57  }
0x7a: {  	v49 =	vld [tilespmem:s12+$0xFFFFFFC0];
	v32 =	vsub.f32 v32, v43;
	v24 =	vsub.f32 v24, v44;
	(erf) = vrcp.f32 v28  }
0x7b: {  	v34 =	vmul.f32 $5.000000000e-01, v56;
	v43 =	vadd.f32 v48, v60;
	(erf) = vrcp.f32 v58  }
0x7c: {  	v29 =	vmul.f32 $5.000000000e-01, v29;
	v30 =	vsub.f32 v33, v30;
	v33 =	vadd.f32 $1.000000000e+00, v40  }
0x7d: {  	v25 =	vand.u32 $0x7FFFFFFF, v25;
	v32 =	vand.u32 $0x7FFFFFFF, v32;
	v24 =	vand.u32 $0x7FFFFFFF, v24  }
0x7e: {  	v45 =	vmul.f32 v57, v25;
	v26 =	vand.u32 $0x7FFFFFFF, v26;
	(erf) = vrcp.f32 v33  }
0x7f: {  	v43 =	vsub.f32 v43, v49;
	v42 =	vmul.f32 v58, v26;
	v40 =	vmul.f32 $5.000000000e-01, v40;
	v46 =	vpop (erf)  }
0x80: {  	v30 =	vand.u32 $0x7FFFFFFF, v30;
	v47 =	vsub.f32 v37, v46;
	v61 =	vpop (erf);
	v46 =	vmul.f32 v46, v32  }
0x81: {  	v56 =	vld [tilespmem:s13+$0xFFFFFFF0];
	v32 =	vmul.f32 v37, v32;
	v62 =	vsub.f32 v39, v61;
	v39 =	vmul.f32 v39, v24  }
0x82: {  	v37 =	vadd.f32 $1.000000000e+00, v41;
	v50 =	vpop (erf);
	v24 =	vmul.f32 v61, v24;
	v61 =	vld [tilespmem:s29+$0x1060];
	v31 =	vmul.f32 v47, v31  }
0x83: {  	v35 =	vsub.f32 v57, v50;
	v52 =	vpop (erf);
	v47 =	vld [tilespmem:s12+$0x10];
	v25 =	vmul.f32 v50, v25;
	v27 =	vmul.f32 v62, v27  }
0x84: {  	v57 =	vld [tilespmem:s29+$0xFFFFF010];
	v53 =	vmul.f32 v52, v30;
	v63 =	vsub.f32 v28, v52;
	v54 =	vpop (erf);
	v28 =	vmul.f32 v28, v30  }
0x85: {  	v52 =	vld [tilespmem:s29+$0x10];
	v62 =	vand.u32 $0x7FFFFFFF, v43;
	v30 =	vsub.f32 v58, v54;
	v31 =	vsub.f32 v32, v31  }
0x86: {  	v26 =	vmul.f32 v54, v26;
	v32 =	vld [tilespmem:s29+$0x0];
	v29 =	vmul.f32 v35, v29;
	v35 =	vand.u32 $0x7FFFFFFF, v56  }
0x87: {  	v54 =	vld [tilespmem:s13+$0x0];
	v58 =	vpop (erf);
	v59 =	vmul.f32 v63, v34;
	v27 =	vsub.f32 v39, v27;
	v39 =	vmul.f32 $5.000000000e-01, v41  }
0x88: {  	v56 =	vld [tilespmem:s29+$0x20];
	v60 =	vsub.f32 v33, v58;
	v30 =	vmul.f32 v30, v38;
	v31 =	vmax.f32 v46, v31  }
0x89: {  	v63 =	vld [tilespmem:s29+$0xFFFFE060];
	v33 =	vmul.f32 v33, v62;
	v38 =	vmul.f32 v58, v62;
	v58 =	vadd.f32 $1.000000000e+00, v35  }
0x8a: {  	v31 =	vadd.f32 $0.0e+00, v31;
	v24 =	vmax.f32 v24, v27;
	v27 =	vsub.f32 v45, v29;
	v29 =	vld [tilespmem:s13+$0x10]  }
0x8b: {  	v28 =	vsub.f32 v28, v59;
	v59 =	vld [tilespmem:s13+$0x30];
	v30 =	vsub.f32 v42, v30;
	v34 =	vmul.f32 v60, v40  }
0x8c: {  	(erf) = vrcp.f32 v37;
	v55 =	vadd.f32 v52, v57;
	v57 =	vld [tilespmem:s13+$0x20];
	v24 =	vadd.f32 v24, v31  }
0x8d: {  	v60 =	vld [tilespmem:s29+$0xFFFFE070];
	(erf) = vrcp.f32 v58;
	v28 =	vmax.f32 v53, v28;
	v33 =	vsub.f32 v33, v34  }
0x8e: {  	v25 =	vmax.f32 v25, v27;
	v53 =	vld [tilespmem:s29+$0xFFFFF000];
	v26 =	vmax.f32 v26, v30;
	v24 =	vadd.f32 v28, v24  }
0x8f: {  	v30 =	vld [tilespmem:s29+$0xFFFFF020];
	v31 =	vsub.f32 v55, v47;
	v27 =	vadd.f32 v61, v63;
	v33 =	vmax.f32 v38, v33  }
0x90: {  	v61 =	vld [tilespmem:s12+$0xFFFFFFE0];
	v29 =	vand.u32 $0x7FFFFFFF, v29;
	v24 =	vadd.f32 v26, v24;
	v26 =	vand.u32 $0x7FFFFFFF, v54  }
0x91: {  	v28 =	vld [tilespmem:s29+$0x1070];
	v49 =	vand.u32 $0x7FFFFFFF, v59;
	v40 =	vand.u32 $0x7FFFFFFF, v57;
	v63 =	vadd.f32 $1.000000000e+00, v26  }
0x92: {  	v51 =	vld [tilespmem:s12+$0x20];
	v45 =	vadd.f32 $1.000000000e+00, v29;
	v42 =	vmul.f32 $5.000000000e-01, v26;
	v26 =	vadd.f32 $1.000000000e+00, v40  }
0x93: {  	v62 =	vld [tilespmem:s12+$0xFFFFFFF0];
	v48 =	vmul.f32 $5.000000000e-01, v40;
	v32 =	vadd.f32 v32, v53;
	(erf) = vrcp.f32 v63  }
0x94: {  	v24 =	vadd.f32 v33, v24;
	v30 =	vadd.f32 v56, v30;
	(erf) = vrcp.f32 v26  }
0x95: {  	v27 =	vsub.f32 v27, v61;
	v33 =	vand.u32 $0x7FFFFFFF, v31;
	v31 =	vmul.f32 $5.000000000e-01, v35  }
0x96: {  	v54 =	vld [tilespmem:s12+$0x0];
	v28 =	vadd.f32 v28, v60;
	v35 =	vmul.f32 v45, v33;
	v25 =	vadd.f32 v25, v24  }
0x97: {  	v55 =	vld [tilespmem:s13+$0x40];
	v47 =	vsub.f32 v30, v51;
	v24 =	vadd.f32 $1.000000000e+00, v49;
	v30 =	vmul.f32 $5.000000000e-01, v29;
	v29 =	vpop (erf)  }
0x98: {  	v27 =	vand.u32 $0x7FFFFFFF, v27;
	v28 =	vsub.f32 v28, v62;
	(erf) = vrcp.f32 v45;
	v56 =	vpop (erf)  }
0x99: {  	v44 =	vld [tilespmem:s13+$0x50];
	v38 =	vmul.f32 v37, v27;
	(erf) = vrcp.f32 v24;
	v57 =	vsub.f32 v58, v56  }
0x9a: {  	v59 =	vld [tilespmem:s29+$0x30];
	v36 =	vmul.f32 v29, v27;
	v29 =	vsub.f32 v37, v29;
	v28 =	vand.u32 $0x7FFFFFFF, v28  }
0x9b: {  	v61 =	vld [tilespmem:s13+$0x60];
	v27 =	vsub.f32 v32, v54;
	v50 =	vmul.f32 v58, v28;
	v31 =	vmul.f32 v57, v31  }
0x9c: {  	v34 =	vand.u32 $0x7FFFFFFF, v55;
	v29 =	vmul.f32 v29, v39;
	v58 =	vld [tilespmem:s29+$0xFFFFF030];
	v37 =	vmul.f32 v56, v28;
	v62 =	vpop (erf)  }
0x9d: {  	v28 =	vand.u32 $0x7FFFFFFF, v27;
	v27 =	vadd.f32 $1.000000000e+00, v34;
	v43 =	vsub.f32 v50, v31;
	v41 =	vpop (erf)  }
0x9e: {  	v60 =	vmul.f32 v63, v28;
	v63 =	vsub.f32 v63, v62;
	v31 =	vsub.f32 v26, v41  }
0x9f: {  	(erf) = vrcp.f32 v27;
	v46 =	vmul.f32 v62, v28  }
0xa0: {  	v40 =	vld [tilespmem:s29+$0x40];
	v28 =	vand.u32 $0x7FFFFFFF, v44;
	v44 =	vsub.f32 v38, v29;
	v29 =	vmul.f32 v63, v42  }
0xa1: {  	v47 =	vand.u32 $0x7FFFFFFF, v47;
	v32 =	vand.u32 $0x7FFFFFFF, v61;
	v50 =	vld [tilespmem:s12+$0x30];
	v51 =	vadd.f32 v59, v58;
	v52 =	vpop (erf)  }
0xa2: {  	s16 =	simm.s32 $0x8200;
	s17 =	simm.s32 $0x6180;
	s15 =	simm.s32 $0x0;
	v42 =	vld [tilespmem:s29+$0xFFFFF040];
	v45 =	vsub.f32 v45, v52;
	v48 =	vmul.f32 v31, v48;
	v53 =	vsub.f32 v60, v29;
	v31 =	vpop (erf)  }
0xa3: {  	s20 =	simm.s32 $0xA200;
	s19 =	simm.s32 $0x1;
	s21 =	simm.s32 $0x6180;
	v38 =	vmul.f32 $5.000000000e-01, v49;
	v49 =	vld [tilespmem:s12+$0x40];
	v29 =	vadd.f32 $1.000000000e+00, v28;
	v39 =	vsub.f32 v24, v31  }
.LBB2_2:
0xa4: {  	s21 =	sadd.s32 $0x80, s21  }
0xa5: {  	v46 =	vmax.f32 v46, v53;
	v33 =	vmul.f32 v52, v33;
	v52 =	vld [tilespmem:s17+$0x60];
	v53 =	vadd.f32 $1.000000000e+00, v32;
	s13 =	sadd.s32 $0x100, s13;
	s12 =	sadd.s32 $0x100, s12;
	s22 =	smov.u32 s19  }
0xa6: {  	p0 =	sne.s32 s19, $0x1F;
	s19 =	sadd.s32 $0x1, s19;
	v37 =	vmax.f32 v37, v43;
	v26 =	vmul.f32 v26, v47;
	v43 =	vsub.f32 v51, v50;
	v50 =	vld [tilespmem:s20+$0x70];
	s20 =	smov.u32 s13  }
0xa7: {  	v36 =	vmax.f32 v36, v44;
	v41 =	vmul.f32 v41, v47;
	v40 =	vadd.f32 v40, v42;
	v42 =	vld [tilespmem:s17+$0x50]  }
0xa8: {  	v30 =	vmul.f32 v45, v30;
	v26 =	vsub.f32 v26, v48;
	v44 =	vld [tilespmem:s17+$0xFFFFF050];
	(erf) = vrcp.f32 v53  }
0xa9: {  	v34 =	vmul.f32 $5.000000000e-01, v34;
	v25 =	vadd.f32 v36, v25;
	v36 =	vsub.f32 v40, v49;
	v40 =	vld [tilespmem:s17+$0xFFFFF060];
	v45 =	vpop (erf)  }
0xaa: {  	v30 =	vsub.f32 v35, v30;
	v35 =	vsub.f32 v27, v45;
	v47 =	vld [tilespmem:s16+$0x50];
	(erf) = vrcp.f32 v29  }
0xab: {  	v25 =	vadd.f32 v37, v25;
	v37 =	vand.u32 $0x7FFFFFFF, v43;
	v43 =	vand.u32 $0x7FFFFFFF, v50  }
0xac: {  	v30 =	vmax.f32 v33, v30;
	v33 =	vmul.f32 v39, v38;
	v34 =	vmul.f32 v35, v34  }
0xad: {  	v24 =	vmul.f32 v24, v37;
	v25 =	vadd.f32 v46, v25;
	v35 =	vadd.f32 v42, v44;
	v38 =	vld [tilespmem:s16+$0x60]  }
0xae: {  	v26 =	vmax.f32 v41, v26;
	v36 =	vand.u32 $0x7FFFFFFF, v36;
	v39 =	vadd.f32 v52, v40  }
0xaf: {  	v25 =	vadd.f32 v30, v25;
	v27 =	vmul.f32 v27, v36;
	v30 =	vadd.f32 $1.000000000e+00, v43  }
0xb0: {  	v28 =	vmul.f32 $5.000000000e-01, v28;
	v24 =	vsub.f32 v24, v33;
	v33 =	vsub.f32 v35, v47  }
0xb1: {  	v25 =	vadd.f32 v26, v25;
	v26 =	vsub.f32 v27, v34;
	v27 =	vld [tilespmem:s17+$0x70];
	v34 =	vpop (erf);
	(erf) = vrcp.f32 v30  }
0xb2: {  	v32 =	vmul.f32 $5.000000000e-01, v32;
	v35 =	vsub.f32 v39, v38;
	v38 =	vsub.f32 v53, v34;
	v39 =	vld [tilespmem:s17+$0xFFFFF070];
	s17 =	smov.u32 s21  }
0xb3: {  	v31 =	vmul.f32 v31, v37;
	v36 =	vmul.f32 v45, v36;
	v37 =	vpop (erf)  }
0xb4: {  	v33 =	vand.u32 $0x7FFFFFFF, v33;
	v40 =	vsub.f32 v29, v37;
	v32 =	vmul.f32 v38, v32;
	v38 =	vld [tilespmem:s16+$0x70];
	s16 =	smov.u32 s12  }
0xb5: {  	v24 =	vmax.f32 v31, v24;
	v31 =	vmul.f32 v37, v33;
	v29 =	vmul.f32 v29, v33  }
0xb6: {  	v26 =	vmax.f32 v36, v26;
	v33 =	vand.u32 $0x7FFFFFFF, v35;
	v28 =	vmul.f32 v40, v28  }
0xb7: {  	v24 =	vadd.f32 v24, v25;
	v25 =	vmul.f32 v53, v33;
	v27 =	vadd.f32 v27, v39  }
0xb8: {  	v28 =	vsub.f32 v29, v28;
	v29 =	vmul.f32 v34, v33;
	v33 =	vmul.f32 $5.000000000e-01, v43  }
0xb9: {  	v24 =	vadd.f32 v26, v24;
	v26 =	vsub.f32 v27, v38  }
0xba: {  	v25 =	vsub.f32 v25, v32;
	v27 =	vmax.f32 v31, v28;
	v28 =	vmov s15;
	v31 =	vpop (erf);
	s15 =	smov.u32 s22  }
0xbb: {  	v24 =	vadd.f32 v27, v24;
	v26 =	vand.u32 $0x7FFFFFFF, v26;
	v27 =	vsub.f32 v30, v31  }
0xbc: {  	v28 =	vand.u32 $0x7F, v28;
	v30 =	vmul.f32 v30, v26  }
0xbd: {  	v28 =	vbroadcast v28, $0x0;
	v27 =	vmul.f32 v27, v33  }
0xbe: {  	v26 =	vmul.f32 v31, v26  }
0xbf: {  	v25 =	vmax.f32 v29, v25;
	v28 =	vor.u32 v0, v28;
	v27 =	vsub.f32 v30, v27  }
0xc0: {  	v24 =	vadd.f32 v25, v24  }
0xc1: {  	v25 =	vmax.f32 v26, v27  }
0xc2: {  	v24 =	vadd.f32 v25, v24;
	_ =	sdelay $0x1  }
0xc3: {  	[tilespmem:v28+s25+$0x0] =	vst.idx.msk $0xffff, v24  }
0xc4: {  	v24 =	vld [tilespmem:s21+$0x1010]  }
0xc5: {  	v25 =	vld [tilespmem:s12+$0xFFFFFFD0]  }
0xc6: {  	v26 =	vld [tilespmem:s21+$0x1050]  }
0xc7: {  	v27 =	vld [tilespmem:s21+$0xFFFFE050]  }
0xc8: {  	v28 =	vld [tilespmem:s12+$0xFFFFFFB0]  }
0xc9: {  	v29 =	vld [tilespmem:s21+$0x1030]  }
0xca: {  	v30 =	vld [tilespmem:s21+$0xFFFFE030]  }
0xcb: {  	v31 =	vld [tilespmem:s13+$0xFFFFFF80]  }
0xcc: {  	v32 =	vld [tilespmem:s21+$0xFFFFE000];
	v26 =	vadd.f32 v26, v27  }
0xcd: {  	v27 =	vld [tilespmem:s13+$0xFFFFFF90]  }
0xce: {  	v33 =	vld [tilespmem:s13+$0xFFFFFFD0];
	v25 =	vsub.f32 v26, v25  }
0xcf: {  	v26 =	vld [tilespmem:s13+$0xFFFFFFA0];
	v29 =	vadd.f32 v29, v30  }
0xd0: {  	v30 =	vand.u32 $0x7FFFFFFF, v31;
	v31 =	vld [tilespmem:s21+$0x1020]  }
0xd1: {  	v34 =	vadd.f32 $1.000000000e+00, v30;
	v35 =	vld [tilespmem:s13+$0xFFFFFFB0];
	v28 =	vsub.f32 v29, v28  }
0xd2: {  	v27 =	vand.u32 $0x7FFFFFFF, v27;
	v29 =	vld [tilespmem:s21+$0xFFFFE020]  }
0xd3: {  	v36 =	vadd.f32 $1.000000000e+00, v27;
	v37 =	vld [tilespmem:s13+$0xFFFFFFC0];
	v33 =	vand.u32 $0x7FFFFFFF, v33;
	(erf) = vrcp.f32 v34  }
0xd4: {  	v38 =	vld [tilespmem:s12+$0xFFFFFFA0];
	v26 =	vand.u32 $0x7FFFFFFF, v26;
	v39 =	vadd.f32 $1.000000000e+00, v33  }
0xd5: {  	v40 =	vld [tilespmem:s21+$0x1000];
	v41 =	vadd.f32 $1.000000000e+00, v26;
	(erf) = vrcp.f32 v36  }
0xd6: {  	v42 =	vld [tilespmem:s21+$0xFFFFE010];
	v35 =	vand.u32 $0x7FFFFFFF, v35;
	(erf) = vrcp.f32 v39  }
0xd7: {  	v43 =	vld [tilespmem:s12+$0xFFFFFF80];
	v29 =	vadd.f32 v31, v29;
	v31 =	vadd.f32 $1.000000000e+00, v35;
	(erf) = vrcp.f32 v41  }
0xd8: {  	v25 =	vand.u32 $0x7FFFFFFF, v25;
	v33 =	vmul.f32 $5.000000000e-01, v33;
	v44 =	vld [tilespmem:s12+$0xFFFFFF90];
	v37 =	vand.u32 $0x7FFFFFFF, v37  }
0xd9: {  	v29 =	vsub.f32 v29, v38;
	v38 =	vadd.f32 $1.000000000e+00, v37;
	v45 =	vld [tilespmem:s13+$0xFFFFFFE0];
	(erf) = vrcp.f32 v31  }
0xda: {  	v28 =	vand.u32 $0x7FFFFFFF, v28;
	v32 =	vadd.f32 v40, v32;
	v40 =	vmul.f32 v39, v25  }
0xdb: {  	v24 =	vadd.f32 v24, v42;
	v29 =	vand.u32 $0x7FFFFFFF, v29;
	(erf) = vrcp.f32 v38  }
0xdc: {  	v35 =	vmul.f32 $5.000000000e-01, v35;
	v42 =	vmul.f32 v31, v28;
	v32 =	vsub.f32 v32, v43;
	v43 =	vld [tilespmem:s21+$0xFFFFE040];
	v46 =	vpop (erf)  }
0xdd: {  	v30 =	vmul.f32 $5.000000000e-01, v30;
	v47 =	vsub.f32 v34, v46;
	v24 =	vsub.f32 v24, v44;
	v44 =	vld [tilespmem:s21+$0x1040]  }
0xde: {  	v27 =	vmul.f32 $5.000000000e-01, v27;
	v26 =	vmul.f32 $5.000000000e-01, v26;
	v32 =	vand.u32 $0x7FFFFFFF, v32;
	v48 =	vpop (erf)  }
0xdf: {  	v45 =	vand.u32 $0x7FFFFFFF, v45;
	v30 =	vmul.f32 v47, v30;
	v47 =	vsub.f32 v36, v48;
	v49 =	vld [tilespmem:s12+$0xFFFFFFC0];
	v50 =	vpop (erf)  }
0xe0: {  	v46 =	vmul.f32 v46, v32;
	v24 =	vand.u32 $0x7FFFFFFF, v24;
	v39 =	vsub.f32 v39, v50;
	v51 =	vld [tilespmem:s12+$0x20];
	v52 =	vpop (erf)  }
0xe1: {  	v32 =	vmul.f32 v34, v32;
	v34 =	vadd.f32 $1.000000000e+00, v45;
	v27 =	vmul.f32 v47, v27;
	v47 =	vld [tilespmem:s12+$0x10]  }
0xe2: {  	v53 =	vmul.f32 v52, v29;
	v52 =	vsub.f32 v41, v52;
	v43 =	vadd.f32 v44, v43;
	v44 =	vld [tilespmem:s21+$0x10];
	v54 =	vpop (erf)  }
0xe3: {  	v36 =	vmul.f32 v36, v24;
	v29 =	vmul.f32 v41, v29;
	v31 =	vsub.f32 v31, v54;
	v41 =	vld [tilespmem:s13+$0xFFFFFFF0]  }
0xe4: {  	v37 =	vmul.f32 $5.000000000e-01, v37;
	v24 =	vmul.f32 v48, v24;
	v43 =	vsub.f32 v43, v49;
	v48 =	vld [tilespmem:s21+$0xFFFFF010];
	v49 =	vpop (erf)  }
0xe5: {  	v30 =	vsub.f32 v32, v30;
	v26 =	vmul.f32 v52, v26;
	v32 =	vsub.f32 v38, v49;
	v52 =	vld [tilespmem:s21+$0x1060]  }
0xe6: {  	v27 =	vsub.f32 v36, v27;
	v31 =	vmul.f32 v31, v35;
	v35 =	vand.u32 $0x7FFFFFFF, v43;
	v36 =	vld [tilespmem:s21+$0xFFFFE060]  }
0xe7: {  	v30 =	vmax.f32 v46, v30;
	v28 =	vmul.f32 v54, v28;
	v26 =	vsub.f32 v29, v26;
	v29 =	vld [tilespmem:s21+$0x0]  }
0xe8: {  	v33 =	vmul.f32 v39, v33;
	v31 =	vsub.f32 v42, v31;
	v39 =	vand.u32 $0x7FFFFFFF, v41;
	v41 =	vld [tilespmem:s13+$0x0]  }
0xe9: {  	v30 =	vadd.f32 $0.0e+00, v30;
	v32 =	vmul.f32 v32, v37;
	v37 =	vadd.f32 v44, v48;
	v42 =	vld [tilespmem:s21+$0x20]  }
0xea: {  	v24 =	vmax.f32 v24, v27;
	v27 =	vmax.f32 v28, v31;
	v28 =	vsub.f32 v40, v33;
	v31 =	vld [tilespmem:s21+$0xFFFFF020]  }
0xeb: {  	v25 =	vmul.f32 v50, v25;
	v24 =	vadd.f32 v24, v30;
	v30 =	vld [tilespmem:s13+$0x10];
	v33 =	vsub.f32 v37, v47  }
0xec: {  	v26 =	vmax.f32 v53, v26;
	v37 =	vmul.f32 v49, v35;
	v35 =	vmul.f32 v38, v35;
	v38 =	vld [tilespmem:s13+$0x20]  }
0xed: {  	v24 =	vadd.f32 v26, v24;
	v25 =	vmax.f32 v25, v28;
	v28 =	vadd.f32 v52, v36;
	v36 =	vld [tilespmem:s21+$0x1070]  }
0xee: {  	v40 =	vadd.f32 $1.000000000e+00, v39;
	v26 =	vsub.f32 v35, v32;
	v32 =	vmul.f32 $5.000000000e-01, v45;
	v35 =	vld [tilespmem:s21+$0xFFFFE070]  }
0xef: {  	v24 =	vadd.f32 v27, v24;
	v27 =	vand.u32 $0x7FFFFFFF, v41;
	v41 =	vld [tilespmem:s13+$0x30];
	(erf) = vrcp.f32 v34  }
0xf0: {  	v45 =	vmul.f32 $5.000000000e-01, v27;
	v26 =	vmax.f32 v37, v26;
	v37 =	vld [tilespmem:s12+$0xFFFFFFF0];
	v30 =	vand.u32 $0x7FFFFFFF, v30  }
0xf1: {  	v24 =	vadd.f32 v26, v24;
	v26 =	vadd.f32 v42, v31;
	v43 =	vld [tilespmem:s12+$0xFFFFFFE0];
	(erf) = vrcp.f32 v40  }
0xf2: {  	v42 =	vadd.f32 $1.000000000e+00, v27;
	v47 =	vadd.f32 $1.000000000e+00, v30;
	v27 =	vand.u32 $0x7FFFFFFF, v38;
	v31 =	vld [tilespmem:s21+$0xFFFFF000]  }
0xf3: {  	v25 =	vadd.f32 v25, v24;
	v38 =	vsub.f32 v26, v51  }
0xf4: {  	v26 =	vadd.f32 $1.000000000e+00, v27;
	v49 =	vand.u32 $0x7FFFFFFF, v41;
	v41 =	vld [tilespmem:s13+$0x40];
	(erf) = vrcp.f32 v42  }
0xf5: {  	v48 =	vmul.f32 $5.000000000e-01, v27;
	v35 =	vadd.f32 v36, v35;
	v44 =	vld [tilespmem:s12+$0x0];
	v24 =	vadd.f32 $1.000000000e+00, v49  }
0xf6: {  	v33 =	vand.u32 $0x7FFFFFFF, v33;
	v27 =	vsub.f32 v28, v43;
	(erf) = vrcp.f32 v26  }
0xf7: {  	v39 =	vmul.f32 $5.000000000e-01, v39;
	v28 =	vsub.f32 v35, v37;
	(erf) = vrcp.f32 v47  }
0xf8: {  	v30 =	vmul.f32 $5.000000000e-01, v30;
	v35 =	vadd.f32 v29, v31;
	v27 =	vand.u32 $0x7FFFFFFF, v27;
	v31 =	vpop (erf)  }
0xf9: {  	v28 =	vand.u32 $0x7FFFFFFF, v28;
	v50 =	vmul.f32 v34, v27;
	v51 =	vld [tilespmem:s13+$0x50];
	(erf) = vrcp.f32 v24  }
0xfa: {  	v36 =	vmul.f32 v31, v27;
	v43 =	vmul.f32 v40, v28;
	v27 =	vsub.f32 v35, v44;
	v29 =	vpop (erf)  }
0xfb: {  	v31 =	vsub.f32 v34, v31;
	v34 =	vand.u32 $0x7FFFFFFF, v41;
	v44 =	vsub.f32 v40, v29;
	v53 =	vld [tilespmem:s21+$0xFFFFF030]  }
0xfc: {  	v35 =	vmul.f32 v47, v33;
	v37 =	vmul.f32 v29, v28;
	v28 =	vand.u32 $0x7FFFFFFF, v27;
	v29 =	vld [tilespmem:s21+$0x30]  }
0xfd: {  	v27 =	vadd.f32 $1.000000000e+00, v34;
	v39 =	vmul.f32 v44, v39;
	v54 =	vmul.f32 v42, v28;
	v55 =	vld [tilespmem:s13+$0x60];
	v40 =	vpop (erf)  }
0xfe: {  	v31 =	vmul.f32 v31, v32;
	v46 =	vmul.f32 v40, v28;
	v32 =	vsub.f32 v42, v40;
	v40 =	vld [tilespmem:s21+$0x40]  }
.Ltmp0:
0xff: {  	v28 =	vand.u32 $0x7FFFFFFF, v51;
	v43 =	vsub.f32 v43, v39;
	v42 =	vld [tilespmem:s21+$0xFFFFF040];
	v41 =	vpop (erf);
	(erf) = vrcp.f32 v27;
	(pc) =	sbr.rel @p0 .LBB2_2-.Ltmp0, $4  }
0x100: {  	v44 =	vsub.f32 v50, v31;
	v39 =	vmul.f32 v32, v45;
	v32 =	vsub.f32 v26, v41;
	v50 =	vld [tilespmem:s12+$0x30];
	v52 =	vpop (erf)  }
0x101: {  	v45 =	vsub.f32 v47, v52;
	v47 =	vand.u32 $0x7FFFFFFF, v38;
	v51 =	vadd.f32 v29, v53  }
0x102: {  	v53 =	vsub.f32 v54, v39;
	v48 =	vmul.f32 v32, v48;
	v32 =	vand.u32 $0x7FFFFFFF, v55;
	v31 =	vpop (erf)  }
0x103: {  	v38 =	vmul.f32 $5.000000000e-01, v49;
	v29 =	vadd.f32 $1.000000000e+00, v28;
	v39 =	vsub.f32 v24, v31;
	v49 =	vld [tilespmem:s12+$0x40]  }
0x104: {  	v46 =	vmax.f32 v46, v53  }
0x105: {  	v33 =	vmul.f32 v52, v33;
	v52 =	vld [tilespmem:s17+$0x60];
	v53 =	vadd.f32 $1.000000000e+00, v32;
	v37 =	vmax.f32 v37, v43  }
0x106: {  	v26 =	vmul.f32 v26, v47;
	v54 =	vld [tilespmem:s20+$0x70];
	v36 =	vmax.f32 v36, v44;
	v41 =	vmul.f32 v41, v47  }
0x107: {  	v40 =	vadd.f32 v40, v42;
	v55 =	vld [tilespmem:s17+$0x50];
	v30 =	vmul.f32 v45, v30;
	v34 =	vmul.f32 $5.000000000e-01, v34  }
0x108: {  	v56 =	vld [tilespmem:s17+$0xFFFFF050];
	v28 =	vmul.f32 $5.000000000e-01, v28;
	v63 =	vsub.f32 v51, v50;
	v25 =	vadd.f32 v36, v25  }
0x109: {  	v58 =	vld [tilespmem:s17+$0xFFFFF060];
	v26 =	vsub.f32 v26, v48;
	(erf) = vrcp.f32 v53;
	v30 =	vsub.f32 v35, v30  }
0x10a: {  	v48 =	vmul.f32 v39, v38;
	(erf) = vrcp.f32 v29;
	v25 =	vadd.f32 v37, v25  }
0x10b: {  	v61 =	vand.u32 $0x7FFFFFFF, v63;
	v57 =	vsub.f32 v40, v49;
	v59 =	vpop (erf);
	v30 =	vmax.f32 v33, v30  }
0x10c: {  	v62 =	vld [tilespmem:s16+$0x50];
	v24 =	vmul.f32 v24, v61;
	v60 =	vsub.f32 v27, v59;
	v63 =	vand.u32 $0x7FFFFFFF, v54  }
0x10d: {  	v26 =	vmax.f32 v41, v26;
	v25 =	vadd.f32 v46, v25;
	v51 =	vadd.f32 $1.000000000e+00, v63  }
0x10e: {  	v49 =	vld [tilespmem:s16+$0x60];
	v31 =	vmul.f32 v31, v61;
	v50 =	vadd.f32 v55, v56;
	v40 =	vadd.f32 v52, v58  }
0x10f: {  	v36 =	vand.u32 $0x7FFFFFFF, v57;
	v25 =	vadd.f32 v30, v25;
	(erf) = vrcp.f32 v51  }
0x110: {  	v24 =	vsub.f32 v24, v48;
	v34 =	vmul.f32 v60, v34;
	v27 =	vmul.f32 v27, v36;
	v30 =	vld [tilespmem:s17+$0x70]  }
0x111: {  	v55 =	vmul.f32 $5.000000000e-01, v32;
	v52 =	vsub.f32 v50, v62;
	v25 =	vadd.f32 v26, v25;
	v26 =	vld [tilespmem:s17+$0xFFFFF070]  }
0x112: {  	v36 =	vmul.f32 v59, v36;
	v60 =	vmov s15;
	v27 =	vsub.f32 v27, v34;
	v54 =	vpop (erf)  }
0x113: {  	v58 =	vld [tilespmem:s16+$0x70];
	v24 =	vmax.f32 v31, v24;
	v35 =	vsub.f32 v40, v49;
	v33 =	vand.u32 $0x7FFFFFFF, v52;
	v57 =	vpop (erf)  }
0x114: {  	v27 =	vmax.f32 v36, v27;
	v24 =	vadd.f32 v24, v25;
	v59 =	vsub.f32 v29, v57  }
0x115: {  	v56 =	vsub.f32 v53, v54;
	v31 =	vmul.f32 v57, v33;
	v29 =	vmul.f32 v29, v33  }
0x116: {  	v24 =	vadd.f32 v27, v24;
	v26 =	vadd.f32 v30, v26;
	v28 =	vmul.f32 v59, v28  }
0x117: {  	v33 =	vand.u32 $0x7F, v60;
	v32 =	vmul.f32 v56, v55;
	v30 =	vand.u32 $0x7FFFFFFF, v35  }
0x118: {  	v25 =	vmul.f32 v53, v30;
	v26 =	vsub.f32 v26, v58;
	v28 =	vsub.f32 v29, v28;
	v27 =	vpop (erf)  }
0x119: {  	v29 =	vmul.f32 v54, v30;
	v30 =	vmul.f32 $5.000000000e-01, v63;
	v61 =	vsub.f32 v51, v27  }
0x11a: {  	v62 =	vbroadcast v33, $0x0;
	v25 =	vsub.f32 v25, v32;
	v26 =	vand.u32 $0x7FFFFFFF, v26  }
0x11b: {  	v28 =	vmax.f32 v31, v28;
	v31 =	vmul.f32 v51, v26;
	v30 =	vmul.f32 v61, v30  }
0x11c: {  	v26 =	vmul.f32 v27, v26;
	v24 =	vadd.f32 v28, v24  }
0x11d: {  	v25 =	vmax.f32 v29, v25;
	v28 =	vor.u32 v0, v62;
	v27 =	vsub.f32 v31, v30  }
0x11e: {  	v24 =	vadd.f32 v25, v24  }
0x11f: {  	v25 =	vmax.f32 v26, v27  }
0x120: {  	v24 =	vadd.f32 v25, v24;
	_ =	sdelay $0x1  }
0x121: {  	[tilespmem:v28+s25+$0x0] =	vst.idx.msk $0xffff, v24  }
0x122: {  	v24 =	vld [tilespmem:$0x14180]  }
0x123: {  	v25 =	vld [tilespmem:$0x14200]  }
0x124: {  	v26 =	vld [tilespmem:$0x14190]  }
0x125: {  	v27 =	vld [tilespmem:$0x14210]  }
0x126: {  	v28 =	vld [tilespmem:$0x14280]  }
0x127: {  	v29 =	vld [tilespmem:$0x14290]  }
0x128: {  	v30 =	vld [tilespmem:$0x14300]  }
0x129: {  	v24 =	vadd.f32 v25, v24;
	v25 =	vld [tilespmem:$0x14310]  }
0x12a: {  	v31 =	vld [tilespmem:$0x14380];
	v26 =	vadd.f32 v27, v26  }
0x12b: {  	v27 =	vld [tilespmem:$0x14390];
	v24 =	vadd.f32 v28, v24  }
0x12c: {  	v28 =	vld [tilespmem:$0x14400];
	v26 =	vadd.f32 v29, v26  }
0x12d: {  	v29 =	vld [tilespmem:$0x14410];
	v24 =	vadd.f32 v30, v24  }
0x12e: {  	v30 =	vld [tilespmem:$0x14480];
	v25 =	vadd.f32 v25, v26  }
0x12f: {  	v26 =	vld [tilespmem:$0x14490];
	v24 =	vadd.f32 v31, v24  }
0x130: {  	v31 =	vld [tilespmem:$0x14500];
	v25 =	vadd.f32 v27, v25  }
0x131: {  	v27 =	vld [tilespmem:$0x14510];
	v24 =	vadd.f32 v28, v24  }
0x132: {  	v28 =	vld [tilespmem:$0x14580];
	v25 =	vadd.f32 v29, v25  }
0x133: {  	v29 =	vld [tilespmem:$0x14590];
	v24 =	vadd.f32 v30, v24  }
0x134: {  	v30 =	vld [tilespmem:$0x14600];
	v25 =	vadd.f32 v26, v25  }
0x135: {  	v26 =	vld [tilespmem:$0x14610];
	v24 =	vadd.f32 v31, v24  }
0x136: {  	v31 =	vld [tilespmem:$0x14680];
	v25 =	vadd.f32 v27, v25  }
0x137: {  	v27 =	vld [tilespmem:$0x14690];
	v24 =	vadd.f32 v28, v24  }
0x138: {  	v28 =	vld [tilespmem:$0x14700];
	v25 =	vadd.f32 v29, v25  }
0x139: {  	v29 =	vld [tilespmem:$0x14710];
	v24 =	vadd.f32 v30, v24  }
0x13a: {  	v30 =	vld [tilespmem:$0x14780];
	v25 =	vadd.f32 v26, v25  }
0x13b: {  	v26 =	vld [tilespmem:$0x14790];
	v24 =	vadd.f32 v31, v24  }
0x13c: {  	v31 =	vld [tilespmem:$0x14800];
	v25 =	vadd.f32 v27, v25  }
0x13d: {  	v27 =	vld [tilespmem:$0x14810];
	v24 =	vadd.f32 v28, v24  }
0x13e: {  	v28 =	vld [tilespmem:$0x14880];
	v25 =	vadd.f32 v29, v25  }
0x13f: {  	v29 =	vld [tilespmem:$0x14890];
	v24 =	vadd.f32 v30, v24  }
0x140: {  	v30 =	vld [tilespmem:$0x14900];
	v25 =	vadd.f32 v26, v25  }
0x141: {  	v26 =	vld [tilespmem:$0x14910];
	v24 =	vadd.f32 v31, v24  }
0x142: {  	v25 =	vadd.f32 v27, v25  }
0x143: {  	v24 =	vadd.f32 v28, v24  }
0x144: {  	v25 =	vadd.f32 v29, v25  }
0x145: {  	v24 =	vadd.f32 v30, v24  }
0x146: {  	v25 =	vadd.f32 v26, v25  }
0x147: {  	[tilespmem:$0x14980] =	vst v24  }
0x148: {  	[tilespmem:$0x14990] =	vst v25  }
0x149: {  	_ =	swait.ge [sflag:s26], $0x2000  }
0x14a: {  	[sflag:s26] =	ssyncset.done $0x0  }
0x14b: {  	[sflag:s26] =	ssyncadd.s32 $0xFFFFE000  }
0x14c: {  	_ =	swait.ge [sflag:s26], $0x2000  }
0x14d: {  	[sflag:s26] =	ssyncset.done $0x0  }
0x14e: {  	[sflag:s26] =	ssyncadd.s32 $0xFFFFE000  }
0x14f: {  	_ =	swait.ge [sflag:s26], $0x2000  }
0x150: {  	[sflag:s26] =	ssyncset.done $0x0  }
0x151: {  	[sflag:s26] =	ssyncadd.s32 $0xFFFFE000  }
0x152: {  	_ =	swait.ge [sflag:s26], $0x2000  }
0x153: {  	[sflag:s26] =	ssyncset.done $0x0  }
0x154: {  	s12 =	simm.s32 $0x4180;
	[sflag:s26] =	ssyncadd.s32 $0xFFFFE000  }
0x155: {  	[tilespmem:s12], [sflag:$0x1] =	stream.indirect.gather [hbm4b:s0+s11], $0x80, s28, s11, $0xb8;
	[tilespmem:$0x14A00] =	vst v63  }
0x156: {  	_ = 	snop  }
0x157: {  	[tilespmem:s29], [sflag:$0x1] =	stream.indirect.gather [hbm4b:s2+s11], $0x80, s28, s11, $0xb8;
	[tilespmem:$0x14A00] =	vst v63  }
0x158: {  	s21 =	simm.s32 $0x8180  }
0x159: {  	[tilespmem:s21], [sflag:$0x1] =	stream.indirect.gather [hbm4b:s3+s14], $0x100, s30, s14, $0xb8;
	[tilespmem:$0x14A00] =	vst v63  }
0x15a: {  	s22 =	simm.s32 $0xA180;
	s12 =	simm.s32 $0xE180  }
0x15b: {  	[tilespmem:s22], [sflag:$0x1] =	stream.indirect.gather [hbm4b:s4+s14], $0x100, s30, s14, $0xb8;
	[tilespmem:$0x14A00] =	vst v63  }
0x15c: {  	s13 =	simm.s32 $0x10200;
	v24 =	vld [tilespmem:s12+$0x1010]  }
0x15d: {  	v25 =	vld [tilespmem:s13+$0xFFFFFFD0]  }
0x15e: {  	v26 =	vld [tilespmem:s12+$0x1050]  }
0x15f: {  	v27 =	vld [tilespmem:s12+$0xFFFFE050]  }
0x160: {  	v29 =	vld [tilespmem:s12+$0x1030]  }
0x161: {  	s15 =	simm.s32 $0x12200;
	v30 =	vld [tilespmem:s12+$0xFFFFE030]  }
0x162: {  	v31 =	vld [tilespmem:s15+$0xFFFFFF80]  }
0x163: {  	v63 =	vld [tilespmem:s12+$0xFFFFE000]  }
0x164: {  	v47 =	vld [tilespmem:s15+$0xFFFFFF90]  }
0x165: {  	v49 =	vld [tilespmem:s15+$0xFFFFFFA0]  }
0x166: {  	v50 =	vld [tilespmem:s12+$0x1020]  }
0x167: {  	v52 =	vld [tilespmem:s12+$0xFFFFE020]  }
0x168: {  	v58 =	vld [tilespmem:s12+$0x1000]  }
0x169: {  	v59 =	vld [tilespmem:s12+$0xFFFFE010]  }
0x16a: {  	v51 =	vld [tilespmem:s15+$0xFFFFFFB0]  }
0x16b: {  	v53 =	vld [tilespmem:s15+$0xFFFFFFC0]  }
0x16c: {  	v48 =	vld [tilespmem:s15+$0xFFFFFFD0];
	v31 =	vand.u32 $0x7FFFFFFF, v31  }
0x16d: {  	v28 =	vld [tilespmem:s13+$0xFFFFFFB0];
	v26 =	vadd.f32 v26, v27;
	v27 =	vand.u32 $0x7FFFFFFF, v47;
	v33 =	vadd.f32 v50, v52  }
0x16e: {  	v60 =	vld [tilespmem:s13+$0xFFFFFF80];
	v54 =	vand.u32 $0x7FFFFFFF, v49;
	v32 =	vadd.f32 v58, v63;
	v24 =	vadd.f32 v24, v59  }
0x16f: {  	v62 =	vld [tilespmem:s15+$0xFFFFFFE0];
	v38 =	vand.u32 $0x7FFFFFFF, v51;
	v37 =	vadd.f32 $1.000000000e+00, v31;
	v39 =	vadd.f32 $1.000000000e+00, v27  }
0x170: {  	v61 =	vld [tilespmem:s13+$0xFFFFFF90];
	v40 =	vand.u32 $0x7FFFFFFF, v53;
	v36 =	vadd.f32 $1.000000000e+00, v38;
	v25 =	vsub.f32 v26, v25  }
0x171: {  	v63 =	vld [tilespmem:s12+$0xFFFFE040];
	v26 =	vadd.f32 v29, v30;
	v29 =	vand.u32 $0x7FFFFFFF, v48;
	(erf) = vrcp.f32 v37  }
0x172: {  	v38 =	vmul.f32 $5.000000000e-01, v38;
	v30 =	vld [tilespmem:s13+$0xFFFFFFA0];
	v55 =	vadd.f32 $1.000000000e+00, v29;
	(erf) = vrcp.f32 v39  }
0x173: {  	v58 =	vld [tilespmem:s12+$0x1040];
	v31 =	vmul.f32 $5.000000000e-01, v31;
	v26 =	vsub.f32 v26, v28;
	v28 =	vadd.f32 $1.000000000e+00, v54  }
0x174: {  	v41 =	vand.u32 $0x7FFFFFFF, v62;
	v27 =	vmul.f32 $5.000000000e-01, v27;
	(erf) = vrcp.f32 v55  }
0x175: {  	v34 =	vmul.f32 $5.000000000e-01, v54;
	v24 =	vsub.f32 v24, v61;
	v61 =	vld [tilespmem:s13+$0xFFFFFFC0];
	(erf) = vrcp.f32 v28  }
0x176: {  	v32 =	vsub.f32 v32, v60;
	v29 =	vmul.f32 $5.000000000e-01, v29;
	(erf) = vrcp.f32 v36  }
0x177: {  	v25 =	vand.u32 $0x7FFFFFFF, v25;
	v30 =	vsub.f32 v33, v30;
	v33 =	vadd.f32 $1.000000000e+00, v40  }
0x178: {  	v32 =	vand.u32 $0x7FFFFFFF, v32;
	v24 =	vand.u32 $0x7FFFFFFF, v24;
	v43 =	vadd.f32 v58, v63  }
0x179: {  	v45 =	vmul.f32 v55, v25;
	v26 =	vand.u32 $0x7FFFFFFF, v26;
	(erf) = vrcp.f32 v33  }
0x17a: {  	v42 =	vmul.f32 v36, v26;
	v43 =	vsub.f32 v43, v61;
	v40 =	vmul.f32 $5.000000000e-01, v40;
	v56 =	vpop (erf)  }
0x17b: {  	v30 =	vand.u32 $0x7FFFFFFF, v30;
	v57 =	vsub.f32 v37, v56;
	v59 =	vpop (erf);
	v46 =	vmul.f32 v56, v32  }
0x17c: {  	v47 =	vld [tilespmem:s13+$0x10];
	v32 =	vmul.f32 v37, v32;
	v60 =	vsub.f32 v39, v59;
	v39 =	vmul.f32 v39, v24  }
0x17d: {  	v37 =	vadd.f32 $1.000000000e+00, v41;
	v56 =	vld [tilespmem:s15+$0xFFFFFFF0];
	v50 =	vpop (erf);
	v24 =	vmul.f32 v59, v24;
	v31 =	vmul.f32 v57, v31  }
0x17e: {  	v52 =	vld [tilespmem:s12+$0x10];
	v35 =	vsub.f32 v55, v50;
	v62 =	vpop (erf);
	v25 =	vmul.f32 v50, v25;
	v27 =	vmul.f32 v60, v27  }
0x17f: {  	v61 =	vld [tilespmem:s12+$0x1060];
	v53 =	vmul.f32 v62, v30;
	v63 =	vsub.f32 v28, v62;
	v54 =	vpop (erf);
	v28 =	vmul.f32 v28, v30  }
0x180: {  	v57 =	vld [tilespmem:s12+$0xFFFFF010];
	v62 =	vand.u32 $0x7FFFFFFF, v43;
	v30 =	vsub.f32 v36, v54;
	v26 =	vmul.f32 v54, v26  }
0x181: {  	v31 =	vsub.f32 v32, v31;
	v32 =	vld [tilespmem:s12+$0x0];
	v29 =	vmul.f32 v35, v29;
	v59 =	vmul.f32 v63, v34  }
0x182: {  	v54 =	vld [tilespmem:s15+$0x0];
	v58 =	vpop (erf);
	v27 =	vsub.f32 v39, v27;
	v35 =	vand.u32 $0x7FFFFFFF, v56;
	v39 =	vmul.f32 $5.000000000e-01, v41  }
0x183: {  	v63 =	vld [tilespmem:s12+$0xFFFFE060];
	v60 =	vsub.f32 v33, v58;
	v30 =	vmul.f32 v30, v38;
	v31 =	vmax.f32 v46, v31  }
0x184: {  	v56 =	vld [tilespmem:s12+$0x20];
	v33 =	vmul.f32 v33, v62;
	v38 =	vmul.f32 v58, v62;
	v58 =	vadd.f32 $1.000000000e+00, v35  }
0x185: {  	v31 =	vadd.f32 $0.0e+00, v31;
	v24 =	vmax.f32 v24, v27;
	v27 =	vsub.f32 v45, v29;
	v29 =	vld [tilespmem:s15+$0x10]  }
0x186: {  	v28 =	vsub.f32 v28, v59;
	v55 =	vadd.f32 v52, v57;
	v57 =	vld [tilespmem:s15+$0x20];
	v34 =	vmul.f32 v60, v40  }
0x187: {  	(erf) = vrcp.f32 v37;
	v59 =	vld [tilespmem:s15+$0x30];
	v30 =	vsub.f32 v42, v30;
	v24 =	vadd.f32 v24, v31  }
0x188: {  	v60 =	vld [tilespmem:s12+$0xFFFFE070];
	(erf) = vrcp.f32 v58;
	v28 =	vmax.f32 v53, v28;
	v33 =	vsub.f32 v33, v34  }
0x189: {  	v31 =	vsub.f32 v55, v47;
	v25 =	vmax.f32 v25, v27;
	v53 =	vld [tilespmem:s12+$0xFFFFF000];
	v24 =	vadd.f32 v28, v24  }
0x18a: {  	v26 =	vmax.f32 v26, v30;
	v30 =	vld [tilespmem:s12+$0xFFFFF020];
	v27 =	vadd.f32 v61, v63;
	v33 =	vmax.f32 v38, v33  }
0x18b: {  	v61 =	vld [tilespmem:s13+$0xFFFFFFE0];
	v29 =	vand.u32 $0x7FFFFFFF, v29;
	v24 =	vadd.f32 v26, v24;
	v26 =	vand.u32 $0x7FFFFFFF, v54  }
0x18c: {  	v28 =	vld [tilespmem:s12+$0x1070];
	v40 =	vand.u32 $0x7FFFFFFF, v57;
	v49 =	vand.u32 $0x7FFFFFFF, v59;
	v63 =	vadd.f32 $1.000000000e+00, v26  }
0x18d: {  	v51 =	vld [tilespmem:s13+$0x20];
	v45 =	vadd.f32 $1.000000000e+00, v29;
	v42 =	vmul.f32 $5.000000000e-01, v26;
	v26 =	vadd.f32 $1.000000000e+00, v40  }
0x18e: {  	v62 =	vld [tilespmem:s13+$0xFFFFFFF0];
	v48 =	vmul.f32 $5.000000000e-01, v40;
	v32 =	vadd.f32 v32, v53;
	(erf) = vrcp.f32 v63  }
0x18f: {  	v24 =	vadd.f32 v33, v24;
	v30 =	vadd.f32 v56, v30;
	(erf) = vrcp.f32 v26  }
0x190: {  	v27 =	vsub.f32 v27, v61;
	v33 =	vand.u32 $0x7FFFFFFF, v31;
	v31 =	vmul.f32 $5.000000000e-01, v35  }
0x191: {  	v54 =	vld [tilespmem:s13+$0x0];
	v28 =	vadd.f32 v28, v60;
	v35 =	vmul.f32 v45, v33;
	v25 =	vadd.f32 v25, v24  }
0x192: {  	v55 =	vld [tilespmem:s15+$0x40];
	v47 =	vsub.f32 v30, v51;
	v24 =	vadd.f32 $1.000000000e+00, v49;
	v30 =	vmul.f32 $5.000000000e-01, v29;
	v29 =	vpop (erf)  }
0x193: {  	v27 =	vand.u32 $0x7FFFFFFF, v27;
	v28 =	vsub.f32 v28, v62;
	(erf) = vrcp.f32 v45;
	v56 =	vpop (erf)  }
0x194: {  	v44 =	vld [tilespmem:s15+$0x50];
	v38 =	vmul.f32 v37, v27;
	(erf) = vrcp.f32 v24;
	v57 =	vsub.f32 v58, v56  }
0x195: {  	v59 =	vld [tilespmem:s12+$0x30];
	v36 =	vmul.f32 v29, v27;
	v29 =	vsub.f32 v37, v29;
	v28 =	vand.u32 $0x7FFFFFFF, v28  }
0x196: {  	v61 =	vld [tilespmem:s15+$0x60];
	v27 =	vsub.f32 v32, v54;
	v50 =	vmul.f32 v58, v28;
	v31 =	vmul.f32 v57, v31  }
0x197: {  	v34 =	vand.u32 $0x7FFFFFFF, v55;
	v29 =	vmul.f32 v29, v39;
	v58 =	vld [tilespmem:s12+$0xFFFFF030];
	v37 =	vmul.f32 v56, v28;
	v62 =	vpop (erf)  }
0x198: {  	v28 =	vand.u32 $0x7FFFFFFF, v27;
	v27 =	vadd.f32 $1.000000000e+00, v34;
	v43 =	vsub.f32 v50, v31;
	v41 =	vpop (erf)  }
0x199: {  	v60 =	vmul.f32 v63, v28;
	v63 =	vsub.f32 v63, v62;
	v31 =	vsub.f32 v26, v41  }
0x19a: {  	(erf) = vrcp.f32 v27;
	v46 =	vmul.f32 v62, v28  }
0x19b: {  	v40 =	vld [tilespmem:s12+$0x40];
	v28 =	vand.u32 $0x7FFFFFFF, v44;
	v44 =	vsub.f32 v38, v29;
	v29 =	vmul.f32 v63, v42  }
0x19c: {  	v47 =	vand.u32 $0x7FFFFFFF, v47;
	v32 =	vand.u32 $0x7FFFFFFF, v61;
	v50 =	vld [tilespmem:s13+$0x30];
	v51 =	vadd.f32 v59, v58;
	v52 =	vpop (erf)  }
0x19d: {  	s19 =	simm.s32 $0x1;
	s20 =	simm.s32 $0x12200;
	v42 =	vld [tilespmem:s12+$0xFFFFF040];
	v45 =	vsub.f32 v45, v52;
	v48 =	vmul.f32 v31, v48;
	v53 =	vsub.f32 v60, v29;
	v31 =	vpop (erf)  }
0x19e: {  	s16 =	simm.s32 $0x0;
	s17 =	simm.s32 $0x10200;
	s21 =	simm.s32 $0xE180;
	v38 =	vmul.f32 $5.000000000e-01, v49;
	v49 =	vld [tilespmem:s13+$0x40];
	v29 =	vadd.f32 $1.000000000e+00, v28;
	v39 =	vsub.f32 v24, v31  }
.LBB2_4:
0x19f: {  	s21 =	sadd.s32 $0x80, s21  }
0x1a0: {  	v46 =	vmax.f32 v46, v53;
	v33 =	vmul.f32 v52, v33;
	v52 =	vld [tilespmem:s12+$0x60];
	v53 =	vadd.f32 $1.000000000e+00, v32;
	s15 =	sadd.s32 $0x100, s15;
	s13 =	sadd.s32 $0x100, s13;
	s22 =	smov.u32 s19  }
0x1a1: {  	p0 =	sne.s32 s19, $0x1F;
	s19 =	sadd.s32 $0x1, s19;
	v37 =	vmax.f32 v37, v43;
	v26 =	vmul.f32 v26, v47;
	v43 =	vsub.f32 v51, v50;
	v50 =	vld [tilespmem:s20+$0x70];
	s20 =	smov.u32 s15  }
0x1a2: {  	v36 =	vmax.f32 v36, v44;
	v41 =	vmul.f32 v41, v47;
	v40 =	vadd.f32 v40, v42;
	v42 =	vld [tilespmem:s12+$0x50]  }
0x1a3: {  	v30 =	vmul.f32 v45, v30;
	v26 =	vsub.f32 v26, v48;
	v44 =	vld [tilespmem:s12+$0xFFFFF050];
	(erf) = vrcp.f32 v53  }
0x1a4: {  	v34 =	vmul.f32 $5.000000000e-01, v34;
	v25 =	vadd.f32 v36, v25;
	v36 =	vsub.f32 v40, v49;
	v40 =	vld [tilespmem:s12+$0xFFFFF060];
	v45 =	vpop (erf)  }
0x1a5: {  	v30 =	vsub.f32 v35, v30;
	v35 =	vsub.f32 v27, v45;
	v47 =	vld [tilespmem:s17+$0x50];
	(erf) = vrcp.f32 v29  }
0x1a6: {  	v25 =	vadd.f32 v37, v25;
	v37 =	vand.u32 $0x7FFFFFFF, v43;
	v43 =	vand.u32 $0x7FFFFFFF, v50  }
0x1a7: {  	v30 =	vmax.f32 v33, v30;
	v33 =	vmul.f32 v39, v38;
	v34 =	vmul.f32 v35, v34  }
0x1a8: {  	v24 =	vmul.f32 v24, v37;
	v25 =	vadd.f32 v46, v25;
	v35 =	vadd.f32 v42, v44;
	v38 =	vld [tilespmem:s17+$0x60]  }
0x1a9: {  	v26 =	vmax.f32 v41, v26;
	v36 =	vand.u32 $0x7FFFFFFF, v36;
	v39 =	vadd.f32 v52, v40  }
0x1aa: {  	v25 =	vadd.f32 v30, v25;
	v27 =	vmul.f32 v27, v36;
	v30 =	vadd.f32 $1.000000000e+00, v43  }
0x1ab: {  	v28 =	vmul.f32 $5.000000000e-01, v28;
	v24 =	vsub.f32 v24, v33;
	v33 =	vsub.f32 v35, v47  }
0x1ac: {  	v25 =	vadd.f32 v26, v25;
	v26 =	vsub.f32 v27, v34;
	v27 =	vld [tilespmem:s12+$0x70];
	v34 =	vpop (erf);
	(erf) = vrcp.f32 v30  }
0x1ad: {  	v32 =	vmul.f32 $5.000000000e-01, v32;
	v35 =	vsub.f32 v39, v38;
	v38 =	vsub.f32 v53, v34;
	v39 =	vld [tilespmem:s12+$0xFFFFF070];
	s12 =	smov.u32 s21  }
0x1ae: {  	v31 =	vmul.f32 v31, v37;
	v36 =	vmul.f32 v45, v36;
	v37 =	vpop (erf)  }
0x1af: {  	v33 =	vand.u32 $0x7FFFFFFF, v33;
	v40 =	vsub.f32 v29, v37;
	v32 =	vmul.f32 v38, v32;
	v38 =	vld [tilespmem:s17+$0x70];
	s17 =	smov.u32 s13  }
0x1b0: {  	v24 =	vmax.f32 v31, v24;
	v31 =	vmul.f32 v37, v33;
	v29 =	vmul.f32 v29, v33  }
0x1b1: {  	v26 =	vmax.f32 v36, v26;
	v33 =	vand.u32 $0x7FFFFFFF, v35;
	v28 =	vmul.f32 v40, v28  }
0x1b2: {  	v24 =	vadd.f32 v24, v25;
	v25 =	vmul.f32 v53, v33;
	v27 =	vadd.f32 v27, v39  }
0x1b3: {  	v28 =	vsub.f32 v29, v28;
	v29 =	vmul.f32 v34, v33;
	v33 =	vmul.f32 $5.000000000e-01, v43  }
0x1b4: {  	v24 =	vadd.f32 v26, v24;
	v26 =	vsub.f32 v27, v38  }
0x1b5: {  	v25 =	vsub.f32 v25, v32;
	v27 =	vmax.f32 v31, v28;
	v28 =	vmov s16;
	v31 =	vpop (erf);
	s16 =	smov.u32 s22  }
0x1b6: {  	v24 =	vadd.f32 v27, v24;
	v26 =	vand.u32 $0x7FFFFFFF, v26;
	v27 =	vsub.f32 v30, v31  }
0x1b7: {  	v28 =	vand.u32 $0x7F, v28;
	v30 =	vmul.f32 v30, v26  }
0x1b8: {  	v28 =	vbroadcast v28, $0x0;
	v27 =	vmul.f32 v27, v33  }
0x1b9: {  	v26 =	vmul.f32 v31, v26  }
0x1ba: {  	v25 =	vmax.f32 v29, v25;
	v28 =	vor.u32 v0, v28;
	v27 =	vsub.f32 v30, v27  }
0x1bb: {  	v24 =	vadd.f32 v25, v24  }
0x1bc: {  	v25 =	vmax.f32 v26, v27  }
0x1bd: {  	v24 =	vadd.f32 v25, v24;
	_ =	sdelay $0x1  }
0x1be: {  	[tilespmem:v28+s25+$0x0] =	vst.idx.msk $0xffff, v24  }
0x1bf: {  	v24 =	vld [tilespmem:s21+$0x1010]  }
0x1c0: {  	v25 =	vld [tilespmem:s13+$0xFFFFFFD0]  }
0x1c1: {  	v26 =	vld [tilespmem:s21+$0x1050]  }
0x1c2: {  	v27 =	vld [tilespmem:s21+$0xFFFFE050]  }
0x1c3: {  	v28 =	vld [tilespmem:s13+$0xFFFFFFB0]  }
0x1c4: {  	v29 =	vld [tilespmem:s21+$0x1030]  }
0x1c5: {  	v30 =	vld [tilespmem:s21+$0xFFFFE030]  }
0x1c6: {  	v31 =	vld [tilespmem:s15+$0xFFFFFF80]  }
0x1c7: {  	v32 =	vld [tilespmem:s21+$0xFFFFE000];
	v26 =	vadd.f32 v26, v27  }
0x1c8: {  	v27 =	vld [tilespmem:s15+$0xFFFFFF90]  }
0x1c9: {  	v33 =	vld [tilespmem:s15+$0xFFFFFFD0];
	v25 =	vsub.f32 v26, v25  }
0x1ca: {  	v26 =	vld [tilespmem:s15+$0xFFFFFFA0];
	v29 =	vadd.f32 v29, v30  }
0x1cb: {  	v30 =	vand.u32 $0x7FFFFFFF, v31;
	v31 =	vld [tilespmem:s21+$0x1020]  }
0x1cc: {  	v34 =	vadd.f32 $1.000000000e+00, v30;
	v35 =	vld [tilespmem:s15+$0xFFFFFFB0];
	v28 =	vsub.f32 v29, v28  }
0x1cd: {  	v27 =	vand.u32 $0x7FFFFFFF, v27;
	v29 =	vld [tilespmem:s21+$0xFFFFE020]  }
0x1ce: {  	v36 =	vadd.f32 $1.000000000e+00, v27;
	v37 =	vld [tilespmem:s15+$0xFFFFFFC0];
	v33 =	vand.u32 $0x7FFFFFFF, v33;
	(erf) = vrcp.f32 v34  }
0x1cf: {  	v38 =	vld [tilespmem:s13+$0xFFFFFFA0];
	v26 =	vand.u32 $0x7FFFFFFF, v26;
	v39 =	vadd.f32 $1.000000000e+00, v33  }
0x1d0: {  	v40 =	vld [tilespmem:s21+$0x1000];
	v41 =	vadd.f32 $1.000000000e+00, v26;
	(erf) = vrcp.f32 v36  }
0x1d1: {  	v42 =	vld [tilespmem:s21+$0xFFFFE010];
	v35 =	vand.u32 $0x7FFFFFFF, v35;
	(erf) = vrcp.f32 v39  }
0x1d2: {  	v43 =	vld [tilespmem:s13+$0xFFFFFF80];
	v29 =	vadd.f32 v31, v29;
	v31 =	vadd.f32 $1.000000000e+00, v35;
	(erf) = vrcp.f32 v41  }
0x1d3: {  	v25 =	vand.u32 $0x7FFFFFFF, v25;
	v33 =	vmul.f32 $5.000000000e-01, v33;
	v44 =	vld [tilespmem:s13+$0xFFFFFF90];
	v37 =	vand.u32 $0x7FFFFFFF, v37  }
0x1d4: {  	v29 =	vsub.f32 v29, v38;
	v38 =	vadd.f32 $1.000000000e+00, v37;
	v45 =	vld [tilespmem:s15+$0xFFFFFFE0];
	(erf) = vrcp.f32 v31  }
0x1d5: {  	v28 =	vand.u32 $0x7FFFFFFF, v28;
	v32 =	vadd.f32 v40, v32;
	v40 =	vmul.f32 v39, v25  }
0x1d6: {  	v24 =	vadd.f32 v24, v42;
	v29 =	vand.u32 $0x7FFFFFFF, v29;
	(erf) = vrcp.f32 v38  }
0x1d7: {  	v35 =	vmul.f32 $5.000000000e-01, v35;
	v42 =	vmul.f32 v31, v28;
	v32 =	vsub.f32 v32, v43;
	v43 =	vld [tilespmem:s21+$0xFFFFE040];
	v46 =	vpop (erf)  }
0x1d8: {  	v30 =	vmul.f32 $5.000000000e-01, v30;
	v47 =	vsub.f32 v34, v46;
	v24 =	vsub.f32 v24, v44;
	v44 =	vld [tilespmem:s21+$0x1040]  }
0x1d9: {  	v27 =	vmul.f32 $5.000000000e-01, v27;
	v26 =	vmul.f32 $5.000000000e-01, v26;
	v32 =	vand.u32 $0x7FFFFFFF, v32;
	v48 =	vpop (erf)  }
0x1da: {  	v45 =	vand.u32 $0x7FFFFFFF, v45;
	v30 =	vmul.f32 v47, v30;
	v47 =	vsub.f32 v36, v48;
	v49 =	vld [tilespmem:s13+$0xFFFFFFC0];
	v50 =	vpop (erf)  }
0x1db: {  	v46 =	vmul.f32 v46, v32;
	v24 =	vand.u32 $0x7FFFFFFF, v24;
	v39 =	vsub.f32 v39, v50;
	v51 =	vld [tilespmem:s13+$0x20];
	v52 =	vpop (erf)  }
0x1dc: {  	v32 =	vmul.f32 v34, v32;
	v34 =	vadd.f32 $1.000000000e+00, v45;
	v27 =	vmul.f32 v47, v27;
	v47 =	vld [tilespmem:s13+$0x10]  }
0x1dd: {  	v53 =	vmul.f32 v52, v29;
	v52 =	vsub.f32 v41, v52;
	v43 =	vadd.f32 v44, v43;
	v44 =	vld [tilespmem:s21+$0x10];
	v54 =	vpop (erf)  }
0x1de: {  	v36 =	vmul.f32 v36, v24;
	v29 =	vmul.f32 v41, v29;
	v31 =	vsub.f32 v31, v54;
	v41 =	vld [tilespmem:s15+$0xFFFFFFF0]  }
0x1df: {  	v37 =	vmul.f32 $5.000000000e-01, v37;
	v24 =	vmul.f32 v48, v24;
	v43 =	vsub.f32 v43, v49;
	v48 =	vld [tilespmem:s21+$0xFFFFF010];
	v49 =	vpop (erf)  }
0x1e0: {  	v30 =	vsub.f32 v32, v30;
	v26 =	vmul.f32 v52, v26;
	v32 =	vsub.f32 v38, v49;
	v52 =	vld [tilespmem:s21+$0x1060]  }
0x1e1: {  	v27 =	vsub.f32 v36, v27;
	v31 =	vmul.f32 v31, v35;
	v35 =	vand.u32 $0x7FFFFFFF, v43;
	v36 =	vld [tilespmem:s21+$0xFFFFE060]  }
0x1e2: {  	v30 =	vmax.f32 v46, v30;
	v28 =	vmul.f32 v54, v28;
	v26 =	vsub.f32 v29, v26;
	v29 =	vld [tilespmem:s21+$0x0]  }
0x1e3: {  	v33 =	vmul.f32 v39, v33;
	v31 =	vsub.f32 v42, v31;
	v39 =	vand.u32 $0x7FFFFFFF, v41;
	v41 =	vld [tilespmem:s15+$0x0]  }
0x1e4: {  	v30 =	vadd.f32 $0.0e+00, v30;
	v32 =	vmul.f32 v32, v37;
	v37 =	vadd.f32 v44, v48;
	v42 =	vld [tilespmem:s21+$0x20]  }
0x1e5: {  	v24 =	vmax.f32 v24, v27;
	v27 =	vmax.f32 v28, v31;
	v28 =	vsub.f32 v40, v33;
	v31 =	vld [tilespmem:s21+$0xFFFFF020]  }
0x1e6: {  	v25 =	vmul.f32 v50, v25;
	v24 =	vadd.f32 v24, v30;
	v30 =	vld [tilespmem:s15+$0x10];
	v33 =	vsub.f32 v37, v47  }
0x1e7: {  	v26 =	vmax.f32 v53, v26;
	v37 =	vmul.f32 v49, v35;
	v35 =	vmul.f32 v38, v35;
	v38 =	vld [tilespmem:s15+$0x20]  }
0x1e8: {  	v24 =	vadd.f32 v26, v24;
	v25 =	vmax.f32 v25, v28;
	v28 =	vadd.f32 v52, v36;
	v36 =	vld [tilespmem:s21+$0x1070]  }
0x1e9: {  	v40 =	vadd.f32 $1.000000000e+00, v39;
	v26 =	vsub.f32 v35, v32;
	v32 =	vmul.f32 $5.000000000e-01, v45;
	v35 =	vld [tilespmem:s21+$0xFFFFE070]  }
0x1ea: {  	v24 =	vadd.f32 v27, v24;
	v27 =	vand.u32 $0x7FFFFFFF, v41;
	v41 =	vld [tilespmem:s15+$0x30];
	(erf) = vrcp.f32 v34  }
0x1eb: {  	v45 =	vmul.f32 $5.000000000e-01, v27;
	v26 =	vmax.f32 v37, v26;
	v37 =	vld [tilespmem:s13+$0xFFFFFFF0];
	v30 =	vand.u32 $0x7FFFFFFF, v30  }
0x1ec: {  	v24 =	vadd.f32 v26, v24;
	v26 =	vadd.f32 v42, v31;
	v43 =	vld [tilespmem:s13+$0xFFFFFFE0];
	(erf) = vrcp.f32 v40  }
0x1ed: {  	v42 =	vadd.f32 $1.000000000e+00, v27;
	v47 =	vadd.f32 $1.000000000e+00, v30;
	v27 =	vand.u32 $0x7FFFFFFF, v38;
	v31 =	vld [tilespmem:s21+$0xFFFFF000]  }
0x1ee: {  	v25 =	vadd.f32 v25, v24;
	v38 =	vsub.f32 v26, v51  }
0x1ef: {  	v26 =	vadd.f32 $1.000000000e+00, v27;
	v49 =	vand.u32 $0x7FFFFFFF, v41;
	v41 =	vld [tilespmem:s15+$0x40];
	(erf) = vrcp.f32 v42  }
0x1f0: {  	v48 =	vmul.f32 $5.000000000e-01, v27;
	v35 =	vadd.f32 v36, v35;
	v44 =	vld [tilespmem:s13+$0x0];
	v24 =	vadd.f32 $1.000000000e+00, v49  }
0x1f1: {  	v33 =	vand.u32 $0x7FFFFFFF, v33;
	v27 =	vsub.f32 v28, v43;
	(erf) = vrcp.f32 v26  }
0x1f2: {  	v39 =	vmul.f32 $5.000000000e-01, v39;
	v28 =	vsub.f32 v35, v37;
	(erf) = vrcp.f32 v47  }
0x1f3: {  	v30 =	vmul.f32 $5.000000000e-01, v30;
	v35 =	vadd.f32 v29, v31;
	v27 =	vand.u32 $0x7FFFFFFF, v27;
	v31 =	vpop (erf)  }
0x1f4: {  	v28 =	vand.u32 $0x7FFFFFFF, v28;
	v50 =	vmul.f32 v34, v27;
	v51 =	vld [tilespmem:s15+$0x50];
	(erf) = vrcp.f32 v24  }
0x1f5: {  	v36 =	vmul.f32 v31, v27;
	v43 =	vmul.f32 v40, v28;
	v27 =	vsub.f32 v35, v44;
	v29 =	vpop (erf)  }
0x1f6: {  	v31 =	vsub.f32 v34, v31;
	v34 =	vand.u32 $0x7FFFFFFF, v41;
	v44 =	vsub.f32 v40, v29;
	v53 =	vld [tilespmem:s21+$0xFFFFF030]  }
0x1f7: {  	v35 =	vmul.f32 v47, v33;
	v37 =	vmul.f32 v29, v28;
	v28 =	vand.u32 $0x7FFFFFFF, v27;
	v29 =	vld [tilespmem:s21+$0x30]  }
0x1f8: {  	v27 =	vadd.f32 $1.000000000e+00, v34;
	v39 =	vmul.f32 v44, v39;
	v54 =	vmul.f32 v42, v28;
	v55 =	vld [tilespmem:s15+$0x60];
	v40 =	vpop (erf)  }
0x1f9: {  	v31 =	vmul.f32 v31, v32;
	v46 =	vmul.f32 v40, v28;
	v32 =	vsub.f32 v42, v40;
	v40 =	vld [tilespmem:s21+$0x40]  }
.Ltmp1:
0x1fa: {  	v28 =	vand.u32 $0x7FFFFFFF, v51;
	v43 =	vsub.f32 v43, v39;
	v42 =	vld [tilespmem:s21+$0xFFFFF040];
	v41 =	vpop (erf);
	(erf) = vrcp.f32 v27;
	(pc) =	sbr.rel @p0 .LBB2_4-.Ltmp1, $4  }
0x1fb: {  	v44 =	vsub.f32 v50, v31;
	v39 =	vmul.f32 v32, v45;
	v32 =	vsub.f32 v26, v41;
	v50 =	vld [tilespmem:s13+$0x30];
	v52 =	vpop (erf)  }
0x1fc: {  	v45 =	vsub.f32 v47, v52;
	v47 =	vand.u32 $0x7FFFFFFF, v38;
	v51 =	vadd.f32 v29, v53  }
0x1fd: {  	v53 =	vsub.f32 v54, v39;
	v48 =	vmul.f32 v32, v48;
	v32 =	vand.u32 $0x7FFFFFFF, v55;
	v31 =	vpop (erf)  }
0x1fe: {  	v38 =	vmul.f32 $5.000000000e-01, v49;
	v29 =	vadd.f32 $1.000000000e+00, v28;
	v39 =	vsub.f32 v24, v31;
	v49 =	vld [tilespmem:s13+$0x40]  }
0x1ff: {  	v46 =	vmax.f32 v46, v53  }
0x200: {  	v33 =	vmul.f32 v52, v33;
	v52 =	vld [tilespmem:s12+$0x60];
	v53 =	vadd.f32 $1.000000000e+00, v32;
	v37 =	vmax.f32 v37, v43  }
0x201: {  	v26 =	vmul.f32 v26, v47;
	v54 =	vld [tilespmem:s20+$0x70];
	v36 =	vmax.f32 v36, v44;
	v41 =	vmul.f32 v41, v47  }
0x202: {  	v40 =	vadd.f32 v40, v42;
	v55 =	vld [tilespmem:s12+$0x50];
	v30 =	vmul.f32 v45, v30;
	v34 =	vmul.f32 $5.000000000e-01, v34  }
0x203: {  	v56 =	vld [tilespmem:s12+$0xFFFFF050];
	v28 =	vmul.f32 $5.000000000e-01, v28;
	v63 =	vsub.f32 v51, v50;
	v25 =	vadd.f32 v36, v25  }
0x204: {  	v58 =	vld [tilespmem:s12+$0xFFFFF060];
	v26 =	vsub.f32 v26, v48;
	(erf) = vrcp.f32 v53;
	v30 =	vsub.f32 v35, v30  }
0x205: {  	v48 =	vmul.f32 v39, v38;
	(erf) = vrcp.f32 v29;
	v25 =	vadd.f32 v37, v25  }
0x206: {  	v61 =	vand.u32 $0x7FFFFFFF, v63;
	v57 =	vsub.f32 v40, v49;
	v59 =	vpop (erf);
	v30 =	vmax.f32 v33, v30  }
0x207: {  	v62 =	vld [tilespmem:s17+$0x50];
	v24 =	vmul.f32 v24, v61;
	v60 =	vsub.f32 v27, v59;
	v63 =	vand.u32 $0x7FFFFFFF, v54  }
0x208: {  	v26 =	vmax.f32 v41, v26;
	v25 =	vadd.f32 v46, v25;
	v51 =	vadd.f32 $1.000000000e+00, v63  }
0x209: {  	v49 =	vld [tilespmem:s17+$0x60];
	v31 =	vmul.f32 v31, v61;
	v50 =	vadd.f32 v55, v56;
	v40 =	vadd.f32 v52, v58  }
0x20a: {  	v36 =	vand.u32 $0x7FFFFFFF, v57;
	v25 =	vadd.f32 v30, v25;
	(erf) = vrcp.f32 v51  }
0x20b: {  	v24 =	vsub.f32 v24, v48;
	v34 =	vmul.f32 v60, v34;
	v27 =	vmul.f32 v27, v36;
	v30 =	vld [tilespmem:s12+$0x70]  }
0x20c: {  	v55 =	vmul.f32 $5.000000000e-01, v32;
	v52 =	vsub.f32 v50, v62;
	v25 =	vadd.f32 v26, v25;
	v26 =	vld [tilespmem:s12+$0xFFFFF070]  }
0x20d: {  	v36 =	vmul.f32 v59, v36;
	v60 =	vmov s16;
	v27 =	vsub.f32 v27, v34;
	v54 =	vpop (erf)  }
0x20e: {  	v58 =	vld [tilespmem:s17+$0x70];
	v24 =	vmax.f32 v31, v24;
	v35 =	vsub.f32 v40, v49;
	v33 =	vand.u32 $0x7FFFFFFF, v52;
	v57 =	vpop (erf)  }
0x20f: {  	v27 =	vmax.f32 v36, v27;
	v24 =	vadd.f32 v24, v25;
	v59 =	vsub.f32 v29, v57  }
0x210: {  	v56 =	vsub.f32 v53, v54;
	v31 =	vmul.f32 v57, v33;
	v29 =	vmul.f32 v29, v33  }
0x211: {  	v24 =	vadd.f32 v27, v24;
	v26 =	vadd.f32 v30, v26;
	v28 =	vmul.f32 v59, v28  }
0x212: {  	v33 =	vand.u32 $0x7F, v60;
	v32 =	vmul.f32 v56, v55;
	v30 =	vand.u32 $0x7FFFFFFF, v35  }
0x213: {  	v25 =	vmul.f32 v53, v30;
	v26 =	vsub.f32 v26, v58;
	v28 =	vsub.f32 v29, v28;
	v27 =	vpop (erf)  }
0x214: {  	v29 =	vmul.f32 v54, v30;
	v30 =	vmul.f32 $5.000000000e-01, v63;
	v61 =	vsub.f32 v51, v27  }
0x215: {  	v62 =	vbroadcast v33, $0x0;
	v25 =	vsub.f32 v25, v32;
	v26 =	vand.u32 $0x7FFFFFFF, v26  }
0x216: {  	v28 =	vmax.f32 v31, v28;
	v31 =	vmul.f32 v51, v26;
	v30 =	vmul.f32 v61, v30  }
0x217: {  	v26 =	vmul.f32 v27, v26;
	v24 =	vadd.f32 v28, v24  }
0x218: {  	v25 =	vmax.f32 v29, v25;
	v28 =	vor.u32 v0, v62;
	v27 =	vsub.f32 v31, v30  }
0x219: {  	v24 =	vadd.f32 v25, v24  }
0x21a: {  	v25 =	vmax.f32 v26, v27  }
0x21b: {  	v24 =	vadd.f32 v25, v24;
	_ =	sdelay $0x1  }
0x21c: {  	[tilespmem:v28+s25+$0x0] =	vst.idx.msk $0xffff, v24  }
0x21d: {  	v24 =	vld [tilespmem:$0x14180]  }
0x21e: {  	v25 =	vld [tilespmem:$0x14200]  }
0x21f: {  	v26 =	vld [tilespmem:$0x14190]  }
0x220: {  	v27 =	vld [tilespmem:$0x14210]  }
0x221: {  	v28 =	vld [tilespmem:$0x14280]  }
0x222: {  	v29 =	vld [tilespmem:$0x14290]  }
0x223: {  	v30 =	vld [tilespmem:$0x14300]  }
0x224: {  	v24 =	vadd.f32 v25, v24;
	v25 =	vld [tilespmem:$0x14310]  }
0x225: {  	v31 =	vld [tilespmem:$0x14380];
	v26 =	vadd.f32 v27, v26  }
0x226: {  	v27 =	vld [tilespmem:$0x14390];
	v24 =	vadd.f32 v28, v24  }
0x227: {  	v28 =	vld [tilespmem:$0x14400];
	v26 =	vadd.f32 v29, v26  }
0x228: {  	v29 =	vld [tilespmem:$0x14410];
	v24 =	vadd.f32 v30, v24  }
0x229: {  	v30 =	vld [tilespmem:$0x14480];
	v25 =	vadd.f32 v25, v26  }
0x22a: {  	v26 =	vld [tilespmem:$0x14490];
	v24 =	vadd.f32 v31, v24  }
0x22b: {  	v31 =	vld [tilespmem:$0x14500];
	v25 =	vadd.f32 v27, v25  }
0x22c: {  	v27 =	vld [tilespmem:$0x14510];
	v24 =	vadd.f32 v28, v24  }
0x22d: {  	v28 =	vld [tilespmem:$0x14580];
	v25 =	vadd.f32 v29, v25  }
0x22e: {  	v29 =	vld [tilespmem:$0x14590];
	v24 =	vadd.f32 v30, v24  }
0x22f: {  	v30 =	vld [tilespmem:$0x14600];
	v25 =	vadd.f32 v26, v25  }
0x230: {  	v26 =	vld [tilespmem:$0x14610];
	v24 =	vadd.f32 v31, v24  }
0x231: {  	v31 =	vld [tilespmem:$0x14680];
	v25 =	vadd.f32 v27, v25  }
0x232: {  	v27 =	vld [tilespmem:$0x14690];
	v24 =	vadd.f32 v28, v24  }
0x233: {  	v28 =	vld [tilespmem:$0x14700];
	v25 =	vadd.f32 v29, v25  }
0x234: {  	v29 =	vld [tilespmem:$0x14710];
	v24 =	vadd.f32 v30, v24  }
0x235: {  	v30 =	vld [tilespmem:$0x14780];
	v25 =	vadd.f32 v26, v25  }
0x236: {  	v26 =	vld [tilespmem:$0x14790];
	v24 =	vadd.f32 v31, v24  }
0x237: {  	v31 =	vld [tilespmem:$0x14800];
	v25 =	vadd.f32 v27, v25  }
0x238: {  	v27 =	vld [tilespmem:$0x14810];
	v24 =	vadd.f32 v28, v24  }
0x239: {  	v28 =	vld [tilespmem:$0x14880];
	v25 =	vadd.f32 v29, v25  }
0x23a: {  	v29 =	vld [tilespmem:$0x14890];
	v24 =	vadd.f32 v30, v24  }
0x23b: {  	v30 =	vld [tilespmem:$0x14900];
	v25 =	vadd.f32 v26, v25  }
0x23c: {  	v26 =	vld [tilespmem:$0x14910];
	v24 =	vadd.f32 v31, v24  }
0x23d: {  	v25 =	vadd.f32 v27, v25  }
0x23e: {  	v24 =	vadd.f32 v28, v24  }
0x23f: {  	v25 =	vadd.f32 v29, v25  }
0x240: {  	v24 =	vadd.f32 v30, v24  }
0x241: {  	v25 =	vadd.f32 v26, v25  }
0x242: {  	[tilespmem:$0x149A0] =	vst v24  }
0x243: {  	[tilespmem:$0x149B0] =	vst v25  }
0x244: {  	_ =	swait.ge [sflag:s18], $0x2000  }
0x245: {  	[sflag:s18] =	ssyncset.done $0x0  }
0x246: {  	[sflag:s18] =	ssyncadd.s32 $0xFFFFE000  }
0x247: {  	_ =	swait.ge [sflag:s18], $0x2000  }
0x248: {  	[sflag:s18] =	ssyncset.done $0x0  }
0x249: {  	[sflag:s18] =	ssyncadd.s32 $0xFFFFE000  }
0x24a: {  	_ =	swait.ge [sflag:s18], $0x2000  }
0x24b: {  	[sflag:s18] =	ssyncset.done $0x0  }
0x24c: {  	[sflag:s18] =	ssyncadd.s32 $0xFFFFE000  }
0x24d: {  	_ =	swait.ge [sflag:s18], $0x2000  }
0x24e: {  	[sflag:s18] =	ssyncset.done $0x0  }
0x24f: {  	s21 =	simm.s32 $0xC180;
	[sflag:s18] =	ssyncadd.s32 $0xFFFFE000  }
0x250: {  	[tilespmem:s21], [sflag:$0x2] =	stream.indirect.gather [hbm4b:s0+s11], $0x80, s31, s11, $0xb8;
	[tilespmem:$0x14A00] =	vst v63  }
0x251: {  	s22 =	simm.s32 $0xE180  }
0x252: {  	[tilespmem:s22], [sflag:$0x2] =	stream.indirect.gather [hbm4b:s2+s11], $0x80, s31, s11, $0xb8;
	[tilespmem:$0x14A00] =	vst v63  }
0x253: {  	_ = 	snop  }
0x254: {  	[tilespmem:s23], [sflag:$0x2] =	stream.indirect.gather [hbm4b:s3+s14], $0x100, s1, s14, $0xb8;
	[tilespmem:$0x14A00] =	vst v63  }
0x255: {  	s12 =	simm.s32 $0x6180  }
0x256: {  	[tilespmem:s24], [sflag:$0x2] =	stream.indirect.gather [hbm4b:s4+s14], $0x100, s1, s14, $0xb8;
	[tilespmem:$0x14A00] =	vst v63  }
0x257: {  	s13 =	simm.s32 $0x8200;
	v24 =	vld [tilespmem:s12+$0x1010]  }
0x258: {  	v25 =	vld [tilespmem:s13+$0xFFFFFFD0]  }
0x259: {  	v26 =	vld [tilespmem:s12+$0x1050]  }
0x25a: {  	v27 =	vld [tilespmem:s12+$0xFFFFE050]  }
0x25b: {  	v29 =	vld [tilespmem:s12+$0x1030]  }
0x25c: {  	s15 =	simm.s32 $0xA200;
	v30 =	vld [tilespmem:s12+$0xFFFFE030]  }
0x25d: {  	v31 =	vld [tilespmem:s15+$0xFFFFFF80]  }
0x25e: {  	v63 =	vld [tilespmem:s12+$0xFFFFE000]  }
0x25f: {  	v47 =	vld [tilespmem:s15+$0xFFFFFF90]  }
0x260: {  	v49 =	vld [tilespmem:s15+$0xFFFFFFA0]  }
0x261: {  	v50 =	vld [tilespmem:s12+$0x1020]  }
0x262: {  	v52 =	vld [tilespmem:s12+$0xFFFFE020]  }
0x263: {  	v58 =	vld [tilespmem:s12+$0x1000]  }
0x264: {  	v59 =	vld [tilespmem:s12+$0xFFFFE010]  }
0x265: {  	v51 =	vld [tilespmem:s15+$0xFFFFFFB0]  }
0x266: {  	v53 =	vld [tilespmem:s15+$0xFFFFFFC0]  }
0x267: {  	v48 =	vld [tilespmem:s15+$0xFFFFFFD0];
	v31 =	vand.u32 $0x7FFFFFFF, v31  }
0x268: {  	v28 =	vld [tilespmem:s13+$0xFFFFFFB0];
	v26 =	vadd.f32 v26, v27;
	v27 =	vand.u32 $0x7FFFFFFF, v47;
	v33 =	vadd.f32 v50, v52  }
0x269: {  	v60 =	vld [tilespmem:s13+$0xFFFFFF80];
	v54 =	vand.u32 $0x7FFFFFFF, v49;
	v32 =	vadd.f32 v58, v63;
	v24 =	vadd.f32 v24, v59  }
0x26a: {  	v62 =	vld [tilespmem:s15+$0xFFFFFFE0];
	v38 =	vand.u32 $0x7FFFFFFF, v51;
	v37 =	vadd.f32 $1.000000000e+00, v31;
	v39 =	vadd.f32 $1.000000000e+00, v27  }
0x26b: {  	v61 =	vld [tilespmem:s13+$0xFFFFFF90];
	v40 =	vand.u32 $0x7FFFFFFF, v53;
	v36 =	vadd.f32 $1.000000000e+00, v38;
	v25 =	vsub.f32 v26, v25  }
0x26c: {  	v63 =	vld [tilespmem:s12+$0xFFFFE040];
	v26 =	vadd.f32 v29, v30;
	v29 =	vand.u32 $0x7FFFFFFF, v48;
	(erf) = vrcp.f32 v37  }
0x26d: {  	v38 =	vmul.f32 $5.000000000e-01, v38;
	v30 =	vld [tilespmem:s13+$0xFFFFFFA0];
	v55 =	vadd.f32 $1.000000000e+00, v29;
	(erf) = vrcp.f32 v39  }
0x26e: {  	v58 =	vld [tilespmem:s12+$0x1040];
	v31 =	vmul.f32 $5.000000000e-01, v31;
	v26 =	vsub.f32 v26, v28;
	v28 =	vadd.f32 $1.000000000e+00, v54  }
0x26f: {  	v41 =	vand.u32 $0x7FFFFFFF, v62;
	v27 =	vmul.f32 $5.000000000e-01, v27;
	(erf) = vrcp.f32 v55  }
0x270: {  	v34 =	vmul.f32 $5.000000000e-01, v54;
	v24 =	vsub.f32 v24, v61;
	v61 =	vld [tilespmem:s13+$0xFFFFFFC0];
	(erf) = vrcp.f32 v28  }
0x271: {  	v32 =	vsub.f32 v32, v60;
	v29 =	vmul.f32 $5.000000000e-01, v29;
	(erf) = vrcp.f32 v36  }
0x272: {  	v25 =	vand.u32 $0x7FFFFFFF, v25;
	v30 =	vsub.f32 v33, v30;
	v33 =	vadd.f32 $1.000000000e+00, v40  }
0x273: {  	v32 =	vand.u32 $0x7FFFFFFF, v32;
	v24 =	vand.u32 $0x7FFFFFFF, v24;
	v43 =	vadd.f32 v58, v63  }
0x274: {  	v45 =	vmul.f32 v55, v25;
	v26 =	vand.u32 $0x7FFFFFFF, v26;
	(erf) = vrcp.f32 v33  }
0x275: {  	v42 =	vmul.f32 v36, v26;
	v43 =	vsub.f32 v43, v61;
	v40 =	vmul.f32 $5.000000000e-01, v40;
	v56 =	vpop (erf)  }
0x276: {  	v30 =	vand.u32 $0x7FFFFFFF, v30;
	v57 =	vsub.f32 v37, v56;
	v59 =	vpop (erf);
	v46 =	vmul.f32 v56, v32  }
0x277: {  	v47 =	vld [tilespmem:s13+$0x10];
	v32 =	vmul.f32 v37, v32;
	v60 =	vsub.f32 v39, v59;
	v39 =	vmul.f32 v39, v24  }
0x278: {  	v37 =	vadd.f32 $1.000000000e+00, v41;
	v56 =	vld [tilespmem:s15+$0xFFFFFFF0];
	v50 =	vpop (erf);
	v24 =	vmul.f32 v59, v24;
	v31 =	vmul.f32 v57, v31  }
0x279: {  	v52 =	vld [tilespmem:s12+$0x10];
	v35 =	vsub.f32 v55, v50;
	v62 =	vpop (erf);
	v25 =	vmul.f32 v50, v25;
	v27 =	vmul.f32 v60, v27  }
0x27a: {  	v61 =	vld [tilespmem:s12+$0x1060];
	v53 =	vmul.f32 v62, v30;
	v63 =	vsub.f32 v28, v62;
	v54 =	vpop (erf);
	v28 =	vmul.f32 v28, v30  }
0x27b: {  	v57 =	vld [tilespmem:s12+$0xFFFFF010];
	v62 =	vand.u32 $0x7FFFFFFF, v43;
	v30 =	vsub.f32 v36, v54;
	v26 =	vmul.f32 v54, v26  }
0x27c: {  	v31 =	vsub.f32 v32, v31;
	v32 =	vld [tilespmem:s12+$0x0];
	v29 =	vmul.f32 v35, v29;
	v59 =	vmul.f32 v63, v34  }
0x27d: {  	v54 =	vld [tilespmem:s15+$0x0];
	v58 =	vpop (erf);
	v27 =	vsub.f32 v39, v27;
	v35 =	vand.u32 $0x7FFFFFFF, v56;
	v39 =	vmul.f32 $5.000000000e-01, v41  }
0x27e: {  	v63 =	vld [tilespmem:s12+$0xFFFFE060];
	v60 =	vsub.f32 v33, v58;
	v30 =	vmul.f32 v30, v38;
	v31 =	vmax.f32 v46, v31  }
0x27f: {  	v56 =	vld [tilespmem:s12+$0x20];
	v33 =	vmul.f32 v33, v62;
	v38 =	vmul.f32 v58, v62;
	v58 =	vadd.f32 $1.000000000e+00, v35  }
0x280: {  	v31 =	vadd.f32 $0.0e+00, v31;
	v24 =	vmax.f32 v24, v27;
	v27 =	vsub.f32 v45, v29;
	v29 =	vld [tilespmem:s15+$0x10]  }
0x281: {  	v28 =	vsub.f32 v28, v59;
	v55 =	vadd.f32 v52, v57;
	v57 =	vld [tilespmem:s15+$0x20];
	v34 =	vmul.f32 v60, v40  }
0x282: {  	(erf) = vrcp.f32 v37;
	v59 =	vld [tilespmem:s15+$0x30];
	v30 =	vsub.f32 v42, v30;
	v24 =	vadd.f32 v24, v31  }
0x283: {  	v60 =	vld [tilespmem:s12+$0xFFFFE070];
	(erf) = vrcp.f32 v58;
	v28 =	vmax.f32 v53, v28;
	v33 =	vsub.f32 v33, v34  }
0x284: {  	v31 =	vsub.f32 v55, v47;
	v25 =	vmax.f32 v25, v27;
	v53 =	vld [tilespmem:s12+$0xFFFFF000];
	v24 =	vadd.f32 v28, v24  }
0x285: {  	v26 =	vmax.f32 v26, v30;
	v30 =	vld [tilespmem:s12+$0xFFFFF020];
	v27 =	vadd.f32 v61, v63;
	v33 =	vmax.f32 v38, v33  }
0x286: {  	v61 =	vld [tilespmem:s13+$0xFFFFFFE0];
	v29 =	vand.u32 $0x7FFFFFFF, v29;
	v24 =	vadd.f32 v26, v24;
	v26 =	vand.u32 $0x7FFFFFFF, v54  }
0x287: {  	v28 =	vld [tilespmem:s12+$0x1070];
	v40 =	vand.u32 $0x7FFFFFFF, v57;
	v49 =	vand.u32 $0x7FFFFFFF, v59;
	v63 =	vadd.f32 $1.000000000e+00, v26  }
0x288: {  	v51 =	vld [tilespmem:s13+$0x20];
	v45 =	vadd.f32 $1.000000000e+00, v29;
	v42 =	vmul.f32 $5.000000000e-01, v26;
	v26 =	vadd.f32 $1.000000000e+00, v40  }
0x289: {  	v62 =	vld [tilespmem:s13+$0xFFFFFFF0];
	v48 =	vmul.f32 $5.000000000e-01, v40;
	v32 =	vadd.f32 v32, v53;
	(erf) = vrcp.f32 v63  }
0x28a: {  	v24 =	vadd.f32 v33, v24;
	v30 =	vadd.f32 v56, v30;
	(erf) = vrcp.f32 v26  }
0x28b: {  	v27 =	vsub.f32 v27, v61;
	v33 =	vand.u32 $0x7FFFFFFF, v31;
	v31 =	vmul.f32 $5.000000000e-01, v35  }
0x28c: {  	v54 =	vld [tilespmem:s13+$0x0];
	v28 =	vadd.f32 v28, v60;
	v35 =	vmul.f32 v45, v33;
	v25 =	vadd.f32 v25, v24  }
0x28d: {  	v55 =	vld [tilespmem:s15+$0x40];
	v47 =	vsub.f32 v30, v51;
	v24 =	vadd.f32 $1.000000000e+00, v49;
	v30 =	vmul.f32 $5.000000000e-01, v29;
	v29 =	vpop (erf)  }
0x28e: {  	v27 =	vand.u32 $0x7FFFFFFF, v27;
	v28 =	vsub.f32 v28, v62;
	(erf) = vrcp.f32 v45;
	v56 =	vpop (erf)  }
0x28f: {  	v44 =	vld [tilespmem:s15+$0x50];
	v38 =	vmul.f32 v37, v27;
	(erf) = vrcp.f32 v24;
	v57 =	vsub.f32 v58, v56  }
0x290: {  	v59 =	vld [tilespmem:s12+$0x30];
	v36 =	vmul.f32 v29, v27;
	v29 =	vsub.f32 v37, v29;
	v28 =	vand.u32 $0x7FFFFFFF, v28  }
0x291: {  	v61 =	vld [tilespmem:s15+$0x60];
	v27 =	vsub.f32 v32, v54;
	v50 =	vmul.f32 v58, v28;
	v31 =	vmul.f32 v57, v31  }
0x292: {  	v34 =	vand.u32 $0x7FFFFFFF, v55;
	v29 =	vmul.f32 v29, v39;
	v58 =	vld [tilespmem:s12+$0xFFFFF030];
	v37 =	vmul.f32 v56, v28;
	v62 =	vpop (erf)  }
0x293: {  	v28 =	vand.u32 $0x7FFFFFFF, v27;
	v27 =	vadd.f32 $1.000000000e+00, v34;
	v43 =	vsub.f32 v50, v31;
	v41 =	vpop (erf)  }
0x294: {  	v60 =	vmul.f32 v63, v28;
	v63 =	vsub.f32 v63, v62;
	v31 =	vsub.f32 v26, v41  }
0x295: {  	(erf) = vrcp.f32 v27;
	v46 =	vmul.f32 v62, v28  }
0x296: {  	v40 =	vld [tilespmem:s12+$0x40];
	v28 =	vand.u32 $0x7FFFFFFF, v44;
	v44 =	vsub.f32 v38, v29;
	v29 =	vmul.f32 v63, v42  }
0x297: {  	v47 =	vand.u32 $0x7FFFFFFF, v47;
	v32 =	vand.u32 $0x7FFFFFFF, v61;
	v50 =	vld [tilespmem:s13+$0x30];
	v51 =	vadd.f32 v59, v58;
	v52 =	vpop (erf)  }
0x298: {  	s19 =	simm.s32 $0x1;
	s20 =	simm.s32 $0xA200;
	v42 =	vld [tilespmem:s12+$0xFFFFF040];
	v45 =	vsub.f32 v45, v52;
	v48 =	vmul.f32 v31, v48;
	v53 =	vsub.f32 v60, v29;
	v31 =	vpop (erf)  }
0x299: {  	s17 =	simm.s32 $0x8200;
	s16 =	simm.s32 $0x0;
	s21 =	simm.s32 $0x6180;
	v38 =	vmul.f32 $5.000000000e-01, v49;
	v49 =	vld [tilespmem:s13+$0x40];
	v29 =	vadd.f32 $1.000000000e+00, v28;
	v39 =	vsub.f32 v24, v31  }
.LBB2_6:
0x29a: {  	s21 =	sadd.s32 $0x80, s21  }
0x29b: {  	v46 =	vmax.f32 v46, v53;
	v33 =	vmul.f32 v52, v33;
	v52 =	vld [tilespmem:s12+$0x60];
	v53 =	vadd.f32 $1.000000000e+00, v32;
	s15 =	sadd.s32 $0x100, s15;
	s13 =	sadd.s32 $0x100, s13;
	s22 =	smov.u32 s19  }
0x29c: {  	p0 =	sne.s32 s19, $0x1F;
	s19 =	sadd.s32 $0x1, s19;
	v37 =	vmax.f32 v37, v43;
	v26 =	vmul.f32 v26, v47;
	v43 =	vsub.f32 v51, v50;
	v50 =	vld [tilespmem:s20+$0x70];
	s20 =	smov.u32 s15  }
0x29d: {  	v36 =	vmax.f32 v36, v44;
	v41 =	vmul.f32 v41, v47;
	v40 =	vadd.f32 v40, v42;
	v42 =	vld [tilespmem:s12+$0x50]  }
0x29e: {  	v30 =	vmul.f32 v45, v30;
	v26 =	vsub.f32 v26, v48;
	v44 =	vld [tilespmem:s12+$0xFFFFF050];
	(erf) = vrcp.f32 v53  }
0x29f: {  	v34 =	vmul.f32 $5.000000000e-01, v34;
	v25 =	vadd.f32 v36, v25;
	v36 =	vsub.f32 v40, v49;
	v40 =	vld [tilespmem:s12+$0xFFFFF060];
	v45 =	vpop (erf)  }
0x2a0: {  	v30 =	vsub.f32 v35, v30;
	v35 =	vsub.f32 v27, v45;
	v47 =	vld [tilespmem:s17+$0x50];
	(erf) = vrcp.f32 v29  }
0x2a1: {  	v25 =	vadd.f32 v37, v25;
	v37 =	vand.u32 $0x7FFFFFFF, v43;
	v43 =	vand.u32 $0x7FFFFFFF, v50  }
0x2a2: {  	v30 =	vmax.f32 v33, v30;
	v33 =	vmul.f32 v39, v38;
	v34 =	vmul.f32 v35, v34  }
0x2a3: {  	v24 =	vmul.f32 v24, v37;
	v25 =	vadd.f32 v46, v25;
	v35 =	vadd.f32 v42, v44;
	v38 =	vld [tilespmem:s17+$0x60]  }
0x2a4: {  	v26 =	vmax.f32 v41, v26;
	v36 =	vand.u32 $0x7FFFFFFF, v36;
	v39 =	vadd.f32 v52, v40  }
0x2a5: {  	v25 =	vadd.f32 v30, v25;
	v27 =	vmul.f32 v27, v36;
	v30 =	vadd.f32 $1.000000000e+00, v43  }
0x2a6: {  	v28 =	vmul.f32 $5.000000000e-01, v28;
	v24 =	vsub.f32 v24, v33;
	v33 =	vsub.f32 v35, v47  }
0x2a7: {  	v25 =	vadd.f32 v26, v25;
	v26 =	vsub.f32 v27, v34;
	v27 =	vld [tilespmem:s12+$0x70];
	v34 =	vpop (erf);
	(erf) = vrcp.f32 v30  }
0x2a8: {  	v32 =	vmul.f32 $5.000000000e-01, v32;
	v35 =	vsub.f32 v39, v38;
	v38 =	vsub.f32 v53, v34;
	v39 =	vld [tilespmem:s12+$0xFFFFF070];
	s12 =	smov.u32 s21  }
0x2a9: {  	v31 =	vmul.f32 v31, v37;
	v36 =	vmul.f32 v45, v36;
	v37 =	vpop (erf)  }
0x2aa: {  	v33 =	vand.u32 $0x7FFFFFFF, v33;
	v40 =	vsub.f32 v29, v37;
	v32 =	vmul.f32 v38, v32;
	v38 =	vld [tilespmem:s17+$0x70];
	s17 =	smov.u32 s13  }
0x2ab: {  	v24 =	vmax.f32 v31, v24;
	v31 =	vmul.f32 v37, v33;
	v29 =	vmul.f32 v29, v33  }
0x2ac: {  	v26 =	vmax.f32 v36, v26;
	v33 =	vand.u32 $0x7FFFFFFF, v35;
	v28 =	vmul.f32 v40, v28  }
0x2ad: {  	v24 =	vadd.f32 v24, v25;
	v25 =	vmul.f32 v53, v33;
	v27 =	vadd.f32 v27, v39  }
0x2ae: {  	v28 =	vsub.f32 v29, v28;
	v29 =	vmul.f32 v34, v33;
	v33 =	vmul.f32 $5.000000000e-01, v43  }
0x2af: {  	v24 =	vadd.f32 v26, v24;
	v26 =	vsub.f32 v27, v38  }
0x2b0: {  	v25 =	vsub.f32 v25, v32;
	v27 =	vmax.f32 v31, v28;
	v28 =	vmov s16;
	v31 =	vpop (erf);
	s16 =	smov.u32 s22  }
0x2b1: {  	v24 =	vadd.f32 v27, v24;
	v26 =	vand.u32 $0x7FFFFFFF, v26;
	v27 =	vsub.f32 v30, v31  }
0x2b2: {  	v28 =	vand.u32 $0x7F, v28;
	v30 =	vmul.f32 v30, v26  }
0x2b3: {  	v28 =	vbroadcast v28, $0x0;
	v27 =	vmul.f32 v27, v33  }
0x2b4: {  	v26 =	vmul.f32 v31, v26  }
0x2b5: {  	v25 =	vmax.f32 v29, v25;
	v28 =	vor.u32 v0, v28;
	v27 =	vsub.f32 v30, v27  }
0x2b6: {  	v24 =	vadd.f32 v25, v24  }
0x2b7: {  	v25 =	vmax.f32 v26, v27  }
0x2b8: {  	v24 =	vadd.f32 v25, v24;
	_ =	sdelay $0x1  }
0x2b9: {  	[tilespmem:v28+s25+$0x0] =	vst.idx.msk $0xffff, v24  }
0x2ba: {  	v24 =	vld [tilespmem:s21+$0x1010]  }
0x2bb: {  	v25 =	vld [tilespmem:s13+$0xFFFFFFD0]  }
0x2bc: {  	v26 =	vld [tilespmem:s21+$0x1050]  }
0x2bd: {  	v27 =	vld [tilespmem:s21+$0xFFFFE050]  }
0x2be: {  	v28 =	vld [tilespmem:s13+$0xFFFFFFB0]  }
0x2bf: {  	v29 =	vld [tilespmem:s21+$0x1030]  }
0x2c0: {  	v30 =	vld [tilespmem:s21+$0xFFFFE030]  }
0x2c1: {  	v31 =	vld [tilespmem:s15+$0xFFFFFF80]  }
0x2c2: {  	v32 =	vld [tilespmem:s21+$0xFFFFE000];
	v26 =	vadd.f32 v26, v27  }
0x2c3: {  	v27 =	vld [tilespmem:s15+$0xFFFFFF90]  }
0x2c4: {  	v33 =	vld [tilespmem:s15+$0xFFFFFFD0];
	v25 =	vsub.f32 v26, v25  }
0x2c5: {  	v26 =	vld [tilespmem:s15+$0xFFFFFFA0];
	v29 =	vadd.f32 v29, v30  }
0x2c6: {  	v30 =	vand.u32 $0x7FFFFFFF, v31;
	v31 =	vld [tilespmem:s21+$0x1020]  }
0x2c7: {  	v34 =	vadd.f32 $1.000000000e+00, v30;
	v35 =	vld [tilespmem:s15+$0xFFFFFFB0];
	v28 =	vsub.f32 v29, v28  }
0x2c8: {  	v27 =	vand.u32 $0x7FFFFFFF, v27;
	v29 =	vld [tilespmem:s21+$0xFFFFE020]  }
0x2c9: {  	v36 =	vadd.f32 $1.000000000e+00, v27;
	v37 =	vld [tilespmem:s15+$0xFFFFFFC0];
	v33 =	vand.u32 $0x7FFFFFFF, v33;
	(erf) = vrcp.f32 v34  }
0x2ca: {  	v38 =	vld [tilespmem:s13+$0xFFFFFFA0];
	v26 =	vand.u32 $0x7FFFFFFF, v26;
	v39 =	vadd.f32 $1.000000000e+00, v33  }
0x2cb: {  	v40 =	vld [tilespmem:s21+$0x1000];
	v41 =	vadd.f32 $1.000000000e+00, v26;
	(erf) = vrcp.f32 v36  }
0x2cc: {  	v42 =	vld [tilespmem:s21+$0xFFFFE010];
	v35 =	vand.u32 $0x7FFFFFFF, v35;
	(erf) = vrcp.f32 v39  }
0x2cd: {  	v43 =	vld [tilespmem:s13+$0xFFFFFF80];
	v29 =	vadd.f32 v31, v29;
	v31 =	vadd.f32 $1.000000000e+00, v35;
	(erf) = vrcp.f32 v41  }
0x2ce: {  	v25 =	vand.u32 $0x7FFFFFFF, v25;
	v33 =	vmul.f32 $5.000000000e-01, v33;
	v44 =	vld [tilespmem:s13+$0xFFFFFF90];
	v37 =	vand.u32 $0x7FFFFFFF, v37  }
0x2cf: {  	v29 =	vsub.f32 v29, v38;
	v38 =	vadd.f32 $1.000000000e+00, v37;
	v45 =	vld [tilespmem:s15+$0xFFFFFFE0];
	(erf) = vrcp.f32 v31  }
0x2d0: {  	v28 =	vand.u32 $0x7FFFFFFF, v28;
	v32 =	vadd.f32 v40, v32;
	v40 =	vmul.f32 v39, v25  }
0x2d1: {  	v24 =	vadd.f32 v24, v42;
	v29 =	vand.u32 $0x7FFFFFFF, v29;
	(erf) = vrcp.f32 v38  }
0x2d2: {  	v35 =	vmul.f32 $5.000000000e-01, v35;
	v42 =	vmul.f32 v31, v28;
	v32 =	vsub.f32 v32, v43;
	v43 =	vld [tilespmem:s21+$0xFFFFE040];
	v46 =	vpop (erf)  }
0x2d3: {  	v30 =	vmul.f32 $5.000000000e-01, v30;
	v47 =	vsub.f32 v34, v46;
	v24 =	vsub.f32 v24, v44;
	v44 =	vld [tilespmem:s21+$0x1040]  }
0x2d4: {  	v27 =	vmul.f32 $5.000000000e-01, v27;
	v26 =	vmul.f32 $5.000000000e-01, v26;
	v32 =	vand.u32 $0x7FFFFFFF, v32;
	v48 =	vpop (erf)  }
0x2d5: {  	v45 =	vand.u32 $0x7FFFFFFF, v45;
	v30 =	vmul.f32 v47, v30;
	v47 =	vsub.f32 v36, v48;
	v49 =	vld [tilespmem:s13+$0xFFFFFFC0];
	v50 =	vpop (erf)  }
0x2d6: {  	v46 =	vmul.f32 v46, v32;
	v24 =	vand.u32 $0x7FFFFFFF, v24;
	v39 =	vsub.f32 v39, v50;
	v51 =	vld [tilespmem:s13+$0x20];
	v52 =	vpop (erf)  }
0x2d7: {  	v32 =	vmul.f32 v34, v32;
	v34 =	vadd.f32 $1.000000000e+00, v45;
	v27 =	vmul.f32 v47, v27;
	v47 =	vld [tilespmem:s13+$0x10]  }
0x2d8: {  	v53 =	vmul.f32 v52, v29;
	v52 =	vsub.f32 v41, v52;
	v43 =	vadd.f32 v44, v43;
	v44 =	vld [tilespmem:s21+$0x10];
	v54 =	vpop (erf)  }
0x2d9: {  	v36 =	vmul.f32 v36, v24;
	v29 =	vmul.f32 v41, v29;
	v31 =	vsub.f32 v31, v54;
	v41 =	vld [tilespmem:s15+$0xFFFFFFF0]  }
0x2da: {  	v37 =	vmul.f32 $5.000000000e-01, v37;
	v24 =	vmul.f32 v48, v24;
	v43 =	vsub.f32 v43, v49;
	v48 =	vld [tilespmem:s21+$0xFFFFF010];
	v49 =	vpop (erf)  }
0x2db: {  	v30 =	vsub.f32 v32, v30;
	v26 =	vmul.f32 v52, v26;
	v32 =	vsub.f32 v38, v49;
	v52 =	vld [tilespmem:s21+$0x1060]  }
0x2dc: {  	v27 =	vsub.f32 v36, v27;
	v31 =	vmul.f32 v31, v35;
	v35 =	vand.u32 $0x7FFFFFFF, v43;
	v36 =	vld [tilespmem:s21+$0xFFFFE060]  }
0x2dd: {  	v30 =	vmax.f32 v46, v30;
	v28 =	vmul.f32 v54, v28;
	v26 =	vsub.f32 v29, v26;
	v29 =	vld [tilespmem:s21+$0x0]  }
0x2de: {  	v33 =	vmul.f32 v39, v33;
	v31 =	vsub.f32 v42, v31;
	v39 =	vand.u32 $0x7FFFFFFF, v41;
	v41 =	vld [tilespmem:s15+$0x0]  }
0x2df: {  	v30 =	vadd.f32 $0.0e+00, v30;
	v32 =	vmul.f32 v32, v37;
	v37 =	vadd.f32 v44, v48;
	v42 =	vld [tilespmem:s21+$0x20]  }
0x2e0: {  	v24 =	vmax.f32 v24, v27;
	v27 =	vmax.f32 v28, v31;
	v28 =	vsub.f32 v40, v33;
	v31 =	vld [tilespmem:s21+$0xFFFFF020]  }
0x2e1: {  	v25 =	vmul.f32 v50, v25;
	v24 =	vadd.f32 v24, v30;
	v30 =	vld [tilespmem:s15+$0x10];
	v33 =	vsub.f32 v37, v47  }
0x2e2: {  	v26 =	vmax.f32 v53, v26;
	v37 =	vmul.f32 v49, v35;
	v35 =	vmul.f32 v38, v35;
	v38 =	vld [tilespmem:s15+$0x20]  }
0x2e3: {  	v24 =	vadd.f32 v26, v24;
	v25 =	vmax.f32 v25, v28;
	v28 =	vadd.f32 v52, v36;
	v36 =	vld [tilespmem:s21+$0x1070]  }
0x2e4: {  	v40 =	vadd.f32 $1.000000000e+00, v39;
	v26 =	vsub.f32 v35, v32;
	v32 =	vmul.f32 $5.000000000e-01, v45;
	v35 =	vld [tilespmem:s21+$0xFFFFE070]  }
0x2e5: {  	v24 =	vadd.f32 v27, v24;
	v27 =	vand.u32 $0x7FFFFFFF, v41;
	v41 =	vld [tilespmem:s15+$0x30];
	(erf) = vrcp.f32 v34  }
0x2e6: {  	v45 =	vmul.f32 $5.000000000e-01, v27;
	v26 =	vmax.f32 v37, v26;
	v37 =	vld [tilespmem:s13+$0xFFFFFFF0];
	v30 =	vand.u32 $0x7FFFFFFF, v30  }
0x2e7: {  	v24 =	vadd.f32 v26, v24;
	v26 =	vadd.f32 v42, v31;
	v43 =	vld [tilespmem:s13+$0xFFFFFFE0];
	(erf) = vrcp.f32 v40  }
0x2e8: {  	v42 =	vadd.f32 $1.000000000e+00, v27;
	v47 =	vadd.f32 $1.000000000e+00, v30;
	v27 =	vand.u32 $0x7FFFFFFF, v38;
	v31 =	vld [tilespmem:s21+$0xFFFFF000]  }
0x2e9: {  	v25 =	vadd.f32 v25, v24;
	v38 =	vsub.f32 v26, v51  }
0x2ea: {  	v26 =	vadd.f32 $1.000000000e+00, v27;
	v49 =	vand.u32 $0x7FFFFFFF, v41;
	v41 =	vld [tilespmem:s15+$0x40];
	(erf) = vrcp.f32 v42  }
0x2eb: {  	v48 =	vmul.f32 $5.000000000e-01, v27;
	v35 =	vadd.f32 v36, v35;
	v44 =	vld [tilespmem:s13+$0x0];
	v24 =	vadd.f32 $1.000000000e+00, v49  }
0x2ec: {  	v33 =	vand.u32 $0x7FFFFFFF, v33;
	v27 =	vsub.f32 v28, v43;
	(erf) = vrcp.f32 v26  }
0x2ed: {  	v39 =	vmul.f32 $5.000000000e-01, v39;
	v28 =	vsub.f32 v35, v37;
	(erf) = vrcp.f32 v47  }
0x2ee: {  	v30 =	vmul.f32 $5.000000000e-01, v30;
	v35 =	vadd.f32 v29, v31;
	v27 =	vand.u32 $0x7FFFFFFF, v27;
	v31 =	vpop (erf)  }
0x2ef: {  	v28 =	vand.u32 $0x7FFFFFFF, v28;
	v50 =	vmul.f32 v34, v27;
	v51 =	vld [tilespmem:s15+$0x50];
	(erf) = vrcp.f32 v24  }
0x2f0: {  	v36 =	vmul.f32 v31, v27;
	v43 =	vmul.f32 v40, v28;
	v27 =	vsub.f32 v35, v44;
	v29 =	vpop (erf)  }
0x2f1: {  	v31 =	vsub.f32 v34, v31;
	v34 =	vand.u32 $0x7FFFFFFF, v41;
	v44 =	vsub.f32 v40, v29;
	v53 =	vld [tilespmem:s21+$0xFFFFF030]  }
0x2f2: {  	v35 =	vmul.f32 v47, v33;
	v37 =	vmul.f32 v29, v28;
	v28 =	vand.u32 $0x7FFFFFFF, v27;
	v29 =	vld [tilespmem:s21+$0x30]  }
0x2f3: {  	v27 =	vadd.f32 $1.000000000e+00, v34;
	v39 =	vmul.f32 v44, v39;
	v54 =	vmul.f32 v42, v28;
	v55 =	vld [tilespmem:s15+$0x60];
	v40 =	vpop (erf)  }
0x2f4: {  	v31 =	vmul.f32 v31, v32;
	v46 =	vmul.f32 v40, v28;
	v32 =	vsub.f32 v42, v40;
	v40 =	vld [tilespmem:s21+$0x40]  }
.Ltmp2:
0x2f5: {  	v28 =	vand.u32 $0x7FFFFFFF, v51;
	v43 =	vsub.f32 v43, v39;
	v42 =	vld [tilespmem:s21+$0xFFFFF040];
	v41 =	vpop (erf);
	(erf) = vrcp.f32 v27;
	(pc) =	sbr.rel @p0 .LBB2_6-.Ltmp2, $4  }
0x2f6: {  	v44 =	vsub.f32 v50, v31;
	v39 =	vmul.f32 v32, v45;
	v32 =	vsub.f32 v26, v41;
	v50 =	vld [tilespmem:s13+$0x30];
	v52 =	vpop (erf)  }
0x2f7: {  	v45 =	vsub.f32 v47, v52;
	v47 =	vand.u32 $0x7FFFFFFF, v38;
	v51 =	vadd.f32 v29, v53  }
0x2f8: {  	v53 =	vsub.f32 v54, v39;
	v48 =	vmul.f32 v32, v48;
	v32 =	vand.u32 $0x7FFFFFFF, v55;
	v31 =	vpop (erf)  }
0x2f9: {  	v38 =	vmul.f32 $5.000000000e-01, v49;
	v29 =	vadd.f32 $1.000000000e+00, v28;
	v39 =	vsub.f32 v24, v31;
	v49 =	vld [tilespmem:s13+$0x40]  }
0x2fa: {  	v46 =	vmax.f32 v46, v53  }
0x2fb: {  	v33 =	vmul.f32 v52, v33;
	v52 =	vld [tilespmem:s12+$0x60];
	v53 =	vadd.f32 $1.000000000e+00, v32;
	v37 =	vmax.f32 v37, v43  }
0x2fc: {  	v26 =	vmul.f32 v26, v47;
	v54 =	vld [tilespmem:s20+$0x70];
	v36 =	vmax.f32 v36, v44;
	v41 =	vmul.f32 v41, v47  }
0x2fd: {  	v40 =	vadd.f32 v40, v42;
	v55 =	vld [tilespmem:s12+$0x50];
	v30 =	vmul.f32 v45, v30;
	v34 =	vmul.f32 $5.000000000e-01, v34  }
0x2fe: {  	v56 =	vld [tilespmem:s12+$0xFFFFF050];
	v28 =	vmul.f32 $5.000000000e-01, v28;
	v63 =	vsub.f32 v51, v50;
	v25 =	vadd.f32 v36, v25  }
0x2ff: {  	v58 =	vld [tilespmem:s12+$0xFFFFF060];
	v26 =	vsub.f32 v26, v48;
	(erf) = vrcp.f32 v53;
	v30 =	vsub.f32 v35, v30  }
0x300: {  	v48 =	vmul.f32 v39, v38;
	(erf) = vrcp.f32 v29;
	v25 =	vadd.f32 v37, v25  }
0x301: {  	v61 =	vand.u32 $0x7FFFFFFF, v63;
	v57 =	vsub.f32 v40, v49;
	v59 =	vpop (erf);
	v30 =	vmax.f32 v33, v30  }
0x302: {  	v62 =	vld [tilespmem:s17+$0x50];
	v24 =	vmul.f32 v24, v61;
	v60 =	vsub.f32 v27, v59;
	v63 =	vand.u32 $0x7FFFFFFF, v54  }
0x303: {  	v26 =	vmax.f32 v41, v26;
	v25 =	vadd.f32 v46, v25;
	v51 =	vadd.f32 $1.000000000e+00, v63  }
0x304: {  	v49 =	vld [tilespmem:s17+$0x60];
	v31 =	vmul.f32 v31, v61;
	v50 =	vadd.f32 v55, v56;
	v40 =	vadd.f32 v52, v58  }
0x305: {  	v36 =	vand.u32 $0x7FFFFFFF, v57;
	v25 =	vadd.f32 v30, v25;
	(erf) = vrcp.f32 v51  }
0x306: {  	v24 =	vsub.f32 v24, v48;
	v34 =	vmul.f32 v60, v34;
	v27 =	vmul.f32 v27, v36;
	v30 =	vld [tilespmem:s12+$0x70]  }
0x307: {  	v55 =	vmul.f32 $5.000000000e-01, v32;
	v52 =	vsub.f32 v50, v62;
	v25 =	vadd.f32 v26, v25;
	v26 =	vld [tilespmem:s12+$0xFFFFF070]  }
0x308: {  	v36 =	vmul.f32 v59, v36;
	v60 =	vmov s16;
	v27 =	vsub.f32 v27, v34;
	v54 =	vpop (erf)  }
0x309: {  	v58 =	vld [tilespmem:s17+$0x70];
	v24 =	vmax.f32 v31, v24;
	v35 =	vsub.f32 v40, v49;
	v33 =	vand.u32 $0x7FFFFFFF, v52;
	v57 =	vpop (erf)  }
0x30a: {  	v27 =	vmax.f32 v36, v27;
	v24 =	vadd.f32 v24, v25;
	v59 =	vsub.f32 v29, v57  }
0x30b: {  	v56 =	vsub.f32 v53, v54;
	v31 =	vmul.f32 v57, v33;
	v29 =	vmul.f32 v29, v33  }
0x30c: {  	v24 =	vadd.f32 v27, v24;
	v26 =	vadd.f32 v30, v26;
	v28 =	vmul.f32 v59, v28  }
0x30d: {  	v33 =	vand.u32 $0x7F, v60;
	v32 =	vmul.f32 v56, v55;
	v30 =	vand.u32 $0x7FFFFFFF, v35  }
0x30e: {  	v25 =	vmul.f32 v53, v30;
	v26 =	vsub.f32 v26, v58;
	v28 =	vsub.f32 v29, v28;
	v27 =	vpop (erf)  }
0x30f: {  	v29 =	vmul.f32 v54, v30;
	v30 =	vmul.f32 $5.000000000e-01, v63;
	v61 =	vsub.f32 v51, v27  }
0x310: {  	v62 =	vbroadcast v33, $0x0;
	v25 =	vsub.f32 v25, v32;
	v26 =	vand.u32 $0x7FFFFFFF, v26  }
0x311: {  	v28 =	vmax.f32 v31, v28;
	v31 =	vmul.f32 v51, v26;
	v30 =	vmul.f32 v61, v30  }
0x312: {  	v26 =	vmul.f32 v27, v26;
	v24 =	vadd.f32 v28, v24  }
0x313: {  	v25 =	vmax.f32 v29, v25;
	v28 =	vor.u32 v0, v62;
	v27 =	vsub.f32 v31, v30  }
0x314: {  	v24 =	vadd.f32 v25, v24  }
0x315: {  	v25 =	vmax.f32 v26, v27  }
0x316: {  	v24 =	vadd.f32 v25, v24;
	_ =	sdelay $0x1  }
0x317: {  	[tilespmem:v28+s25+$0x0] =	vst.idx.msk $0xffff, v24  }
0x318: {  	v24 =	vld [tilespmem:$0x14180]  }
0x319: {  	v25 =	vld [tilespmem:$0x14200]  }
0x31a: {  	v26 =	vld [tilespmem:$0x14190]  }
0x31b: {  	v27 =	vld [tilespmem:$0x14210]  }
0x31c: {  	v28 =	vld [tilespmem:$0x14280]  }
0x31d: {  	v29 =	vld [tilespmem:$0x14290]  }
0x31e: {  	v30 =	vld [tilespmem:$0x14300]  }
0x31f: {  	v24 =	vadd.f32 v25, v24;
	v25 =	vld [tilespmem:$0x14310]  }
0x320: {  	v31 =	vld [tilespmem:$0x14380];
	v26 =	vadd.f32 v27, v26  }
0x321: {  	v27 =	vld [tilespmem:$0x14390];
	v24 =	vadd.f32 v28, v24  }
0x322: {  	v28 =	vld [tilespmem:$0x14400];
	v26 =	vadd.f32 v29, v26  }
0x323: {  	v29 =	vld [tilespmem:$0x14410];
	v24 =	vadd.f32 v30, v24  }
0x324: {  	v30 =	vld [tilespmem:$0x14480];
	v25 =	vadd.f32 v25, v26  }
0x325: {  	v26 =	vld [tilespmem:$0x14490];
	v24 =	vadd.f32 v31, v24  }
0x326: {  	v31 =	vld [tilespmem:$0x14500];
	v25 =	vadd.f32 v27, v25  }
0x327: {  	v27 =	vld [tilespmem:$0x14510];
	v24 =	vadd.f32 v28, v24  }
0x328: {  	v28 =	vld [tilespmem:$0x14580];
	v25 =	vadd.f32 v29, v25  }
0x329: {  	v29 =	vld [tilespmem:$0x14590];
	v24 =	vadd.f32 v30, v24  }
0x32a: {  	v30 =	vld [tilespmem:$0x14600];
	v25 =	vadd.f32 v26, v25  }
0x32b: {  	v26 =	vld [tilespmem:$0x14610];
	v24 =	vadd.f32 v31, v24  }
0x32c: {  	v31 =	vld [tilespmem:$0x14680];
	v25 =	vadd.f32 v27, v25  }
0x32d: {  	v27 =	vld [tilespmem:$0x14690];
	v24 =	vadd.f32 v28, v24  }
0x32e: {  	v28 =	vld [tilespmem:$0x14700];
	v25 =	vadd.f32 v29, v25  }
0x32f: {  	v29 =	vld [tilespmem:$0x14710];
	v24 =	vadd.f32 v30, v24  }
0x330: {  	v30 =	vld [tilespmem:$0x14780];
	v25 =	vadd.f32 v26, v25  }
0x331: {  	v26 =	vld [tilespmem:$0x14790];
	v24 =	vadd.f32 v31, v24  }
0x332: {  	v31 =	vld [tilespmem:$0x14800];
	v25 =	vadd.f32 v27, v25  }
0x333: {  	v27 =	vld [tilespmem:$0x14810];
	v24 =	vadd.f32 v28, v24  }
0x334: {  	v28 =	vld [tilespmem:$0x14880];
	v25 =	vadd.f32 v29, v25  }
0x335: {  	v29 =	vld [tilespmem:$0x14890];
	v24 =	vadd.f32 v30, v24  }
0x336: {  	v30 =	vld [tilespmem:$0x14900];
	v25 =	vadd.f32 v26, v25  }
0x337: {  	v26 =	vld [tilespmem:$0x14910];
	v24 =	vadd.f32 v31, v24  }
0x338: {  	v25 =	vadd.f32 v27, v25  }
0x339: {  	v24 =	vadd.f32 v28, v24  }
0x33a: {  	v25 =	vadd.f32 v29, v25  }
0x33b: {  	v24 =	vadd.f32 v30, v24  }
0x33c: {  	v25 =	vadd.f32 v26, v25  }
0x33d: {  	[tilespmem:$0x149C0] =	vst v24  }
0x33e: {  	[tilespmem:$0x149D0] =	vst v25  }
0x33f: {  	_ =	swait.ge [sflag:s26], $0x2000  }
0x340: {  	[sflag:s26] =	ssyncset.done $0x0  }
0x341: {  	[sflag:s26] =	ssyncadd.s32 $0xFFFFE000  }
0x342: {  	_ =	swait.ge [sflag:s26], $0x2000  }
0x343: {  	[sflag:s26] =	ssyncset.done $0x0  }
0x344: {  	[sflag:s26] =	ssyncadd.s32 $0xFFFFE000  }
0x345: {  	_ =	swait.ge [sflag:s26], $0x2000  }
0x346: {  	[sflag:s26] =	ssyncset.done $0x0  }
0x347: {  	[sflag:s26] =	ssyncadd.s32 $0xFFFFE000  }
0x348: {  	_ =	swait.ge [sflag:s26], $0x2000  }
0x349: {  	[sflag:s26] =	ssyncset.done $0x0  }
0x34a: {  	s12 =	simm.s32 $0xE180;
	[sflag:s26] =	ssyncadd.s32 $0xFFFFE000  }
0x34b: {  	s13 =	simm.s32 $0x10200;
	v24 =	vld [tilespmem:s12+$0x1010]  }
0x34c: {  	v25 =	vld [tilespmem:s13+$0xFFFFFFD0]  }
0x34d: {  	v26 =	vld [tilespmem:s12+$0x1050]  }
0x34e: {  	v27 =	vld [tilespmem:s12+$0xFFFFE050]  }
0x34f: {  	v29 =	vld [tilespmem:s12+$0x1030]  }
0x350: {  	s15 =	simm.s32 $0x12200;
	v30 =	vld [tilespmem:s12+$0xFFFFE030]  }
0x351: {  	v31 =	vld [tilespmem:s15+$0xFFFFFF80]  }
0x352: {  	v63 =	vld [tilespmem:s12+$0xFFFFE000]  }
0x353: {  	v47 =	vld [tilespmem:s15+$0xFFFFFF90]  }
0x354: {  	v49 =	vld [tilespmem:s15+$0xFFFFFFA0]  }
0x355: {  	v50 =	vld [tilespmem:s12+$0x1020]  }
0x356: {  	v52 =	vld [tilespmem:s12+$0xFFFFE020]  }
0x357: {  	v58 =	vld [tilespmem:s12+$0x1000]  }
0x358: {  	v59 =	vld [tilespmem:s12+$0xFFFFE010]  }
0x359: {  	v51 =	vld [tilespmem:s15+$0xFFFFFFB0]  }
0x35a: {  	v53 =	vld [tilespmem:s15+$0xFFFFFFC0]  }
0x35b: {  	v48 =	vld [tilespmem:s15+$0xFFFFFFD0];
	v31 =	vand.u32 $0x7FFFFFFF, v31  }
0x35c: {  	v28 =	vld [tilespmem:s13+$0xFFFFFFB0];
	v26 =	vadd.f32 v26, v27;
	v27 =	vand.u32 $0x7FFFFFFF, v47;
	v33 =	vadd.f32 v50, v52  }
0x35d: {  	v60 =	vld [tilespmem:s13+$0xFFFFFF80];
	v54 =	vand.u32 $0x7FFFFFFF, v49;
	v32 =	vadd.f32 v58, v63;
	v24 =	vadd.f32 v24, v59  }
0x35e: {  	v62 =	vld [tilespmem:s15+$0xFFFFFFE0];
	v38 =	vand.u32 $0x7FFFFFFF, v51;
	v37 =	vadd.f32 $1.000000000e+00, v31;
	v39 =	vadd.f32 $1.000000000e+00, v27  }
0x35f: {  	v61 =	vld [tilespmem:s13+$0xFFFFFF90];
	v40 =	vand.u32 $0x7FFFFFFF, v53;
	v36 =	vadd.f32 $1.000000000e+00, v38;
	v25 =	vsub.f32 v26, v25  }
0x360: {  	v63 =	vld [tilespmem:s12+$0xFFFFE040];
	v26 =	vadd.f32 v29, v30;
	v29 =	vand.u32 $0x7FFFFFFF, v48;
	(erf) = vrcp.f32 v37  }
0x361: {  	v38 =	vmul.f32 $5.000000000e-01, v38;
	v30 =	vld [tilespmem:s13+$0xFFFFFFA0];
	v55 =	vadd.f32 $1.000000000e+00, v29;
	(erf) = vrcp.f32 v39  }
0x362: {  	v58 =	vld [tilespmem:s12+$0x1040];
	v31 =	vmul.f32 $5.000000000e-01, v31;
	v26 =	vsub.f32 v26, v28;
	v28 =	vadd.f32 $1.000000000e+00, v54  }
0x363: {  	v41 =	vand.u32 $0x7FFFFFFF, v62;
	v27 =	vmul.f32 $5.000000000e-01, v27;
	(erf) = vrcp.f32 v55  }
0x364: {  	v34 =	vmul.f32 $5.000000000e-01, v54;
	v24 =	vsub.f32 v24, v61;
	v61 =	vld [tilespmem:s13+$0xFFFFFFC0];
	(erf) = vrcp.f32 v28  }
0x365: {  	v32 =	vsub.f32 v32, v60;
	v29 =	vmul.f32 $5.000000000e-01, v29;
	(erf) = vrcp.f32 v36  }
0x366: {  	v25 =	vand.u32 $0x7FFFFFFF, v25;
	v30 =	vsub.f32 v33, v30;
	v33 =	vadd.f32 $1.000000000e+00, v40  }
0x367: {  	v32 =	vand.u32 $0x7FFFFFFF, v32;
	v24 =	vand.u32 $0x7FFFFFFF, v24;
	v43 =	vadd.f32 v58, v63  }
0x368: {  	v45 =	vmul.f32 v55, v25;
	v26 =	vand.u32 $0x7FFFFFFF, v26;
	(erf) = vrcp.f32 v33  }
0x369: {  	v42 =	vmul.f32 v36, v26;
	v43 =	vsub.f32 v43, v61;
	v40 =	vmul.f32 $5.000000000e-01, v40;
	v56 =	vpop (erf)  }
0x36a: {  	v30 =	vand.u32 $0x7FFFFFFF, v30;
	v57 =	vsub.f32 v37, v56;
	v59 =	vpop (erf);
	v46 =	vmul.f32 v56, v32  }
0x36b: {  	v47 =	vld [tilespmem:s13+$0x10];
	v32 =	vmul.f32 v37, v32;
	v60 =	vsub.f32 v39, v59;
	v39 =	vmul.f32 v39, v24  }
0x36c: {  	v37 =	vadd.f32 $1.000000000e+00, v41;
	v56 =	vld [tilespmem:s15+$0xFFFFFFF0];
	v50 =	vpop (erf);
	v24 =	vmul.f32 v59, v24;
	v31 =	vmul.f32 v57, v31  }
0x36d: {  	v52 =	vld [tilespmem:s12+$0x10];
	v35 =	vsub.f32 v55, v50;
	v62 =	vpop (erf);
	v25 =	vmul.f32 v50, v25;
	v27 =	vmul.f32 v60, v27  }
0x36e: {  	v61 =	vld [tilespmem:s12+$0x1060];
	v53 =	vmul.f32 v62, v30;
	v63 =	vsub.f32 v28, v62;
	v54 =	vpop (erf);
	v28 =	vmul.f32 v28, v30  }
0x36f: {  	v57 =	vld [tilespmem:s12+$0xFFFFF010];
	v62 =	vand.u32 $0x7FFFFFFF, v43;
	v30 =	vsub.f32 v36, v54;
	v26 =	vmul.f32 v54, v26  }
0x370: {  	v31 =	vsub.f32 v32, v31;
	v32 =	vld [tilespmem:s12+$0x0];
	v29 =	vmul.f32 v35, v29;
	v59 =	vmul.f32 v63, v34  }
0x371: {  	v54 =	vld [tilespmem:s15+$0x0];
	v58 =	vpop (erf);
	v27 =	vsub.f32 v39, v27;
	v35 =	vand.u32 $0x7FFFFFFF, v56;
	v39 =	vmul.f32 $5.000000000e-01, v41  }
0x372: {  	v63 =	vld [tilespmem:s12+$0xFFFFE060];
	v60 =	vsub.f32 v33, v58;
	v30 =	vmul.f32 v30, v38;
	v31 =	vmax.f32 v46, v31  }
0x373: {  	v56 =	vld [tilespmem:s12+$0x20];
	v33 =	vmul.f32 v33, v62;
	v38 =	vmul.f32 v58, v62;
	v58 =	vadd.f32 $1.000000000e+00, v35  }
0x374: {  	v31 =	vadd.f32 $0.0e+00, v31;
	v24 =	vmax.f32 v24, v27;
	v27 =	vsub.f32 v45, v29;
	v29 =	vld [tilespmem:s15+$0x10]  }
0x375: {  	v28 =	vsub.f32 v28, v59;
	v55 =	vadd.f32 v52, v57;
	v57 =	vld [tilespmem:s15+$0x20];
	v34 =	vmul.f32 v60, v40  }
0x376: {  	(erf) = vrcp.f32 v37;
	v59 =	vld [tilespmem:s15+$0x30];
	v30 =	vsub.f32 v42, v30;
	v24 =	vadd.f32 v24, v31  }
0x377: {  	v60 =	vld [tilespmem:s12+$0xFFFFE070];
	(erf) = vrcp.f32 v58;
	v28 =	vmax.f32 v53, v28;
	v33 =	vsub.f32 v33, v34  }
0x378: {  	v31 =	vsub.f32 v55, v47;
	v25 =	vmax.f32 v25, v27;
	v53 =	vld [tilespmem:s12+$0xFFFFF000];
	v24 =	vadd.f32 v28, v24  }
0x379: {  	v26 =	vmax.f32 v26, v30;
	v30 =	vld [tilespmem:s12+$0xFFFFF020];
	v27 =	vadd.f32 v61, v63;
	v33 =	vmax.f32 v38, v33  }
0x37a: {  	v61 =	vld [tilespmem:s13+$0xFFFFFFE0];
	v29 =	vand.u32 $0x7FFFFFFF, v29;
	v24 =	vadd.f32 v26, v24;
	v26 =	vand.u32 $0x7FFFFFFF, v54  }
0x37b: {  	v28 =	vld [tilespmem:s12+$0x1070];
	v40 =	vand.u32 $0x7FFFFFFF, v57;
	v49 =	vand.u32 $0x7FFFFFFF, v59;
	v63 =	vadd.f32 $1.000000000e+00, v26  }
0x37c: {  	v51 =	vld [tilespmem:s13+$0x20];
	v45 =	vadd.f32 $1.000000000e+00, v29;
	v42 =	vmul.f32 $5.000000000e-01, v26;
	v26 =	vadd.f32 $1.000000000e+00, v40  }
0x37d: {  	v62 =	vld [tilespmem:s13+$0xFFFFFFF0];
	v48 =	vmul.f32 $5.000000000e-01, v40;
	v32 =	vadd.f32 v32, v53;
	(erf) = vrcp.f32 v63  }
0x37e: {  	v24 =	vadd.f32 v33, v24;
	v30 =	vadd.f32 v56, v30;
	(erf) = vrcp.f32 v26  }
0x37f: {  	v27 =	vsub.f32 v27, v61;
	v33 =	vand.u32 $0x7FFFFFFF, v31;
	v31 =	vmul.f32 $5.000000000e-01, v35  }
0x380: {  	v54 =	vld [tilespmem:s13+$0x0];
	v28 =	vadd.f32 v28, v60;
	v35 =	vmul.f32 v45, v33;
	v25 =	vadd.f32 v25, v24  }
0x381: {  	v55 =	vld [tilespmem:s15+$0x40];
	v47 =	vsub.f32 v30, v51;
	v24 =	vadd.f32 $1.000000000e+00, v49;
	v30 =	vmul.f32 $5.000000000e-01, v29;
	v29 =	vpop (erf)  }
0x382: {  	v27 =	vand.u32 $0x7FFFFFFF, v27;
	v28 =	vsub.f32 v28, v62;
	(erf) = vrcp.f32 v45;
	v56 =	vpop (erf)  }
0x383: {  	v44 =	vld [tilespmem:s15+$0x50];
	v38 =	vmul.f32 v37, v27;
	(erf) = vrcp.f32 v24;
	v57 =	vsub.f32 v58, v56  }
0x384: {  	v59 =	vld [tilespmem:s12+$0x30];
	v36 =	vmul.f32 v29, v27;
	v29 =	vsub.f32 v37, v29;
	v28 =	vand.u32 $0x7FFFFFFF, v28  }
0x385: {  	v61 =	vld [tilespmem:s15+$0x60];
	v27 =	vsub.f32 v32, v54;
	v50 =	vmul.f32 v58, v28;
	v31 =	vmul.f32 v57, v31  }
0x386: {  	v34 =	vand.u32 $0x7FFFFFFF, v55;
	v29 =	vmul.f32 v29, v39;
	v58 =	vld [tilespmem:s12+$0xFFFFF030];
	v37 =	vmul.f32 v56, v28;
	v62 =	vpop (erf)  }
0x387: {  	v28 =	vand.u32 $0x7FFFFFFF, v27;
	v27 =	vadd.f32 $1.000000000e+00, v34;
	v43 =	vsub.f32 v50, v31;
	v41 =	vpop (erf)  }
0x388: {  	v60 =	vmul.f32 v63, v28;
	v63 =	vsub.f32 v63, v62;
	v31 =	vsub.f32 v26, v41  }
0x389: {  	(erf) = vrcp.f32 v27;
	v46 =	vmul.f32 v62, v28  }
0x38a: {  	v40 =	vld [tilespmem:s12+$0x40];
	v28 =	vand.u32 $0x7FFFFFFF, v44;
	v44 =	vsub.f32 v38, v29;
	v29 =	vmul.f32 v63, v42  }
0x38b: {  	v47 =	vand.u32 $0x7FFFFFFF, v47;
	v32 =	vand.u32 $0x7FFFFFFF, v61;
	v50 =	vld [tilespmem:s13+$0x30];
	v51 =	vadd.f32 v59, v58;
	v52 =	vpop (erf)  }
0x38c: {  	s19 =	simm.s32 $0x1;
	s21 =	simm.s32 $0xE180;
	v42 =	vld [tilespmem:s12+$0xFFFFF040];
	v45 =	vsub.f32 v45, v52;
	v48 =	vmul.f32 v31, v48;
	v53 =	vsub.f32 v60, v29;
	v31 =	vpop (erf)  }
0x38d: {  	s20 =	simm.s32 $0x12200;
	s17 =	simm.s32 $0x10200;
	s16 =	simm.s32 $0x0;
	v38 =	vmul.f32 $5.000000000e-01, v49;
	v49 =	vld [tilespmem:s13+$0x40];
	v29 =	vadd.f32 $1.000000000e+00, v28;
	v39 =	vsub.f32 v24, v31  }
.LBB2_8:
0x38e: {  	s21 =	sadd.s32 $0x80, s21  }
0x38f: {  	v46 =	vmax.f32 v46, v53;
	v33 =	vmul.f32 v52, v33;
	v52 =	vld [tilespmem:s12+$0x60];
	v53 =	vadd.f32 $1.000000000e+00, v32;
	s15 =	sadd.s32 $0x100, s15;
	s13 =	sadd.s32 $0x100, s13;
	s22 =	smov.u32 s19  }
0x390: {  	p0 =	sne.s32 s19, $0x1F;
	s19 =	sadd.s32 $0x1, s19;
	v37 =	vmax.f32 v37, v43;
	v26 =	vmul.f32 v26, v47;
	v43 =	vsub.f32 v51, v50;
	v50 =	vld [tilespmem:s20+$0x70];
	s20 =	smov.u32 s15  }
0x391: {  	v36 =	vmax.f32 v36, v44;
	v41 =	vmul.f32 v41, v47;
	v40 =	vadd.f32 v40, v42;
	v42 =	vld [tilespmem:s12+$0x50]  }
0x392: {  	v30 =	vmul.f32 v45, v30;
	v26 =	vsub.f32 v26, v48;
	v44 =	vld [tilespmem:s12+$0xFFFFF050];
	(erf) = vrcp.f32 v53  }
0x393: {  	v34 =	vmul.f32 $5.000000000e-01, v34;
	v25 =	vadd.f32 v36, v25;
	v36 =	vsub.f32 v40, v49;
	v40 =	vld [tilespmem:s12+$0xFFFFF060];
	v45 =	vpop (erf)  }
0x394: {  	v30 =	vsub.f32 v35, v30;
	v35 =	vsub.f32 v27, v45;
	v47 =	vld [tilespmem:s17+$0x50];
	(erf) = vrcp.f32 v29  }
0x395: {  	v25 =	vadd.f32 v37, v25;
	v37 =	vand.u32 $0x7FFFFFFF, v43;
	v43 =	vand.u32 $0x7FFFFFFF, v50  }
0x396: {  	v30 =	vmax.f32 v33, v30;
	v33 =	vmul.f32 v39, v38;
	v34 =	vmul.f32 v35, v34  }
0x397: {  	v24 =	vmul.f32 v24, v37;
	v25 =	vadd.f32 v46, v25;
	v35 =	vadd.f32 v42, v44;
	v38 =	vld [tilespmem:s17+$0x60]  }
0x398: {  	v26 =	vmax.f32 v41, v26;
	v36 =	vand.u32 $0x7FFFFFFF, v36;
	v39 =	vadd.f32 v52, v40  }
0x399: {  	v25 =	vadd.f32 v30, v25;
	v27 =	vmul.f32 v27, v36;
	v30 =	vadd.f32 $1.000000000e+00, v43  }
0x39a: {  	v28 =	vmul.f32 $5.000000000e-01, v28;
	v24 =	vsub.f32 v24, v33;
	v33 =	vsub.f32 v35, v47  }
0x39b: {  	v25 =	vadd.f32 v26, v25;
	v26 =	vsub.f32 v27, v34;
	v27 =	vld [tilespmem:s12+$0x70];
	v34 =	vpop (erf);
	(erf) = vrcp.f32 v30  }
0x39c: {  	v32 =	vmul.f32 $5.000000000e-01, v32;
	v35 =	vsub.f32 v39, v38;
	v38 =	vsub.f32 v53, v34;
	v39 =	vld [tilespmem:s12+$0xFFFFF070];
	s12 =	smov.u32 s21  }
0x39d: {  	v31 =	vmul.f32 v31, v37;
	v36 =	vmul.f32 v45, v36;
	v37 =	vpop (erf)  }
0x39e: {  	v33 =	vand.u32 $0x7FFFFFFF, v33;
	v40 =	vsub.f32 v29, v37;
	v32 =	vmul.f32 v38, v32;
	v38 =	vld [tilespmem:s17+$0x70];
	s17 =	smov.u32 s13  }
0x39f: {  	v24 =	vmax.f32 v31, v24;
	v31 =	vmul.f32 v37, v33;
	v29 =	vmul.f32 v29, v33  }
0x3a0: {  	v26 =	vmax.f32 v36, v26;
	v33 =	vand.u32 $0x7FFFFFFF, v35;
	v28 =	vmul.f32 v40, v28  }
0x3a1: {  	v24 =	vadd.f32 v24, v25;
	v25 =	vmul.f32 v53, v33;
	v27 =	vadd.f32 v27, v39  }
0x3a2: {  	v28 =	vsub.f32 v29, v28;
	v29 =	vmul.f32 v34, v33;
	v33 =	vmul.f32 $5.000000000e-01, v43  }
0x3a3: {  	v24 =	vadd.f32 v26, v24;
	v26 =	vsub.f32 v27, v38  }
0x3a4: {  	v25 =	vsub.f32 v25, v32;
	v27 =	vmax.f32 v31, v28;
	v28 =	vmov s16;
	v31 =	vpop (erf);
	s16 =	smov.u32 s22  }
0x3a5: {  	v24 =	vadd.f32 v27, v24;
	v26 =	vand.u32 $0x7FFFFFFF, v26;
	v27 =	vsub.f32 v30, v31  }
0x3a6: {  	v28 =	vand.u32 $0x7F, v28;
	v30 =	vmul.f32 v30, v26  }
0x3a7: {  	v28 =	vbroadcast v28, $0x0;
	v27 =	vmul.f32 v27, v33  }
0x3a8: {  	v26 =	vmul.f32 v31, v26  }
0x3a9: {  	v25 =	vmax.f32 v29, v25;
	v28 =	vor.u32 v0, v28;
	v27 =	vsub.f32 v30, v27  }
0x3aa: {  	v24 =	vadd.f32 v25, v24  }
0x3ab: {  	v25 =	vmax.f32 v26, v27  }
0x3ac: {  	v24 =	vadd.f32 v25, v24;
	_ =	sdelay $0x1  }
0x3ad: {  	[tilespmem:v28+s25+$0x0] =	vst.idx.msk $0xffff, v24  }
0x3ae: {  	v24 =	vld [tilespmem:s21+$0x1010]  }
0x3af: {  	v25 =	vld [tilespmem:s13+$0xFFFFFFD0]  }
0x3b0: {  	v26 =	vld [tilespmem:s21+$0x1050]  }
0x3b1: {  	v27 =	vld [tilespmem:s21+$0xFFFFE050]  }
0x3b2: {  	v28 =	vld [tilespmem:s13+$0xFFFFFFB0]  }
0x3b3: {  	v29 =	vld [tilespmem:s21+$0x1030]  }
0x3b4: {  	v30 =	vld [tilespmem:s21+$0xFFFFE030]  }
0x3b5: {  	v31 =	vld [tilespmem:s15+$0xFFFFFF80]  }
0x3b6: {  	v32 =	vld [tilespmem:s21+$0xFFFFE000];
	v26 =	vadd.f32 v26, v27  }
0x3b7: {  	v27 =	vld [tilespmem:s15+$0xFFFFFF90]  }
0x3b8: {  	v33 =	vld [tilespmem:s15+$0xFFFFFFD0];
	v25 =	vsub.f32 v26, v25  }
0x3b9: {  	v26 =	vld [tilespmem:s15+$0xFFFFFFA0];
	v29 =	vadd.f32 v29, v30  }
0x3ba: {  	v30 =	vand.u32 $0x7FFFFFFF, v31;
	v31 =	vld [tilespmem:s21+$0x1020]  }
0x3bb: {  	v34 =	vadd.f32 $1.000000000e+00, v30;
	v35 =	vld [tilespmem:s15+$0xFFFFFFB0];
	v28 =	vsub.f32 v29, v28  }
0x3bc: {  	v27 =	vand.u32 $0x7FFFFFFF, v27;
	v29 =	vld [tilespmem:s21+$0xFFFFE020]  }
0x3bd: {  	v36 =	vadd.f32 $1.000000000e+00, v27;
	v37 =	vld [tilespmem:s15+$0xFFFFFFC0];
	v33 =	vand.u32 $0x7FFFFFFF, v33;
	(erf) = vrcp.f32 v34  }
0x3be: {  	v38 =	vld [tilespmem:s13+$0xFFFFFFA0];
	v26 =	vand.u32 $0x7FFFFFFF, v26;
	v39 =	vadd.f32 $1.000000000e+00, v33  }
0x3bf: {  	v40 =	vld [tilespmem:s21+$0x1000];
	v41 =	vadd.f32 $1.000000000e+00, v26;
	(erf) = vrcp.f32 v36  }
0x3c0: {  	v42 =	vld [tilespmem:s21+$0xFFFFE010];
	v35 =	vand.u32 $0x7FFFFFFF, v35;
	(erf) = vrcp.f32 v39  }
0x3c1: {  	v43 =	vld [tilespmem:s13+$0xFFFFFF80];
	v29 =	vadd.f32 v31, v29;
	v31 =	vadd.f32 $1.000000000e+00, v35;
	(erf) = vrcp.f32 v41  }
0x3c2: {  	v25 =	vand.u32 $0x7FFFFFFF, v25;
	v33 =	vmul.f32 $5.000000000e-01, v33;
	v44 =	vld [tilespmem:s13+$0xFFFFFF90];
	v37 =	vand.u32 $0x7FFFFFFF, v37  }
0x3c3: {  	v29 =	vsub.f32 v29, v38;
	v38 =	vadd.f32 $1.000000000e+00, v37;
	v45 =	vld [tilespmem:s15+$0xFFFFFFE0];
	(erf) = vrcp.f32 v31  }
0x3c4: {  	v28 =	vand.u32 $0x7FFFFFFF, v28;
	v32 =	vadd.f32 v40, v32;
	v40 =	vmul.f32 v39, v25  }
0x3c5: {  	v24 =	vadd.f32 v24, v42;
	v29 =	vand.u32 $0x7FFFFFFF, v29;
	(erf) = vrcp.f32 v38  }
0x3c6: {  	v35 =	vmul.f32 $5.000000000e-01, v35;
	v42 =	vmul.f32 v31, v28;
	v32 =	vsub.f32 v32, v43;
	v43 =	vld [tilespmem:s21+$0xFFFFE040];
	v46 =	vpop (erf)  }
0x3c7: {  	v30 =	vmul.f32 $5.000000000e-01, v30;
	v47 =	vsub.f32 v34, v46;
	v24 =	vsub.f32 v24, v44;
	v44 =	vld [tilespmem:s21+$0x1040]  }
0x3c8: {  	v27 =	vmul.f32 $5.000000000e-01, v27;
	v26 =	vmul.f32 $5.000000000e-01, v26;
	v32 =	vand.u32 $0x7FFFFFFF, v32;
	v48 =	vpop (erf)  }
0x3c9: {  	v45 =	vand.u32 $0x7FFFFFFF, v45;
	v30 =	vmul.f32 v47, v30;
	v47 =	vsub.f32 v36, v48;
	v49 =	vld [tilespmem:s13+$0xFFFFFFC0];
	v50 =	vpop (erf)  }
0x3ca: {  	v46 =	vmul.f32 v46, v32;
	v24 =	vand.u32 $0x7FFFFFFF, v24;
	v39 =	vsub.f32 v39, v50;
	v51 =	vld [tilespmem:s13+$0x20];
	v52 =	vpop (erf)  }
0x3cb: {  	v32 =	vmul.f32 v34, v32;
	v34 =	vadd.f32 $1.000000000e+00, v45;
	v27 =	vmul.f32 v47, v27;
	v47 =	vld [tilespmem:s13+$0x10]  }
0x3cc: {  	v53 =	vmul.f32 v52, v29;
	v52 =	vsub.f32 v41, v52;
	v43 =	vadd.f32 v44, v43;
	v44 =	vld [tilespmem:s21+$0x10];
	v54 =	vpop (erf)  }
0x3cd: {  	v36 =	vmul.f32 v36, v24;
	v29 =	vmul.f32 v41, v29;
	v31 =	vsub.f32 v31, v54;
	v41 =	vld [tilespmem:s15+$0xFFFFFFF0]  }
0x3ce: {  	v37 =	vmul.f32 $5.000000000e-01, v37;
	v24 =	vmul.f32 v48, v24;
	v43 =	vsub.f32 v43, v49;
	v48 =	vld [tilespmem:s21+$0xFFFFF010];
	v49 =	vpop (erf)  }
0x3cf: {  	v30 =	vsub.f32 v32, v30;
	v26 =	vmul.f32 v52, v26;
	v32 =	vsub.f32 v38, v49;
	v52 =	vld [tilespmem:s21+$0x1060]  }
0x3d0: {  	v27 =	vsub.f32 v36, v27;
	v31 =	vmul.f32 v31, v35;
	v35 =	vand.u32 $0x7FFFFFFF, v43;
	v36 =	vld [tilespmem:s21+$0xFFFFE060]  }
0x3d1: {  	v30 =	vmax.f32 v46, v30;
	v28 =	vmul.f32 v54, v28;
	v26 =	vsub.f32 v29, v26;
	v29 =	vld [tilespmem:s21+$0x0]  }
0x3d2: {  	v33 =	vmul.f32 v39, v33;
	v31 =	vsub.f32 v42, v31;
	v39 =	vand.u32 $0x7FFFFFFF, v41;
	v41 =	vld [tilespmem:s15+$0x0]  }
0x3d3: {  	v30 =	vadd.f32 $0.0e+00, v30;
	v32 =	vmul.f32 v32, v37;
	v37 =	vadd.f32 v44, v48;
	v42 =	vld [tilespmem:s21+$0x20]  }
0x3d4: {  	v24 =	vmax.f32 v24, v27;
	v27 =	vmax.f32 v28, v31;
	v28 =	vsub.f32 v40, v33;
	v31 =	vld [tilespmem:s21+$0xFFFFF020]  }
0x3d5: {  	v25 =	vmul.f32 v50, v25;
	v24 =	vadd.f32 v24, v30;
	v30 =	vld [tilespmem:s15+$0x10];
	v33 =	vsub.f32 v37, v47  }
0x3d6: {  	v26 =	vmax.f32 v53, v26;
	v37 =	vmul.f32 v49, v35;
	v35 =	vmul.f32 v38, v35;
	v38 =	vld [tilespmem:s15+$0x20]  }
0x3d7: {  	v24 =	vadd.f32 v26, v24;
	v25 =	vmax.f32 v25, v28;
	v28 =	vadd.f32 v52, v36;
	v36 =	vld [tilespmem:s21+$0x1070]  }
0x3d8: {  	v40 =	vadd.f32 $1.000000000e+00, v39;
	v26 =	vsub.f32 v35, v32;
	v32 =	vmul.f32 $5.000000000e-01, v45;
	v35 =	vld [tilespmem:s21+$0xFFFFE070]  }
0x3d9: {  	v24 =	vadd.f32 v27, v24;
	v27 =	vand.u32 $0x7FFFFFFF, v41;
	v41 =	vld [tilespmem:s15+$0x30];
	(erf) = vrcp.f32 v34  }
0x3da: {  	v45 =	vmul.f32 $5.000000000e-01, v27;
	v26 =	vmax.f32 v37, v26;
	v37 =	vld [tilespmem:s13+$0xFFFFFFF0];
	v30 =	vand.u32 $0x7FFFFFFF, v30  }
0x3db: {  	v24 =	vadd.f32 v26, v24;
	v26 =	vadd.f32 v42, v31;
	v43 =	vld [tilespmem:s13+$0xFFFFFFE0];
	(erf) = vrcp.f32 v40  }
0x3dc: {  	v42 =	vadd.f32 $1.000000000e+00, v27;
	v47 =	vadd.f32 $1.000000000e+00, v30;
	v27 =	vand.u32 $0x7FFFFFFF, v38;
	v31 =	vld [tilespmem:s21+$0xFFFFF000]  }
0x3dd: {  	v25 =	vadd.f32 v25, v24;
	v38 =	vsub.f32 v26, v51  }
0x3de: {  	v26 =	vadd.f32 $1.000000000e+00, v27;
	v49 =	vand.u32 $0x7FFFFFFF, v41;
	v41 =	vld [tilespmem:s15+$0x40];
	(erf) = vrcp.f32 v42  }
0x3df: {  	v48 =	vmul.f32 $5.000000000e-01, v27;
	v35 =	vadd.f32 v36, v35;
	v44 =	vld [tilespmem:s13+$0x0];
	v24 =	vadd.f32 $1.000000000e+00, v49  }
0x3e0: {  	v33 =	vand.u32 $0x7FFFFFFF, v33;
	v27 =	vsub.f32 v28, v43;
	(erf) = vrcp.f32 v26  }
0x3e1: {  	v39 =	vmul.f32 $5.000000000e-01, v39;
	v28 =	vsub.f32 v35, v37;
	(erf) = vrcp.f32 v47  }
0x3e2: {  	v30 =	vmul.f32 $5.000000000e-01, v30;
	v35 =	vadd.f32 v29, v31;
	v27 =	vand.u32 $0x7FFFFFFF, v27;
	v31 =	vpop (erf)  }
0x3e3: {  	v28 =	vand.u32 $0x7FFFFFFF, v28;
	v50 =	vmul.f32 v34, v27;
	v51 =	vld [tilespmem:s15+$0x50];
	(erf) = vrcp.f32 v24  }
0x3e4: {  	v36 =	vmul.f32 v31, v27;
	v43 =	vmul.f32 v40, v28;
	v27 =	vsub.f32 v35, v44;
	v29 =	vpop (erf)  }
0x3e5: {  	v31 =	vsub.f32 v34, v31;
	v34 =	vand.u32 $0x7FFFFFFF, v41;
	v44 =	vsub.f32 v40, v29;
	v53 =	vld [tilespmem:s21+$0xFFFFF030]  }
0x3e6: {  	v35 =	vmul.f32 v47, v33;
	v37 =	vmul.f32 v29, v28;
	v28 =	vand.u32 $0x7FFFFFFF, v27;
	v29 =	vld [tilespmem:s21+$0x30]  }
0x3e7: {  	v27 =	vadd.f32 $1.000000000e+00, v34;
	v39 =	vmul.f32 v44, v39;
	v54 =	vmul.f32 v42, v28;
	v55 =	vld [tilespmem:s15+$0x60];
	v40 =	vpop (erf)  }
0x3e8: {  	v31 =	vmul.f32 v31, v32;
	v46 =	vmul.f32 v40, v28;
	v32 =	vsub.f32 v42, v40;
	v40 =	vld [tilespmem:s21+$0x40]  }
.Ltmp3:
0x3e9: {  	v28 =	vand.u32 $0x7FFFFFFF, v51;
	v43 =	vsub.f32 v43, v39;
	v42 =	vld [tilespmem:s21+$0xFFFFF040];
	v41 =	vpop (erf);
	(erf) = vrcp.f32 v27;
	(pc) =	sbr.rel @p0 .LBB2_8-.Ltmp3, $4  }
0x3ea: {  	v44 =	vsub.f32 v50, v31;
	v39 =	vmul.f32 v32, v45;
	v32 =	vsub.f32 v26, v41;
	v50 =	vld [tilespmem:s13+$0x30];
	v52 =	vpop (erf)  }
0x3eb: {  	v45 =	vsub.f32 v47, v52;
	v47 =	vand.u32 $0x7FFFFFFF, v38;
	v51 =	vadd.f32 v29, v53  }
0x3ec: {  	v53 =	vsub.f32 v54, v39;
	v48 =	vmul.f32 v32, v48;
	v32 =	vand.u32 $0x7FFFFFFF, v55;
	v31 =	vpop (erf)  }
0x3ed: {  	v38 =	vmul.f32 $5.000000000e-01, v49;
	v29 =	vadd.f32 $1.000000000e+00, v28;
	v39 =	vsub.f32 v24, v31;
	v49 =	vld [tilespmem:s13+$0x40]  }
0x3ee: {  	v46 =	vmax.f32 v46, v53  }
0x3ef: {  	v33 =	vmul.f32 v52, v33;
	v53 =	vadd.f32 $1.000000000e+00, v32;
	v37 =	vmax.f32 v37, v43  }
0x3f0: {  	v26 =	vmul.f32 v26, v47;
	v36 =	vmax.f32 v36, v44;
	v41 =	vmul.f32 v41, v47  }
0x3f1: {  	v60 =	vld [tilespmem:s20+$0x70];
	v40 =	vadd.f32 v40, v42;
	v30 =	vmul.f32 v45, v30;
	v34 =	vmul.f32 $5.000000000e-01, v34  }
0x3f2: {  	v61 =	vld [tilespmem:s12+$0x50];
	v28 =	vmul.f32 $5.000000000e-01, v28;
	v44 =	vmul.f32 $5.000000000e-01, v32;
	v25 =	vadd.f32 v36, v25  }
0x3f3: {  	v62 =	vld [tilespmem:s12+$0xFFFFF050];
	v59 =	vsub.f32 v51, v50;
	v55 =	vmul.f32 v39, v38;
	v26 =	vsub.f32 v26, v48  }
0x3f4: {  	v58 =	vld [tilespmem:s12+$0x60];
	(erf) = vrcp.f32 v53;
	v30 =	vsub.f32 v35, v30;
	v25 =	vadd.f32 v37, v25  }
0x3f5: {  	v48 =	vld [tilespmem:s12+$0xFFFFF060];
	v51 =	vand.u32 $0x7FFFFFFF, v59;
	v63 =	vsub.f32 v40, v49;
	v45 =	vpop (erf);
	(erf) = vrcp.f32 v29  }
0x3f6: {  	v54 =	vld [tilespmem:s17+$0x50];
	v30 =	vmax.f32 v33, v30;
	v24 =	vmul.f32 v24, v51;
	v47 =	vand.u32 $0x7FFFFFFF, v60  }
0x3f7: {  	v56 =	vld [tilespmem:s17+$0x60];
	v26 =	vmax.f32 v41, v26;
	v49 =	vsub.f32 v27, v45;
	v39 =	vadd.f32 $1.000000000e+00, v47  }
0x3f8: {  	v59 =	vld [tilespmem:s12+$0x70];
	v31 =	vmul.f32 v31, v51;
	v25 =	vadd.f32 v46, v25;
	v57 =	vadd.f32 v61, v62  }
0x3f9: {  	v61 =	vld [tilespmem:s12+$0xFFFFF070];
	v36 =	vand.u32 $0x7FFFFFFF, v63;
	v24 =	vsub.f32 v24, v55;
	(erf) = vrcp.f32 v39  }
0x3fa: {  	v34 =	vmul.f32 v49, v34;
	v40 =	vadd.f32 v58, v48;
	v25 =	vadd.f32 v30, v25  }
0x3fb: {  	v58 =	vmul.f32 v27, v36;
	v60 =	vsub.f32 v57, v54;
	v49 =	vld [tilespmem:s17+$0x70];
	v36 =	vmul.f32 v45, v36  }
0x3fc: {  	v57 =	vmul.f32 $5.000000000e-01, v47;
	v24 =	vmax.f32 v31, v24;
	v25 =	vadd.f32 v26, v25  }
0x3fd: {  	v27 =	vsub.f32 v58, v34;
	v63 =	vsub.f32 v40, v56;
	v33 =	vand.u32 $0x7FFFFFFF, v60;
	v62 =	vpop (erf)  }
0x3fe: {  	v52 =	vmul.f32 v29, v33;
	v26 =	vadd.f32 v59, v61;
	v59 =	vmov s16;
	v48 =	vpop (erf)  }
0x3ff: {  	v27 =	vmax.f32 v36, v27;
	v54 =	vand.u32 $0x7FFFFFFF, v63;
	v50 =	vsub.f32 v29, v48  }
0x400: {  	v46 =	vsub.f32 v53, v62;
	v55 =	vmul.f32 v53, v54;
	v26 =	vsub.f32 v26, v49  }
0x401: {  	v24 =	vadd.f32 v24, v25;
	v56 =	vmul.f32 v62, v54;
	v28 =	vmul.f32 v50, v28  }
0x402: {  	v32 =	vmul.f32 v46, v44;
	v51 =	vmul.f32 v48, v33;
	v26 =	vand.u32 $0x7FFFFFFF, v26;
	v58 =	vpop (erf)  }
0x403: {  	v33 =	vand.u32 $0x7F, v59;
	v28 =	vsub.f32 v52, v28;
	v60 =	vsub.f32 v39, v58  }
0x404: {  	v24 =	vadd.f32 v27, v24;
	v61 =	vmul.f32 v39, v26;
	v62 =	vbroadcast v33, $0x0  }
0x405: {  	v25 =	vsub.f32 v55, v32;
	v28 =	vmax.f32 v51, v28;
	v30 =	vmul.f32 v60, v57  }
0x406: {  	v32 =	vor.u32 v0, v62;
	v24 =	vadd.f32 v28, v24  }
0x407: {  	v26 =	vmul.f32 v58, v26;
	v25 =	vmax.f32 v56, v25;
	v63 =	vsub.f32 v61, v30  }
0x408: {  	v24 =	vadd.f32 v25, v24  }
0x409: {  	v33 =	vmax.f32 v26, v63  }
0x40a: {  	v24 =	vadd.f32 v33, v24;
	_ =	sdelay $0x1  }
0x40b: {  	[tilespmem:v32+s25+$0x0] =	vst.idx.msk $0xffff, v24  }
0x40c: {  	v24 =	vld [tilespmem:$0x14180]  }
0x40d: {  	v34 =	vld [tilespmem:$0x14200]  }
0x40e: {  	v35 =	vld [tilespmem:$0x14190]  }
0x40f: {  	v36 =	vld [tilespmem:$0x14210]  }
0x410: {  	v28 =	vld [tilespmem:$0x14280]  }
0x411: {  	v37 =	vld [tilespmem:$0x14290]  }
0x412: {  	v38 =	vld [tilespmem:$0x14300]  }
0x413: {  	v39 =	vld [tilespmem:$0x14310];
	v24 =	vadd.f32 v34, v24  }
0x414: {  	v40 =	vld [tilespmem:$0x14380];
	v26 =	vadd.f32 v36, v35  }
0x415: {  	v41 =	vld [tilespmem:$0x14390];
	v24 =	vadd.f32 v28, v24  }
0x416: {  	v42 =	vld [tilespmem:$0x14400];
	v26 =	vadd.f32 v37, v26  }
0x417: {  	v43 =	vld [tilespmem:$0x14410];
	v24 =	vadd.f32 v38, v24  }
0x418: {  	v44 =	vld [tilespmem:$0x14480];
	v25 =	vadd.f32 v39, v26  }
0x419: {  	v45 =	vld [tilespmem:$0x14490];
	v24 =	vadd.f32 v40, v24  }
0x41a: {  	v46 =	vld [tilespmem:$0x14500];
	v25 =	vadd.f32 v41, v25  }
0x41b: {  	v47 =	vld [tilespmem:$0x14510];
	v24 =	vadd.f32 v42, v24  }
0x41c: {  	v48 =	vld [tilespmem:$0x14580];
	v25 =	vadd.f32 v43, v25  }
0x41d: {  	v49 =	vld [tilespmem:$0x14590];
	v24 =	vadd.f32 v44, v24  }
0x41e: {  	v50 =	vld [tilespmem:$0x14600];
	v25 =	vadd.f32 v45, v25  }
0x41f: {  	v51 =	vld [tilespmem:$0x14610];
	v24 =	vadd.f32 v46, v24  }
0x420: {  	v52 =	vld [tilespmem:$0x14680];
	v25 =	vadd.f32 v47, v25  }
0x421: {  	v53 =	vld [tilespmem:$0x14690];
	v24 =	vadd.f32 v48, v24  }
0x422: {  	v54 =	vld [tilespmem:$0x14700];
	v25 =	vadd.f32 v49, v25  }
0x423: {  	v55 =	vld [tilespmem:$0x14710];
	v24 =	vadd.f32 v50, v24  }
0x424: {  	v56 =	vld [tilespmem:$0x14780];
	v25 =	vadd.f32 v51, v25  }
0x425: {  	v57 =	vld [tilespmem:$0x14790];
	v24 =	vadd.f32 v52, v24  }
0x426: {  	v58 =	vld [tilespmem:$0x14800];
	v25 =	vadd.f32 v53, v25  }
0x427: {  	v59 =	vld [tilespmem:$0x14810];
	v24 =	vadd.f32 v54, v24  }
0x428: {  	v60 =	vld [tilespmem:$0x14880];
	v25 =	vadd.f32 v55, v25  }
0x429: {  	v61 =	vld [tilespmem:$0x14890];
	v24 =	vadd.f32 v56, v24  }
0x42a: {  	v62 =	vld [tilespmem:$0x14900];
	v25 =	vadd.f32 v57, v25  }
0x42b: {  	v63 =	vld [tilespmem:$0x14910];
	v24 =	vadd.f32 v58, v24  }
0x42c: {  	v25 =	vadd.f32 v59, v25  }
0x42d: {  	v24 =	vadd.f32 v60, v24  }
0x42e: {  	v25 =	vadd.f32 v61, v25  }
0x42f: {  	v24 =	vadd.f32 v62, v24  }
0x430: {  	s5 =	sadd.s32 $0x1, s5;
	v25 =	vadd.f32 v63, v25  }
0x431: {  	p0 =	sne.s32 s5, s9;
	[tilespmem:$0x149E0] =	vst v24  }
.Ltmp4:
0x432: {  	s22 =	simm.s32 $0x14980;
	[tilespmem:$0x149F0] =	vst v25;
	(pc) =	sbr.rel @p0 .LBB2_1-.Ltmp4, $4  }
0x433: {  	[hbm4b:s8+s6] =	stream.linear.scatter [tilespmem:s22], [sflag:$0x3], $0x80, $0x38;
	[tilespmem:$0x14A00] =	vst v63  }
0x434: {  	_ =	swait.ge [sflag:s10], $0x80  }
0x435: {  	[sflag:s10] =	ssyncset.done $0x0  }
0x436: {  	[sflag:s10] =	ssyncadd.s32 $0xFFFFFF80  }
0x437: {  	_ =	sfence.sel $0x180000  }
0x438: {  	[bflag:$0x0] =	sbarrier.arrive $0xFFFF  }
0x439: {  	_ =	strace $0x90000047  }
0x43a: {  	s0 =	stileid.u32;
	[bflag:$0x2] =	sbarrier.arrive $0xFFFF  }
0x43b: {  	p0 =	sne.s32 s0, $0x0;
	s0 =	rddreg [dreg:$0x6]  }
0x43c: {  	s0 =	sadd.s32 @!p0 $0x100000, s0  }
0x43d: {  	[sflag:s0] =	ssyncadd.tile.s32 @!p0 $0x1;
	_ =	shalt  }
.Lfunc_end2:
_tile_overlayer_lowered:
.L_overlay_start_2:
0x43e: {  	(tag) =	ssettag $0x2  }
0x43f: {  	s0 =	rddreg [dreg:$0x0];
	s2 =	stileid.u32  }
0x440: {  	s1 =	rddreg [dreg:$0x1];
	p0 =	sne.s32 s2, $0x0  }
0x441: {  	s3 =	rddreg [dreg:$0x2];
	[bflag:$0x3] =	sbarrier.arrive $0xFFFF;
	s2 =	simm.s32 @!p0 $0x1C03  }
0x442: {  	[timem:s3], [sflag:s2] =	dma.local @!p0 [hbm:s0], s1  }
0x443: {  	s0 =	simm.s32 @!p0 $0x3  }
0x444: {  	_ =	swait.ge @!p0 [sflag:s0], s1  }
0x445: {  	s1 =	ssub.s32 @!p0 $0x0, s1;
	[sflag:s0] =	ssyncset.done @!p0 $0x0  }
0x446: {  	[sflag:s0] =	ssyncadd.s32 @!p0 s1  }
0x447: {  	[bflag:$0x3] =	sbarrier.arrive $0xFFFF  }
0x448: {  	_ =	shalt  }

</sc_bundles>
